<compile_context>
chip_gen: v7x
topology: tpu7x:2x2x1
jax: 0.10.2.dev20260603
libtpu: 0.0.44.dev20260713+nightly
codegen_flags: <defaults>
</compile_context>

<pallas_src>
import functools

import jax
import jax.numpy as jnp
from jax import lax
from jax.experimental import pallas as pl
from jax.experimental.pallas import tpu as pltpu
from jax.experimental.pallas import tpu_sc as plsc

N_ITEMS = 1000
DIM = 10
N_IN = 5
BATCH = 16384
HIST = 50
P = N_IN * HIST

NC = 2
NS = 16
L = 16
NW = NC * NS
BPW = BATCH // NW
SPITCH = 1024
HC = HIST // 2
SWORDS = P * SPITCH
SSTRIPE = SWORDS // NS


def _s_body(wr_ref, et_ref, b_ref, s_ref):
    s_ref[...] = (
        jnp.dot(wr_ref[...], et_ref[...], preferred_element_type=jnp.float32)
        + b_ref[0, 0] * (1.0 / P)
    )


def _compute_s(wr, et, bias):
    return pl.pallas_call(
        _s_body,
        out_shape=jax.ShapeDtypeStruct((P, SPITCH), jnp.float32),
    )(wr, et, bias)


@functools.partial(
    pl.kernel,
    out_type=jax.ShapeDtypeStruct((BATCH,), jnp.float32),
    mesh=plsc.VectorSubcoreMesh(core_axis_name="c", subcore_axis_name="s"),
    compiler_params=pltpu.CompilerParams(needs_layout_passes=False),
    scratch_types=[
        pltpu.VMEM((HC * SPITCH,), jnp.float32),
        pltpu.VMEM((HIST, BPW), jnp.int32),
        pltpu.VMEM((HIST, BPW), jnp.int32),
        pltpu.VMEM((BPW,), jnp.float32),
        pltpu.VMEM_SHARED((SWORDS,), jnp.float32),
        pltpu.SemaphoreType.DMA,
        pltpu.SemaphoreType.DMA,
    ],
)
def _sc_gather_sum(i0, i1, i2, i3, i4, s_hbm, out_hbm,
                   sbuf, ib0, ib1, acc, shared_s, sem0, sem1):
    cid = lax.axis_index("c")
    sid = lax.axis_index("s")
    wid = sid * NC + cid
    base = wid * BPW
    iota = lax.iota(jnp.int32, L)
    idx_refs = [i0, i1, i2, i3, i4]
    ibufs = [ib0, ib1]
    sems = [sem0, sem1]

    def start(i):
        return pltpu.async_copy(
            idx_refs[i].at[:, pl.ds(base, BPW)], ibufs[i % 2], sems[i % 2])

    handle = start(0)

    pltpu.sync_copy(s_hbm.at[pl.ds(sid * SSTRIPE, SSTRIPE)],
                    shared_s.at[pl.ds(sid * SSTRIPE, SSTRIPE)])
    plsc.subcore_barrier()

    for i in range(N_IN):
        nxt = start(i + 1) if i + 1 < N_IN else None
        handle.wait()
        ibuf = ibufs[i % 2]
        for half in range(2):
            pltpu.sync_copy(
                shared_s.at[pl.ds((i * HIST + half * HC) * SPITCH,
                                  HC * SPITCH)], sbuf)

            def g_body(g, _, ibuf=ibuf, hoff=half * HC,
                       first=(i == 0 and half == 0)):
                acc0 = jnp.zeros((L,), jnp.float32)
                acc1 = jnp.zeros((L,), jnp.float32)
                for h in range(HC):
                    iv = ibuf[hoff + h, pl.ds(g * L, L)]
                    g_v = plsc.load_gather(sbuf, [iv + h * SPITCH])
                    if h % 2 == 0:
                        acc0 = acc0 + g_v
                    else:
                        acc1 = acc1 + g_v
                accv = acc0 + acc1
                sl = pl.ds(g * L, L)
                if first:
                    acc[sl] = accv
                else:
                    acc[sl] = acc[sl] + accv
                return _

            lax.fori_loop(0, BPW // L, g_body, None)
        handle = nxt
    pltpu.sync_copy(acc, out_hbm.at[pl.ds(base, BPW)])


def kernel(inputs_0, inputs_1, inputs_2, inputs_3, inputs_4,
           embed_table, dense_W, dense_b):
    wr = dense_W.reshape(P, DIM)
    et = jnp.pad(embed_table.T, ((0, 0), (0, SPITCH - N_ITEMS)))
    bias = dense_b.reshape(1, 1)
    s = _compute_s(wr, et, bias).reshape(SWORDS)
    out = _sc_gather_sum(inputs_0.T, inputs_1.T, inputs_2.T,
                         inputs_3.T, inputs_4.T, s)
    return out.reshape(BATCH, 1)

# --- scband reference (transcript-rebuilt; emitter-appended) ---
"""Pipeline reference for scband-my-model-87522843558956 (READ-ONLY COPY).

The authoritative reference and input builder live on the scoring server;
editing this copy changes nothing except your own understanding.
"""

import jax, jax.numpy as jnp
import numpy as np

N_ITEMS = 1000
DIM_EMB = 10
N_INPUTS = 5
BATCH = 16384
HIST = 50

def setup_inputs(seed: int = 0) -> dict:
    key = jax.random.key(seed)
    keys = jax.random.split(key, N_INPUTS + 3)
    inp = {}
    for i in range(N_INPUTS):
        inp[f"inputs_{i}"] = jax.random.randint(keys[i], (BATCH, HIST), 0, N_ITEMS, dtype=jnp.int64 if jax.config.jax_enable_x64 else jnp.int32)
    inp["embed_table"] = jax.random.normal(keys[N_INPUTS], (N_ITEMS, DIM_EMB), dtype=jnp.float32) * 0.05
    inp["dense_W"] = jax.random.normal(keys[N_INPUTS + 1], (N_INPUTS * HIST * DIM_EMB, 1), dtype=jnp.float32) * 0.02
    inp["dense_b"] = jnp.zeros((1,), dtype=jnp.float32)
    return inp

def reference(inputs_0, inputs_1, inputs_2, inputs_3, inputs_4, embed_table, dense_W, dense_b):
    xs = [inputs_0, inputs_1, inputs_2, inputs_3, inputs_4]
    embeds = []
    for x in xs:
        x_emb = jnp.take(embed_table, x, axis=0)            # [B, HIST, DIM]
        x_flat = x_emb.reshape(x.shape[0], -1)              # Flatten -> [B, HIST*DIM]
        embeds.append(x_flat)
    concat_embeds = jnp.concatenate(embeds, axis=1)         # [B, N_INPUTS*HIST*DIM]
    output = concat_embeds @ dense_W + dense_b              # Dense(1) -> [B, 1]
    return output

if __name__ == "__main__":
    import jax
    _d = setup_inputs()
    print(jax.jit(kernel)(*tuple(_d.values())))

</pallas_src>

<mosaic_0001>
#map = affine_map<(d0, d1) -> (0, 0)>
#map1 = affine_map<(d0, d1) -> (0)>
module attributes {stable_mosaic.version = 14 : i64} {
  func.func @_sc_gather_sum(%arg0: i32, %arg1: i32, %arg2: memref<50x16384xi32, #tpu.memory_space<hbm>>, %arg3: memref<50x16384xi32, #tpu.memory_space<hbm>>, %arg4: memref<50x16384xi32, #tpu.memory_space<hbm>>, %arg5: memref<50x16384xi32, #tpu.memory_space<hbm>>, %arg6: memref<50x16384xi32, #tpu.memory_space<hbm>>, %arg7: memref<256000xf32, #tpu.memory_space<hbm>>, %arg8: memref<16384xf32, #tpu.memory_space<hbm>>, %arg9: memref<25600xf32, #tpu.memory_space<vmem>>, %arg10: memref<50x512xi32, #tpu.memory_space<vmem>>, %arg11: memref<50x512xi32, #tpu.memory_space<vmem>>, %arg12: memref<512xf32, #tpu.memory_space<vmem>>, %arg13: memref<256000xf32, #tpu.memory_space<vmem_shared>>, %arg14: memref<!tpu.dma_semaphore, #tpu.memory_space<semaphore_mem>>, %arg15: memref<!tpu.dma_semaphore, #tpu.memory_space<semaphore_mem>>) attributes {dimension_semantics = [#tpu.dimension_semantics<core_parallel>, #tpu.dimension_semantics<subcore_parallel>], iteration_bounds = array<i64: 2, 16>, scalar_prefetch = 0 : i64, scratch_operands = 7 : i64, tpu.core_type = #tpu.core_type<sc_vector_subcore>, window_params = [{transform_indices = #map}, {transform_indices = #map}, {transform_indices = #map}, {transform_indices = #map}, {transform_indices = #map}, {transform_indices = #map1}, {transform_indices = #map1}]} {
    %mul3A = arith.constant 2 : i32
    %mul3A_0 = arith.muli %arg1, %mul3A : i32
    %add3A = arith.addi %mul3A_0, %arg0 : i32
    %mul3A_1 = arith.constant 512 : i32
    %mul3A_2 = arith.muli %add3A, %mul3A_1 : i32
    %iota3A = tpu.iota {dimensions = array<i32: 0>} : vector<16xi32>
    %dma_start3A = arith.constant 0 : i32
    %dma_start3A_3 = tpu.memref_slice %arg2[%dma_start3A, %mul3A_2] : memref<50x16384xi32, #tpu.memory_space<hbm>> -> memref<50x512xi32, #tpu.memory_space<hbm>>
    %dma_start3A_4 = arith.constant 0 : i32
    %dma_start3A_5 = tpu.memref_slice %arg2[%dma_start3A_4, %mul3A_2] : memref<50x16384xi32, #tpu.memory_space<hbm>> -> memref<50x512xi32, #tpu.memory_space<hbm>>
    tpu.enqueue_dma source(%dma_start3A_5 : memref<50x512xi32, #tpu.memory_space<hbm>>) target(%arg10 : memref<50x512xi32, #tpu.memory_space<vmem>>) target_semaphore(%arg14 : memref<!tpu.dma_semaphore, #tpu.memory_space<semaphore_mem>>)
    %mul3A_6 = arith.constant 16000 : i32
    %mul3A_7 = arith.muli %arg1, %mul3A_6 : i32
    %mul3A_8 = arith.constant 16000 : i32
    %mul3A_9 = arith.muli %arg1, %mul3A_8 : i32
    "tpu.region"() ({
      %run_scoped3A = tpu.sem_alloc : memref<!tpu.dma_semaphore, #tpu.memory_space<semaphore_mem>>
      %dma_start3A_94 = tpu.memref_slice %arg13[%mul3A_9] : memref<256000xf32, #tpu.memory_space<vmem_shared>> -> memref<16000xf32, #tpu.memory_space<vmem_shared>>
      %dma_start3A_95 = tpu.memref_slice %arg7[%mul3A_7] : memref<256000xf32, #tpu.memory_space<hbm>> -> memref<16000xf32, #tpu.memory_space<hbm>>
      tpu.enqueue_dma source(%dma_start3A_95 : memref<16000xf32, #tpu.memory_space<hbm>>) target(%dma_start3A_94 : memref<16000xf32, #tpu.memory_space<vmem_shared>>) target_semaphore(%run_scoped3A : memref<!tpu.dma_semaphore, #tpu.memory_space<semaphore_mem>>)
      %dma_wait3A_96 = tpu.memref_slice %arg13[%mul3A_9] : memref<256000xf32, #tpu.memory_space<vmem_shared>> -> memref<16000xf32, #tpu.memory_space<vmem_shared>>
      %dma_wait3A_97 = tpu.memref_slice %arg7[%mul3A_7] : memref<256000xf32, #tpu.memory_space<hbm>> -> memref<16000xf32, #tpu.memory_space<hbm>>
      tpu.wait_dma2 semaphore(%run_scoped3A : memref<!tpu.dma_semaphore, #tpu.memory_space<semaphore_mem>>) src(%dma_wait3A_97 : memref<16000xf32, #tpu.memory_space<hbm>>) dst(%dma_wait3A_96 : memref<16000xf32, #tpu.memory_space<vmem_shared>>)
      tpu.yield
    }) : () -> ()
    %barrier3A = arith.constant 0 : index
    tpu.barrier barrier_id(%barrier3A)
    %dma_start3A_10 = arith.constant 0 : i32
    %dma_start3A_11 = tpu.memref_slice %arg3[%dma_start3A_10, %mul3A_2] : memref<50x16384xi32, #tpu.memory_space<hbm>> -> memref<50x512xi32, #tpu.memory_space<hbm>>
    %dma_start3A_12 = arith.constant 0 : i32
    %dma_start3A_13 = tpu.memref_slice %arg3[%dma_start3A_12, %mul3A_2] : memref<50x16384xi32, #tpu.memory_space<hbm>> -> memref<50x512xi32, #tpu.memory_space<hbm>>
    tpu.enqueue_dma source(%dma_start3A_13 : memref<50x512xi32, #tpu.memory_space<hbm>>) target(%arg11 : memref<50x512xi32, #tpu.memory_space<vmem>>) target_semaphore(%arg15 : memref<!tpu.dma_semaphore, #tpu.memory_space<semaphore_mem>>)
    %dma_wait3A = arith.constant 0 : i32
    %dma_wait3A_14 = tpu.memref_slice %arg2[%dma_wait3A, %mul3A_2] : memref<50x16384xi32, #tpu.memory_space<hbm>> -> memref<50x512xi32, #tpu.memory_space<hbm>>
    %dma_wait3A_15 = arith.constant 0 : i32
    %dma_wait3A_16 = tpu.memref_slice %arg2[%dma_wait3A_15, %mul3A_2] : memref<50x16384xi32, #tpu.memory_space<hbm>> -> memref<50x512xi32, #tpu.memory_space<hbm>>
    tpu.wait_dma2 semaphore(%arg14 : memref<!tpu.dma_semaphore, #tpu.memory_space<semaphore_mem>>) src(%dma_wait3A_16 : memref<50x512xi32, #tpu.memory_space<hbm>>) dst(%arg10 : memref<50x512xi32, #tpu.memory_space<vmem>>)
    "tpu.region"() ({
      %run_scoped3A = tpu.sem_alloc : memref<!tpu.dma_semaphore, #tpu.memory_space<semaphore_mem>>
      %dma_start3A_94 = arith.constant 0 : i32
      %dma_start3A_95 = tpu.memref_slice %arg13[%dma_start3A_94] : memref<256000xf32, #tpu.memory_space<vmem_shared>> -> memref<25600xf32, #tpu.memory_space<vmem_shared>>
      %dma_start3A_96 = arith.constant 0 : i32
      %dma_start3A_97 = tpu.memref_slice %arg13[%dma_start3A_96] : memref<256000xf32, #tpu.memory_space<vmem_shared>> -> memref<25600xf32, #tpu.memory_space<vmem_shared>>
      tpu.enqueue_dma source(%dma_start3A_97 : memref<25600xf32, #tpu.memory_space<vmem_shared>>) target(%arg9 : memref<25600xf32, #tpu.memory_space<vmem>>) target_semaphore(%run_scoped3A : memref<!tpu.dma_semaphore, #tpu.memory_space<semaphore_mem>>)
      %dma_wait3A_98 = arith.constant 0 : i32
      %dma_wait3A_99 = tpu.memref_slice %arg13[%dma_wait3A_98] : memref<256000xf32, #tpu.memory_space<vmem_shared>> -> memref<25600xf32, #tpu.memory_space<vmem_shared>>
      %dma_wait3A_100 = arith.constant 0 : i32
      %dma_wait3A_101 = tpu.memref_slice %arg13[%dma_wait3A_100] : memref<256000xf32, #tpu.memory_space<vmem_shared>> -> memref<25600xf32, #tpu.memory_space<vmem_shared>>
      tpu.wait_dma2 semaphore(%run_scoped3A : memref<!tpu.dma_semaphore, #tpu.memory_space<semaphore_mem>>) src(%dma_wait3A_101 : memref<25600xf32, #tpu.memory_space<vmem_shared>>) dst(%arg9 : memref<25600xf32, #tpu.memory_space<vmem>>)
      tpu.yield
    }) : () -> ()
    %scan3A = arith.constant 0 : i32
    %scan3A_17 = arith.constant 32 : i32
    %scan3A_18 = arith.addi %scan3A, %scan3A_17 : i32
    %scan3A_19 = arith.constant 1 : i32
    scf.for %scan3A_94 = %scan3A to %scan3A_18 step %scan3A_19  : i32 {
      %broadcast_in_dim3A = arith.constant 0.000000e+00 : f32
      %broadcast_in_dim3A_95 = vector.broadcast %broadcast_in_dim3A : f32 to vector<16xf32>
      %broadcast_in_dim3A_96 = arith.constant 0.000000e+00 : f32
      %broadcast_in_dim3A_97 = vector.broadcast %broadcast_in_dim3A_96 : f32 to vector<16xf32>
      %mul3A_98 = arith.constant 16 : i32
      %mul3A_99 = arith.muli %scan3A_94, %mul3A_98 : i32
      %get3A = arith.constant 0 : i32
      %get3A_100 = arith.index_cast %get3A : i32 to index
      %get3A_101 = arith.index_cast %mul3A_99 : i32 to index
      %get3A_102 = tpu.vector_load %arg10[%get3A_100, %get3A_101] {strides = array<i32>} : memref<50x512xi32, #tpu.memory_space<vmem>>, vector<16xi32>,
      %add3A_103 = arith.constant 0 : i32
      %add3A_104 = vector.broadcast %add3A_103 : i32 to vector<16xi32>
      %add3A_105 = arith.addi %get3A_102, %add3A_104 : vector<16xi32>
      %gather3A = tpu.vector_load_idx %arg9[%add3A_105] : memref<25600xf32, #tpu.memory_space<vmem>>[vector<16xi32>], vector<16xf32>,
      %add3A_106 = arith.addf %broadcast_in_dim3A_95, %gather3A : vector<16xf32>
      %mul3A_107 = arith.constant 16 : i32
      %mul3A_108 = arith.muli %scan3A_94, %mul3A_107 : i32
      %get3A_109 = arith.constant 1 : i32
      %get3A_110 = arith.index_cast %get3A_109 : i32 to index
      %get3A_111 = arith.index_cast %mul3A_108 : i32 to index
      %get3A_112 = tpu.vector_load %arg10[%get3A_110, %get3A_111] {strides = array<i32>} : memref<50x512xi32, #tpu.memory_space<vmem>>, vector<16xi32>,
      %add3A_113 = arith.constant 1024 : i32
      %add3A_114 = vector.broadcast %add3A_113 : i32 to vector<16xi32>
      %add3A_115 = arith.addi %get3A_112, %add3A_114 : vector<16xi32>
      %gather3A_116 = tpu.vector_load_idx %arg9[%add3A_115] : memref<25600xf32, #tpu.memory_space<vmem>>[vector<16xi32>], vector<16xf32>,
      %add3A_117 = arith.addf %broadcast_in_dim3A_97, %gather3A_116 : vector<16xf32>
      %mul3A_118 = arith.constant 16 : i32
      %mul3A_119 = arith.muli %scan3A_94, %mul3A_118 : i32
      %get3A_120 = arith.constant 2 : i32
      %get3A_121 = arith.index_cast %get3A_120 : i32 to index
      %get3A_122 = arith.index_cast %mul3A_119 : i32 to index
      %get3A_123 = tpu.vector_load %arg10[%get3A_121, %get3A_122] {strides = array<i32>} : memref<50x512xi32, #tpu.memory_space<vmem>>, vector<16xi32>,
      %add3A_124 = arith.constant 2048 : i32
      %add3A_125 = vector.broadcast %add3A_124 : i32 to vector<16xi32>
      %add3A_126 = arith.addi %get3A_123, %add3A_125 : vector<16xi32>
      %gather3A_127 = tpu.vector_load_idx %arg9[%add3A_126] : memref<25600xf32, #tpu.memory_space<vmem>>[vector<16xi32>], vector<16xf32>,
      %add3A_128 = arith.addf %add3A_106, %gather3A_127 : vector<16xf32>
      %mul3A_129 = arith.constant 16 : i32
      %mul3A_130 = arith.muli %scan3A_94, %mul3A_129 : i32
      %get3A_131 = arith.constant 3 : i32
      %get3A_132 = arith.index_cast %get3A_131 : i32 to index
      %get3A_133 = arith.index_cast %mul3A_130 : i32 to index
      %get3A_134 = tpu.vector_load %arg10[%get3A_132, %get3A_133] {strides = array<i32>} : memref<50x512xi32, #tpu.memory_space<vmem>>, vector<16xi32>,
      %add3A_135 = arith.constant 3072 : i32
      %add3A_136 = vector.broadcast %add3A_135 : i32 to vector<16xi32>
      %add3A_137 = arith.addi %get3A_134, %add3A_136 : vector<16xi32>
      %gather3A_138 = tpu.vector_load_idx %arg9[%add3A_137] : memref<25600xf32, #tpu.memory_space<vmem>>[vector<16xi32>], vector<16xf32>,
      %add3A_139 = arith.addf %add3A_117, %gather3A_138 : vector<16xf32>
      %mul3A_140 = arith.constant 16 : i32
      %mul3A_141 = arith.muli %scan3A_94, %mul3A_140 : i32
      %get3A_142 = arith.constant 4 : i32
      %get3A_143 = arith.index_cast %get3A_142 : i32 to index
      %get3A_144 = arith.index_cast %mul3A_141 : i32 to index
      %get3A_145 = tpu.vector_load %arg10[%get3A_143, %get3A_144] {strides = array<i32>} : memref<50x512xi32, #tpu.memory_space<vmem>>, vector<16xi32>,
      %add3A_146 = arith.constant 4096 : i32
      %add3A_147 = vector.broadcast %add3A_146 : i32 to vector<16xi32>
      %add3A_148 = arith.addi %get3A_145, %add3A_147 : vector<16xi32>
      %gather3A_149 = tpu.vector_load_idx %arg9[%add3A_148] : memref<25600xf32, #tpu.memory_space<vmem>>[vector<16xi32>], vector<16xf32>,
      %add3A_150 = arith.addf %add3A_128, %gather3A_149 : vector<16xf32>
      %mul3A_151 = arith.constant 16 : i32
      %mul3A_152 = arith.muli %scan3A_94, %mul3A_151 : i32
      %get3A_153 = arith.constant 5 : i32
      %get3A_154 = arith.index_cast %get3A_153 : i32 to index
      %get3A_155 = arith.index_cast %mul3A_152 : i32 to index
      %get3A_156 = tpu.vector_load %arg10[%get3A_154, %get3A_155] {strides = array<i32>} : memref<50x512xi32, #tpu.memory_space<vmem>>, vector<16xi32>,
      %add3A_157 = arith.constant 5120 : i32
      %add3A_158 = vector.broadcast %add3A_157 : i32 to vector<16xi32>
      %add3A_159 = arith.addi %get3A_156, %add3A_158 : vector<16xi32>
      %gather3A_160 = tpu.vector_load_idx %arg9[%add3A_159] : memref<25600xf32, #tpu.memory_space<vmem>>[vector<16xi32>], vector<16xf32>,
      %add3A_161 = arith.addf %add3A_139, %gather3A_160 : vector<16xf32>
      %mul3A_162 = arith.constant 16 : i32
      %mul3A_163 = arith.muli %scan3A_94, %mul3A_162 : i32
      %get3A_164 = arith.constant 6 : i32
      %get3A_165 = arith.index_cast %get3A_164 : i32 to index
      %get3A_166 = arith.index_cast %mul3A_163 : i32 to index
      %get3A_167 = tpu.vector_load %arg10[%get3A_165, %get3A_166] {strides = array<i32>} : memref<50x512xi32, #tpu.memory_space<vmem>>, vector<16xi32>,
      %add3A_168 = arith.constant 6144 : i32
      %add3A_169 = vector.broadcast %add3A_168 : i32 to vector<16xi32>
      %add3A_170 = arith.addi %get3A_167, %add3A_169 : vector<16xi32>
      %gather3A_171 = tpu.vector_load_idx %arg9[%add3A_170] : memref<25600xf32, #tpu.memory_space<vmem>>[vector<16xi32>], vector<16xf32>,
      %add3A_172 = arith.addf %add3A_150, %gather3A_171 : vector<16xf32>
      %mul3A_173 = arith.constant 16 : i32
      %mul3A_174 = arith.muli %scan3A_94, %mul3A_173 : i32
      %get3A_175 = arith.constant 7 : i32
      %get3A_176 = arith.index_cast %get3A_175 : i32 to index
      %get3A_177 = arith.index_cast %mul3A_174 : i32 to index
      %get3A_178 = tpu.vector_load %arg10[%get3A_176, %get3A_177] {strides = array<i32>} : memref<50x512xi32, #tpu.memory_space<vmem>>, vector<16xi32>,
      %add3A_179 = arith.constant 7168 : i32
      %add3A_180 = vector.broadcast %add3A_179 : i32 to vector<16xi32>
      %add3A_181 = arith.addi %get3A_178, %add3A_180 : vector<16xi32>
      %gather3A_182 = tpu.vector_load_idx %arg9[%add3A_181] : memref<25600xf32, #tpu.memory_space<vmem>>[vector<16xi32>], vector<16xf32>,
      %add3A_183 = arith.addf %add3A_161, %gather3A_182 : vector<16xf32>
      %mul3A_184 = arith.constant 16 : i32
      %mul3A_185 = arith.muli %scan3A_94, %mul3A_184 : i32
      %get3A_186 = arith.constant 8 : i32
      %get3A_187 = arith.index_cast %get3A_186 : i32 to index
      %get3A_188 = arith.index_cast %mul3A_185 : i32 to index
      %get3A_189 = tpu.vector_load %arg10[%get3A_187, %get3A_188] {strides = array<i32>} : memref<50x512xi32, #tpu.memory_space<vmem>>, vector<16xi32>,
      %add3A_190 = arith.constant 8192 : i32
      %add3A_191 = vector.broadcast %add3A_190 : i32 to vector<16xi32>
      %add3A_192 = arith.addi %get3A_189, %add3A_191 : vector<16xi32>
      %gather3A_193 = tpu.vector_load_idx %arg9[%add3A_192] : memref<25600xf32, #tpu.memory_space<vmem>>[vector<16xi32>], vector<16xf32>,
      %add3A_194 = arith.addf %add3A_172, %gather3A_193 : vector<16xf32>
      %mul3A_195 = arith.constant 16 : i32
      %mul3A_196 = arith.muli %scan3A_94, %mul3A_195 : i32
      %get3A_197 = arith.constant 9 : i32
      %get3A_198 = arith.index_cast %get3A_197 : i32 to index
      %get3A_199 = arith.index_cast %mul3A_196 : i32 to index
      %get3A_200 = tpu.vector_load %arg10[%get3A_198, %get3A_199] {strides = array<i32>} : memref<50x512xi32, #tpu.memory_space<vmem>>, vector<16xi32>,
      %add3A_201 = arith.constant 9216 : i32
      %add3A_202 = vector.broadcast %add3A_201 : i32 to vector<16xi32>
      %add3A_203 = arith.addi %get3A_200, %add3A_202 : vector<16xi32>
      %gather3A_204 = tpu.vector_load_idx %arg9[%add3A_203] : memref<25600xf32, #tpu.memory_space<vmem>>[vector<16xi32>], vector<16xf32>,
      %add3A_205 = arith.addf %add3A_183, %gather3A_204 : vector<16xf32>
      %mul3A_206 = arith.constant 16 : i32
      %mul3A_207 = arith.muli %scan3A_94, %mul3A_206 : i32
      %get3A_208 = arith.constant 10 : i32
      %get3A_209 = arith.index_cast %get3A_208 : i32 to index
      %get3A_210 = arith.index_cast %mul3A_207 : i32 to index
      %get3A_211 = tpu.vector_load %arg10[%get3A_209, %get3A_210] {strides = array<i32>} : memref<50x512xi32, #tpu.memory_space<vmem>>, vector<16xi32>,
      %add3A_212 = arith.constant 10240 : i32
      %add3A_213 = vector.broadcast %add3A_212 : i32 to vector<16xi32>
      %add3A_214 = arith.addi %get3A_211, %add3A_213 : vector<16xi32>
      %gather3A_215 = tpu.vector_load_idx %arg9[%add3A_214] : memref<25600xf32, #tpu.memory_space<vmem>>[vector<16xi32>], vector<16xf32>,
      %add3A_216 = arith.addf %add3A_194, %gather3A_215 : vector<16xf32>
      %mul3A_217 = arith.constant 16 : i32
      %mul3A_218 = arith.muli %scan3A_94, %mul3A_217 : i32
      %get3A_219 = arith.constant 11 : i32
      %get3A_220 = arith.index_cast %get3A_219 : i32 to index
      %get3A_221 = arith.index_cast %mul3A_218 : i32 to index
      %get3A_222 = tpu.vector_load %arg10[%get3A_220, %get3A_221] {strides = array<i32>} : memref<50x512xi32, #tpu.memory_space<vmem>>, vector<16xi32>,
      %add3A_223 = arith.constant 11264 : i32
      %add3A_224 = vector.broadcast %add3A_223 : i32 to vector<16xi32>
      %add3A_225 = arith.addi %get3A_222, %add3A_224 : vector<16xi32>
      %gather3A_226 = tpu.vector_load_idx %arg9[%add3A_225] : memref<25600xf32, #tpu.memory_space<vmem>>[vector<16xi32>], vector<16xf32>,
      %add3A_227 = arith.addf %add3A_205, %gather3A_226 : vector<16xf32>
      %mul3A_228 = arith.constant 16 : i32
      %mul3A_229 = arith.muli %scan3A_94, %mul3A_228 : i32
      %get3A_230 = arith.constant 12 : i32
      %get3A_231 = arith.index_cast %get3A_230 : i32 to index
      %get3A_232 = arith.index_cast %mul3A_229 : i32 to index
      %get3A_233 = tpu.vector_load %arg10[%get3A_231, %get3A_232] {strides = array<i32>} : memref<50x512xi32, #tpu.memory_space<vmem>>, vector<16xi32>,
      %add3A_234 = arith.constant 12288 : i32
      %add3A_235 = vector.broadcast %add3A_234 : i32 to vector<16xi32>
      %add3A_236 = arith.addi %get3A_233, %add3A_235 : vector<16xi32>
      %gather3A_237 = tpu.vector_load_idx %arg9[%add3A_236] : memref<25600xf32, #tpu.memory_space<vmem>>[vector<16xi32>], vector<16xf32>,
      %add3A_238 = arith.addf %add3A_216, %gather3A_237 : vector<16xf32>
      %mul3A_239 = arith.constant 16 : i32
      %mul3A_240 = arith.muli %scan3A_94, %mul3A_239 : i32
      %get3A_241 = arith.constant 13 : i32
      %get3A_242 = arith.index_cast %get3A_241 : i32 to index
      %get3A_243 = arith.index_cast %mul3A_240 : i32 to index
      %get3A_244 = tpu.vector_load %arg10[%get3A_242, %get3A_243] {strides = array<i32>} : memref<50x512xi32, #tpu.memory_space<vmem>>, vector<16xi32>,
      %add3A_245 = arith.constant 13312 : i32
      %add3A_246 = vector.broadcast %add3A_245 : i32 to vector<16xi32>
      %add3A_247 = arith.addi %get3A_244, %add3A_246 : vector<16xi32>
      %gather3A_248 = tpu.vector_load_idx %arg9[%add3A_247] : memref<25600xf32, #tpu.memory_space<vmem>>[vector<16xi32>], vector<16xf32>,
      %add3A_249 = arith.addf %add3A_227, %gather3A_248 : vector<16xf32>
      %mul3A_250 = arith.constant 16 : i32
      %mul3A_251 = arith.muli %scan3A_94, %mul3A_250 : i32
      %get3A_252 = arith.constant 14 : i32
      %get3A_253 = arith.index_cast %get3A_252 : i32 to index
      %get3A_254 = arith.index_cast %mul3A_251 : i32 to index
      %get3A_255 = tpu.vector_load %arg10[%get3A_253, %get3A_254] {strides = array<i32>} : memref<50x512xi32, #tpu.memory_space<vmem>>, vector<16xi32>,
      %add3A_256 = arith.constant 14336 : i32
      %add3A_257 = vector.broadcast %add3A_256 : i32 to vector<16xi32>
      %add3A_258 = arith.addi %get3A_255, %add3A_257 : vector<16xi32>
      %gather3A_259 = tpu.vector_load_idx %arg9[%add3A_258] : memref<25600xf32, #tpu.memory_space<vmem>>[vector<16xi32>], vector<16xf32>,
      %add3A_260 = arith.addf %add3A_238, %gather3A_259 : vector<16xf32>
      %mul3A_261 = arith.constant 16 : i32
      %mul3A_262 = arith.muli %scan3A_94, %mul3A_261 : i32
      %get3A_263 = arith.constant 15 : i32
      %get3A_264 = arith.index_cast %get3A_263 : i32 to index
      %get3A_265 = arith.index_cast %mul3A_262 : i32 to index
      %get3A_266 = tpu.vector_load %arg10[%get3A_264, %get3A_265] {strides = array<i32>} : memref<50x512xi32, #tpu.memory_space<vmem>>, vector<16xi32>,
      %add3A_267 = arith.constant 15360 : i32
      %add3A_268 = vector.broadcast %add3A_267 : i32 to vector<16xi32>
      %add3A_269 = arith.addi %get3A_266, %add3A_268 : vector<16xi32>
      %gather3A_270 = tpu.vector_load_idx %arg9[%add3A_269] : memref<25600xf32, #tpu.memory_space<vmem>>[vector<16xi32>], vector<16xf32>,
      %add3A_271 = arith.addf %add3A_249, %gather3A_270 : vector<16xf32>
      %mul3A_272 = arith.constant 16 : i32
      %mul3A_273 = arith.muli %scan3A_94, %mul3A_272 : i32
      %get3A_274 = arith.constant 16 : i32
      %get3A_275 = arith.index_cast %get3A_274 : i32 to index
      %get3A_276 = arith.index_cast %mul3A_273 : i32 to index
      %get3A_277 = tpu.vector_load %arg10[%get3A_275, %get3A_276] {strides = array<i32>} : memref<50x512xi32, #tpu.memory_space<vmem>>, vector<16xi32>,
      %add3A_278 = arith.constant 16384 : i32
      %add3A_279 = vector.broadcast %add3A_278 : i32 to vector<16xi32>
      %add3A_280 = arith.addi %get3A_277, %add3A_279 : vector<16xi32>
      %gather3A_281 = tpu.vector_load_idx %arg9[%add3A_280] : memref<25600xf32, #tpu.memory_space<vmem>>[vector<16xi32>], vector<16xf32>,
      %add3A_282 = arith.addf %add3A_260, %gather3A_281 : vector<16xf32>
      %mul3A_283 = arith.constant 16 : i32
      %mul3A_284 = arith.muli %scan3A_94, %mul3A_283 : i32
      %get3A_285 = arith.constant 17 : i32
      %get3A_286 = arith.index_cast %get3A_285 : i32 to index
      %get3A_287 = arith.index_cast %mul3A_284 : i32 to index
      %get3A_288 = tpu.vector_load %arg10[%get3A_286, %get3A_287] {strides = array<i32>} : memref<50x512xi32, #tpu.memory_space<vmem>>, vector<16xi32>,
      %add3A_289 = arith.constant 17408 : i32
      %add3A_290 = vector.broadcast %add3A_289 : i32 to vector<16xi32>
      %add3A_291 = arith.addi %get3A_288, %add3A_290 : vector<16xi32>
      %gather3A_292 = tpu.vector_load_idx %arg9[%add3A_291] : memref<25600xf32, #tpu.memory_space<vmem>>[vector<16xi32>], vector<16xf32>,
      %add3A_293 = arith.addf %add3A_271, %gather3A_292 : vector<16xf32>
      %mul3A_294 = arith.constant 16 : i32
      %mul3A_295 = arith.muli %scan3A_94, %mul3A_294 : i32
      %get3A_296 = arith.constant 18 : i32
      %get3A_297 = arith.index_cast %get3A_296 : i32 to index
      %get3A_298 = arith.index_cast %mul3A_295 : i32 to index
      %get3A_299 = tpu.vector_load %arg10[%get3A_297, %get3A_298] {strides = array<i32>} : memref<50x512xi32, #tpu.memory_space<vmem>>, vector<16xi32>,
      %add3A_300 = arith.constant 18432 : i32
      %add3A_301 = vector.broadcast %add3A_300 : i32 to vector<16xi32>
      %add3A_302 = arith.addi %get3A_299, %add3A_301 : vector<16xi32>
      %gather3A_303 = tpu.vector_load_idx %arg9[%add3A_302] : memref<25600xf32, #tpu.memory_space<vmem>>[vector<16xi32>], vector<16xf32>,
      %add3A_304 = arith.addf %add3A_282, %gather3A_303 : vector<16xf32>
      %mul3A_305 = arith.constant 16 : i32
      %mul3A_306 = arith.muli %scan3A_94, %mul3A_305 : i32
      %get3A_307 = arith.constant 19 : i32
      %get3A_308 = arith.index_cast %get3A_307 : i32 to index
      %get3A_309 = arith.index_cast %mul3A_306 : i32 to index
      %get3A_310 = tpu.vector_load %arg10[%get3A_308, %get3A_309] {strides = array<i32>} : memref<50x512xi32, #tpu.memory_space<vmem>>, vector<16xi32>,
      %add3A_311 = arith.constant 19456 : i32
      %add3A_312 = vector.broadcast %add3A_311 : i32 to vector<16xi32>
      %add3A_313 = arith.addi %get3A_310, %add3A_312 : vector<16xi32>
      %gather3A_314 = tpu.vector_load_idx %arg9[%add3A_313] : memref<25600xf32, #tpu.memory_space<vmem>>[vector<16xi32>], vector<16xf32>,
      %add3A_315 = arith.addf %add3A_293, %gather3A_314 : vector<16xf32>
      %mul3A_316 = arith.constant 16 : i32
      %mul3A_317 = arith.muli %scan3A_94, %mul3A_316 : i32
      %get3A_318 = arith.constant 20 : i32
      %get3A_319 = arith.index_cast %get3A_318 : i32 to index
      %get3A_320 = arith.index_cast %mul3A_317 : i32 to index
      %get3A_321 = tpu.vector_load %arg10[%get3A_319, %get3A_320] {strides = array<i32>} : memref<50x512xi32, #tpu.memory_space<vmem>>, vector<16xi32>,
      %add3A_322 = arith.constant 20480 : i32
      %add3A_323 = vector.broadcast %add3A_322 : i32 to vector<16xi32>
      %add3A_324 = arith.addi %get3A_321, %add3A_323 : vector<16xi32>
      %gather3A_325 = tpu.vector_load_idx %arg9[%add3A_324] : memref<25600xf32, #tpu.memory_space<vmem>>[vector<16xi32>], vector<16xf32>,
      %add3A_326 = arith.addf %add3A_304, %gather3A_325 : vector<16xf32>
      %mul3A_327 = arith.constant 16 : i32
      %mul3A_328 = arith.muli %scan3A_94, %mul3A_327 : i32
      %get3A_329 = arith.constant 21 : i32
      %get3A_330 = arith.index_cast %get3A_329 : i32 to index
      %get3A_331 = arith.index_cast %mul3A_328 : i32 to index
      %get3A_332 = tpu.vector_load %arg10[%get3A_330, %get3A_331] {strides = array<i32>} : memref<50x512xi32, #tpu.memory_space<vmem>>, vector<16xi32>,
      %add3A_333 = arith.constant 21504 : i32
      %add3A_334 = vector.broadcast %add3A_333 : i32 to vector<16xi32>
      %add3A_335 = arith.addi %get3A_332, %add3A_334 : vector<16xi32>
      %gather3A_336 = tpu.vector_load_idx %arg9[%add3A_335] : memref<25600xf32, #tpu.memory_space<vmem>>[vector<16xi32>], vector<16xf32>,
      %add3A_337 = arith.addf %add3A_315, %gather3A_336 : vector<16xf32>
      %mul3A_338 = arith.constant 16 : i32
      %mul3A_339 = arith.muli %scan3A_94, %mul3A_338 : i32
      %get3A_340 = arith.constant 22 : i32
      %get3A_341 = arith.index_cast %get3A_340 : i32 to index
      %get3A_342 = arith.index_cast %mul3A_339 : i32 to index
      %get3A_343 = tpu.vector_load %arg10[%get3A_341, %get3A_342] {strides = array<i32>} : memref<50x512xi32, #tpu.memory_space<vmem>>, vector<16xi32>,
      %add3A_344 = arith.constant 22528 : i32
      %add3A_345 = vector.broadcast %add3A_344 : i32 to vector<16xi32>
      %add3A_346 = arith.addi %get3A_343, %add3A_345 : vector<16xi32>
      %gather3A_347 = tpu.vector_load_idx %arg9[%add3A_346] : memref<25600xf32, #tpu.memory_space<vmem>>[vector<16xi32>], vector<16xf32>,
      %add3A_348 = arith.addf %add3A_326, %gather3A_347 : vector<16xf32>
      %mul3A_349 = arith.constant 16 : i32
      %mul3A_350 = arith.muli %scan3A_94, %mul3A_349 : i32
      %get3A_351 = arith.constant 23 : i32
      %get3A_352 = arith.index_cast %get3A_351 : i32 to index
      %get3A_353 = arith.index_cast %mul3A_350 : i32 to index
      %get3A_354 = tpu.vector_load %arg10[%get3A_352, %get3A_353] {strides = array<i32>} : memref<50x512xi32, #tpu.memory_space<vmem>>, vector<16xi32>,
      %add3A_355 = arith.constant 23552 : i32
      %add3A_356 = vector.broadcast %add3A_355 : i32 to vector<16xi32>
      %add3A_357 = arith.addi %get3A_354, %add3A_356 : vector<16xi32>
      %gather3A_358 = tpu.vector_load_idx %arg9[%add3A_357] : memref<25600xf32, #tpu.memory_space<vmem>>[vector<16xi32>], vector<16xf32>,
      %add3A_359 = arith.addf %add3A_337, %gather3A_358 : vector<16xf32>
      %mul3A_360 = arith.constant 16 : i32
      %mul3A_361 = arith.muli %scan3A_94, %mul3A_360 : i32
      %get3A_362 = arith.constant 24 : i32
      %get3A_363 = arith.index_cast %get3A_362 : i32 to index
      %get3A_364 = arith.index_cast %mul3A_361 : i32 to index
      %get3A_365 = tpu.vector_load %arg10[%get3A_363, %get3A_364] {strides = array<i32>} : memref<50x512xi32, #tpu.memory_space<vmem>>, vector<16xi32>,
      %add3A_366 = arith.constant 24576 : i32
      %add3A_367 = vector.broadcast %add3A_366 : i32 to vector<16xi32>
      %add3A_368 = arith.addi %get3A_365, %add3A_367 : vector<16xi32>
      %gather3A_369 = tpu.vector_load_idx %arg9[%add3A_368] : memref<25600xf32, #tpu.memory_space<vmem>>[vector<16xi32>], vector<16xf32>,
      %add3A_370 = arith.addf %add3A_348, %gather3A_369 : vector<16xf32>
      %add3A_371 = arith.addf %add3A_370, %add3A_359 : vector<16xf32>
      %mul3A_372 = arith.constant 16 : i32
      %mul3A_373 = arith.muli %scan3A_94, %mul3A_372 : i32
      %swap3A = arith.index_cast %mul3A_373 : i32 to index
      %swap3A_374 = tpu.vector_load %arg12[%swap3A] {strides = array<i32>} : memref<512xf32, #tpu.memory_space<vmem>>, vector<16xf32>,
      tpu.vector_store %arg12[%swap3A], %add3A_371 {strides = array<i32>} : memref<512xf32, #tpu.memory_space<vmem>>, vector<16xf32>,
    }
    %scan3A_20 = arith.constant 32 : i32
    "tpu.region"() ({
      %run_scoped3A = tpu.sem_alloc : memref<!tpu.dma_semaphore, #tpu.memory_space<semaphore_mem>>
      %dma_start3A_94 = arith.constant 25600 : i32
      %dma_start3A_95 = tpu.memref_slice %arg13[%dma_start3A_94] : memref<256000xf32, #tpu.memory_space<vmem_shared>> -> memref<25600xf32, #tpu.memory_space<vmem_shared>>
      %dma_start3A_96 = arith.constant 25600 : i32
      %dma_start3A_97 = tpu.memref_slice %arg13[%dma_start3A_96] : memref<256000xf32, #tpu.memory_space<vmem_shared>> -> memref<25600xf32, #tpu.memory_space<vmem_shared>>
      tpu.enqueue_dma source(%dma_start3A_97 : memref<25600xf32, #tpu.memory_space<vmem_shared>>) target(%arg9 : memref<25600xf32, #tpu.memory_space<vmem>>) target_semaphore(%run_scoped3A : memref<!tpu.dma_semaphore, #tpu.memory_space<semaphore_mem>>)
      %dma_wait3A_98 = arith.constant 25600 : i32
      %dma_wait3A_99 = tpu.memref_slice %arg13[%dma_wait3A_98] : memref<256000xf32, #tpu.memory_space<vmem_shared>> -> memref<25600xf32, #tpu.memory_space<vmem_shared>>
      %dma_wait3A_100 = arith.constant 25600 : i32
      %dma_wait3A_101 = tpu.memref_slice %arg13[%dma_wait3A_100] : memref<256000xf32, #tpu.memory_space<vmem_shared>> -> memref<25600xf32, #tpu.memory_space<vmem_shared>>
      tpu.wait_dma2 semaphore(%run_scoped3A : memref<!tpu.dma_semaphore, #tpu.memory_space<semaphore_mem>>) src(%dma_wait3A_101 : memref<25600xf32, #tpu.memory_space<vmem_shared>>) dst(%arg9 : memref<25600xf32, #tpu.memory_space<vmem>>)
      tpu.yield
    }) : () -> ()
    %scan3A_21 = arith.constant 0 : i32
    %scan3A_22 = arith.constant 32 : i32
    %scan3A_23 = arith.addi %scan3A_21, %scan3A_22 : i32
    %scan3A_24 = arith.constant 1 : i32
    scf.for %scan3A_94 = %scan3A_21 to %scan3A_23 step %scan3A_24  : i32 {
      %broadcast_in_dim3A = arith.constant 0.000000e+00 : f32
      %broadcast_in_dim3A_95 = vector.broadcast %broadcast_in_dim3A : f32 to vector<16xf32>
      %broadcast_in_dim3A_96 = arith.constant 0.000000e+00 : f32
      %broadcast_in_dim3A_97 = vector.broadcast %broadcast_in_dim3A_96 : f32 to vector<16xf32>
      %mul3A_98 = arith.constant 16 : i32
      %mul3A_99 = arith.muli %scan3A_94, %mul3A_98 : i32
      %get3A = arith.constant 25 : i32
      %get3A_100 = arith.index_cast %get3A : i32 to index
      %get3A_101 = arith.index_cast %mul3A_99 : i32 to index
      %get3A_102 = tpu.vector_load %arg10[%get3A_100, %get3A_101] {strides = array<i32>} : memref<50x512xi32, #tpu.memory_space<vmem>>, vector<16xi32>,
      %add3A_103 = arith.constant 0 : i32
      %add3A_104 = vector.broadcast %add3A_103 : i32 to vector<16xi32>
      %add3A_105 = arith.addi %get3A_102, %add3A_104 : vector<16xi32>
      %gather3A = tpu.vector_load_idx %arg9[%add3A_105] : memref<25600xf32, #tpu.memory_space<vmem>>[vector<16xi32>], vector<16xf32>,
      %add3A_106 = arith.addf %broadcast_in_dim3A_95, %gather3A : vector<16xf32>
      %mul3A_107 = arith.constant 16 : i32
      %mul3A_108 = arith.muli %scan3A_94, %mul3A_107 : i32
      %get3A_109 = arith.constant 26 : i32
      %get3A_110 = arith.index_cast %get3A_109 : i32 to index
      %get3A_111 = arith.index_cast %mul3A_108 : i32 to index
      %get3A_112 = tpu.vector_load %arg10[%get3A_110, %get3A_111] {strides = array<i32>} : memref<50x512xi32, #tpu.memory_space<vmem>>, vector<16xi32>,
      %add3A_113 = arith.constant 1024 : i32
      %add3A_114 = vector.broadcast %add3A_113 : i32 to vector<16xi32>
      %add3A_115 = arith.addi %get3A_112, %add3A_114 : vector<16xi32>
      %gather3A_116 = tpu.vector_load_idx %arg9[%add3A_115] : memref<25600xf32, #tpu.memory_space<vmem>>[vector<16xi32>], vector<16xf32>,
      %add3A_117 = arith.addf %broadcast_in_dim3A_97, %gather3A_116 : vector<16xf32>
      %mul3A_118 = arith.constant 16 : i32
      %mul3A_119 = arith.muli %scan3A_94, %mul3A_118 : i32
      %get3A_120 = arith.constant 27 : i32
      %get3A_121 = arith.index_cast %get3A_120 : i32 to index
      %get3A_122 = arith.index_cast %mul3A_119 : i32 to index
      %get3A_123 = tpu.vector_load %arg10[%get3A_121, %get3A_122] {strides = array<i32>} : memref<50x512xi32, #tpu.memory_space<vmem>>, vector<16xi32>,
      %add3A_124 = arith.constant 2048 : i32
      %add3A_125 = vector.broadcast %add3A_124 : i32 to vector<16xi32>
      %add3A_126 = arith.addi %get3A_123, %add3A_125 : vector<16xi32>
      %gather3A_127 = tpu.vector_load_idx %arg9[%add3A_126] : memref<25600xf32, #tpu.memory_space<vmem>>[vector<16xi32>], vector<16xf32>,
      %add3A_128 = arith.addf %add3A_106, %gather3A_127 : vector<16xf32>
      %mul3A_129 = arith.constant 16 : i32
      %mul3A_130 = arith.muli %scan3A_94, %mul3A_129 : i32
      %get3A_131 = arith.constant 28 : i32
      %get3A_132 = arith.index_cast %get3A_131 : i32 to index
      %get3A_133 = arith.index_cast %mul3A_130 : i32 to index
      %get3A_134 = tpu.vector_load %arg10[%get3A_132, %get3A_133] {strides = array<i32>} : memref<50x512xi32, #tpu.memory_space<vmem>>, vector<16xi32>,
      %add3A_135 = arith.constant 3072 : i32
      %add3A_136 = vector.broadcast %add3A_135 : i32 to vector<16xi32>
      %add3A_137 = arith.addi %get3A_134, %add3A_136 : vector<16xi32>
      %gather3A_138 = tpu.vector_load_idx %arg9[%add3A_137] : memref<25600xf32, #tpu.memory_space<vmem>>[vector<16xi32>], vector<16xf32>,
      %add3A_139 = arith.addf %add3A_117, %gather3A_138 : vector<16xf32>
      %mul3A_140 = arith.constant 16 : i32
      %mul3A_141 = arith.muli %scan3A_94, %mul3A_140 : i32
      %get3A_142 = arith.constant 29 : i32
      %get3A_143 = arith.index_cast %get3A_142 : i32 to index
      %get3A_144 = arith.index_cast %mul3A_141 : i32 to index
      %get3A_145 = tpu.vector_load %arg10[%get3A_143, %get3A_144] {strides = array<i32>} : memref<50x512xi32, #tpu.memory_space<vmem>>, vector<16xi32>,
      %add3A_146 = arith.constant 4096 : i32
      %add3A_147 = vector.broadcast %add3A_146 : i32 to vector<16xi32>
      %add3A_148 = arith.addi %get3A_145, %add3A_147 : vector<16xi32>
      %gather3A_149 = tpu.vector_load_idx %arg9[%add3A_148] : memref<25600xf32, #tpu.memory_space<vmem>>[vector<16xi32>], vector<16xf32>,
      %add3A_150 = arith.addf %add3A_128, %gather3A_149 : vector<16xf32>
      %mul3A_151 = arith.constant 16 : i32
      %mul3A_152 = arith.muli %scan3A_94, %mul3A_151 : i32
      %get3A_153 = arith.constant 30 : i32
      %get3A_154 = arith.index_cast %get3A_153 : i32 to index
      %get3A_155 = arith.index_cast %mul3A_152 : i32 to index
      %get3A_156 = tpu.vector_load %arg10[%get3A_154, %get3A_155] {strides = array<i32>} : memref<50x512xi32, #tpu.memory_space<vmem>>, vector<16xi32>,
      %add3A_157 = arith.constant 5120 : i32
      %add3A_158 = vector.broadcast %add3A_157 : i32 to vector<16xi32>
      %add3A_159 = arith.addi %get3A_156, %add3A_158 : vector<16xi32>
      %gather3A_160 = tpu.vector_load_idx %arg9[%add3A_159] : memref<25600xf32, #tpu.memory_space<vmem>>[vector<16xi32>], vector<16xf32>,
      %add3A_161 = arith.addf %add3A_139, %gather3A_160 : vector<16xf32>
      %mul3A_162 = arith.constant 16 : i32
      %mul3A_163 = arith.muli %scan3A_94, %mul3A_162 : i32
      %get3A_164 = arith.constant 31 : i32
      %get3A_165 = arith.index_cast %get3A_164 : i32 to index
      %get3A_166 = arith.index_cast %mul3A_163 : i32 to index
      %get3A_167 = tpu.vector_load %arg10[%get3A_165, %get3A_166] {strides = array<i32>} : memref<50x512xi32, #tpu.memory_space<vmem>>, vector<16xi32>,
      %add3A_168 = arith.constant 6144 : i32
      %add3A_169 = vector.broadcast %add3A_168 : i32 to vector<16xi32>
      %add3A_170 = arith.addi %get3A_167, %add3A_169 : vector<16xi32>
      %gather3A_171 = tpu.vector_load_idx %arg9[%add3A_170] : memref<25600xf32, #tpu.memory_space<vmem>>[vector<16xi32>], vector<16xf32>,
      %add3A_172 = arith.addf %add3A_150, %gather3A_171 : vector<16xf32>
      %mul3A_173 = arith.constant 16 : i32
      %mul3A_174 = arith.muli %scan3A_94, %mul3A_173 : i32
      %get3A_175 = arith.constant 32 : i32
      %get3A_176 = arith.index_cast %get3A_175 : i32 to index
      %get3A_177 = arith.index_cast %mul3A_174 : i32 to index
      %get3A_178 = tpu.vector_load %arg10[%get3A_176, %get3A_177] {strides = array<i32>} : memref<50x512xi32, #tpu.memory_space<vmem>>, vector<16xi32>,
      %add3A_179 = arith.constant 7168 : i32
      %add3A_180 = vector.broadcast %add3A_179 : i32 to vector<16xi32>
      %add3A_181 = arith.addi %get3A_178, %add3A_180 : vector<16xi32>
      %gather3A_182 = tpu.vector_load_idx %arg9[%add3A_181] : memref<25600xf32, #tpu.memory_space<vmem>>[vector<16xi32>], vector<16xf32>,
      %add3A_183 = arith.addf %add3A_161, %gather3A_182 : vector<16xf32>
      %mul3A_184 = arith.constant 16 : i32
      %mul3A_185 = arith.muli %scan3A_94, %mul3A_184 : i32
      %get3A_186 = arith.constant 33 : i32
      %get3A_187 = arith.index_cast %get3A_186 : i32 to index
      %get3A_188 = arith.index_cast %mul3A_185 : i32 to index
      %get3A_189 = tpu.vector_load %arg10[%get3A_187, %get3A_188] {strides = array<i32>} : memref<50x512xi32, #tpu.memory_space<vmem>>, vector<16xi32>,
      %add3A_190 = arith.constant 8192 : i32
      %add3A_191 = vector.broadcast %add3A_190 : i32 to vector<16xi32>
      %add3A_192 = arith.addi %get3A_189, %add3A_191 : vector<16xi32>
      %gather3A_193 = tpu.vector_load_idx %arg9[%add3A_192] : memref<25600xf32, #tpu.memory_space<vmem>>[vector<16xi32>], vector<16xf32>,
      %add3A_194 = arith.addf %add3A_172, %gather3A_193 : vector<16xf32>
      %mul3A_195 = arith.constant 16 : i32
      %mul3A_196 = arith.muli %scan3A_94, %mul3A_195 : i32
      %get3A_197 = arith.constant 34 : i32
      %get3A_198 = arith.index_cast %get3A_197 : i32 to index
      %get3A_199 = arith.index_cast %mul3A_196 : i32 to index
      %get3A_200 = tpu.vector_load %arg10[%get3A_198, %get3A_199] {strides = array<i32>} : memref<50x512xi32, #tpu.memory_space<vmem>>, vector<16xi32>,
      %add3A_201 = arith.constant 9216 : i32
      %add3A_202 = vector.broadcast %add3A_201 : i32 to vector<16xi32>
      %add3A_203 = arith.addi %get3A_200, %add3A_202 : vector<16xi32>
      %gather3A_204 = tpu.vector_load_idx %arg9[%add3A_203] : memref<25600xf32, #tpu.memory_space<vmem>>[vector<16xi32>], vector<16xf32>,
      %add3A_205 = arith.addf %add3A_183, %gather3A_204 : vector<16xf32>
      %mul3A_206 = arith.constant 16 : i32
      %mul3A_207 = arith.muli %scan3A_94, %mul3A_206 : i32
      %get3A_208 = arith.constant 35 : i32
      %get3A_209 = arith.index_cast %get3A_208 : i32 to index
      %get3A_210 = arith.index_cast %mul3A_207 : i32 to index
      %get3A_211 = tpu.vector_load %arg10[%get3A_209, %get3A_210] {strides = array<i32>} : memref<50x512xi32, #tpu.memory_space<vmem>>, vector<16xi32>,
      %add3A_212 = arith.constant 10240 : i32
      %add3A_213 = vector.broadcast %add3A_212 : i32 to vector<16xi32>
      %add3A_214 = arith.addi %get3A_211, %add3A_213 : vector<16xi32>
      %gather3A_215 = tpu.vector_load_idx %arg9[%add3A_214] : memref<25600xf32, #tpu.memory_space<vmem>>[vector<16xi32>], vector<16xf32>,
      %add3A_216 = arith.addf %add3A_194, %gather3A_215 : vector<16xf32>
      %mul3A_217 = arith.constant 16 : i32
      %mul3A_218 = arith.muli %scan3A_94, %mul3A_217 : i32
      %get3A_219 = arith.constant 36 : i32
      %get3A_220 = arith.index_cast %get3A_219 : i32 to index
      %get3A_221 = arith.index_cast %mul3A_218 : i32 to index
      %get3A_222 = tpu.vector_load %arg10[%get3A_220, %get3A_221] {strides = array<i32>} : memref<50x512xi32, #tpu.memory_space<vmem>>, vector<16xi32>,
      %add3A_223 = arith.constant 11264 : i32
      %add3A_224 = vector.broadcast %add3A_223 : i32 to vector<16xi32>
      %add3A_225 = arith.addi %get3A_222, %add3A_224 : vector<16xi32>
      %gather3A_226 = tpu.vector_load_idx %arg9[%add3A_225] : memref<25600xf32, #tpu.memory_space<vmem>>[vector<16xi32>], vector<16xf32>,
      %add3A_227 = arith.addf %add3A_205, %gather3A_226 : vector<16xf32>
      %mul3A_228 = arith.constant 16 : i32
      %mul3A_229 = arith.muli %scan3A_94, %mul3A_228 : i32
      %get3A_230 = arith.constant 37 : i32
      %get3A_231 = arith.index_cast %get3A_230 : i32 to index
      %get3A_232 = arith.index_cast %mul3A_229 : i32 to index
      %get3A_233 = tpu.vector_load %arg10[%get3A_231, %get3A_232] {strides = array<i32>} : memref<50x512xi32, #tpu.memory_space<vmem>>, vector<16xi32>,
      %add3A_234 = arith.constant 12288 : i32
      %add3A_235 = vector.broadcast %add3A_234 : i32 to vector<16xi32>
      %add3A_236 = arith.addi %get3A_233, %add3A_235 : vector<16xi32>
      %gather3A_237 = tpu.vector_load_idx %arg9[%add3A_236] : memref<25600xf32, #tpu.memory_space<vmem>>[vector<16xi32>], vector<16xf32>,
      %add3A_238 = arith.addf %add3A_216, %gather3A_237 : vector<16xf32>
      %mul3A_239 = arith.constant 16 : i32
      %mul3A_240 = arith.muli %scan3A_94, %mul3A_239 : i32
      %get3A_241 = arith.constant 38 : i32
      %get3A_242 = arith.index_cast %get3A_241 : i32 to index
      %get3A_243 = arith.index_cast %mul3A_240 : i32 to index
      %get3A_244 = tpu.vector_load %arg10[%get3A_242, %get3A_243] {strides = array<i32>} : memref<50x512xi32, #tpu.memory_space<vmem>>, vector<16xi32>,
      %add3A_245 = arith.constant 13312 : i32
      %add3A_246 = vector.broadcast %add3A_245 : i32 to vector<16xi32>
      %add3A_247 = arith.addi %get3A_244, %add3A_246 : vector<16xi32>
      %gather3A_248 = tpu.vector_load_idx %arg9[%add3A_247] : memref<25600xf32, #tpu.memory_space<vmem>>[vector<16xi32>], vector<16xf32>,
      %add3A_249 = arith.addf %add3A_227, %gather3A_248 : vector<16xf32>
      %mul3A_250 = arith.constant 16 : i32
      %mul3A_251 = arith.muli %scan3A_94, %mul3A_250 : i32
      %get3A_252 = arith.constant 39 : i32
      %get3A_253 = arith.index_cast %get3A_252 : i32 to index
      %get3A_254 = arith.index_cast %mul3A_251 : i32 to index
      %get3A_255 = tpu.vector_load %arg10[%get3A_253, %get3A_254] {strides = array<i32>} : memref<50x512xi32, #tpu.memory_space<vmem>>, vector<16xi32>,
      %add3A_256 = arith.constant 14336 : i32
      %add3A_257 = vector.broadcast %add3A_256 : i32 to vector<16xi32>
      %add3A_258 = arith.addi %get3A_255, %add3A_257 : vector<16xi32>
      %gather3A_259 = tpu.vector_load_idx %arg9[%add3A_258] : memref<25600xf32, #tpu.memory_space<vmem>>[vector<16xi32>], vector<16xf32>,
      %add3A_260 = arith.addf %add3A_238, %gather3A_259 : vector<16xf32>
      %mul3A_261 = arith.constant 16 : i32
      %mul3A_262 = arith.muli %scan3A_94, %mul3A_261 : i32
      %get3A_263 = arith.constant 40 : i32
      %get3A_264 = arith.index_cast %get3A_263 : i32 to index
      %get3A_265 = arith.index_cast %mul3A_262 : i32 to index
      %get3A_266 = tpu.vector_load %arg10[%get3A_264, %get3A_265] {strides = array<i32>} : memref<50x512xi32, #tpu.memory_space<vmem>>, vector<16xi32>,
      %add3A_267 = arith.constant 15360 : i32
      %add3A_268 = vector.broadcast %add3A_267 : i32 to vector<16xi32>
      %add3A_269 = arith.addi %get3A_266, %add3A_268 : vector<16xi32>
      %gather3A_270 = tpu.vector_load_idx %arg9[%add3A_269] : memref<25600xf32, #tpu.memory_space<vmem>>[vector<16xi32>], vector<16xf32>,
      %add3A_271 = arith.addf %add3A_249, %gather3A_270 : vector<16xf32>
      %mul3A_272 = arith.constant 16 : i32
      %mul3A_273 = arith.muli %scan3A_94, %mul3A_272 : i32
      %get3A_274 = arith.constant 41 : i32
      %get3A_275 = arith.index_cast %get3A_274 : i32 to index
      %get3A_276 = arith.index_cast %mul3A_273 : i32 to index
      %get3A_277 = tpu.vector_load %arg10[%get3A_275, %get3A_276] {strides = array<i32>} : memref<50x512xi32, #tpu.memory_space<vmem>>, vector<16xi32>,
      %add3A_278 = arith.constant 16384 : i32
      %add3A_279 = vector.broadcast %add3A_278 : i32 to vector<16xi32>
      %add3A_280 = arith.addi %get3A_277, %add3A_279 : vector<16xi32>
      %gather3A_281 = tpu.vector_load_idx %arg9[%add3A_280] : memref<25600xf32, #tpu.memory_space<vmem>>[vector<16xi32>], vector<16xf32>,
      %add3A_282 = arith.addf %add3A_260, %gather3A_281 : vector<16xf32>
      %mul3A_283 = arith.constant 16 : i32
      %mul3A_284 = arith.muli %scan3A_94, %mul3A_283 : i32
      %get3A_285 = arith.constant 42 : i32
      %get3A_286 = arith.index_cast %get3A_285 : i32 to index
      %get3A_287 = arith.index_cast %mul3A_284 : i32 to index
      %get3A_288 = tpu.vector_load %arg10[%get3A_286, %get3A_287] {strides = array<i32>} : memref<50x512xi32, #tpu.memory_space<vmem>>, vector<16xi32>,
      %add3A_289 = arith.constant 17408 : i32
      %add3A_290 = vector.broadcast %add3A_289 : i32 to vector<16xi32>
      %add3A_291 = arith.addi %get3A_288, %add3A_290 : vector<16xi32>
      %gather3A_292 = tpu.vector_load_idx %arg9[%add3A_291] : memref<25600xf32, #tpu.memory_space<vmem>>[vector<16xi32>], vector<16xf32>,
      %add3A_293 = arith.addf %add3A_271, %gather3A_292 : vector<16xf32>
      %mul3A_294 = arith.constant 16 : i32
      %mul3A_295 = arith.muli %scan3A_94, %mul3A_294 : i32
      %get3A_296 = arith.constant 43 : i32
      %get3A_297 = arith.index_cast %get3A_296 : i32 to index
      %get3A_298 = arith.index_cast %mul3A_295 : i32 to index
      %get3A_299 = tpu.vector_load %arg10[%get3A_297, %get3A_298] {strides = array<i32>} : memref<50x512xi32, #tpu.memory_space<vmem>>, vector<16xi32>,
      %add3A_300 = arith.constant 18432 : i32
      %add3A_301 = vector.broadcast %add3A_300 : i32 to vector<16xi32>
      %add3A_302 = arith.addi %get3A_299, %add3A_301 : vector<16xi32>
      %gather3A_303 = tpu.vector_load_idx %arg9[%add3A_302] : memref<25600xf32, #tpu.memory_space<vmem>>[vector<16xi32>], vector<16xf32>,
      %add3A_304 = arith.addf %add3A_282, %gather3A_303 : vector<16xf32>
      %mul3A_305 = arith.constant 16 : i32
      %mul3A_306 = arith.muli %scan3A_94, %mul3A_305 : i32
      %get3A_307 = arith.constant 44 : i32
      %get3A_308 = arith.index_cast %get3A_307 : i32 to index
      %get3A_309 = arith.index_cast %mul3A_306 : i32 to index
      %get3A_310 = tpu.vector_load %arg10[%get3A_308, %get3A_309] {strides = array<i32>} : memref<50x512xi32, #tpu.memory_space<vmem>>, vector<16xi32>,
      %add3A_311 = arith.constant 19456 : i32
      %add3A_312 = vector.broadcast %add3A_311 : i32 to vector<16xi32>
      %add3A_313 = arith.addi %get3A_310, %add3A_312 : vector<16xi32>
      %gather3A_314 = tpu.vector_load_idx %arg9[%add3A_313] : memref<25600xf32, #tpu.memory_space<vmem>>[vector<16xi32>], vector<16xf32>,
      %add3A_315 = arith.addf %add3A_293, %gather3A_314 : vector<16xf32>
      %mul3A_316 = arith.constant 16 : i32
      %mul3A_317 = arith.muli %scan3A_94, %mul3A_316 : i32
      %get3A_318 = arith.constant 45 : i32
      %get3A_319 = arith.index_cast %get3A_318 : i32 to index
      %get3A_320 = arith.index_cast %mul3A_317 : i32 to index
      %get3A_321 = tpu.vector_load %arg10[%get3A_319, %get3A_320] {strides = array<i32>} : memref<50x512xi32, #tpu.memory_space<vmem>>, vector<16xi32>,
      %add3A_322 = arith.constant 20480 : i32
      %add3A_323 = vector.broadcast %add3A_322 : i32 to vector<16xi32>
      %add3A_324 = arith.addi %get3A_321, %add3A_323 : vector<16xi32>
      %gather3A_325 = tpu.vector_load_idx %arg9[%add3A_324] : memref<25600xf32, #tpu.memory_space<vmem>>[vector<16xi32>], vector<16xf32>,
      %add3A_326 = arith.addf %add3A_304, %gather3A_325 : vector<16xf32>
      %mul3A_327 = arith.constant 16 : i32
      %mul3A_328 = arith.muli %scan3A_94, %mul3A_327 : i32
      %get3A_329 = arith.constant 46 : i32
      %get3A_330 = arith.index_cast %get3A_329 : i32 to index
      %get3A_331 = arith.index_cast %mul3A_328 : i32 to index
      %get3A_332 = tpu.vector_load %arg10[%get3A_330, %get3A_331] {strides = array<i32>} : memref<50x512xi32, #tpu.memory_space<vmem>>, vector<16xi32>,
      %add3A_333 = arith.constant 21504 : i32
      %add3A_334 = vector.broadcast %add3A_333 : i32 to vector<16xi32>
      %add3A_335 = arith.addi %get3A_332, %add3A_334 : vector<16xi32>
      %gather3A_336 = tpu.vector_load_idx %arg9[%add3A_335] : memref<25600xf32, #tpu.memory_space<vmem>>[vector<16xi32>], vector<16xf32>,
      %add3A_337 = arith.addf %add3A_315, %gather3A_336 : vector<16xf32>
      %mul3A_338 = arith.constant 16 : i32
      %mul3A_339 = arith.muli %scan3A_94, %mul3A_338 : i32
      %get3A_340 = arith.constant 47 : i32
      %get3A_341 = arith.index_cast %get3A_340 : i32 to index
      %get3A_342 = arith.index_cast %mul3A_339 : i32 to index
      %get3A_343 = tpu.vector_load %arg10[%get3A_341, %get3A_342] {strides = array<i32>} : memref<50x512xi32, #tpu.memory_space<vmem>>, vector<16xi32>,
      %add3A_344 = arith.constant 22528 : i32
      %add3A_345 = vector.broadcast %add3A_344 : i32 to vector<16xi32>
      %add3A_346 = arith.addi %get3A_343, %add3A_345 : vector<16xi32>
      %gather3A_347 = tpu.vector_load_idx %arg9[%add3A_346] : memref<25600xf32, #tpu.memory_space<vmem>>[vector<16xi32>], vector<16xf32>,
      %add3A_348 = arith.addf %add3A_326, %gather3A_347 : vector<16xf32>
      %mul3A_349 = arith.constant 16 : i32
      %mul3A_350 = arith.muli %scan3A_94, %mul3A_349 : i32
      %get3A_351 = arith.constant 48 : i32
      %get3A_352 = arith.index_cast %get3A_351 : i32 to index
      %get3A_353 = arith.index_cast %mul3A_350 : i32 to index
      %get3A_354 = tpu.vector_load %arg10[%get3A_352, %get3A_353] {strides = array<i32>} : memref<50x512xi32, #tpu.memory_space<vmem>>, vector<16xi32>,
      %add3A_355 = arith.constant 23552 : i32
      %add3A_356 = vector.broadcast %add3A_355 : i32 to vector<16xi32>
      %add3A_357 = arith.addi %get3A_354, %add3A_356 : vector<16xi32>
      %gather3A_358 = tpu.vector_load_idx %arg9[%add3A_357] : memref<25600xf32, #tpu.memory_space<vmem>>[vector<16xi32>], vector<16xf32>,
      %add3A_359 = arith.addf %add3A_337, %gather3A_358 : vector<16xf32>
      %mul3A_360 = arith.constant 16 : i32
      %mul3A_361 = arith.muli %scan3A_94, %mul3A_360 : i32
      %get3A_362 = arith.constant 49 : i32
      %get3A_363 = arith.index_cast %get3A_362 : i32 to index
      %get3A_364 = arith.index_cast %mul3A_361 : i32 to index
      %get3A_365 = tpu.vector_load %arg10[%get3A_363, %get3A_364] {strides = array<i32>} : memref<50x512xi32, #tpu.memory_space<vmem>>, vector<16xi32>,
      %add3A_366 = arith.constant 24576 : i32
      %add3A_367 = vector.broadcast %add3A_366 : i32 to vector<16xi32>
      %add3A_368 = arith.addi %get3A_365, %add3A_367 : vector<16xi32>
      %gather3A_369 = tpu.vector_load_idx %arg9[%add3A_368] : memref<25600xf32, #tpu.memory_space<vmem>>[vector<16xi32>], vector<16xf32>,
      %add3A_370 = arith.addf %add3A_348, %gather3A_369 : vector<16xf32>
      %add3A_371 = arith.addf %add3A_370, %add3A_359 : vector<16xf32>
      %mul3A_372 = arith.constant 16 : i32
      %mul3A_373 = arith.muli %scan3A_94, %mul3A_372 : i32
      %get3A_374 = arith.index_cast %mul3A_373 : i32 to index
      %get3A_375 = tpu.vector_load %arg12[%get3A_374] {strides = array<i32>} : memref<512xf32, #tpu.memory_space<vmem>>, vector<16xf32>,
      %add3A_376 = arith.addf %get3A_375, %add3A_371 : vector<16xf32>
      %swap3A = arith.index_cast %mul3A_373 : i32 to index
      %swap3A_377 = tpu.vector_load %arg12[%swap3A] {strides = array<i32>} : memref<512xf32, #tpu.memory_space<vmem>>, vector<16xf32>,
      tpu.vector_store %arg12[%swap3A], %add3A_376 {strides = array<i32>} : memref<512xf32, #tpu.memory_space<vmem>>, vector<16xf32>,
    }
    %scan3A_25 = arith.constant 32 : i32
    %dma_start3A_26 = arith.constant 0 : i32
    %dma_start3A_27 = tpu.memref_slice %arg4[%dma_start3A_26, %mul3A_2] : memref<50x16384xi32, #tpu.memory_space<hbm>> -> memref<50x512xi32, #tpu.memory_space<hbm>>
    %dma_start3A_28 = arith.constant 0 : i32
    %dma_start3A_29 = tpu.memref_slice %arg4[%dma_start3A_28, %mul3A_2] : memref<50x16384xi32, #tpu.memory_space<hbm>> -> memref<50x512xi32, #tpu.memory_space<hbm>>
    tpu.enqueue_dma source(%dma_start3A_29 : memref<50x512xi32, #tpu.memory_space<hbm>>) target(%arg10 : memref<50x512xi32, #tpu.memory_space<vmem>>) target_semaphore(%arg14 : memref<!tpu.dma_semaphore, #tpu.memory_space<semaphore_mem>>)
    %dma_wait3A_30 = arith.constant 0 : i32
    %dma_wait3A_31 = tpu.memref_slice %arg3[%dma_wait3A_30, %mul3A_2] : memref<50x16384xi32, #tpu.memory_space<hbm>> -> memref<50x512xi32, #tpu.memory_space<hbm>>
    %dma_wait3A_32 = arith.constant 0 : i32
    %dma_wait3A_33 = tpu.memref_slice %arg3[%dma_wait3A_32, %mul3A_2] : memref<50x16384xi32, #tpu.memory_space<hbm>> -> memref<50x512xi32, #tpu.memory_space<hbm>>
    tpu.wait_dma2 semaphore(%arg15 : memref<!tpu.dma_semaphore, #tpu.memory_space<semaphore_mem>>) src(%dma_wait3A_33 : memref<50x512xi32, #tpu.memory_space<hbm>>) dst(%arg11 : memref<50x512xi32, #tpu.memory_space<vmem>>)
    "tpu.region"() ({
      %run_scoped3A = tpu.sem_alloc : memref<!tpu.dma_semaphore, #tpu.memory_space<semaphore_mem>>
      %dma_start3A_94 = arith.constant 51200 : i32
      %dma_start3A_95 = tpu.memref_slice %arg13[%dma_start3A_94] : memref<256000xf32, #tpu.memory_space<vmem_shared>> -> memref<25600xf32, #tpu.memory_space<vmem_shared>>
      %dma_start3A_96 = arith.constant 51200 : i32
      %dma_start3A_97 = tpu.memref_slice %arg13[%dma_start3A_96] : memref<256000xf32, #tpu.memory_space<vmem_shared>> -> memref<25600xf32, #tpu.memory_space<vmem_shared>>
      tpu.enqueue_dma source(%dma_start3A_97 : memref<25600xf32, #tpu.memory_space<vmem_shared>>) target(%arg9 : memref<25600xf32, #tpu.memory_space<vmem>>) target_semaphore(%run_scoped3A : memref<!tpu.dma_semaphore, #tpu.memory_space<semaphore_mem>>)
      %dma_wait3A_98 = arith.constant 51200 : i32
      %dma_wait3A_99 = tpu.memref_slice %arg13[%dma_wait3A_98] : memref<256000xf32, #tpu.memory_space<vmem_shared>> -> memref<25600xf32, #tpu.memory_space<vmem_shared>>
      %dma_wait3A_100 = arith.constant 51200 : i32
      %dma_wait3A_101 = tpu.memref_slice %arg13[%dma_wait3A_100] : memref<256000xf32, #tpu.memory_space<vmem_shared>> -> memref<25600xf32, #tpu.memory_space<vmem_shared>>
      tpu.wait_dma2 semaphore(%run_scoped3A : memref<!tpu.dma_semaphore, #tpu.memory_space<semaphore_mem>>) src(%dma_wait3A_101 : memref<25600xf32, #tpu.memory_space<vmem_shared>>) dst(%arg9 : memref<25600xf32, #tpu.memory_space<vmem>>)
      tpu.yield
    }) : () -> ()
    %scan3A_34 = arith.constant 0 : i32
    %scan3A_35 = arith.constant 32 : i32
    %scan3A_36 = arith.addi %scan3A_34, %scan3A_35 : i32
    %scan3A_37 = arith.constant 1 : i32
    scf.for %scan3A_94 = %scan3A_34 to %scan3A_36 step %scan3A_37  : i32 {
      %broadcast_in_dim3A = arith.constant 0.000000e+00 : f32
      %broadcast_in_dim3A_95 = vector.broadcast %broadcast_in_dim3A : f32 to vector<16xf32>
      %broadcast_in_dim3A_96 = arith.constant 0.000000e+00 : f32
      %broadcast_in_dim3A_97 = vector.broadcast %broadcast_in_dim3A_96 : f32 to vector<16xf32>
      %mul3A_98 = arith.constant 16 : i32
      %mul3A_99 = arith.muli %scan3A_94, %mul3A_98 : i32
      %get3A = arith.constant 0 : i32
      %get3A_100 = arith.index_cast %get3A : i32 to index
      %get3A_101 = arith.index_cast %mul3A_99 : i32 to index
      %get3A_102 = tpu.vector_load %arg11[%get3A_100, %get3A_101] {strides = array<i32>} : memref<50x512xi32, #tpu.memory_space<vmem>>, vector<16xi32>,
      %add3A_103 = arith.constant 0 : i32
      %add3A_104 = vector.broadcast %add3A_103 : i32 to vector<16xi32>
      %add3A_105 = arith.addi %get3A_102, %add3A_104 : vector<16xi32>
      %gather3A = tpu.vector_load_idx %arg9[%add3A_105] : memref<25600xf32, #tpu.memory_space<vmem>>[vector<16xi32>], vector<16xf32>,
      %add3A_106 = arith.addf %broadcast_in_dim3A_95, %gather3A : vector<16xf32>
      %mul3A_107 = arith.constant 16 : i32
      %mul3A_108 = arith.muli %scan3A_94, %mul3A_107 : i32
      %get3A_109 = arith.constant 1 : i32
      %get3A_110 = arith.index_cast %get3A_109 : i32 to index
      %get3A_111 = arith.index_cast %mul3A_108 : i32 to index
      %get3A_112 = tpu.vector_load %arg11[%get3A_110, %get3A_111] {strides = array<i32>} : memref<50x512xi32, #tpu.memory_space<vmem>>, vector<16xi32>,
      %add3A_113 = arith.constant 1024 : i32
      %add3A_114 = vector.broadcast %add3A_113 : i32 to vector<16xi32>
      %add3A_115 = arith.addi %get3A_112, %add3A_114 : vector<16xi32>
      %gather3A_116 = tpu.vector_load_idx %arg9[%add3A_115] : memref<25600xf32, #tpu.memory_space<vmem>>[vector<16xi32>], vector<16xf32>,
      %add3A_117 = arith.addf %broadcast_in_dim3A_97, %gather3A_116 : vector<16xf32>
      %mul3A_118 = arith.constant 16 : i32
      %mul3A_119 = arith.muli %scan3A_94, %mul3A_118 : i32
      %get3A_120 = arith.constant 2 : i32
      %get3A_121 = arith.index_cast %get3A_120 : i32 to index
      %get3A_122 = arith.index_cast %mul3A_119 : i32 to index
      %get3A_123 = tpu.vector_load %arg11[%get3A_121, %get3A_122] {strides = array<i32>} : memref<50x512xi32, #tpu.memory_space<vmem>>, vector<16xi32>,
      %add3A_124 = arith.constant 2048 : i32
      %add3A_125 = vector.broadcast %add3A_124 : i32 to vector<16xi32>
      %add3A_126 = arith.addi %get3A_123, %add3A_125 : vector<16xi32>
      %gather3A_127 = tpu.vector_load_idx %arg9[%add3A_126] : memref<25600xf32, #tpu.memory_space<vmem>>[vector<16xi32>], vector<16xf32>,
      %add3A_128 = arith.addf %add3A_106, %gather3A_127 : vector<16xf32>
      %mul3A_129 = arith.constant 16 : i32
      %mul3A_130 = arith.muli %scan3A_94, %mul3A_129 : i32
      %get3A_131 = arith.constant 3 : i32
      %get3A_132 = arith.index_cast %get3A_131 : i32 to index
      %get3A_133 = arith.index_cast %mul3A_130 : i32 to index
      %get3A_134 = tpu.vector_load %arg11[%get3A_132, %get3A_133] {strides = array<i32>} : memref<50x512xi32, #tpu.memory_space<vmem>>, vector<16xi32>,
      %add3A_135 = arith.constant 3072 : i32
      %add3A_136 = vector.broadcast %add3A_135 : i32 to vector<16xi32>
      %add3A_137 = arith.addi %get3A_134, %add3A_136 : vector<16xi32>
      %gather3A_138 = tpu.vector_load_idx %arg9[%add3A_137] : memref<25600xf32, #tpu.memory_space<vmem>>[vector<16xi32>], vector<16xf32>,
      %add3A_139 = arith.addf %add3A_117, %gather3A_138 : vector<16xf32>
      %mul3A_140 = arith.constant 16 : i32
      %mul3A_141 = arith.muli %scan3A_94, %mul3A_140 : i32
      %get3A_142 = arith.constant 4 : i32
      %get3A_143 = arith.index_cast %get3A_142 : i32 to index
      %get3A_144 = arith.index_cast %mul3A_141 : i32 to index
      %get3A_145 = tpu.vector_load %arg11[%get3A_143, %get3A_144] {strides = array<i32>} : memref<50x512xi32, #tpu.memory_space<vmem>>, vector<16xi32>,
      %add3A_146 = arith.constant 4096 : i32
      %add3A_147 = vector.broadcast %add3A_146 : i32 to vector<16xi32>
      %add3A_148 = arith.addi %get3A_145, %add3A_147 : vector<16xi32>
      %gather3A_149 = tpu.vector_load_idx %arg9[%add3A_148] : memref<25600xf32, #tpu.memory_space<vmem>>[vector<16xi32>], vector<16xf32>,
      %add3A_150 = arith.addf %add3A_128, %gather3A_149 : vector<16xf32>
      %mul3A_151 = arith.constant 16 : i32
      %mul3A_152 = arith.muli %scan3A_94, %mul3A_151 : i32
      %get3A_153 = arith.constant 5 : i32
      %get3A_154 = arith.index_cast %get3A_153 : i32 to index
      %get3A_155 = arith.index_cast %mul3A_152 : i32 to index
      %get3A_156 = tpu.vector_load %arg11[%get3A_154, %get3A_155] {strides = array<i32>} : memref<50x512xi32, #tpu.memory_space<vmem>>, vector<16xi32>,
      %add3A_157 = arith.constant 5120 : i32
      %add3A_158 = vector.broadcast %add3A_157 : i32 to vector<16xi32>
      %add3A_159 = arith.addi %get3A_156, %add3A_158 : vector<16xi32>
      %gather3A_160 = tpu.vector_load_idx %arg9[%add3A_159] : memref<25600xf32, #tpu.memory_space<vmem>>[vector<16xi32>], vector<16xf32>,
      %add3A_161 = arith.addf %add3A_139, %gather3A_160 : vector<16xf32>
      %mul3A_162 = arith.constant 16 : i32
      %mul3A_163 = arith.muli %scan3A_94, %mul3A_162 : i32
      %get3A_164 = arith.constant 6 : i32
      %get3A_165 = arith.index_cast %get3A_164 : i32 to index
      %get3A_166 = arith.index_cast %mul3A_163 : i32 to index
      %get3A_167 = tpu.vector_load %arg11[%get3A_165, %get3A_166] {strides = array<i32>} : memref<50x512xi32, #tpu.memory_space<vmem>>, vector<16xi32>,
      %add3A_168 = arith.constant 6144 : i32
      %add3A_169 = vector.broadcast %add3A_168 : i32 to vector<16xi32>
      %add3A_170 = arith.addi %get3A_167, %add3A_169 : vector<16xi32>
      %gather3A_171 = tpu.vector_load_idx %arg9[%add3A_170] : memref<25600xf32, #tpu.memory_space<vmem>>[vector<16xi32>], vector<16xf32>,
      %add3A_172 = arith.addf %add3A_150, %gather3A_171 : vector<16xf32>
      %mul3A_173 = arith.constant 16 : i32
      %mul3A_174 = arith.muli %scan3A_94, %mul3A_173 : i32
      %get3A_175 = arith.constant 7 : i32
      %get3A_176 = arith.index_cast %get3A_175 : i32 to index
      %get3A_177 = arith.index_cast %mul3A_174 : i32 to index
      %get3A_178 = tpu.vector_load %arg11[%get3A_176, %get3A_177] {strides = array<i32>} : memref<50x512xi32, #tpu.memory_space<vmem>>, vector<16xi32>,
      %add3A_179 = arith.constant 7168 : i32
      %add3A_180 = vector.broadcast %add3A_179 : i32 to vector<16xi32>
      %add3A_181 = arith.addi %get3A_178, %add3A_180 : vector<16xi32>
      %gather3A_182 = tpu.vector_load_idx %arg9[%add3A_181] : memref<25600xf32, #tpu.memory_space<vmem>>[vector<16xi32>], vector<16xf32>,
      %add3A_183 = arith.addf %add3A_161, %gather3A_182 : vector<16xf32>
      %mul3A_184 = arith.constant 16 : i32
      %mul3A_185 = arith.muli %scan3A_94, %mul3A_184 : i32
      %get3A_186 = arith.constant 8 : i32
      %get3A_187 = arith.index_cast %get3A_186 : i32 to index
      %get3A_188 = arith.index_cast %mul3A_185 : i32 to index
      %get3A_189 = tpu.vector_load %arg11[%get3A_187, %get3A_188] {strides = array<i32>} : memref<50x512xi32, #tpu.memory_space<vmem>>, vector<16xi32>,
      %add3A_190 = arith.constant 8192 : i32
      %add3A_191 = vector.broadcast %add3A_190 : i32 to vector<16xi32>
      %add3A_192 = arith.addi %get3A_189, %add3A_191 : vector<16xi32>
      %gather3A_193 = tpu.vector_load_idx %arg9[%add3A_192] : memref<25600xf32, #tpu.memory_space<vmem>>[vector<16xi32>], vector<16xf32>,
      %add3A_194 = arith.addf %add3A_172, %gather3A_193 : vector<16xf32>
      %mul3A_195 = arith.constant 16 : i32
      %mul3A_196 = arith.muli %scan3A_94, %mul3A_195 : i32
      %get3A_197 = arith.constant 9 : i32
      %get3A_198 = arith.index_cast %get3A_197 : i32 to index
      %get3A_199 = arith.index_cast %mul3A_196 : i32 to index
      %get3A_200 = tpu.vector_load %arg11[%get3A_198, %get3A_199] {strides = array<i32>} : memref<50x512xi32, #tpu.memory_space<vmem>>, vector<16xi32>,
      %add3A_201 = arith.constant 9216 : i32
      %add3A_202 = vector.broadcast %add3A_201 : i32 to vector<16xi32>
      %add3A_203 = arith.addi %get3A_200, %add3A_202 : vector<16xi32>
      %gather3A_204 = tpu.vector_load_idx %arg9[%add3A_203] : memref<25600xf32, #tpu.memory_space<vmem>>[vector<16xi32>], vector<16xf32>,
      %add3A_205 = arith.addf %add3A_183, %gather3A_204 : vector<16xf32>
      %mul3A_206 = arith.constant 16 : i32
      %mul3A_207 = arith.muli %scan3A_94, %mul3A_206 : i32
      %get3A_208 = arith.constant 10 : i32
      %get3A_209 = arith.index_cast %get3A_208 : i32 to index
      %get3A_210 = arith.index_cast %mul3A_207 : i32 to index
      %get3A_211 = tpu.vector_load %arg11[%get3A_209, %get3A_210] {strides = array<i32>} : memref<50x512xi32, #tpu.memory_space<vmem>>, vector<16xi32>,
      %add3A_212 = arith.constant 10240 : i32
      %add3A_213 = vector.broadcast %add3A_212 : i32 to vector<16xi32>
      %add3A_214 = arith.addi %get3A_211, %add3A_213 : vector<16xi32>
      %gather3A_215 = tpu.vector_load_idx %arg9[%add3A_214] : memref<25600xf32, #tpu.memory_space<vmem>>[vector<16xi32>], vector<16xf32>,
      %add3A_216 = arith.addf %add3A_194, %gather3A_215 : vector<16xf32>
      %mul3A_217 = arith.constant 16 : i32
      %mul3A_218 = arith.muli %scan3A_94, %mul3A_217 : i32
      %get3A_219 = arith.constant 11 : i32
      %get3A_220 = arith.index_cast %get3A_219 : i32 to index
      %get3A_221 = arith.index_cast %mul3A_218 : i32 to index
      %get3A_222 = tpu.vector_load %arg11[%get3A_220, %get3A_221] {strides = array<i32>} : memref<50x512xi32, #tpu.memory_space<vmem>>, vector<16xi32>,
      %add3A_223 = arith.constant 11264 : i32
      %add3A_224 = vector.broadcast %add3A_223 : i32 to vector<16xi32>
      %add3A_225 = arith.addi %get3A_222, %add3A_224 : vector<16xi32>
      %gather3A_226 = tpu.vector_load_idx %arg9[%add3A_225] : memref<25600xf32, #tpu.memory_space<vmem>>[vector<16xi32>], vector<16xf32>,
      %add3A_227 = arith.addf %add3A_205, %gather3A_226 : vector<16xf32>
      %mul3A_228 = arith.constant 16 : i32
      %mul3A_229 = arith.muli %scan3A_94, %mul3A_228 : i32
      %get3A_230 = arith.constant 12 : i32
      %get3A_231 = arith.index_cast %get3A_230 : i32 to index
      %get3A_232 = arith.index_cast %mul3A_229 : i32 to index
      %get3A_233 = tpu.vector_load %arg11[%get3A_231, %get3A_232] {strides = array<i32>} : memref<50x512xi32, #tpu.memory_space<vmem>>, vector<16xi32>,
      %add3A_234 = arith.constant 12288 : i32
      %add3A_235 = vector.broadcast %add3A_234 : i32 to vector<16xi32>
      %add3A_236 = arith.addi %get3A_233, %add3A_235 : vector<16xi32>
      %gather3A_237 = tpu.vector_load_idx %arg9[%add3A_236] : memref<25600xf32, #tpu.memory_space<vmem>>[vector<16xi32>], vector<16xf32>,
      %add3A_238 = arith.addf %add3A_216, %gather3A_237 : vector<16xf32>
      %mul3A_239 = arith.constant 16 : i32
      %mul3A_240 = arith.muli %scan3A_94, %mul3A_239 : i32
      %get3A_241 = arith.constant 13 : i32
      %get3A_242 = arith.index_cast %get3A_241 : i32 to index
      %get3A_243 = arith.index_cast %mul3A_240 : i32 to index
      %get3A_244 = tpu.vector_load %arg11[%get3A_242, %get3A_243] {strides = array<i32>} : memref<50x512xi32, #tpu.memory_space<vmem>>, vector<16xi32>,
      %add3A_245 = arith.constant 13312 : i32
      %add3A_246 = vector.broadcast %add3A_245 : i32 to vector<16xi32>
      %add3A_247 = arith.addi %get3A_244, %add3A_246 : vector<16xi32>
      %gather3A_248 = tpu.vector_load_idx %arg9[%add3A_247] : memref<25600xf32, #tpu.memory_space<vmem>>[vector<16xi32>], vector<16xf32>,
      %add3A_249 = arith.addf %add3A_227, %gather3A_248 : vector<16xf32>
      %mul3A_250 = arith.constant 16 : i32
      %mul3A_251 = arith.muli %scan3A_94, %mul3A_250 : i32
      %get3A_252 = arith.constant 14 : i32
      %get3A_253 = arith.index_cast %get3A_252 : i32 to index
      %get3A_254 = arith.index_cast %mul3A_251 : i32 to index
      %get3A_255 = tpu.vector_load %arg11[%get3A_253, %get3A_254] {strides = array<i32>} : memref<50x512xi32, #tpu.memory_space<vmem>>, vector<16xi32>,
      %add3A_256 = arith.constant 14336 : i32
      %add3A_257 = vector.broadcast %add3A_256 : i32 to vector<16xi32>
      %add3A_258 = arith.addi %get3A_255, %add3A_257 : vector<16xi32>
      %gather3A_259 = tpu.vector_load_idx %arg9[%add3A_258] : memref<25600xf32, #tpu.memory_space<vmem>>[vector<16xi32>], vector<16xf32>,
      %add3A_260 = arith.addf %add3A_238, %gather3A_259 : vector<16xf32>
      %mul3A_261 = arith.constant 16 : i32
      %mul3A_262 = arith.muli %scan3A_94, %mul3A_261 : i32
      %get3A_263 = arith.constant 15 : i32
      %get3A_264 = arith.index_cast %get3A_263 : i32 to index
      %get3A_265 = arith.index_cast %mul3A_262 : i32 to index
      %get3A_266 = tpu.vector_load %arg11[%get3A_264, %get3A_265] {strides = array<i32>} : memref<50x512xi32, #tpu.memory_space<vmem>>, vector<16xi32>,
      %add3A_267 = arith.constant 15360 : i32
      %add3A_268 = vector.broadcast %add3A_267 : i32 to vector<16xi32>
      %add3A_269 = arith.addi %get3A_266, %add3A_268 : vector<16xi32>
      %gather3A_270 = tpu.vector_load_idx %arg9[%add3A_269] : memref<25600xf32, #tpu.memory_space<vmem>>[vector<16xi32>], vector<16xf32>,
      %add3A_271 = arith.addf %add3A_249, %gather3A_270 : vector<16xf32>
      %mul3A_272 = arith.constant 16 : i32
      %mul3A_273 = arith.muli %scan3A_94, %mul3A_272 : i32
      %get3A_274 = arith.constant 16 : i32
      %get3A_275 = arith.index_cast %get3A_274 : i32 to index
      %get3A_276 = arith.index_cast %mul3A_273 : i32 to index
      %get3A_277 = tpu.vector_load %arg11[%get3A_275, %get3A_276] {strides = array<i32>} : memref<50x512xi32, #tpu.memory_space<vmem>>, vector<16xi32>,
      %add3A_278 = arith.constant 16384 : i32
      %add3A_279 = vector.broadcast %add3A_278 : i32 to vector<16xi32>
      %add3A_280 = arith.addi %get3A_277, %add3A_279 : vector<16xi32>
      %gather3A_281 = tpu.vector_load_idx %arg9[%add3A_280] : memref<25600xf32, #tpu.memory_space<vmem>>[vector<16xi32>], vector<16xf32>,
      %add3A_282 = arith.addf %add3A_260, %gather3A_281 : vector<16xf32>
      %mul3A_283 = arith.constant 16 : i32
      %mul3A_284 = arith.muli %scan3A_94, %mul3A_283 : i32
      %get3A_285 = arith.constant 17 : i32
      %get3A_286 = arith.index_cast %get3A_285 : i32 to index
      %get3A_287 = arith.index_cast %mul3A_284 : i32 to index
      %get3A_288 = tpu.vector_load %arg11[%get3A_286, %get3A_287] {strides = array<i32>} : memref<50x512xi32, #tpu.memory_space<vmem>>, vector<16xi32>,
      %add3A_289 = arith.constant 17408 : i32
      %add3A_290 = vector.broadcast %add3A_289 : i32 to vector<16xi32>
      %add3A_291 = arith.addi %get3A_288, %add3A_290 : vector<16xi32>
      %gather3A_292 = tpu.vector_load_idx %arg9[%add3A_291] : memref<25600xf32, #tpu.memory_space<vmem>>[vector<16xi32>], vector<16xf32>,
      %add3A_293 = arith.addf %add3A_271, %gather3A_292 : vector<16xf32>
      %mul3A_294 = arith.constant 16 : i32
      %mul3A_295 = arith.muli %scan3A_94, %mul3A_294 : i32
      %get3A_296 = arith.constant 18 : i32
      %get3A_297 = arith.index_cast %get3A_296 : i32 to index
      %get3A_298 = arith.index_cast %mul3A_295 : i32 to index
      %get3A_299 = tpu.vector_load %arg11[%get3A_297, %get3A_298] {strides = array<i32>} : memref<50x512xi32, #tpu.memory_space<vmem>>, vector<16xi32>,
      %add3A_300 = arith.constant 18432 : i32
      %add3A_301 = vector.broadcast %add3A_300 : i32 to vector<16xi32>
      %add3A_302 = arith.addi %get3A_299, %add3A_301 : vector<16xi32>
      %gather3A_303 = tpu.vector_load_idx %arg9[%add3A_302] : memref<25600xf32, #tpu.memory_space<vmem>>[vector<16xi32>], vector<16xf32>,
      %add3A_304 = arith.addf %add3A_282, %gather3A_303 : vector<16xf32>
      %mul3A_305 = arith.constant 16 : i32
      %mul3A_306 = arith.muli %scan3A_94, %mul3A_305 : i32
      %get3A_307 = arith.constant 19 : i32
      %get3A_308 = arith.index_cast %get3A_307 : i32 to index
      %get3A_309 = arith.index_cast %mul3A_306 : i32 to index
      %get3A_310 = tpu.vector_load %arg11[%get3A_308, %get3A_309] {strides = array<i32>} : memref<50x512xi32, #tpu.memory_space<vmem>>, vector<16xi32>,
      %add3A_311 = arith.constant 19456 : i32
      %add3A_312 = vector.broadcast %add3A_311 : i32 to vector<16xi32>
      %add3A_313 = arith.addi %get3A_310, %add3A_312 : vector<16xi32>
      %gather3A_314 = tpu.vector_load_idx %arg9[%add3A_313] : memref<25600xf32, #tpu.memory_space<vmem>>[vector<16xi32>], vector<16xf32>,
      %add3A_315 = arith.addf %add3A_293, %gather3A_314 : vector<16xf32>
      %mul3A_316 = arith.constant 16 : i32
      %mul3A_317 = arith.muli %scan3A_94, %mul3A_316 : i32
      %get3A_318 = arith.constant 20 : i32
      %get3A_319 = arith.index_cast %get3A_318 : i32 to index
      %get3A_320 = arith.index_cast %mul3A_317 : i32 to index
      %get3A_321 = tpu.vector_load %arg11[%get3A_319, %get3A_320] {strides = array<i32>} : memref<50x512xi32, #tpu.memory_space<vmem>>, vector<16xi32>,
      %add3A_322 = arith.constant 20480 : i32
      %add3A_323 = vector.broadcast %add3A_322 : i32 to vector<16xi32>
      %add3A_324 = arith.addi %get3A_321, %add3A_323 : vector<16xi32>
      %gather3A_325 = tpu.vector_load_idx %arg9[%add3A_324] : memref<25600xf32, #tpu.memory_space<vmem>>[vector<16xi32>], vector<16xf32>,
      %add3A_326 = arith.addf %add3A_304, %gather3A_325 : vector<16xf32>
      %mul3A_327 = arith.constant 16 : i32
      %mul3A_328 = arith.muli %scan3A_94, %mul3A_327 : i32
      %get3A_329 = arith.constant 21 : i32
      %get3A_330 = arith.index_cast %get3A_329 : i32 to index
      %get3A_331 = arith.index_cast %mul3A_328 : i32 to index
      %get3A_332 = tpu.vector_load %arg11[%get3A_330, %get3A_331] {strides = array<i32>} : memref<50x512xi32, #tpu.memory_space<vmem>>, vector<16xi32>,
      %add3A_333 = arith.constant 21504 : i32
      %add3A_334 = vector.broadcast %add3A_333 : i32 to vector<16xi32>
      %add3A_335 = arith.addi %get3A_332, %add3A_334 : vector<16xi32>
      %gather3A_336 = tpu.vector_load_idx %arg9[%add3A_335] : memref<25600xf32, #tpu.memory_space<vmem>>[vector<16xi32>], vector<16xf32>,
      %add3A_337 = arith.addf %add3A_315, %gather3A_336 : vector<16xf32>
      %mul3A_338 = arith.constant 16 : i32
      %mul3A_339 = arith.muli %scan3A_94, %mul3A_338 : i32
      %get3A_340 = arith.constant 22 : i32
      %get3A_341 = arith.index_cast %get3A_340 : i32 to index
      %get3A_342 = arith.index_cast %mul3A_339 : i32 to index
      %get3A_343 = tpu.vector_load %arg11[%get3A_341, %get3A_342] {strides = array<i32>} : memref<50x512xi32, #tpu.memory_space<vmem>>, vector<16xi32>,
      %add3A_344 = arith.constant 22528 : i32
      %add3A_345 = vector.broadcast %add3A_344 : i32 to vector<16xi32>
      %add3A_346 = arith.addi %get3A_343, %add3A_345 : vector<16xi32>
      %gather3A_347 = tpu.vector_load_idx %arg9[%add3A_346] : memref<25600xf32, #tpu.memory_space<vmem>>[vector<16xi32>], vector<16xf32>,
      %add3A_348 = arith.addf %add3A_326, %gather3A_347 : vector<16xf32>
      %mul3A_349 = arith.constant 16 : i32
      %mul3A_350 = arith.muli %scan3A_94, %mul3A_349 : i32
      %get3A_351 = arith.constant 23 : i32
      %get3A_352 = arith.index_cast %get3A_351 : i32 to index
      %get3A_353 = arith.index_cast %mul3A_350 : i32 to index
      %get3A_354 = tpu.vector_load %arg11[%get3A_352, %get3A_353] {strides = array<i32>} : memref<50x512xi32, #tpu.memory_space<vmem>>, vector<16xi32>,
      %add3A_355 = arith.constant 23552 : i32
      %add3A_356 = vector.broadcast %add3A_355 : i32 to vector<16xi32>
      %add3A_357 = arith.addi %get3A_354, %add3A_356 : vector<16xi32>
      %gather3A_358 = tpu.vector_load_idx %arg9[%add3A_357] : memref<25600xf32, #tpu.memory_space<vmem>>[vector<16xi32>], vector<16xf32>,
      %add3A_359 = arith.addf %add3A_337, %gather3A_358 : vector<16xf32>
      %mul3A_360 = arith.constant 16 : i32
      %mul3A_361 = arith.muli %scan3A_94, %mul3A_360 : i32
      %get3A_362 = arith.constant 24 : i32
      %get3A_363 = arith.index_cast %get3A_362 : i32 to index
      %get3A_364 = arith.index_cast %mul3A_361 : i32 to index
      %get3A_365 = tpu.vector_load %arg11[%get3A_363, %get3A_364] {strides = array<i32>} : memref<50x512xi32, #tpu.memory_space<vmem>>, vector<16xi32>,
      %add3A_366 = arith.constant 24576 : i32
      %add3A_367 = vector.broadcast %add3A_366 : i32 to vector<16xi32>
      %add3A_368 = arith.addi %get3A_365, %add3A_367 : vector<16xi32>
      %gather3A_369 = tpu.vector_load_idx %arg9[%add3A_368] : memref<25600xf32, #tpu.memory_space<vmem>>[vector<16xi32>], vector<16xf32>,
      %add3A_370 = arith.addf %add3A_348, %gather3A_369 : vector<16xf32>
      %add3A_371 = arith.addf %add3A_370, %add3A_359 : vector<16xf32>
      %mul3A_372 = arith.constant 16 : i32
      %mul3A_373 = arith.muli %scan3A_94, %mul3A_372 : i32
      %get3A_374 = arith.index_cast %mul3A_373 : i32 to index
      %get3A_375 = tpu.vector_load %arg12[%get3A_374] {strides = array<i32>} : memref<512xf32, #tpu.memory_space<vmem>>, vector<16xf32>,
      %add3A_376 = arith.addf %get3A_375, %add3A_371 : vector<16xf32>
      %swap3A = arith.index_cast %mul3A_373 : i32 to index
      %swap3A_377 = tpu.vector_load %arg12[%swap3A] {strides = array<i32>} : memref<512xf32, #tpu.memory_space<vmem>>, vector<16xf32>,
      tpu.vector_store %arg12[%swap3A], %add3A_376 {strides = array<i32>} : memref<512xf32, #tpu.memory_space<vmem>>, vector<16xf32>,
    }
    %scan3A_38 = arith.constant 32 : i32
    "tpu.region"() ({
      %run_scoped3A = tpu.sem_alloc : memref<!tpu.dma_semaphore, #tpu.memory_space<semaphore_mem>>
      %dma_start3A_94 = arith.constant 76800 : i32
      %dma_start3A_95 = tpu.memref_slice %arg13[%dma_start3A_94] : memref<256000xf32, #tpu.memory_space<vmem_shared>> -> memref<25600xf32, #tpu.memory_space<vmem_shared>>
      %dma_start3A_96 = arith.constant 76800 : i32
      %dma_start3A_97 = tpu.memref_slice %arg13[%dma_start3A_96] : memref<256000xf32, #tpu.memory_space<vmem_shared>> -> memref<25600xf32, #tpu.memory_space<vmem_shared>>
      tpu.enqueue_dma source(%dma_start3A_97 : memref<25600xf32, #tpu.memory_space<vmem_shared>>) target(%arg9 : memref<25600xf32, #tpu.memory_space<vmem>>) target_semaphore(%run_scoped3A : memref<!tpu.dma_semaphore, #tpu.memory_space<semaphore_mem>>)
      %dma_wait3A_98 = arith.constant 76800 : i32
      %dma_wait3A_99 = tpu.memref_slice %arg13[%dma_wait3A_98] : memref<256000xf32, #tpu.memory_space<vmem_shared>> -> memref<25600xf32, #tpu.memory_space<vmem_shared>>
      %dma_wait3A_100 = arith.constant 76800 : i32
      %dma_wait3A_101 = tpu.memref_slice %arg13[%dma_wait3A_100] : memref<256000xf32, #tpu.memory_space<vmem_shared>> -> memref<25600xf32, #tpu.memory_space<vmem_shared>>
      tpu.wait_dma2 semaphore(%run_scoped3A : memref<!tpu.dma_semaphore, #tpu.memory_space<semaphore_mem>>) src(%dma_wait3A_101 : memref<25600xf32, #tpu.memory_space<vmem_shared>>) dst(%arg9 : memref<25600xf32, #tpu.memory_space<vmem>>)
      tpu.yield
    }) : () -> ()
    %scan3A_39 = arith.constant 0 : i32
    %scan3A_40 = arith.constant 32 : i32
    %scan3A_41 = arith.addi %scan3A_39, %scan3A_40 : i32
    %scan3A_42 = arith.constant 1 : i32
    scf.for %scan3A_94 = %scan3A_39 to %scan3A_41 step %scan3A_42  : i32 {
      %broadcast_in_dim3A = arith.constant 0.000000e+00 : f32
      %broadcast_in_dim3A_95 = vector.broadcast %broadcast_in_dim3A : f32 to vector<16xf32>
      %broadcast_in_dim3A_96 = arith.constant 0.000000e+00 : f32
      %broadcast_in_dim3A_97 = vector.broadcast %broadcast_in_dim3A_96 : f32 to vector<16xf32>
      %mul3A_98 = arith.constant 16 : i32
      %mul3A_99 = arith.muli %scan3A_94, %mul3A_98 : i32
      %get3A = arith.constant 25 : i32
      %get3A_100 = arith.index_cast %get3A : i32 to index
      %get3A_101 = arith.index_cast %mul3A_99 : i32 to index
      %get3A_102 = tpu.vector_load %arg11[%get3A_100, %get3A_101] {strides = array<i32>} : memref<50x512xi32, #tpu.memory_space<vmem>>, vector<16xi32>,
      %add3A_103 = arith.constant 0 : i32
      %add3A_104 = vector.broadcast %add3A_103 : i32 to vector<16xi32>
      %add3A_105 = arith.addi %get3A_102, %add3A_104 : vector<16xi32>
      %gather3A = tpu.vector_load_idx %arg9[%add3A_105] : memref<25600xf32, #tpu.memory_space<vmem>>[vector<16xi32>], vector<16xf32>,
      %add3A_106 = arith.addf %broadcast_in_dim3A_95, %gather3A : vector<16xf32>
      %mul3A_107 = arith.constant 16 : i32
      %mul3A_108 = arith.muli %scan3A_94, %mul3A_107 : i32
      %get3A_109 = arith.constant 26 : i32
      %get3A_110 = arith.index_cast %get3A_109 : i32 to index
      %get3A_111 = arith.index_cast %mul3A_108 : i32 to index
      %get3A_112 = tpu.vector_load %arg11[%get3A_110, %get3A_111] {strides = array<i32>} : memref<50x512xi32, #tpu.memory_space<vmem>>, vector<16xi32>,
      %add3A_113 = arith.constant 1024 : i32
      %add3A_114 = vector.broadcast %add3A_113 : i32 to vector<16xi32>
      %add3A_115 = arith.addi %get3A_112, %add3A_114 : vector<16xi32>
      %gather3A_116 = tpu.vector_load_idx %arg9[%add3A_115] : memref<25600xf32, #tpu.memory_space<vmem>>[vector<16xi32>], vector<16xf32>,
      %add3A_117 = arith.addf %broadcast_in_dim3A_97, %gather3A_116 : vector<16xf32>
      %mul3A_118 = arith.constant 16 : i32
      %mul3A_119 = arith.muli %scan3A_94, %mul3A_118 : i32
      %get3A_120 = arith.constant 27 : i32
      %get3A_121 = arith.index_cast %get3A_120 : i32 to index
      %get3A_122 = arith.index_cast %mul3A_119 : i32 to index
      %get3A_123 = tpu.vector_load %arg11[%get3A_121, %get3A_122] {strides = array<i32>} : memref<50x512xi32, #tpu.memory_space<vmem>>, vector<16xi32>,
      %add3A_124 = arith.constant 2048 : i32
      %add3A_125 = vector.broadcast %add3A_124 : i32 to vector<16xi32>
      %add3A_126 = arith.addi %get3A_123, %add3A_125 : vector<16xi32>
      %gather3A_127 = tpu.vector_load_idx %arg9[%add3A_126] : memref<25600xf32, #tpu.memory_space<vmem>>[vector<16xi32>], vector<16xf32>,
      %add3A_128 = arith.addf %add3A_106, %gather3A_127 : vector<16xf32>
      %mul3A_129 = arith.constant 16 : i32
      %mul3A_130 = arith.muli %scan3A_94, %mul3A_129 : i32
      %get3A_131 = arith.constant 28 : i32
      %get3A_132 = arith.index_cast %get3A_131 : i32 to index
      %get3A_133 = arith.index_cast %mul3A_130 : i32 to index
      %get3A_134 = tpu.vector_load %arg11[%get3A_132, %get3A_133] {strides = array<i32>} : memref<50x512xi32, #tpu.memory_space<vmem>>, vector<16xi32>,
      %add3A_135 = arith.constant 3072 : i32
      %add3A_136 = vector.broadcast %add3A_135 : i32 to vector<16xi32>
      %add3A_137 = arith.addi %get3A_134, %add3A_136 : vector<16xi32>
      %gather3A_138 = tpu.vector_load_idx %arg9[%add3A_137] : memref<25600xf32, #tpu.memory_space<vmem>>[vector<16xi32>], vector<16xf32>,
      %add3A_139 = arith.addf %add3A_117, %gather3A_138 : vector<16xf32>
      %mul3A_140 = arith.constant 16 : i32
      %mul3A_141 = arith.muli %scan3A_94, %mul3A_140 : i32
      %get3A_142 = arith.constant 29 : i32
      %get3A_143 = arith.index_cast %get3A_142 : i32 to index
      %get3A_144 = arith.index_cast %mul3A_141 : i32 to index
      %get3A_145 = tpu.vector_load %arg11[%get3A_143, %get3A_144] {strides = array<i32>} : memref<50x512xi32, #tpu.memory_space<vmem>>, vector<16xi32>,
      %add3A_146 = arith.constant 4096 : i32
      %add3A_147 = vector.broadcast %add3A_146 : i32 to vector<16xi32>
      %add3A_148 = arith.addi %get3A_145, %add3A_147 : vector<16xi32>
      %gather3A_149 = tpu.vector_load_idx %arg9[%add3A_148] : memref<25600xf32, #tpu.memory_space<vmem>>[vector<16xi32>], vector<16xf32>,
      %add3A_150 = arith.addf %add3A_128, %gather3A_149 : vector<16xf32>
      %mul3A_151 = arith.constant 16 : i32
      %mul3A_152 = arith.muli %scan3A_94, %mul3A_151 : i32
      %get3A_153 = arith.constant 30 : i32
      %get3A_154 = arith.index_cast %get3A_153 : i32 to index
      %get3A_155 = arith.index_cast %mul3A_152 : i32 to index
      %get3A_156 = tpu.vector_load %arg11[%get3A_154, %get3A_155] {strides = array<i32>} : memref<50x512xi32, #tpu.memory_space<vmem>>, vector<16xi32>,
      %add3A_157 = arith.constant 5120 : i32
      %add3A_158 = vector.broadcast %add3A_157 : i32 to vector<16xi32>
      %add3A_159 = arith.addi %get3A_156, %add3A_158 : vector<16xi32>
      %gather3A_160 = tpu.vector_load_idx %arg9[%add3A_159] : memref<25600xf32, #tpu.memory_space<vmem>>[vector<16xi32>], vector<16xf32>,
      %add3A_161 = arith.addf %add3A_139, %gather3A_160 : vector<16xf32>
      %mul3A_162 = arith.constant 16 : i32
      %mul3A_163 = arith.muli %scan3A_94, %mul3A_162 : i32
      %get3A_164 = arith.constant 31 : i32
      %get3A_165 = arith.index_cast %get3A_164 : i32 to index
      %get3A_166 = arith.index_cast %mul3A_163 : i32 to index
      %get3A_167 = tpu.vector_load %arg11[%get3A_165, %get3A_166] {strides = array<i32>} : memref<50x512xi32, #tpu.memory_space<vmem>>, vector<16xi32>,
      %add3A_168 = arith.constant 6144 : i32
      %add3A_169 = vector.broadcast %add3A_168 : i32 to vector<16xi32>
      %add3A_170 = arith.addi %get3A_167, %add3A_169 : vector<16xi32>
      %gather3A_171 = tpu.vector_load_idx %arg9[%add3A_170] : memref<25600xf32, #tpu.memory_space<vmem>>[vector<16xi32>], vector<16xf32>,
      %add3A_172 = arith.addf %add3A_150, %gather3A_171 : vector<16xf32>
      %mul3A_173 = arith.constant 16 : i32
      %mul3A_174 = arith.muli %scan3A_94, %mul3A_173 : i32
      %get3A_175 = arith.constant 32 : i32
      %get3A_176 = arith.index_cast %get3A_175 : i32 to index
      %get3A_177 = arith.index_cast %mul3A_174 : i32 to index
      %get3A_178 = tpu.vector_load %arg11[%get3A_176, %get3A_177] {strides = array<i32>} : memref<50x512xi32, #tpu.memory_space<vmem>>, vector<16xi32>,
      %add3A_179 = arith.constant 7168 : i32
      %add3A_180 = vector.broadcast %add3A_179 : i32 to vector<16xi32>
      %add3A_181 = arith.addi %get3A_178, %add3A_180 : vector<16xi32>
      %gather3A_182 = tpu.vector_load_idx %arg9[%add3A_181] : memref<25600xf32, #tpu.memory_space<vmem>>[vector<16xi32>], vector<16xf32>,
      %add3A_183 = arith.addf %add3A_161, %gather3A_182 : vector<16xf32>
      %mul3A_184 = arith.constant 16 : i32
      %mul3A_185 = arith.muli %scan3A_94, %mul3A_184 : i32
      %get3A_186 = arith.constant 33 : i32
      %get3A_187 = arith.index_cast %get3A_186 : i32 to index
      %get3A_188 = arith.index_cast %mul3A_185 : i32 to index
      %get3A_189 = tpu.vector_load %arg11[%get3A_187, %get3A_188] {strides = array<i32>} : memref<50x512xi32, #tpu.memory_space<vmem>>, vector<16xi32>,
      %add3A_190 = arith.constant 8192 : i32
      %add3A_191 = vector.broadcast %add3A_190 : i32 to vector<16xi32>
      %add3A_192 = arith.addi %get3A_189, %add3A_191 : vector<16xi32>
      %gather3A_193 = tpu.vector_load_idx %arg9[%add3A_192] : memref<25600xf32, #tpu.memory_space<vmem>>[vector<16xi32>], vector<16xf32>,
      %add3A_194 = arith.addf %add3A_172, %gather3A_193 : vector<16xf32>
      %mul3A_195 = arith.constant 16 : i32
      %mul3A_196 = arith.muli %scan3A_94, %mul3A_195 : i32
      %get3A_197 = arith.constant 34 : i32
      %get3A_198 = arith.index_cast %get3A_197 : i32 to index
      %get3A_199 = arith.index_cast %mul3A_196 : i32 to index
      %get3A_200 = tpu.vector_load %arg11[%get3A_198, %get3A_199] {strides = array<i32>} : memref<50x512xi32, #tpu.memory_space<vmem>>, vector<16xi32>,
      %add3A_201 = arith.constant 9216 : i32
      %add3A_202 = vector.broadcast %add3A_201 : i32 to vector<16xi32>
      %add3A_203 = arith.addi %get3A_200, %add3A_202 : vector<16xi32>
      %gather3A_204 = tpu.vector_load_idx %arg9[%add3A_203] : memref<25600xf32, #tpu.memory_space<vmem>>[vector<16xi32>], vector<16xf32>,
      %add3A_205 = arith.addf %add3A_183, %gather3A_204 : vector<16xf32>
      %mul3A_206 = arith.constant 16 : i32
      %mul3A_207 = arith.muli %scan3A_94, %mul3A_206 : i32
      %get3A_208 = arith.constant 35 : i32
      %get3A_209 = arith.index_cast %get3A_208 : i32 to index
      %get3A_210 = arith.index_cast %mul3A_207 : i32 to index
      %get3A_211 = tpu.vector_load %arg11[%get3A_209, %get3A_210] {strides = array<i32>} : memref<50x512xi32, #tpu.memory_space<vmem>>, vector<16xi32>,
      %add3A_212 = arith.constant 10240 : i32
      %add3A_213 = vector.broadcast %add3A_212 : i32 to vector<16xi32>
      %add3A_214 = arith.addi %get3A_211, %add3A_213 : vector<16xi32>
      %gather3A_215 = tpu.vector_load_idx %arg9[%add3A_214] : memref<25600xf32, #tpu.memory_space<vmem>>[vector<16xi32>], vector<16xf32>,
      %add3A_216 = arith.addf %add3A_194, %gather3A_215 : vector<16xf32>
      %mul3A_217 = arith.constant 16 : i32
      %mul3A_218 = arith.muli %scan3A_94, %mul3A_217 : i32
      %get3A_219 = arith.constant 36 : i32
      %get3A_220 = arith.index_cast %get3A_219 : i32 to index
      %get3A_221 = arith.index_cast %mul3A_218 : i32 to index
      %get3A_222 = tpu.vector_load %arg11[%get3A_220, %get3A_221] {strides = array<i32>} : memref<50x512xi32, #tpu.memory_space<vmem>>, vector<16xi32>,
      %add3A_223 = arith.constant 11264 : i32
      %add3A_224 = vector.broadcast %add3A_223 : i32 to vector<16xi32>
      %add3A_225 = arith.addi %get3A_222, %add3A_224 : vector<16xi32>
      %gather3A_226 = tpu.vector_load_idx %arg9[%add3A_225] : memref<25600xf32, #tpu.memory_space<vmem>>[vector<16xi32>], vector<16xf32>,
      %add3A_227 = arith.addf %add3A_205, %gather3A_226 : vector<16xf32>
      %mul3A_228 = arith.constant 16 : i32
      %mul3A_229 = arith.muli %scan3A_94, %mul3A_228 : i32
      %get3A_230 = arith.constant 37 : i32
      %get3A_231 = arith.index_cast %get3A_230 : i32 to index
      %get3A_232 = arith.index_cast %mul3A_229 : i32 to index
      %get3A_233 = tpu.vector_load %arg11[%get3A_231, %get3A_232] {strides = array<i32>} : memref<50x512xi32, #tpu.memory_space<vmem>>, vector<16xi32>,
      %add3A_234 = arith.constant 12288 : i32
      %add3A_235 = vector.broadcast %add3A_234 : i32 to vector<16xi32>
      %add3A_236 = arith.addi %get3A_233, %add3A_235 : vector<16xi32>
      %gather3A_237 = tpu.vector_load_idx %arg9[%add3A_236] : memref<25600xf32, #tpu.memory_space<vmem>>[vector<16xi32>], vector<16xf32>,
      %add3A_238 = arith.addf %add3A_216, %gather3A_237 : vector<16xf32>
      %mul3A_239 = arith.constant 16 : i32
      %mul3A_240 = arith.muli %scan3A_94, %mul3A_239 : i32
      %get3A_241 = arith.constant 38 : i32
      %get3A_242 = arith.index_cast %get3A_241 : i32 to index
      %get3A_243 = arith.index_cast %mul3A_240 : i32 to index
      %get3A_244 = tpu.vector_load %arg11[%get3A_242, %get3A_243] {strides = array<i32>} : memref<50x512xi32, #tpu.memory_space<vmem>>, vector<16xi32>,
      %add3A_245 = arith.constant 13312 : i32
      %add3A_246 = vector.broadcast %add3A_245 : i32 to vector<16xi32>
      %add3A_247 = arith.addi %get3A_244, %add3A_246 : vector<16xi32>
      %gather3A_248 = tpu.vector_load_idx %arg9[%add3A_247] : memref<25600xf32, #tpu.memory_space<vmem>>[vector<16xi32>], vector<16xf32>,
      %add3A_249 = arith.addf %add3A_227, %gather3A_248 : vector<16xf32>
      %mul3A_250 = arith.constant 16 : i32
      %mul3A_251 = arith.muli %scan3A_94, %mul3A_250 : i32
      %get3A_252 = arith.constant 39 : i32
      %get3A_253 = arith.index_cast %get3A_252 : i32 to index
      %get3A_254 = arith.index_cast %mul3A_251 : i32 to index
      %get3A_255 = tpu.vector_load %arg11[%get3A_253, %get3A_254] {strides = array<i32>} : memref<50x512xi32, #tpu.memory_space<vmem>>, vector<16xi32>,
      %add3A_256 = arith.constant 14336 : i32
      %add3A_257 = vector.broadcast %add3A_256 : i32 to vector<16xi32>
      %add3A_258 = arith.addi %get3A_255, %add3A_257 : vector<16xi32>
      %gather3A_259 = tpu.vector_load_idx %arg9[%add3A_258] : memref<25600xf32, #tpu.memory_space<vmem>>[vector<16xi32>], vector<16xf32>,
      %add3A_260 = arith.addf %add3A_238, %gather3A_259 : vector<16xf32>
      %mul3A_261 = arith.constant 16 : i32
      %mul3A_262 = arith.muli %scan3A_94, %mul3A_261 : i32
      %get3A_263 = arith.constant 40 : i32
      %get3A_264 = arith.index_cast %get3A_263 : i32 to index
      %get3A_265 = arith.index_cast %mul3A_262 : i32 to index
      %get3A_266 = tpu.vector_load %arg11[%get3A_264, %get3A_265] {strides = array<i32>} : memref<50x512xi32, #tpu.memory_space<vmem>>, vector<16xi32>,
      %add3A_267 = arith.constant 15360 : i32
      %add3A_268 = vector.broadcast %add3A_267 : i32 to vector<16xi32>
      %add3A_269 = arith.addi %get3A_266, %add3A_268 : vector<16xi32>
      %gather3A_270 = tpu.vector_load_idx %arg9[%add3A_269] : memref<25600xf32, #tpu.memory_space<vmem>>[vector<16xi32>], vector<16xf32>,
      %add3A_271 = arith.addf %add3A_249, %gather3A_270 : vector<16xf32>
      %mul3A_272 = arith.constant 16 : i32
      %mul3A_273 = arith.muli %scan3A_94, %mul3A_272 : i32
      %get3A_274 = arith.constant 41 : i32
      %get3A_275 = arith.index_cast %get3A_274 : i32 to index
      %get3A_276 = arith.index_cast %mul3A_273 : i32 to index
      %get3A_277 = tpu.vector_load %arg11[%get3A_275, %get3A_276] {strides = array<i32>} : memref<50x512xi32, #tpu.memory_space<vmem>>, vector<16xi32>,
      %add3A_278 = arith.constant 16384 : i32
      %add3A_279 = vector.broadcast %add3A_278 : i32 to vector<16xi32>
      %add3A_280 = arith.addi %get3A_277, %add3A_279 : vector<16xi32>
      %gather3A_281 = tpu.vector_load_idx %arg9[%add3A_280] : memref<25600xf32, #tpu.memory_space<vmem>>[vector<16xi32>], vector<16xf32>,
      %add3A_282 = arith.addf %add3A_260, %gather3A_281 : vector<16xf32>
      %mul3A_283 = arith.constant 16 : i32
      %mul3A_284 = arith.muli %scan3A_94, %mul3A_283 : i32
      %get3A_285 = arith.constant 42 : i32
      %get3A_286 = arith.index_cast %get3A_285 : i32 to index
      %get3A_287 = arith.index_cast %mul3A_284 : i32 to index
      %get3A_288 = tpu.vector_load %arg11[%get3A_286, %get3A_287] {strides = array<i32>} : memref<50x512xi32, #tpu.memory_space<vmem>>, vector<16xi32>,
      %add3A_289 = arith.constant 17408 : i32
      %add3A_290 = vector.broadcast %add3A_289 : i32 to vector<16xi32>
      %add3A_291 = arith.addi %get3A_288, %add3A_290 : vector<16xi32>
      %gather3A_292 = tpu.vector_load_idx %arg9[%add3A_291] : memref<25600xf32, #tpu.memory_space<vmem>>[vector<16xi32>], vector<16xf32>,
      %add3A_293 = arith.addf %add3A_271, %gather3A_292 : vector<16xf32>
      %mul3A_294 = arith.constant 16 : i32
      %mul3A_295 = arith.muli %scan3A_94, %mul3A_294 : i32
      %get3A_296 = arith.constant 43 : i32
      %get3A_297 = arith.index_cast %get3A_296 : i32 to index
      %get3A_298 = arith.index_cast %mul3A_295 : i32 to index
      %get3A_299 = tpu.vector_load %arg11[%get3A_297, %get3A_298] {strides = array<i32>} : memref<50x512xi32, #tpu.memory_space<vmem>>, vector<16xi32>,
      %add3A_300 = arith.constant 18432 : i32
      %add3A_301 = vector.broadcast %add3A_300 : i32 to vector<16xi32>
      %add3A_302 = arith.addi %get3A_299, %add3A_301 : vector<16xi32>
      %gather3A_303 = tpu.vector_load_idx %arg9[%add3A_302] : memref<25600xf32, #tpu.memory_space<vmem>>[vector<16xi32>], vector<16xf32>,
      %add3A_304 = arith.addf %add3A_282, %gather3A_303 : vector<16xf32>
      %mul3A_305 = arith.constant 16 : i32
      %mul3A_306 = arith.muli %scan3A_94, %mul3A_305 : i32
      %get3A_307 = arith.constant 44 : i32
      %get3A_308 = arith.index_cast %get3A_307 : i32 to index
      %get3A_309 = arith.index_cast %mul3A_306 : i32 to index
      %get3A_310 = tpu.vector_load %arg11[%get3A_308, %get3A_309] {strides = array<i32>} : memref<50x512xi32, #tpu.memory_space<vmem>>, vector<16xi32>,
      %add3A_311 = arith.constant 19456 : i32
      %add3A_312 = vector.broadcast %add3A_311 : i32 to vector<16xi32>
      %add3A_313 = arith.addi %get3A_310, %add3A_312 : vector<16xi32>
      %gather3A_314 = tpu.vector_load_idx %arg9[%add3A_313] : memref<25600xf32, #tpu.memory_space<vmem>>[vector<16xi32>], vector<16xf32>,
      %add3A_315 = arith.addf %add3A_293, %gather3A_314 : vector<16xf32>
      %mul3A_316 = arith.constant 16 : i32
      %mul3A_317 = arith.muli %scan3A_94, %mul3A_316 : i32
      %get3A_318 = arith.constant 45 : i32
      %get3A_319 = arith.index_cast %get3A_318 : i32 to index
      %get3A_320 = arith.index_cast %mul3A_317 : i32 to index
      %get3A_321 = tpu.vector_load %arg11[%get3A_319, %get3A_320] {strides = array<i32>} : memref<50x512xi32, #tpu.memory_space<vmem>>, vector<16xi32>,
      %add3A_322 = arith.constant 20480 : i32
      %add3A_323 = vector.broadcast %add3A_322 : i32 to vector<16xi32>
      %add3A_324 = arith.addi %get3A_321, %add3A_323 : vector<16xi32>
      %gather3A_325 = tpu.vector_load_idx %arg9[%add3A_324] : memref<25600xf32, #tpu.memory_space<vmem>>[vector<16xi32>], vector<16xf32>,
      %add3A_326 = arith.addf %add3A_304, %gather3A_325 : vector<16xf32>
      %mul3A_327 = arith.constant 16 : i32
      %mul3A_328 = arith.muli %scan3A_94, %mul3A_327 : i32
      %get3A_329 = arith.constant 46 : i32
      %get3A_330 = arith.index_cast %get3A_329 : i32 to index
      %get3A_331 = arith.index_cast %mul3A_328 : i32 to index
      %get3A_332 = tpu.vector_load %arg11[%get3A_330, %get3A_331] {strides = array<i32>} : memref<50x512xi32, #tpu.memory_space<vmem>>, vector<16xi32>,
      %add3A_333 = arith.constant 21504 : i32
      %add3A_334 = vector.broadcast %add3A_333 : i32 to vector<16xi32>
      %add3A_335 = arith.addi %get3A_332, %add3A_334 : vector<16xi32>
      %gather3A_336 = tpu.vector_load_idx %arg9[%add3A_335] : memref<25600xf32, #tpu.memory_space<vmem>>[vector<16xi32>], vector<16xf32>,
      %add3A_337 = arith.addf %add3A_315, %gather3A_336 : vector<16xf32>
      %mul3A_338 = arith.constant 16 : i32
      %mul3A_339 = arith.muli %scan3A_94, %mul3A_338 : i32
      %get3A_340 = arith.constant 47 : i32
      %get3A_341 = arith.index_cast %get3A_340 : i32 to index
      %get3A_342 = arith.index_cast %mul3A_339 : i32 to index
      %get3A_343 = tpu.vector_load %arg11[%get3A_341, %get3A_342] {strides = array<i32>} : memref<50x512xi32, #tpu.memory_space<vmem>>, vector<16xi32>,
      %add3A_344 = arith.constant 22528 : i32
      %add3A_345 = vector.broadcast %add3A_344 : i32 to vector<16xi32>
      %add3A_346 = arith.addi %get3A_343, %add3A_345 : vector<16xi32>
      %gather3A_347 = tpu.vector_load_idx %arg9[%add3A_346] : memref<25600xf32, #tpu.memory_space<vmem>>[vector<16xi32>], vector<16xf32>,
      %add3A_348 = arith.addf %add3A_326, %gather3A_347 : vector<16xf32>
      %mul3A_349 = arith.constant 16 : i32
      %mul3A_350 = arith.muli %scan3A_94, %mul3A_349 : i32
      %get3A_351 = arith.constant 48 : i32
      %get3A_352 = arith.index_cast %get3A_351 : i32 to index
      %get3A_353 = arith.index_cast %mul3A_350 : i32 to index
      %get3A_354 = tpu.vector_load %arg11[%get3A_352, %get3A_353] {strides = array<i32>} : memref<50x512xi32, #tpu.memory_space<vmem>>, vector<16xi32>,
      %add3A_355 = arith.constant 23552 : i32
      %add3A_356 = vector.broadcast %add3A_355 : i32 to vector<16xi32>
      %add3A_357 = arith.addi %get3A_354, %add3A_356 : vector<16xi32>
      %gather3A_358 = tpu.vector_load_idx %arg9[%add3A_357] : memref<25600xf32, #tpu.memory_space<vmem>>[vector<16xi32>], vector<16xf32>,
      %add3A_359 = arith.addf %add3A_337, %gather3A_358 : vector<16xf32>
      %mul3A_360 = arith.constant 16 : i32
      %mul3A_361 = arith.muli %scan3A_94, %mul3A_360 : i32
      %get3A_362 = arith.constant 49 : i32
      %get3A_363 = arith.index_cast %get3A_362 : i32 to index
      %get3A_364 = arith.index_cast %mul3A_361 : i32 to index
      %get3A_365 = tpu.vector_load %arg11[%get3A_363, %get3A_364] {strides = array<i32>} : memref<50x512xi32, #tpu.memory_space<vmem>>, vector<16xi32>,
      %add3A_366 = arith.constant 24576 : i32
      %add3A_367 = vector.broadcast %add3A_366 : i32 to vector<16xi32>
      %add3A_368 = arith.addi %get3A_365, %add3A_367 : vector<16xi32>
      %gather3A_369 = tpu.vector_load_idx %arg9[%add3A_368] : memref<25600xf32, #tpu.memory_space<vmem>>[vector<16xi32>], vector<16xf32>,
      %add3A_370 = arith.addf %add3A_348, %gather3A_369 : vector<16xf32>
      %add3A_371 = arith.addf %add3A_370, %add3A_359 : vector<16xf32>
      %mul3A_372 = arith.constant 16 : i32
      %mul3A_373 = arith.muli %scan3A_94, %mul3A_372 : i32
      %get3A_374 = arith.index_cast %mul3A_373 : i32 to index
      %get3A_375 = tpu.vector_load %arg12[%get3A_374] {strides = array<i32>} : memref<512xf32, #tpu.memory_space<vmem>>, vector<16xf32>,
      %add3A_376 = arith.addf %get3A_375, %add3A_371 : vector<16xf32>
      %swap3A = arith.index_cast %mul3A_373 : i32 to index
      %swap3A_377 = tpu.vector_load %arg12[%swap3A] {strides = array<i32>} : memref<512xf32, #tpu.memory_space<vmem>>, vector<16xf32>,
      tpu.vector_store %arg12[%swap3A], %add3A_376 {strides = array<i32>} : memref<512xf32, #tpu.memory_space<vmem>>, vector<16xf32>,
    }
    %scan3A_43 = arith.constant 32 : i32
    %dma_start3A_44 = arith.constant 0 : i32
    %dma_start3A_45 = tpu.memref_slice %arg5[%dma_start3A_44, %mul3A_2] : memref<50x16384xi32, #tpu.memory_space<hbm>> -> memref<50x512xi32, #tpu.memory_space<hbm>>
    %dma_start3A_46 = arith.constant 0 : i32
    %dma_start3A_47 = tpu.memref_slice %arg5[%dma_start3A_46, %mul3A_2] : memref<50x16384xi32, #tpu.memory_space<hbm>> -> memref<50x512xi32, #tpu.memory_space<hbm>>
    tpu.enqueue_dma source(%dma_start3A_47 : memref<50x512xi32, #tpu.memory_space<hbm>>) target(%arg11 : memref<50x512xi32, #tpu.memory_space<vmem>>) target_semaphore(%arg15 : memref<!tpu.dma_semaphore, #tpu.memory_space<semaphore_mem>>)
    %dma_wait3A_48 = arith.constant 0 : i32
    %dma_wait3A_49 = tpu.memref_slice %arg4[%dma_wait3A_48, %mul3A_2] : memref<50x16384xi32, #tpu.memory_space<hbm>> -> memref<50x512xi32, #tpu.memory_space<hbm>>
    %dma_wait3A_50 = arith.constant 0 : i32
    %dma_wait3A_51 = tpu.memref_slice %arg4[%dma_wait3A_50, %mul3A_2] : memref<50x16384xi32, #tpu.memory_space<hbm>> -> memref<50x512xi32, #tpu.memory_space<hbm>>
    tpu.wait_dma2 semaphore(%arg14 : memref<!tpu.dma_semaphore, #tpu.memory_space<semaphore_mem>>) src(%dma_wait3A_51 : memref<50x512xi32, #tpu.memory_space<hbm>>) dst(%arg10 : memref<50x512xi32, #tpu.memory_space<vmem>>)
    "tpu.region"() ({
      %run_scoped3A = tpu.sem_alloc : memref<!tpu.dma_semaphore, #tpu.memory_space<semaphore_mem>>
      %dma_start3A_94 = arith.constant 102400 : i32
      %dma_start3A_95 = tpu.memref_slice %arg13[%dma_start3A_94] : memref<256000xf32, #tpu.memory_space<vmem_shared>> -> memref<25600xf32, #tpu.memory_space<vmem_shared>>
      %dma_start3A_96 = arith.constant 102400 : i32
      %dma_start3A_97 = tpu.memref_slice %arg13[%dma_start3A_96] : memref<256000xf32, #tpu.memory_space<vmem_shared>> -> memref<25600xf32, #tpu.memory_space<vmem_shared>>
      tpu.enqueue_dma source(%dma_start3A_97 : memref<25600xf32, #tpu.memory_space<vmem_shared>>) target(%arg9 : memref<25600xf32, #tpu.memory_space<vmem>>) target_semaphore(%run_scoped3A : memref<!tpu.dma_semaphore, #tpu.memory_space<semaphore_mem>>)
      %dma_wait3A_98 = arith.constant 102400 : i32
      %dma_wait3A_99 = tpu.memref_slice %arg13[%dma_wait3A_98] : memref<256000xf32, #tpu.memory_space<vmem_shared>> -> memref<25600xf32, #tpu.memory_space<vmem_shared>>
      %dma_wait3A_100 = arith.constant 102400 : i32
      %dma_wait3A_101 = tpu.memref_slice %arg13[%dma_wait3A_100] : memref<256000xf32, #tpu.memory_space<vmem_shared>> -> memref<25600xf32, #tpu.memory_space<vmem_shared>>
      tpu.wait_dma2 semaphore(%run_scoped3A : memref<!tpu.dma_semaphore, #tpu.memory_space<semaphore_mem>>) src(%dma_wait3A_101 : memref<25600xf32, #tpu.memory_space<vmem_shared>>) dst(%arg9 : memref<25600xf32, #tpu.memory_space<vmem>>)
      tpu.yield
    }) : () -> ()
    %scan3A_52 = arith.constant 0 : i32
    %scan3A_53 = arith.constant 32 : i32
    %scan3A_54 = arith.addi %scan3A_52, %scan3A_53 : i32
    %scan3A_55 = arith.constant 1 : i32
    scf.for %scan3A_94 = %scan3A_52 to %scan3A_54 step %scan3A_55  : i32 {
      %broadcast_in_dim3A = arith.constant 0.000000e+00 : f32
      %broadcast_in_dim3A_95 = vector.broadcast %broadcast_in_dim3A : f32 to vector<16xf32>
      %broadcast_in_dim3A_96 = arith.constant 0.000000e+00 : f32
      %broadcast_in_dim3A_97 = vector.broadcast %broadcast_in_dim3A_96 : f32 to vector<16xf32>
      %mul3A_98 = arith.constant 16 : i32
      %mul3A_99 = arith.muli %scan3A_94, %mul3A_98 : i32
      %get3A = arith.constant 0 : i32
      %get3A_100 = arith.index_cast %get3A : i32 to index
      %get3A_101 = arith.index_cast %mul3A_99 : i32 to index
      %get3A_102 = tpu.vector_load %arg10[%get3A_100, %get3A_101] {strides = array<i32>} : memref<50x512xi32, #tpu.memory_space<vmem>>, vector<16xi32>,
      %add3A_103 = arith.constant 0 : i32
      %add3A_104 = vector.broadcast %add3A_103 : i32 to vector<16xi32>
      %add3A_105 = arith.addi %get3A_102, %add3A_104 : vector<16xi32>
      %gather3A = tpu.vector_load_idx %arg9[%add3A_105] : memref<25600xf32, #tpu.memory_space<vmem>>[vector<16xi32>], vector<16xf32>,
      %add3A_106 = arith.addf %broadcast_in_dim3A_95, %gather3A : vector<16xf32>
      %mul3A_107 = arith.constant 16 : i32
      %mul3A_108 = arith.muli %scan3A_94, %mul3A_107 : i32
      %get3A_109 = arith.constant 1 : i32
      %get3A_110 = arith.index_cast %get3A_109 : i32 to index
      %get3A_111 = arith.index_cast %mul3A_108 : i32 to index
      %get3A_112 = tpu.vector_load %arg10[%get3A_110, %get3A_111] {strides = array<i32>} : memref<50x512xi32, #tpu.memory_space<vmem>>, vector<16xi32>,
      %add3A_113 = arith.constant 1024 : i32
      %add3A_114 = vector.broadcast %add3A_113 : i32 to vector<16xi32>
      %add3A_115 = arith.addi %get3A_112, %add3A_114 : vector<16xi32>
      %gather3A_116 = tpu.vector_load_idx %arg9[%add3A_115] : memref<25600xf32, #tpu.memory_space<vmem>>[vector<16xi32>], vector<16xf32>,
      %add3A_117 = arith.addf %broadcast_in_dim3A_97, %gather3A_116 : vector<16xf32>
      %mul3A_118 = arith.constant 16 : i32
      %mul3A_119 = arith.muli %scan3A_94, %mul3A_118 : i32
      %get3A_120 = arith.constant 2 : i32
      %get3A_121 = arith.index_cast %get3A_120 : i32 to index
      %get3A_122 = arith.index_cast %mul3A_119 : i32 to index
      %get3A_123 = tpu.vector_load %arg10[%get3A_121, %get3A_122] {strides = array<i32>} : memref<50x512xi32, #tpu.memory_space<vmem>>, vector<16xi32>,
      %add3A_124 = arith.constant 2048 : i32
      %add3A_125 = vector.broadcast %add3A_124 : i32 to vector<16xi32>
      %add3A_126 = arith.addi %get3A_123, %add3A_125 : vector<16xi32>
      %gather3A_127 = tpu.vector_load_idx %arg9[%add3A_126] : memref<25600xf32, #tpu.memory_space<vmem>>[vector<16xi32>], vector<16xf32>,
      %add3A_128 = arith.addf %add3A_106, %gather3A_127 : vector<16xf32>
      %mul3A_129 = arith.constant 16 : i32
      %mul3A_130 = arith.muli %scan3A_94, %mul3A_129 : i32
      %get3A_131 = arith.constant 3 : i32
      %get3A_132 = arith.index_cast %get3A_131 : i32 to index
      %get3A_133 = arith.index_cast %mul3A_130 : i32 to index
      %get3A_134 = tpu.vector_load %arg10[%get3A_132, %get3A_133] {strides = array<i32>} : memref<50x512xi32, #tpu.memory_space<vmem>>, vector<16xi32>,
      %add3A_135 = arith.constant 3072 : i32
      %add3A_136 = vector.broadcast %add3A_135 : i32 to vector<16xi32>
      %add3A_137 = arith.addi %get3A_134, %add3A_136 : vector<16xi32>
      %gather3A_138 = tpu.vector_load_idx %arg9[%add3A_137] : memref<25600xf32, #tpu.memory_space<vmem>>[vector<16xi32>], vector<16xf32>,
      %add3A_139 = arith.addf %add3A_117, %gather3A_138 : vector<16xf32>
      %mul3A_140 = arith.constant 16 : i32
      %mul3A_141 = arith.muli %scan3A_94, %mul3A_140 : i32
      %get3A_142 = arith.constant 4 : i32
      %get3A_143 = arith.index_cast %get3A_142 : i32 to index
      %get3A_144 = arith.index_cast %mul3A_141 : i32 to index
      %get3A_145 = tpu.vector_load %arg10[%get3A_143, %get3A_144] {strides = array<i32>} : memref<50x512xi32, #tpu.memory_space<vmem>>, vector<16xi32>,
      %add3A_146 = arith.constant 4096 : i32
      %add3A_147 = vector.broadcast %add3A_146 : i32 to vector<16xi32>
      %add3A_148 = arith.addi %get3A_145, %add3A_147 : vector<16xi32>
      %gather3A_149 = tpu.vector_load_idx %arg9[%add3A_148] : memref<25600xf32, #tpu.memory_space<vmem>>[vector<16xi32>], vector<16xf32>,
      %add3A_150 = arith.addf %add3A_128, %gather3A_149 : vector<16xf32>
      %mul3A_151 = arith.constant 16 : i32
      %mul3A_152 = arith.muli %scan3A_94, %mul3A_151 : i32
      %get3A_153 = arith.constant 5 : i32
      %get3A_154 = arith.index_cast %get3A_153 : i32 to index
      %get3A_155 = arith.index_cast %mul3A_152 : i32 to index
      %get3A_156 = tpu.vector_load %arg10[%get3A_154, %get3A_155] {strides = array<i32>} : memref<50x512xi32, #tpu.memory_space<vmem>>, vector<16xi32>,
      %add3A_157 = arith.constant 5120 : i32
      %add3A_158 = vector.broadcast %add3A_157 : i32 to vector<16xi32>
      %add3A_159 = arith.addi %get3A_156, %add3A_158 : vector<16xi32>
      %gather3A_160 = tpu.vector_load_idx %arg9[%add3A_159] : memref<25600xf32, #tpu.memory_space<vmem>>[vector<16xi32>], vector<16xf32>,
      %add3A_161 = arith.addf %add3A_139, %gather3A_160 : vector<16xf32>
      %mul3A_162 = arith.constant 16 : i32
      %mul3A_163 = arith.muli %scan3A_94, %mul3A_162 : i32
      %get3A_164 = arith.constant 6 : i32
      %get3A_165 = arith.index_cast %get3A_164 : i32 to index
      %get3A_166 = arith.index_cast %mul3A_163 : i32 to index
      %get3A_167 = tpu.vector_load %arg10[%get3A_165, %get3A_166] {strides = array<i32>} : memref<50x512xi32, #tpu.memory_space<vmem>>, vector<16xi32>,
      %add3A_168 = arith.constant 6144 : i32
      %add3A_169 = vector.broadcast %add3A_168 : i32 to vector<16xi32>
      %add3A_170 = arith.addi %get3A_167, %add3A_169 : vector<16xi32>
      %gather3A_171 = tpu.vector_load_idx %arg9[%add3A_170] : memref<25600xf32, #tpu.memory_space<vmem>>[vector<16xi32>], vector<16xf32>,
      %add3A_172 = arith.addf %add3A_150, %gather3A_171 : vector<16xf32>
      %mul3A_173 = arith.constant 16 : i32
      %mul3A_174 = arith.muli %scan3A_94, %mul3A_173 : i32
      %get3A_175 = arith.constant 7 : i32
      %get3A_176 = arith.index_cast %get3A_175 : i32 to index
      %get3A_177 = arith.index_cast %mul3A_174 : i32 to index
      %get3A_178 = tpu.vector_load %arg10[%get3A_176, %get3A_177] {strides = array<i32>} : memref<50x512xi32, #tpu.memory_space<vmem>>, vector<16xi32>,
      %add3A_179 = arith.constant 7168 : i32
      %add3A_180 = vector.broadcast %add3A_179 : i32 to vector<16xi32>
      %add3A_181 = arith.addi %get3A_178, %add3A_180 : vector<16xi32>
      %gather3A_182 = tpu.vector_load_idx %arg9[%add3A_181] : memref<25600xf32, #tpu.memory_space<vmem>>[vector<16xi32>], vector<16xf32>,
      %add3A_183 = arith.addf %add3A_161, %gather3A_182 : vector<16xf32>
      %mul3A_184 = arith.constant 16 : i32
      %mul3A_185 = arith.muli %scan3A_94, %mul3A_184 : i32
      %get3A_186 = arith.constant 8 : i32
      %get3A_187 = arith.index_cast %get3A_186 : i32 to index
      %get3A_188 = arith.index_cast %mul3A_185 : i32 to index
      %get3A_189 = tpu.vector_load %arg10[%get3A_187, %get3A_188] {strides = array<i32>} : memref<50x512xi32, #tpu.memory_space<vmem>>, vector<16xi32>,
      %add3A_190 = arith.constant 8192 : i32
      %add3A_191 = vector.broadcast %add3A_190 : i32 to vector<16xi32>
      %add3A_192 = arith.addi %get3A_189, %add3A_191 : vector<16xi32>
      %gather3A_193 = tpu.vector_load_idx %arg9[%add3A_192] : memref<25600xf32, #tpu.memory_space<vmem>>[vector<16xi32>], vector<16xf32>,
      %add3A_194 = arith.addf %add3A_172, %gather3A_193 : vector<16xf32>
      %mul3A_195 = arith.constant 16 : i32
      %mul3A_196 = arith.muli %scan3A_94, %mul3A_195 : i32
      %get3A_197 = arith.constant 9 : i32
      %get3A_198 = arith.index_cast %get3A_197 : i32 to index
      %get3A_199 = arith.index_cast %mul3A_196 : i32 to index
      %get3A_200 = tpu.vector_load %arg10[%get3A_198, %get3A_199] {strides = array<i32>} : memref<50x512xi32, #tpu.memory_space<vmem>>, vector<16xi32>,
      %add3A_201 = arith.constant 9216 : i32
      %add3A_202 = vector.broadcast %add3A_201 : i32 to vector<16xi32>
      %add3A_203 = arith.addi %get3A_200, %add3A_202 : vector<16xi32>
      %gather3A_204 = tpu.vector_load_idx %arg9[%add3A_203] : memref<25600xf32, #tpu.memory_space<vmem>>[vector<16xi32>], vector<16xf32>,
      %add3A_205 = arith.addf %add3A_183, %gather3A_204 : vector<16xf32>
      %mul3A_206 = arith.constant 16 : i32
      %mul3A_207 = arith.muli %scan3A_94, %mul3A_206 : i32
      %get3A_208 = arith.constant 10 : i32
      %get3A_209 = arith.index_cast %get3A_208 : i32 to index
      %get3A_210 = arith.index_cast %mul3A_207 : i32 to index
      %get3A_211 = tpu.vector_load %arg10[%get3A_209, %get3A_210] {strides = array<i32>} : memref<50x512xi32, #tpu.memory_space<vmem>>, vector<16xi32>,
      %add3A_212 = arith.constant 10240 : i32
      %add3A_213 = vector.broadcast %add3A_212 : i32 to vector<16xi32>
      %add3A_214 = arith.addi %get3A_211, %add3A_213 : vector<16xi32>
      %gather3A_215 = tpu.vector_load_idx %arg9[%add3A_214] : memref<25600xf32, #tpu.memory_space<vmem>>[vector<16xi32>], vector<16xf32>,
      %add3A_216 = arith.addf %add3A_194, %gather3A_215 : vector<16xf32>
      %mul3A_217 = arith.constant 16 : i32
      %mul3A_218 = arith.muli %scan3A_94, %mul3A_217 : i32
      %get3A_219 = arith.constant 11 : i32
      %get3A_220 = arith.index_cast %get3A_219 : i32 to index
      %get3A_221 = arith.index_cast %mul3A_218 : i32 to index
      %get3A_222 = tpu.vector_load %arg10[%get3A_220, %get3A_221] {strides = array<i32>} : memref<50x512xi32, #tpu.memory_space<vmem>>, vector<16xi32>,
      %add3A_223 = arith.constant 11264 : i32
      %add3A_224 = vector.broadcast %add3A_223 : i32 to vector<16xi32>
      %add3A_225 = arith.addi %get3A_222, %add3A_224 : vector<16xi32>
      %gather3A_226 = tpu.vector_load_idx %arg9[%add3A_225] : memref<25600xf32, #tpu.memory_space<vmem>>[vector<16xi32>], vector<16xf32>,
      %add3A_227 = arith.addf %add3A_205, %gather3A_226 : vector<16xf32>
      %mul3A_228 = arith.constant 16 : i32
      %mul3A_229 = arith.muli %scan3A_94, %mul3A_228 : i32
      %get3A_230 = arith.constant 12 : i32
      %get3A_231 = arith.index_cast %get3A_230 : i32 to index
      %get3A_232 = arith.index_cast %mul3A_229 : i32 to index
      %get3A_233 = tpu.vector_load %arg10[%get3A_231, %get3A_232] {strides = array<i32>} : memref<50x512xi32, #tpu.memory_space<vmem>>, vector<16xi32>,
      %add3A_234 = arith.constant 12288 : i32
      %add3A_235 = vector.broadcast %add3A_234 : i32 to vector<16xi32>
      %add3A_236 = arith.addi %get3A_233, %add3A_235 : vector<16xi32>
      %gather3A_237 = tpu.vector_load_idx %arg9[%add3A_236] : memref<25600xf32, #tpu.memory_space<vmem>>[vector<16xi32>], vector<16xf32>,
      %add3A_238 = arith.addf %add3A_216, %gather3A_237 : vector<16xf32>
      %mul3A_239 = arith.constant 16 : i32
      %mul3A_240 = arith.muli %scan3A_94, %mul3A_239 : i32
      %get3A_241 = arith.constant 13 : i32
      %get3A_242 = arith.index_cast %get3A_241 : i32 to index
      %get3A_243 = arith.index_cast %mul3A_240 : i32 to index
      %get3A_244 = tpu.vector_load %arg10[%get3A_242, %get3A_243] {strides = array<i32>} : memref<50x512xi32, #tpu.memory_space<vmem>>, vector<16xi32>,
      %add3A_245 = arith.constant 13312 : i32
      %add3A_246 = vector.broadcast %add3A_245 : i32 to vector<16xi32>
      %add3A_247 = arith.addi %get3A_244, %add3A_246 : vector<16xi32>
      %gather3A_248 = tpu.vector_load_idx %arg9[%add3A_247] : memref<25600xf32, #tpu.memory_space<vmem>>[vector<16xi32>], vector<16xf32>,
      %add3A_249 = arith.addf %add3A_227, %gather3A_248 : vector<16xf32>
      %mul3A_250 = arith.constant 16 : i32
      %mul3A_251 = arith.muli %scan3A_94, %mul3A_250 : i32
      %get3A_252 = arith.constant 14 : i32
      %get3A_253 = arith.index_cast %get3A_252 : i32 to index
      %get3A_254 = arith.index_cast %mul3A_251 : i32 to index
      %get3A_255 = tpu.vector_load %arg10[%get3A_253, %get3A_254] {strides = array<i32>} : memref<50x512xi32, #tpu.memory_space<vmem>>, vector<16xi32>,
      %add3A_256 = arith.constant 14336 : i32
      %add3A_257 = vector.broadcast %add3A_256 : i32 to vector<16xi32>
      %add3A_258 = arith.addi %get3A_255, %add3A_257 : vector<16xi32>
      %gather3A_259 = tpu.vector_load_idx %arg9[%add3A_258] : memref<25600xf32, #tpu.memory_space<vmem>>[vector<16xi32>], vector<16xf32>,
      %add3A_260 = arith.addf %add3A_238, %gather3A_259 : vector<16xf32>
      %mul3A_261 = arith.constant 16 : i32
      %mul3A_262 = arith.muli %scan3A_94, %mul3A_261 : i32
      %get3A_263 = arith.constant 15 : i32
      %get3A_264 = arith.index_cast %get3A_263 : i32 to index
      %get3A_265 = arith.index_cast %mul3A_262 : i32 to index
      %get3A_266 = tpu.vector_load %arg10[%get3A_264, %get3A_265] {strides = array<i32>} : memref<50x512xi32, #tpu.memory_space<vmem>>, vector<16xi32>,
      %add3A_267 = arith.constant 15360 : i32
      %add3A_268 = vector.broadcast %add3A_267 : i32 to vector<16xi32>
      %add3A_269 = arith.addi %get3A_266, %add3A_268 : vector<16xi32>
      %gather3A_270 = tpu.vector_load_idx %arg9[%add3A_269] : memref<25600xf32, #tpu.memory_space<vmem>>[vector<16xi32>], vector<16xf32>,
      %add3A_271 = arith.addf %add3A_249, %gather3A_270 : vector<16xf32>
      %mul3A_272 = arith.constant 16 : i32
      %mul3A_273 = arith.muli %scan3A_94, %mul3A_272 : i32
      %get3A_274 = arith.constant 16 : i32
      %get3A_275 = arith.index_cast %get3A_274 : i32 to index
      %get3A_276 = arith.index_cast %mul3A_273 : i32 to index
      %get3A_277 = tpu.vector_load %arg10[%get3A_275, %get3A_276] {strides = array<i32>} : memref<50x512xi32, #tpu.memory_space<vmem>>, vector<16xi32>,
      %add3A_278 = arith.constant 16384 : i32
      %add3A_279 = vector.broadcast %add3A_278 : i32 to vector<16xi32>
      %add3A_280 = arith.addi %get3A_277, %add3A_279 : vector<16xi32>
      %gather3A_281 = tpu.vector_load_idx %arg9[%add3A_280] : memref<25600xf32, #tpu.memory_space<vmem>>[vector<16xi32>], vector<16xf32>,
      %add3A_282 = arith.addf %add3A_260, %gather3A_281 : vector<16xf32>
      %mul3A_283 = arith.constant 16 : i32
      %mul3A_284 = arith.muli %scan3A_94, %mul3A_283 : i32
      %get3A_285 = arith.constant 17 : i32
      %get3A_286 = arith.index_cast %get3A_285 : i32 to index
      %get3A_287 = arith.index_cast %mul3A_284 : i32 to index
      %get3A_288 = tpu.vector_load %arg10[%get3A_286, %get3A_287] {strides = array<i32>} : memref<50x512xi32, #tpu.memory_space<vmem>>, vector<16xi32>,
      %add3A_289 = arith.constant 17408 : i32
      %add3A_290 = vector.broadcast %add3A_289 : i32 to vector<16xi32>
      %add3A_291 = arith.addi %get3A_288, %add3A_290 : vector<16xi32>
      %gather3A_292 = tpu.vector_load_idx %arg9[%add3A_291] : memref<25600xf32, #tpu.memory_space<vmem>>[vector<16xi32>], vector<16xf32>,
      %add3A_293 = arith.addf %add3A_271, %gather3A_292 : vector<16xf32>
      %mul3A_294 = arith.constant 16 : i32
      %mul3A_295 = arith.muli %scan3A_94, %mul3A_294 : i32
      %get3A_296 = arith.constant 18 : i32
      %get3A_297 = arith.index_cast %get3A_296 : i32 to index
      %get3A_298 = arith.index_cast %mul3A_295 : i32 to index
      %get3A_299 = tpu.vector_load %arg10[%get3A_297, %get3A_298] {strides = array<i32>} : memref<50x512xi32, #tpu.memory_space<vmem>>, vector<16xi32>,
      %add3A_300 = arith.constant 18432 : i32
      %add3A_301 = vector.broadcast %add3A_300 : i32 to vector<16xi32>
      %add3A_302 = arith.addi %get3A_299, %add3A_301 : vector<16xi32>
      %gather3A_303 = tpu.vector_load_idx %arg9[%add3A_302] : memref<25600xf32, #tpu.memory_space<vmem>>[vector<16xi32>], vector<16xf32>,
      %add3A_304 = arith.addf %add3A_282, %gather3A_303 : vector<16xf32>
      %mul3A_305 = arith.constant 16 : i32
      %mul3A_306 = arith.muli %scan3A_94, %mul3A_305 : i32
      %get3A_307 = arith.constant 19 : i32
      %get3A_308 = arith.index_cast %get3A_307 : i32 to index
      %get3A_309 = arith.index_cast %mul3A_306 : i32 to index
      %get3A_310 = tpu.vector_load %arg10[%get3A_308, %get3A_309] {strides = array<i32>} : memref<50x512xi32, #tpu.memory_space<vmem>>, vector<16xi32>,
      %add3A_311 = arith.constant 19456 : i32
      %add3A_312 = vector.broadcast %add3A_311 : i32 to vector<16xi32>
      %add3A_313 = arith.addi %get3A_310, %add3A_312 : vector<16xi32>
      %gather3A_314 = tpu.vector_load_idx %arg9[%add3A_313] : memref<25600xf32, #tpu.memory_space<vmem>>[vector<16xi32>], vector<16xf32>,
      %add3A_315 = arith.addf %add3A_293, %gather3A_314 : vector<16xf32>
      %mul3A_316 = arith.constant 16 : i32
      %mul3A_317 = arith.muli %scan3A_94, %mul3A_316 : i32
      %get3A_318 = arith.constant 20 : i32
      %get3A_319 = arith.index_cast %get3A_318 : i32 to index
      %get3A_320 = arith.index_cast %mul3A_317 : i32 to index
      %get3A_321 = tpu.vector_load %arg10[%get3A_319, %get3A_320] {strides = array<i32>} : memref<50x512xi32, #tpu.memory_space<vmem>>, vector<16xi32>,
      %add3A_322 = arith.constant 20480 : i32
      %add3A_323 = vector.broadcast %add3A_322 : i32 to vector<16xi32>
      %add3A_324 = arith.addi %get3A_321, %add3A_323 : vector<16xi32>
      %gather3A_325 = tpu.vector_load_idx %arg9[%add3A_324] : memref<25600xf32, #tpu.memory_space<vmem>>[vector<16xi32>], vector<16xf32>,
      %add3A_326 = arith.addf %add3A_304, %gather3A_325 : vector<16xf32>
      %mul3A_327 = arith.constant 16 : i32
      %mul3A_328 = arith.muli %scan3A_94, %mul3A_327 : i32
      %get3A_329 = arith.constant 21 : i32
      %get3A_330 = arith.index_cast %get3A_329 : i32 to index
      %get3A_331 = arith.index_cast %mul3A_328 : i32 to index
      %get3A_332 = tpu.vector_load %arg10[%get3A_330, %get3A_331] {strides = array<i32>} : memref<50x512xi32, #tpu.memory_space<vmem>>, vector<16xi32>,
      %add3A_333 = arith.constant 21504 : i32
      %add3A_334 = vector.broadcast %add3A_333 : i32 to vector<16xi32>
      %add3A_335 = arith.addi %get3A_332, %add3A_334 : vector<16xi32>
      %gather3A_336 = tpu.vector_load_idx %arg9[%add3A_335] : memref<25600xf32, #tpu.memory_space<vmem>>[vector<16xi32>], vector<16xf32>,
      %add3A_337 = arith.addf %add3A_315, %gather3A_336 : vector<16xf32>
      %mul3A_338 = arith.constant 16 : i32
      %mul3A_339 = arith.muli %scan3A_94, %mul3A_338 : i32
      %get3A_340 = arith.constant 22 : i32
      %get3A_341 = arith.index_cast %get3A_340 : i32 to index
      %get3A_342 = arith.index_cast %mul3A_339 : i32 to index
      %get3A_343 = tpu.vector_load %arg10[%get3A_341, %get3A_342] {strides = array<i32>} : memref<50x512xi32, #tpu.memory_space<vmem>>, vector<16xi32>,
      %add3A_344 = arith.constant 22528 : i32
      %add3A_345 = vector.broadcast %add3A_344 : i32 to vector<16xi32>
      %add3A_346 = arith.addi %get3A_343, %add3A_345 : vector<16xi32>
      %gather3A_347 = tpu.vector_load_idx %arg9[%add3A_346] : memref<25600xf32, #tpu.memory_space<vmem>>[vector<16xi32>], vector<16xf32>,
      %add3A_348 = arith.addf %add3A_326, %gather3A_347 : vector<16xf32>
      %mul3A_349 = arith.constant 16 : i32
      %mul3A_350 = arith.muli %scan3A_94, %mul3A_349 : i32
      %get3A_351 = arith.constant 23 : i32
      %get3A_352 = arith.index_cast %get3A_351 : i32 to index
      %get3A_353 = arith.index_cast %mul3A_350 : i32 to index
      %get3A_354 = tpu.vector_load %arg10[%get3A_352, %get3A_353] {strides = array<i32>} : memref<50x512xi32, #tpu.memory_space<vmem>>, vector<16xi32>,
      %add3A_355 = arith.constant 23552 : i32
      %add3A_356 = vector.broadcast %add3A_355 : i32 to vector<16xi32>
      %add3A_357 = arith.addi %get3A_354, %add3A_356 : vector<16xi32>
      %gather3A_358 = tpu.vector_load_idx %arg9[%add3A_357] : memref<25600xf32, #tpu.memory_space<vmem>>[vector<16xi32>], vector<16xf32>,
      %add3A_359 = arith.addf %add3A_337, %gather3A_358 : vector<16xf32>
      %mul3A_360 = arith.constant 16 : i32
      %mul3A_361 = arith.muli %scan3A_94, %mul3A_360 : i32
      %get3A_362 = arith.constant 24 : i32
      %get3A_363 = arith.index_cast %get3A_362 : i32 to index
      %get3A_364 = arith.index_cast %mul3A_361 : i32 to index
      %get3A_365 = tpu.vector_load %arg10[%get3A_363, %get3A_364] {strides = array<i32>} : memref<50x512xi32, #tpu.memory_space<vmem>>, vector<16xi32>,
      %add3A_366 = arith.constant 24576 : i32
      %add3A_367 = vector.broadcast %add3A_366 : i32 to vector<16xi32>
      %add3A_368 = arith.addi %get3A_365, %add3A_367 : vector<16xi32>
      %gather3A_369 = tpu.vector_load_idx %arg9[%add3A_368] : memref<25600xf32, #tpu.memory_space<vmem>>[vector<16xi32>], vector<16xf32>,
      %add3A_370 = arith.addf %add3A_348, %gather3A_369 : vector<16xf32>
      %add3A_371 = arith.addf %add3A_370, %add3A_359 : vector<16xf32>
      %mul3A_372 = arith.constant 16 : i32
      %mul3A_373 = arith.muli %scan3A_94, %mul3A_372 : i32
      %get3A_374 = arith.index_cast %mul3A_373 : i32 to index
      %get3A_375 = tpu.vector_load %arg12[%get3A_374] {strides = array<i32>} : memref<512xf32, #tpu.memory_space<vmem>>, vector<16xf32>,
      %add3A_376 = arith.addf %get3A_375, %add3A_371 : vector<16xf32>
      %swap3A = arith.index_cast %mul3A_373 : i32 to index
      %swap3A_377 = tpu.vector_load %arg12[%swap3A] {strides = array<i32>} : memref<512xf32, #tpu.memory_space<vmem>>, vector<16xf32>,
      tpu.vector_store %arg12[%swap3A], %add3A_376 {strides = array<i32>} : memref<512xf32, #tpu.memory_space<vmem>>, vector<16xf32>,
    }
    %scan3A_56 = arith.constant 32 : i32
    "tpu.region"() ({
      %run_scoped3A = tpu.sem_alloc : memref<!tpu.dma_semaphore, #tpu.memory_space<semaphore_mem>>
      %dma_start3A_94 = arith.constant 128000 : i32
      %dma_start3A_95 = tpu.memref_slice %arg13[%dma_start3A_94] : memref<256000xf32, #tpu.memory_space<vmem_shared>> -> memref<25600xf32, #tpu.memory_space<vmem_shared>>
      %dma_start3A_96 = arith.constant 128000 : i32
      %dma_start3A_97 = tpu.memref_slice %arg13[%dma_start3A_96] : memref<256000xf32, #tpu.memory_space<vmem_shared>> -> memref<25600xf32, #tpu.memory_space<vmem_shared>>
      tpu.enqueue_dma source(%dma_start3A_97 : memref<25600xf32, #tpu.memory_space<vmem_shared>>) target(%arg9 : memref<25600xf32, #tpu.memory_space<vmem>>) target_semaphore(%run_scoped3A : memref<!tpu.dma_semaphore, #tpu.memory_space<semaphore_mem>>)
      %dma_wait3A_98 = arith.constant 128000 : i32
      %dma_wait3A_99 = tpu.memref_slice %arg13[%dma_wait3A_98] : memref<256000xf32, #tpu.memory_space<vmem_shared>> -> memref<25600xf32, #tpu.memory_space<vmem_shared>>
      %dma_wait3A_100 = arith.constant 128000 : i32
      %dma_wait3A_101 = tpu.memref_slice %arg13[%dma_wait3A_100] : memref<256000xf32, #tpu.memory_space<vmem_shared>> -> memref<25600xf32, #tpu.memory_space<vmem_shared>>
      tpu.wait_dma2 semaphore(%run_scoped3A : memref<!tpu.dma_semaphore, #tpu.memory_space<semaphore_mem>>) src(%dma_wait3A_101 : memref<25600xf32, #tpu.memory_space<vmem_shared>>) dst(%arg9 : memref<25600xf32, #tpu.memory_space<vmem>>)
      tpu.yield
    }) : () -> ()
    %scan3A_57 = arith.constant 0 : i32
    %scan3A_58 = arith.constant 32 : i32
    %scan3A_59 = arith.addi %scan3A_57, %scan3A_58 : i32
    %scan3A_60 = arith.constant 1 : i32
    scf.for %scan3A_94 = %scan3A_57 to %scan3A_59 step %scan3A_60  : i32 {
      %broadcast_in_dim3A = arith.constant 0.000000e+00 : f32
      %broadcast_in_dim3A_95 = vector.broadcast %broadcast_in_dim3A : f32 to vector<16xf32>
      %broadcast_in_dim3A_96 = arith.constant 0.000000e+00 : f32
      %broadcast_in_dim3A_97 = vector.broadcast %broadcast_in_dim3A_96 : f32 to vector<16xf32>
      %mul3A_98 = arith.constant 16 : i32
      %mul3A_99 = arith.muli %scan3A_94, %mul3A_98 : i32
      %get3A = arith.constant 25 : i32
      %get3A_100 = arith.index_cast %get3A : i32 to index
      %get3A_101 = arith.index_cast %mul3A_99 : i32 to index
      %get3A_102 = tpu.vector_load %arg10[%get3A_100, %get3A_101] {strides = array<i32>} : memref<50x512xi32, #tpu.memory_space<vmem>>, vector<16xi32>,
      %add3A_103 = arith.constant 0 : i32
      %add3A_104 = vector.broadcast %add3A_103 : i32 to vector<16xi32>
      %add3A_105 = arith.addi %get3A_102, %add3A_104 : vector<16xi32>
      %gather3A = tpu.vector_load_idx %arg9[%add3A_105] : memref<25600xf32, #tpu.memory_space<vmem>>[vector<16xi32>], vector<16xf32>,
      %add3A_106 = arith.addf %broadcast_in_dim3A_95, %gather3A : vector<16xf32>
      %mul3A_107 = arith.constant 16 : i32
      %mul3A_108 = arith.muli %scan3A_94, %mul3A_107 : i32
      %get3A_109 = arith.constant 26 : i32
      %get3A_110 = arith.index_cast %get3A_109 : i32 to index
      %get3A_111 = arith.index_cast %mul3A_108 : i32 to index
      %get3A_112 = tpu.vector_load %arg10[%get3A_110, %get3A_111] {strides = array<i32>} : memref<50x512xi32, #tpu.memory_space<vmem>>, vector<16xi32>,
      %add3A_113 = arith.constant 1024 : i32
      %add3A_114 = vector.broadcast %add3A_113 : i32 to vector<16xi32>
      %add3A_115 = arith.addi %get3A_112, %add3A_114 : vector<16xi32>
      %gather3A_116 = tpu.vector_load_idx %arg9[%add3A_115] : memref<25600xf32, #tpu.memory_space<vmem>>[vector<16xi32>], vector<16xf32>,
      %add3A_117 = arith.addf %broadcast_in_dim3A_97, %gather3A_116 : vector<16xf32>
      %mul3A_118 = arith.constant 16 : i32
      %mul3A_119 = arith.muli %scan3A_94, %mul3A_118 : i32
      %get3A_120 = arith.constant 27 : i32
      %get3A_121 = arith.index_cast %get3A_120 : i32 to index
      %get3A_122 = arith.index_cast %mul3A_119 : i32 to index
      %get3A_123 = tpu.vector_load %arg10[%get3A_121, %get3A_122] {strides = array<i32>} : memref<50x512xi32, #tpu.memory_space<vmem>>, vector<16xi32>,
      %add3A_124 = arith.constant 2048 : i32
      %add3A_125 = vector.broadcast %add3A_124 : i32 to vector<16xi32>
      %add3A_126 = arith.addi %get3A_123, %add3A_125 : vector<16xi32>
      %gather3A_127 = tpu.vector_load_idx %arg9[%add3A_126] : memref<25600xf32, #tpu.memory_space<vmem>>[vector<16xi32>], vector<16xf32>,
      %add3A_128 = arith.addf %add3A_106, %gather3A_127 : vector<16xf32>
      %mul3A_129 = arith.constant 16 : i32
      %mul3A_130 = arith.muli %scan3A_94, %mul3A_129 : i32
      %get3A_131 = arith.constant 28 : i32
      %get3A_132 = arith.index_cast %get3A_131 : i32 to index
      %get3A_133 = arith.index_cast %mul3A_130 : i32 to index
      %get3A_134 = tpu.vector_load %arg10[%get3A_132, %get3A_133] {strides = array<i32>} : memref<50x512xi32, #tpu.memory_space<vmem>>, vector<16xi32>,
      %add3A_135 = arith.constant 3072 : i32
      %add3A_136 = vector.broadcast %add3A_135 : i32 to vector<16xi32>
      %add3A_137 = arith.addi %get3A_134, %add3A_136 : vector<16xi32>
      %gather3A_138 = tpu.vector_load_idx %arg9[%add3A_137] : memref<25600xf32, #tpu.memory_space<vmem>>[vector<16xi32>], vector<16xf32>,
      %add3A_139 = arith.addf %add3A_117, %gather3A_138 : vector<16xf32>
      %mul3A_140 = arith.constant 16 : i32
      %mul3A_141 = arith.muli %scan3A_94, %mul3A_140 : i32
      %get3A_142 = arith.constant 29 : i32
      %get3A_143 = arith.index_cast %get3A_142 : i32 to index
      %get3A_144 = arith.index_cast %mul3A_141 : i32 to index
      %get3A_145 = tpu.vector_load %arg10[%get3A_143, %get3A_144] {strides = array<i32>} : memref<50x512xi32, #tpu.memory_space<vmem>>, vector<16xi32>,
      %add3A_146 = arith.constant 4096 : i32
      %add3A_147 = vector.broadcast %add3A_146 : i32 to vector<16xi32>
      %add3A_148 = arith.addi %get3A_145, %add3A_147 : vector<16xi32>
      %gather3A_149 = tpu.vector_load_idx %arg9[%add3A_148] : memref<25600xf32, #tpu.memory_space<vmem>>[vector<16xi32>], vector<16xf32>,
      %add3A_150 = arith.addf %add3A_128, %gather3A_149 : vector<16xf32>
      %mul3A_151 = arith.constant 16 : i32
      %mul3A_152 = arith.muli %scan3A_94, %mul3A_151 : i32
      %get3A_153 = arith.constant 30 : i32
      %get3A_154 = arith.index_cast %get3A_153 : i32 to index
      %get3A_155 = arith.index_cast %mul3A_152 : i32 to index
      %get3A_156 = tpu.vector_load %arg10[%get3A_154, %get3A_155] {strides = array<i32>} : memref<50x512xi32, #tpu.memory_space<vmem>>, vector<16xi32>,
      %add3A_157 = arith.constant 5120 : i32
      %add3A_158 = vector.broadcast %add3A_157 : i32 to vector<16xi32>
      %add3A_159 = arith.addi %get3A_156, %add3A_158 : vector<16xi32>
      %gather3A_160 = tpu.vector_load_idx %arg9[%add3A_159] : memref<25600xf32, #tpu.memory_space<vmem>>[vector<16xi32>], vector<16xf32>,
      %add3A_161 = arith.addf %add3A_139, %gather3A_160 : vector<16xf32>
      %mul3A_162 = arith.constant 16 : i32
      %mul3A_163 = arith.muli %scan3A_94, %mul3A_162 : i32
      %get3A_164 = arith.constant 31 : i32
      %get3A_165 = arith.index_cast %get3A_164 : i32 to index
      %get3A_166 = arith.index_cast %mul3A_163 : i32 to index
      %get3A_167 = tpu.vector_load %arg10[%get3A_165, %get3A_166] {strides = array<i32>} : memref<50x512xi32, #tpu.memory_space<vmem>>, vector<16xi32>,
      %add3A_168 = arith.constant 6144 : i32
      %add3A_169 = vector.broadcast %add3A_168 : i32 to vector<16xi32>
      %add3A_170 = arith.addi %get3A_167, %add3A_169 : vector<16xi32>
      %gather3A_171 = tpu.vector_load_idx %arg9[%add3A_170] : memref<25600xf32, #tpu.memory_space<vmem>>[vector<16xi32>], vector<16xf32>,
      %add3A_172 = arith.addf %add3A_150, %gather3A_171 : vector<16xf32>
      %mul3A_173 = arith.constant 16 : i32
      %mul3A_174 = arith.muli %scan3A_94, %mul3A_173 : i32
      %get3A_175 = arith.constant 32 : i32
      %get3A_176 = arith.index_cast %get3A_175 : i32 to index
      %get3A_177 = arith.index_cast %mul3A_174 : i32 to index
      %get3A_178 = tpu.vector_load %arg10[%get3A_176, %get3A_177] {strides = array<i32>} : memref<50x512xi32, #tpu.memory_space<vmem>>, vector<16xi32>,
      %add3A_179 = arith.constant 7168 : i32
      %add3A_180 = vector.broadcast %add3A_179 : i32 to vector<16xi32>
      %add3A_181 = arith.addi %get3A_178, %add3A_180 : vector<16xi32>
      %gather3A_182 = tpu.vector_load_idx %arg9[%add3A_181] : memref<25600xf32, #tpu.memory_space<vmem>>[vector<16xi32>], vector<16xf32>,
      %add3A_183 = arith.addf %add3A_161, %gather3A_182 : vector<16xf32>
      %mul3A_184 = arith.constant 16 : i32
      %mul3A_185 = arith.muli %scan3A_94, %mul3A_184 : i32
      %get3A_186 = arith.constant 33 : i32
      %get3A_187 = arith.index_cast %get3A_186 : i32 to index
      %get3A_188 = arith.index_cast %mul3A_185 : i32 to index
      %get3A_189 = tpu.vector_load %arg10[%get3A_187, %get3A_188] {strides = array<i32>} : memref<50x512xi32, #tpu.memory_space<vmem>>, vector<16xi32>,
      %add3A_190 = arith.constant 8192 : i32
      %add3A_191 = vector.broadcast %add3A_190 : i32 to vector<16xi32>
      %add3A_192 = arith.addi %get3A_189, %add3A_191 : vector<16xi32>
      %gather3A_193 = tpu.vector_load_idx %arg9[%add3A_192] : memref<25600xf32, #tpu.memory_space<vmem>>[vector<16xi32>], vector<16xf32>,
      %add3A_194 = arith.addf %add3A_172, %gather3A_193 : vector<16xf32>
      %mul3A_195 = arith.constant 16 : i32
      %mul3A_196 = arith.muli %scan3A_94, %mul3A_195 : i32
      %get3A_197 = arith.constant 34 : i32
      %get3A_198 = arith.index_cast %get3A_197 : i32 to index
      %get3A_199 = arith.index_cast %mul3A_196 : i32 to index
      %get3A_200 = tpu.vector_load %arg10[%get3A_198, %get3A_199] {strides = array<i32>} : memref<50x512xi32, #tpu.memory_space<vmem>>, vector<16xi32>,
      %add3A_201 = arith.constant 9216 : i32
      %add3A_202 = vector.broadcast %add3A_201 : i32 to vector<16xi32>
      %add3A_203 = arith.addi %get3A_200, %add3A_202 : vector<16xi32>
      %gather3A_204 = tpu.vector_load_idx %arg9[%add3A_203] : memref<25600xf32, #tpu.memory_space<vmem>>[vector<16xi32>], vector<16xf32>,
      %add3A_205 = arith.addf %add3A_183, %gather3A_204 : vector<16xf32>
      %mul3A_206 = arith.constant 16 : i32
      %mul3A_207 = arith.muli %scan3A_94, %mul3A_206 : i32
      %get3A_208 = arith.constant 35 : i32
      %get3A_209 = arith.index_cast %get3A_208 : i32 to index
      %get3A_210 = arith.index_cast %mul3A_207 : i32 to index
      %get3A_211 = tpu.vector_load %arg10[%get3A_209, %get3A_210] {strides = array<i32>} : memref<50x512xi32, #tpu.memory_space<vmem>>, vector<16xi32>,
      %add3A_212 = arith.constant 10240 : i32
      %add3A_213 = vector.broadcast %add3A_212 : i32 to vector<16xi32>
      %add3A_214 = arith.addi %get3A_211, %add3A_213 : vector<16xi32>
      %gather3A_215 = tpu.vector_load_idx %arg9[%add3A_214] : memref<25600xf32, #tpu.memory_space<vmem>>[vector<16xi32>], vector<16xf32>,
      %add3A_216 = arith.addf %add3A_194, %gather3A_215 : vector<16xf32>
      %mul3A_217 = arith.constant 16 : i32
      %mul3A_218 = arith.muli %scan3A_94, %mul3A_217 : i32
      %get3A_219 = arith.constant 36 : i32
      %get3A_220 = arith.index_cast %get3A_219 : i32 to index
      %get3A_221 = arith.index_cast %mul3A_218 : i32 to index
      %get3A_222 = tpu.vector_load %arg10[%get3A_220, %get3A_221] {strides = array<i32>} : memref<50x512xi32, #tpu.memory_space<vmem>>, vector<16xi32>,
      %add3A_223 = arith.constant 11264 : i32
      %add3A_224 = vector.broadcast %add3A_223 : i32 to vector<16xi32>
      %add3A_225 = arith.addi %get3A_222, %add3A_224 : vector<16xi32>
      %gather3A_226 = tpu.vector_load_idx %arg9[%add3A_225] : memref<25600xf32, #tpu.memory_space<vmem>>[vector<16xi32>], vector<16xf32>,
      %add3A_227 = arith.addf %add3A_205, %gather3A_226 : vector<16xf32>
      %mul3A_228 = arith.constant 16 : i32
      %mul3A_229 = arith.muli %scan3A_94, %mul3A_228 : i32
      %get3A_230 = arith.constant 37 : i32
      %get3A_231 = arith.index_cast %get3A_230 : i32 to index
      %get3A_232 = arith.index_cast %mul3A_229 : i32 to index
      %get3A_233 = tpu.vector_load %arg10[%get3A_231, %get3A_232] {strides = array<i32>} : memref<50x512xi32, #tpu.memory_space<vmem>>, vector<16xi32>,
      %add3A_234 = arith.constant 12288 : i32
      %add3A_235 = vector.broadcast %add3A_234 : i32 to vector<16xi32>
      %add3A_236 = arith.addi %get3A_233, %add3A_235 : vector<16xi32>
      %gather3A_237 = tpu.vector_load_idx %arg9[%add3A_236] : memref<25600xf32, #tpu.memory_space<vmem>>[vector<16xi32>], vector<16xf32>,
      %add3A_238 = arith.addf %add3A_216, %gather3A_237 : vector<16xf32>
      %mul3A_239 = arith.constant 16 : i32
      %mul3A_240 = arith.muli %scan3A_94, %mul3A_239 : i32
      %get3A_241 = arith.constant 38 : i32
      %get3A_242 = arith.index_cast %get3A_241 : i32 to index
      %get3A_243 = arith.index_cast %mul3A_240 : i32 to index
      %get3A_244 = tpu.vector_load %arg10[%get3A_242, %get3A_243] {strides = array<i32>} : memref<50x512xi32, #tpu.memory_space<vmem>>, vector<16xi32>,
      %add3A_245 = arith.constant 13312 : i32
      %add3A_246 = vector.broadcast %add3A_245 : i32 to vector<16xi32>
      %add3A_247 = arith.addi %get3A_244, %add3A_246 : vector<16xi32>
      %gather3A_248 = tpu.vector_load_idx %arg9[%add3A_247] : memref<25600xf32, #tpu.memory_space<vmem>>[vector<16xi32>], vector<16xf32>,
      %add3A_249 = arith.addf %add3A_227, %gather3A_248 : vector<16xf32>
      %mul3A_250 = arith.constant 16 : i32
      %mul3A_251 = arith.muli %scan3A_94, %mul3A_250 : i32
      %get3A_252 = arith.constant 39 : i32
      %get3A_253 = arith.index_cast %get3A_252 : i32 to index
      %get3A_254 = arith.index_cast %mul3A_251 : i32 to index
      %get3A_255 = tpu.vector_load %arg10[%get3A_253, %get3A_254] {strides = array<i32>} : memref<50x512xi32, #tpu.memory_space<vmem>>, vector<16xi32>,
      %add3A_256 = arith.constant 14336 : i32
      %add3A_257 = vector.broadcast %add3A_256 : i32 to vector<16xi32>
      %add3A_258 = arith.addi %get3A_255, %add3A_257 : vector<16xi32>
      %gather3A_259 = tpu.vector_load_idx %arg9[%add3A_258] : memref<25600xf32, #tpu.memory_space<vmem>>[vector<16xi32>], vector<16xf32>,
      %add3A_260 = arith.addf %add3A_238, %gather3A_259 : vector<16xf32>
      %mul3A_261 = arith.constant 16 : i32
      %mul3A_262 = arith.muli %scan3A_94, %mul3A_261 : i32
      %get3A_263 = arith.constant 40 : i32
      %get3A_264 = arith.index_cast %get3A_263 : i32 to index
      %get3A_265 = arith.index_cast %mul3A_262 : i32 to index
      %get3A_266 = tpu.vector_load %arg10[%get3A_264, %get3A_265] {strides = array<i32>} : memref<50x512xi32, #tpu.memory_space<vmem>>, vector<16xi32>,
      %add3A_267 = arith.constant 15360 : i32
      %add3A_268 = vector.broadcast %add3A_267 : i32 to vector<16xi32>
      %add3A_269 = arith.addi %get3A_266, %add3A_268 : vector<16xi32>
      %gather3A_270 = tpu.vector_load_idx %arg9[%add3A_269] : memref<25600xf32, #tpu.memory_space<vmem>>[vector<16xi32>], vector<16xf32>,
      %add3A_271 = arith.addf %add3A_249, %gather3A_270 : vector<16xf32>
      %mul3A_272 = arith.constant 16 : i32
      %mul3A_273 = arith.muli %scan3A_94, %mul3A_272 : i32
      %get3A_274 = arith.constant 41 : i32
      %get3A_275 = arith.index_cast %get3A_274 : i32 to index
      %get3A_276 = arith.index_cast %mul3A_273 : i32 to index
      %get3A_277 = tpu.vector_load %arg10[%get3A_275, %get3A_276] {strides = array<i32>} : memref<50x512xi32, #tpu.memory_space<vmem>>, vector<16xi32>,
      %add3A_278 = arith.constant 16384 : i32
      %add3A_279 = vector.broadcast %add3A_278 : i32 to vector<16xi32>
      %add3A_280 = arith.addi %get3A_277, %add3A_279 : vector<16xi32>
      %gather3A_281 = tpu.vector_load_idx %arg9[%add3A_280] : memref<25600xf32, #tpu.memory_space<vmem>>[vector<16xi32>], vector<16xf32>,
      %add3A_282 = arith.addf %add3A_260, %gather3A_281 : vector<16xf32>
      %mul3A_283 = arith.constant 16 : i32
      %mul3A_284 = arith.muli %scan3A_94, %mul3A_283 : i32
      %get3A_285 = arith.constant 42 : i32
      %get3A_286 = arith.index_cast %get3A_285 : i32 to index
      %get3A_287 = arith.index_cast %mul3A_284 : i32 to index
      %get3A_288 = tpu.vector_load %arg10[%get3A_286, %get3A_287] {strides = array<i32>} : memref<50x512xi32, #tpu.memory_space<vmem>>, vector<16xi32>,
      %add3A_289 = arith.constant 17408 : i32
      %add3A_290 = vector.broadcast %add3A_289 : i32 to vector<16xi32>
      %add3A_291 = arith.addi %get3A_288, %add3A_290 : vector<16xi32>
      %gather3A_292 = tpu.vector_load_idx %arg9[%add3A_291] : memref<25600xf32, #tpu.memory_space<vmem>>[vector<16xi32>], vector<16xf32>,
      %add3A_293 = arith.addf %add3A_271, %gather3A_292 : vector<16xf32>
      %mul3A_294 = arith.constant 16 : i32
      %mul3A_295 = arith.muli %scan3A_94, %mul3A_294 : i32
      %get3A_296 = arith.constant 43 : i32
      %get3A_297 = arith.index_cast %get3A_296 : i32 to index
      %get3A_298 = arith.index_cast %mul3A_295 : i32 to index
      %get3A_299 = tpu.vector_load %arg10[%get3A_297, %get3A_298] {strides = array<i32>} : memref<50x512xi32, #tpu.memory_space<vmem>>, vector<16xi32>,
      %add3A_300 = arith.constant 18432 : i32
      %add3A_301 = vector.broadcast %add3A_300 : i32 to vector<16xi32>
      %add3A_302 = arith.addi %get3A_299, %add3A_301 : vector<16xi32>
      %gather3A_303 = tpu.vector_load_idx %arg9[%add3A_302] : memref<25600xf32, #tpu.memory_space<vmem>>[vector<16xi32>], vector<16xf32>,
      %add3A_304 = arith.addf %add3A_282, %gather3A_303 : vector<16xf32>
      %mul3A_305 = arith.constant 16 : i32
      %mul3A_306 = arith.muli %scan3A_94, %mul3A_305 : i32
      %get3A_307 = arith.constant 44 : i32
      %get3A_308 = arith.index_cast %get3A_307 : i32 to index
      %get3A_309 = arith.index_cast %mul3A_306 : i32 to index
      %get3A_310 = tpu.vector_load %arg10[%get3A_308, %get3A_309] {strides = array<i32>} : memref<50x512xi32, #tpu.memory_space<vmem>>, vector<16xi32>,
      %add3A_311 = arith.constant 19456 : i32
      %add3A_312 = vector.broadcast %add3A_311 : i32 to vector<16xi32>
      %add3A_313 = arith.addi %get3A_310, %add3A_312 : vector<16xi32>
      %gather3A_314 = tpu.vector_load_idx %arg9[%add3A_313] : memref<25600xf32, #tpu.memory_space<vmem>>[vector<16xi32>], vector<16xf32>,
      %add3A_315 = arith.addf %add3A_293, %gather3A_314 : vector<16xf32>
      %mul3A_316 = arith.constant 16 : i32
      %mul3A_317 = arith.muli %scan3A_94, %mul3A_316 : i32
      %get3A_318 = arith.constant 45 : i32
      %get3A_319 = arith.index_cast %get3A_318 : i32 to index
      %get3A_320 = arith.index_cast %mul3A_317 : i32 to index
      %get3A_321 = tpu.vector_load %arg10[%get3A_319, %get3A_320] {strides = array<i32>} : memref<50x512xi32, #tpu.memory_space<vmem>>, vector<16xi32>,
      %add3A_322 = arith.constant 20480 : i32
      %add3A_323 = vector.broadcast %add3A_322 : i32 to vector<16xi32>
      %add3A_324 = arith.addi %get3A_321, %add3A_323 : vector<16xi32>
      %gather3A_325 = tpu.vector_load_idx %arg9[%add3A_324] : memref<25600xf32, #tpu.memory_space<vmem>>[vector<16xi32>], vector<16xf32>,
      %add3A_326 = arith.addf %add3A_304, %gather3A_325 : vector<16xf32>
      %mul3A_327 = arith.constant 16 : i32
      %mul3A_328 = arith.muli %scan3A_94, %mul3A_327 : i32
      %get3A_329 = arith.constant 46 : i32
      %get3A_330 = arith.index_cast %get3A_329 : i32 to index
      %get3A_331 = arith.index_cast %mul3A_328 : i32 to index
      %get3A_332 = tpu.vector_load %arg10[%get3A_330, %get3A_331] {strides = array<i32>} : memref<50x512xi32, #tpu.memory_space<vmem>>, vector<16xi32>,
      %add3A_333 = arith.constant 21504 : i32
      %add3A_334 = vector.broadcast %add3A_333 : i32 to vector<16xi32>
      %add3A_335 = arith.addi %get3A_332, %add3A_334 : vector<16xi32>
      %gather3A_336 = tpu.vector_load_idx %arg9[%add3A_335] : memref<25600xf32, #tpu.memory_space<vmem>>[vector<16xi32>], vector<16xf32>,
      %add3A_337 = arith.addf %add3A_315, %gather3A_336 : vector<16xf32>
      %mul3A_338 = arith.constant 16 : i32
      %mul3A_339 = arith.muli %scan3A_94, %mul3A_338 : i32
      %get3A_340 = arith.constant 47 : i32
      %get3A_341 = arith.index_cast %get3A_340 : i32 to index
      %get3A_342 = arith.index_cast %mul3A_339 : i32 to index
      %get3A_343 = tpu.vector_load %arg10[%get3A_341, %get3A_342] {strides = array<i32>} : memref<50x512xi32, #tpu.memory_space<vmem>>, vector<16xi32>,
      %add3A_344 = arith.constant 22528 : i32
      %add3A_345 = vector.broadcast %add3A_344 : i32 to vector<16xi32>
      %add3A_346 = arith.addi %get3A_343, %add3A_345 : vector<16xi32>
      %gather3A_347 = tpu.vector_load_idx %arg9[%add3A_346] : memref<25600xf32, #tpu.memory_space<vmem>>[vector<16xi32>], vector<16xf32>,
      %add3A_348 = arith.addf %add3A_326, %gather3A_347 : vector<16xf32>
      %mul3A_349 = arith.constant 16 : i32
      %mul3A_350 = arith.muli %scan3A_94, %mul3A_349 : i32
      %get3A_351 = arith.constant 48 : i32
      %get3A_352 = arith.index_cast %get3A_351 : i32 to index
      %get3A_353 = arith.index_cast %mul3A_350 : i32 to index
      %get3A_354 = tpu.vector_load %arg10[%get3A_352, %get3A_353] {strides = array<i32>} : memref<50x512xi32, #tpu.memory_space<vmem>>, vector<16xi32>,
      %add3A_355 = arith.constant 23552 : i32
      %add3A_356 = vector.broadcast %add3A_355 : i32 to vector<16xi32>
      %add3A_357 = arith.addi %get3A_354, %add3A_356 : vector<16xi32>
      %gather3A_358 = tpu.vector_load_idx %arg9[%add3A_357] : memref<25600xf32, #tpu.memory_space<vmem>>[vector<16xi32>], vector<16xf32>,
      %add3A_359 = arith.addf %add3A_337, %gather3A_358 : vector<16xf32>
      %mul3A_360 = arith.constant 16 : i32
      %mul3A_361 = arith.muli %scan3A_94, %mul3A_360 : i32
      %get3A_362 = arith.constant 49 : i32
      %get3A_363 = arith.index_cast %get3A_362 : i32 to index
      %get3A_364 = arith.index_cast %mul3A_361 : i32 to index
      %get3A_365 = tpu.vector_load %arg10[%get3A_363, %get3A_364] {strides = array<i32>} : memref<50x512xi32, #tpu.memory_space<vmem>>, vector<16xi32>,
      %add3A_366 = arith.constant 24576 : i32
      %add3A_367 = vector.broadcast %add3A_366 : i32 to vector<16xi32>
      %add3A_368 = arith.addi %get3A_365, %add3A_367 : vector<16xi32>
      %gather3A_369 = tpu.vector_load_idx %arg9[%add3A_368] : memref<25600xf32, #tpu.memory_space<vmem>>[vector<16xi32>], vector<16xf32>,
      %add3A_370 = arith.addf %add3A_348, %gather3A_369 : vector<16xf32>
      %add3A_371 = arith.addf %add3A_370, %add3A_359 : vector<16xf32>
      %mul3A_372 = arith.constant 16 : i32
      %mul3A_373 = arith.muli %scan3A_94, %mul3A_372 : i32
      %get3A_374 = arith.index_cast %mul3A_373 : i32 to index
      %get3A_375 = tpu.vector_load %arg12[%get3A_374] {strides = array<i32>} : memref<512xf32, #tpu.memory_space<vmem>>, vector<16xf32>,
      %add3A_376 = arith.addf %get3A_375, %add3A_371 : vector<16xf32>
      %swap3A = arith.index_cast %mul3A_373 : i32 to index
      %swap3A_377 = tpu.vector_load %arg12[%swap3A] {strides = array<i32>} : memref<512xf32, #tpu.memory_space<vmem>>, vector<16xf32>,
      tpu.vector_store %arg12[%swap3A], %add3A_376 {strides = array<i32>} : memref<512xf32, #tpu.memory_space<vmem>>, vector<16xf32>,
    }
    %scan3A_61 = arith.constant 32 : i32
    %dma_start3A_62 = arith.constant 0 : i32
    %dma_start3A_63 = tpu.memref_slice %arg6[%dma_start3A_62, %mul3A_2] : memref<50x16384xi32, #tpu.memory_space<hbm>> -> memref<50x512xi32, #tpu.memory_space<hbm>>
    %dma_start3A_64 = arith.constant 0 : i32
    %dma_start3A_65 = tpu.memref_slice %arg6[%dma_start3A_64, %mul3A_2] : memref<50x16384xi32, #tpu.memory_space<hbm>> -> memref<50x512xi32, #tpu.memory_space<hbm>>
    tpu.enqueue_dma source(%dma_start3A_65 : memref<50x512xi32, #tpu.memory_space<hbm>>) target(%arg10 : memref<50x512xi32, #tpu.memory_space<vmem>>) target_semaphore(%arg14 : memref<!tpu.dma_semaphore, #tpu.memory_space<semaphore_mem>>)
    %dma_wait3A_66 = arith.constant 0 : i32
    %dma_wait3A_67 = tpu.memref_slice %arg5[%dma_wait3A_66, %mul3A_2] : memref<50x16384xi32, #tpu.memory_space<hbm>> -> memref<50x512xi32, #tpu.memory_space<hbm>>
    %dma_wait3A_68 = arith.constant 0 : i32
    %dma_wait3A_69 = tpu.memref_slice %arg5[%dma_wait3A_68, %mul3A_2] : memref<50x16384xi32, #tpu.memory_space<hbm>> -> memref<50x512xi32, #tpu.memory_space<hbm>>
    tpu.wait_dma2 semaphore(%arg15 : memref<!tpu.dma_semaphore, #tpu.memory_space<semaphore_mem>>) src(%dma_wait3A_69 : memref<50x512xi32, #tpu.memory_space<hbm>>) dst(%arg11 : memref<50x512xi32, #tpu.memory_space<vmem>>)
    "tpu.region"() ({
      %run_scoped3A = tpu.sem_alloc : memref<!tpu.dma_semaphore, #tpu.memory_space<semaphore_mem>>
      %dma_start3A_94 = arith.constant 153600 : i32
      %dma_start3A_95 = tpu.memref_slice %arg13[%dma_start3A_94] : memref<256000xf32, #tpu.memory_space<vmem_shared>> -> memref<25600xf32, #tpu.memory_space<vmem_shared>>
      %dma_start3A_96 = arith.constant 153600 : i32
      %dma_start3A_97 = tpu.memref_slice %arg13[%dma_start3A_96] : memref<256000xf32, #tpu.memory_space<vmem_shared>> -> memref<25600xf32, #tpu.memory_space<vmem_shared>>
      tpu.enqueue_dma source(%dma_start3A_97 : memref<25600xf32, #tpu.memory_space<vmem_shared>>) target(%arg9 : memref<25600xf32, #tpu.memory_space<vmem>>) target_semaphore(%run_scoped3A : memref<!tpu.dma_semaphore, #tpu.memory_space<semaphore_mem>>)
      %dma_wait3A_98 = arith.constant 153600 : i32
      %dma_wait3A_99 = tpu.memref_slice %arg13[%dma_wait3A_98] : memref<256000xf32, #tpu.memory_space<vmem_shared>> -> memref<25600xf32, #tpu.memory_space<vmem_shared>>
      %dma_wait3A_100 = arith.constant 153600 : i32
      %dma_wait3A_101 = tpu.memref_slice %arg13[%dma_wait3A_100] : memref<256000xf32, #tpu.memory_space<vmem_shared>> -> memref<25600xf32, #tpu.memory_space<vmem_shared>>
      tpu.wait_dma2 semaphore(%run_scoped3A : memref<!tpu.dma_semaphore, #tpu.memory_space<semaphore_mem>>) src(%dma_wait3A_101 : memref<25600xf32, #tpu.memory_space<vmem_shared>>) dst(%arg9 : memref<25600xf32, #tpu.memory_space<vmem>>)
      tpu.yield
    }) : () -> ()
    %scan3A_70 = arith.constant 0 : i32
    %scan3A_71 = arith.constant 32 : i32
    %scan3A_72 = arith.addi %scan3A_70, %scan3A_71 : i32
    %scan3A_73 = arith.constant 1 : i32
    scf.for %scan3A_94 = %scan3A_70 to %scan3A_72 step %scan3A_73  : i32 {
      %broadcast_in_dim3A = arith.constant 0.000000e+00 : f32
      %broadcast_in_dim3A_95 = vector.broadcast %broadcast_in_dim3A : f32 to vector<16xf32>
      %broadcast_in_dim3A_96 = arith.constant 0.000000e+00 : f32
      %broadcast_in_dim3A_97 = vector.broadcast %broadcast_in_dim3A_96 : f32 to vector<16xf32>
      %mul3A_98 = arith.constant 16 : i32
      %mul3A_99 = arith.muli %scan3A_94, %mul3A_98 : i32
      %get3A = arith.constant 0 : i32
      %get3A_100 = arith.index_cast %get3A : i32 to index
      %get3A_101 = arith.index_cast %mul3A_99 : i32 to index
      %get3A_102 = tpu.vector_load %arg11[%get3A_100, %get3A_101] {strides = array<i32>} : memref<50x512xi32, #tpu.memory_space<vmem>>, vector<16xi32>,
      %add3A_103 = arith.constant 0 : i32
      %add3A_104 = vector.broadcast %add3A_103 : i32 to vector<16xi32>
      %add3A_105 = arith.addi %get3A_102, %add3A_104 : vector<16xi32>
      %gather3A = tpu.vector_load_idx %arg9[%add3A_105] : memref<25600xf32, #tpu.memory_space<vmem>>[vector<16xi32>], vector<16xf32>,
      %add3A_106 = arith.addf %broadcast_in_dim3A_95, %gather3A : vector<16xf32>
      %mul3A_107 = arith.constant 16 : i32
      %mul3A_108 = arith.muli %scan3A_94, %mul3A_107 : i32
      %get3A_109 = arith.constant 1 : i32
      %get3A_110 = arith.index_cast %get3A_109 : i32 to index
      %get3A_111 = arith.index_cast %mul3A_108 : i32 to index
      %get3A_112 = tpu.vector_load %arg11[%get3A_110, %get3A_111] {strides = array<i32>} : memref<50x512xi32, #tpu.memory_space<vmem>>, vector<16xi32>,
      %add3A_113 = arith.constant 1024 : i32
      %add3A_114 = vector.broadcast %add3A_113 : i32 to vector<16xi32>
      %add3A_115 = arith.addi %get3A_112, %add3A_114 : vector<16xi32>
      %gather3A_116 = tpu.vector_load_idx %arg9[%add3A_115] : memref<25600xf32, #tpu.memory_space<vmem>>[vector<16xi32>], vector<16xf32>,
      %add3A_117 = arith.addf %broadcast_in_dim3A_97, %gather3A_116 : vector<16xf32>
      %mul3A_118 = arith.constant 16 : i32
      %mul3A_119 = arith.muli %scan3A_94, %mul3A_118 : i32
      %get3A_120 = arith.constant 2 : i32
      %get3A_121 = arith.index_cast %get3A_120 : i32 to index
      %get3A_122 = arith.index_cast %mul3A_119 : i32 to index
      %get3A_123 = tpu.vector_load %arg11[%get3A_121, %get3A_122] {strides = array<i32>} : memref<50x512xi32, #tpu.memory_space<vmem>>, vector<16xi32>,
      %add3A_124 = arith.constant 2048 : i32
      %add3A_125 = vector.broadcast %add3A_124 : i32 to vector<16xi32>
      %add3A_126 = arith.addi %get3A_123, %add3A_125 : vector<16xi32>
      %gather3A_127 = tpu.vector_load_idx %arg9[%add3A_126] : memref<25600xf32, #tpu.memory_space<vmem>>[vector<16xi32>], vector<16xf32>,
      %add3A_128 = arith.addf %add3A_106, %gather3A_127 : vector<16xf32>
      %mul3A_129 = arith.constant 16 : i32
      %mul3A_130 = arith.muli %scan3A_94, %mul3A_129 : i32
      %get3A_131 = arith.constant 3 : i32
      %get3A_132 = arith.index_cast %get3A_131 : i32 to index
      %get3A_133 = arith.index_cast %mul3A_130 : i32 to index
      %get3A_134 = tpu.vector_load %arg11[%get3A_132, %get3A_133] {strides = array<i32>} : memref<50x512xi32, #tpu.memory_space<vmem>>, vector<16xi32>,
      %add3A_135 = arith.constant 3072 : i32
      %add3A_136 = vector.broadcast %add3A_135 : i32 to vector<16xi32>
      %add3A_137 = arith.addi %get3A_134, %add3A_136 : vector<16xi32>
      %gather3A_138 = tpu.vector_load_idx %arg9[%add3A_137] : memref<25600xf32, #tpu.memory_space<vmem>>[vector<16xi32>], vector<16xf32>,
      %add3A_139 = arith.addf %add3A_117, %gather3A_138 : vector<16xf32>
      %mul3A_140 = arith.constant 16 : i32
      %mul3A_141 = arith.muli %scan3A_94, %mul3A_140 : i32
      %get3A_142 = arith.constant 4 : i32
      %get3A_143 = arith.index_cast %get3A_142 : i32 to index
      %get3A_144 = arith.index_cast %mul3A_141 : i32 to index
      %get3A_145 = tpu.vector_load %arg11[%get3A_143, %get3A_144] {strides = array<i32>} : memref<50x512xi32, #tpu.memory_space<vmem>>, vector<16xi32>,
      %add3A_146 = arith.constant 4096 : i32
      %add3A_147 = vector.broadcast %add3A_146 : i32 to vector<16xi32>
      %add3A_148 = arith.addi %get3A_145, %add3A_147 : vector<16xi32>
      %gather3A_149 = tpu.vector_load_idx %arg9[%add3A_148] : memref<25600xf32, #tpu.memory_space<vmem>>[vector<16xi32>], vector<16xf32>,
      %add3A_150 = arith.addf %add3A_128, %gather3A_149 : vector<16xf32>
      %mul3A_151 = arith.constant 16 : i32
      %mul3A_152 = arith.muli %scan3A_94, %mul3A_151 : i32
      %get3A_153 = arith.constant 5 : i32
      %get3A_154 = arith.index_cast %get3A_153 : i32 to index
      %get3A_155 = arith.index_cast %mul3A_152 : i32 to index
      %get3A_156 = tpu.vector_load %arg11[%get3A_154, %get3A_155] {strides = array<i32>} : memref<50x512xi32, #tpu.memory_space<vmem>>, vector<16xi32>,
      %add3A_157 = arith.constant 5120 : i32
      %add3A_158 = vector.broadcast %add3A_157 : i32 to vector<16xi32>
      %add3A_159 = arith.addi %get3A_156, %add3A_158 : vector<16xi32>
      %gather3A_160 = tpu.vector_load_idx %arg9[%add3A_159] : memref<25600xf32, #tpu.memory_space<vmem>>[vector<16xi32>], vector<16xf32>,
      %add3A_161 = arith.addf %add3A_139, %gather3A_160 : vector<16xf32>
      %mul3A_162 = arith.constant 16 : i32
      %mul3A_163 = arith.muli %scan3A_94, %mul3A_162 : i32
      %get3A_164 = arith.constant 6 : i32
      %get3A_165 = arith.index_cast %get3A_164 : i32 to index
      %get3A_166 = arith.index_cast %mul3A_163 : i32 to index
      %get3A_167 = tpu.vector_load %arg11[%get3A_165, %get3A_166] {strides = array<i32>} : memref<50x512xi32, #tpu.memory_space<vmem>>, vector<16xi32>,
      %add3A_168 = arith.constant 6144 : i32
      %add3A_169 = vector.broadcast %add3A_168 : i32 to vector<16xi32>
      %add3A_170 = arith.addi %get3A_167, %add3A_169 : vector<16xi32>
      %gather3A_171 = tpu.vector_load_idx %arg9[%add3A_170] : memref<25600xf32, #tpu.memory_space<vmem>>[vector<16xi32>], vector<16xf32>,
      %add3A_172 = arith.addf %add3A_150, %gather3A_171 : vector<16xf32>
      %mul3A_173 = arith.constant 16 : i32
      %mul3A_174 = arith.muli %scan3A_94, %mul3A_173 : i32
      %get3A_175 = arith.constant 7 : i32
      %get3A_176 = arith.index_cast %get3A_175 : i32 to index
      %get3A_177 = arith.index_cast %mul3A_174 : i32 to index
      %get3A_178 = tpu.vector_load %arg11[%get3A_176, %get3A_177] {strides = array<i32>} : memref<50x512xi32, #tpu.memory_space<vmem>>, vector<16xi32>,
      %add3A_179 = arith.constant 7168 : i32
      %add3A_180 = vector.broadcast %add3A_179 : i32 to vector<16xi32>
      %add3A_181 = arith.addi %get3A_178, %add3A_180 : vector<16xi32>
      %gather3A_182 = tpu.vector_load_idx %arg9[%add3A_181] : memref<25600xf32, #tpu.memory_space<vmem>>[vector<16xi32>], vector<16xf32>,
      %add3A_183 = arith.addf %add3A_161, %gather3A_182 : vector<16xf32>
      %mul3A_184 = arith.constant 16 : i32
      %mul3A_185 = arith.muli %scan3A_94, %mul3A_184 : i32
      %get3A_186 = arith.constant 8 : i32
      %get3A_187 = arith.index_cast %get3A_186 : i32 to index
      %get3A_188 = arith.index_cast %mul3A_185 : i32 to index
      %get3A_189 = tpu.vector_load %arg11[%get3A_187, %get3A_188] {strides = array<i32>} : memref<50x512xi32, #tpu.memory_space<vmem>>, vector<16xi32>,
      %add3A_190 = arith.constant 8192 : i32
      %add3A_191 = vector.broadcast %add3A_190 : i32 to vector<16xi32>
      %add3A_192 = arith.addi %get3A_189, %add3A_191 : vector<16xi32>
      %gather3A_193 = tpu.vector_load_idx %arg9[%add3A_192] : memref<25600xf32, #tpu.memory_space<vmem>>[vector<16xi32>], vector<16xf32>,
      %add3A_194 = arith.addf %add3A_172, %gather3A_193 : vector<16xf32>
      %mul3A_195 = arith.constant 16 : i32
      %mul3A_196 = arith.muli %scan3A_94, %mul3A_195 : i32
      %get3A_197 = arith.constant 9 : i32
      %get3A_198 = arith.index_cast %get3A_197 : i32 to index
      %get3A_199 = arith.index_cast %mul3A_196 : i32 to index
      %get3A_200 = tpu.vector_load %arg11[%get3A_198, %get3A_199] {strides = array<i32>} : memref<50x512xi32, #tpu.memory_space<vmem>>, vector<16xi32>,
      %add3A_201 = arith.constant 9216 : i32
      %add3A_202 = vector.broadcast %add3A_201 : i32 to vector<16xi32>
      %add3A_203 = arith.addi %get3A_200, %add3A_202 : vector<16xi32>
      %gather3A_204 = tpu.vector_load_idx %arg9[%add3A_203] : memref<25600xf32, #tpu.memory_space<vmem>>[vector<16xi32>], vector<16xf32>,
      %add3A_205 = arith.addf %add3A_183, %gather3A_204 : vector<16xf32>
      %mul3A_206 = arith.constant 16 : i32
      %mul3A_207 = arith.muli %scan3A_94, %mul3A_206 : i32
      %get3A_208 = arith.constant 10 : i32
      %get3A_209 = arith.index_cast %get3A_208 : i32 to index
      %get3A_210 = arith.index_cast %mul3A_207 : i32 to index
      %get3A_211 = tpu.vector_load %arg11[%get3A_209, %get3A_210] {strides = array<i32>} : memref<50x512xi32, #tpu.memory_space<vmem>>, vector<16xi32>,
      %add3A_212 = arith.constant 10240 : i32
      %add3A_213 = vector.broadcast %add3A_212 : i32 to vector<16xi32>
      %add3A_214 = arith.addi %get3A_211, %add3A_213 : vector<16xi32>
      %gather3A_215 = tpu.vector_load_idx %arg9[%add3A_214] : memref<25600xf32, #tpu.memory_space<vmem>>[vector<16xi32>], vector<16xf32>,
      %add3A_216 = arith.addf %add3A_194, %gather3A_215 : vector<16xf32>
      %mul3A_217 = arith.constant 16 : i32
      %mul3A_218 = arith.muli %scan3A_94, %mul3A_217 : i32
      %get3A_219 = arith.constant 11 : i32
      %get3A_220 = arith.index_cast %get3A_219 : i32 to index
      %get3A_221 = arith.index_cast %mul3A_218 : i32 to index
      %get3A_222 = tpu.vector_load %arg11[%get3A_220, %get3A_221] {strides = array<i32>} : memref<50x512xi32, #tpu.memory_space<vmem>>, vector<16xi32>,
      %add3A_223 = arith.constant 11264 : i32
      %add3A_224 = vector.broadcast %add3A_223 : i32 to vector<16xi32>
      %add3A_225 = arith.addi %get3A_222, %add3A_224 : vector<16xi32>
      %gather3A_226 = tpu.vector_load_idx %arg9[%add3A_225] : memref<25600xf32, #tpu.memory_space<vmem>>[vector<16xi32>], vector<16xf32>,
      %add3A_227 = arith.addf %add3A_205, %gather3A_226 : vector<16xf32>
      %mul3A_228 = arith.constant 16 : i32
      %mul3A_229 = arith.muli %scan3A_94, %mul3A_228 : i32
      %get3A_230 = arith.constant 12 : i32
      %get3A_231 = arith.index_cast %get3A_230 : i32 to index
      %get3A_232 = arith.index_cast %mul3A_229 : i32 to index
      %get3A_233 = tpu.vector_load %arg11[%get3A_231, %get3A_232] {strides = array<i32>} : memref<50x512xi32, #tpu.memory_space<vmem>>, vector<16xi32>,
      %add3A_234 = arith.constant 12288 : i32
      %add3A_235 = vector.broadcast %add3A_234 : i32 to vector<16xi32>
      %add3A_236 = arith.addi %get3A_233, %add3A_235 : vector<16xi32>
      %gather3A_237 = tpu.vector_load_idx %arg9[%add3A_236] : memref<25600xf32, #tpu.memory_space<vmem>>[vector<16xi32>], vector<16xf32>,
      %add3A_238 = arith.addf %add3A_216, %gather3A_237 : vector<16xf32>
      %mul3A_239 = arith.constant 16 : i32
      %mul3A_240 = arith.muli %scan3A_94, %mul3A_239 : i32
      %get3A_241 = arith.constant 13 : i32
      %get3A_242 = arith.index_cast %get3A_241 : i32 to index
      %get3A_243 = arith.index_cast %mul3A_240 : i32 to index
      %get3A_244 = tpu.vector_load %arg11[%get3A_242, %get3A_243] {strides = array<i32>} : memref<50x512xi32, #tpu.memory_space<vmem>>, vector<16xi32>,
      %add3A_245 = arith.constant 13312 : i32
      %add3A_246 = vector.broadcast %add3A_245 : i32 to vector<16xi32>
      %add3A_247 = arith.addi %get3A_244, %add3A_246 : vector<16xi32>
      %gather3A_248 = tpu.vector_load_idx %arg9[%add3A_247] : memref<25600xf32, #tpu.memory_space<vmem>>[vector<16xi32>], vector<16xf32>,
      %add3A_249 = arith.addf %add3A_227, %gather3A_248 : vector<16xf32>
      %mul3A_250 = arith.constant 16 : i32
      %mul3A_251 = arith.muli %scan3A_94, %mul3A_250 : i32
      %get3A_252 = arith.constant 14 : i32
      %get3A_253 = arith.index_cast %get3A_252 : i32 to index
      %get3A_254 = arith.index_cast %mul3A_251 : i32 to index
      %get3A_255 = tpu.vector_load %arg11[%get3A_253, %get3A_254] {strides = array<i32>} : memref<50x512xi32, #tpu.memory_space<vmem>>, vector<16xi32>,
      %add3A_256 = arith.constant 14336 : i32
      %add3A_257 = vector.broadcast %add3A_256 : i32 to vector<16xi32>
      %add3A_258 = arith.addi %get3A_255, %add3A_257 : vector<16xi32>
      %gather3A_259 = tpu.vector_load_idx %arg9[%add3A_258] : memref<25600xf32, #tpu.memory_space<vmem>>[vector<16xi32>], vector<16xf32>,
      %add3A_260 = arith.addf %add3A_238, %gather3A_259 : vector<16xf32>
      %mul3A_261 = arith.constant 16 : i32
      %mul3A_262 = arith.muli %scan3A_94, %mul3A_261 : i32
      %get3A_263 = arith.constant 15 : i32
      %get3A_264 = arith.index_cast %get3A_263 : i32 to index
      %get3A_265 = arith.index_cast %mul3A_262 : i32 to index
      %get3A_266 = tpu.vector_load %arg11[%get3A_264, %get3A_265] {strides = array<i32>} : memref<50x512xi32, #tpu.memory_space<vmem>>, vector<16xi32>,
      %add3A_267 = arith.constant 15360 : i32
      %add3A_268 = vector.broadcast %add3A_267 : i32 to vector<16xi32>
      %add3A_269 = arith.addi %get3A_266, %add3A_268 : vector<16xi32>
      %gather3A_270 = tpu.vector_load_idx %arg9[%add3A_269] : memref<25600xf32, #tpu.memory_space<vmem>>[vector<16xi32>], vector<16xf32>,
      %add3A_271 = arith.addf %add3A_249, %gather3A_270 : vector<16xf32>
      %mul3A_272 = arith.constant 16 : i32
      %mul3A_273 = arith.muli %scan3A_94, %mul3A_272 : i32
      %get3A_274 = arith.constant 16 : i32
      %get3A_275 = arith.index_cast %get3A_274 : i32 to index
      %get3A_276 = arith.index_cast %mul3A_273 : i32 to index
      %get3A_277 = tpu.vector_load %arg11[%get3A_275, %get3A_276] {strides = array<i32>} : memref<50x512xi32, #tpu.memory_space<vmem>>, vector<16xi32>,
      %add3A_278 = arith.constant 16384 : i32
      %add3A_279 = vector.broadcast %add3A_278 : i32 to vector<16xi32>
      %add3A_280 = arith.addi %get3A_277, %add3A_279 : vector<16xi32>
      %gather3A_281 = tpu.vector_load_idx %arg9[%add3A_280] : memref<25600xf32, #tpu.memory_space<vmem>>[vector<16xi32>], vector<16xf32>,
      %add3A_282 = arith.addf %add3A_260, %gather3A_281 : vector<16xf32>
      %mul3A_283 = arith.constant 16 : i32
      %mul3A_284 = arith.muli %scan3A_94, %mul3A_283 : i32
      %get3A_285 = arith.constant 17 : i32
      %get3A_286 = arith.index_cast %get3A_285 : i32 to index
      %get3A_287 = arith.index_cast %mul3A_284 : i32 to index
      %get3A_288 = tpu.vector_load %arg11[%get3A_286, %get3A_287] {strides = array<i32>} : memref<50x512xi32, #tpu.memory_space<vmem>>, vector<16xi32>,
      %add3A_289 = arith.constant 17408 : i32
      %add3A_290 = vector.broadcast %add3A_289 : i32 to vector<16xi32>
      %add3A_291 = arith.addi %get3A_288, %add3A_290 : vector<16xi32>
      %gather3A_292 = tpu.vector_load_idx %arg9[%add3A_291] : memref<25600xf32, #tpu.memory_space<vmem>>[vector<16xi32>], vector<16xf32>,
      %add3A_293 = arith.addf %add3A_271, %gather3A_292 : vector<16xf32>
      %mul3A_294 = arith.constant 16 : i32
      %mul3A_295 = arith.muli %scan3A_94, %mul3A_294 : i32
      %get3A_296 = arith.constant 18 : i32
      %get3A_297 = arith.index_cast %get3A_296 : i32 to index
      %get3A_298 = arith.index_cast %mul3A_295 : i32 to index
      %get3A_299 = tpu.vector_load %arg11[%get3A_297, %get3A_298] {strides = array<i32>} : memref<50x512xi32, #tpu.memory_space<vmem>>, vector<16xi32>,
      %add3A_300 = arith.constant 18432 : i32
      %add3A_301 = vector.broadcast %add3A_300 : i32 to vector<16xi32>
      %add3A_302 = arith.addi %get3A_299, %add3A_301 : vector<16xi32>
      %gather3A_303 = tpu.vector_load_idx %arg9[%add3A_302] : memref<25600xf32, #tpu.memory_space<vmem>>[vector<16xi32>], vector<16xf32>,
      %add3A_304 = arith.addf %add3A_282, %gather3A_303 : vector<16xf32>
      %mul3A_305 = arith.constant 16 : i32
      %mul3A_306 = arith.muli %scan3A_94, %mul3A_305 : i32
      %get3A_307 = arith.constant 19 : i32
      %get3A_308 = arith.index_cast %get3A_307 : i32 to index
      %get3A_309 = arith.index_cast %mul3A_306 : i32 to index
      %get3A_310 = tpu.vector_load %arg11[%get3A_308, %get3A_309] {strides = array<i32>} : memref<50x512xi32, #tpu.memory_space<vmem>>, vector<16xi32>,
      %add3A_311 = arith.constant 19456 : i32
      %add3A_312 = vector.broadcast %add3A_311 : i32 to vector<16xi32>
      %add3A_313 = arith.addi %get3A_310, %add3A_312 : vector<16xi32>
      %gather3A_314 = tpu.vector_load_idx %arg9[%add3A_313] : memref<25600xf32, #tpu.memory_space<vmem>>[vector<16xi32>], vector<16xf32>,
      %add3A_315 = arith.addf %add3A_293, %gather3A_314 : vector<16xf32>
      %mul3A_316 = arith.constant 16 : i32
      %mul3A_317 = arith.muli %scan3A_94, %mul3A_316 : i32
      %get3A_318 = arith.constant 20 : i32
      %get3A_319 = arith.index_cast %get3A_318 : i32 to index
      %get3A_320 = arith.index_cast %mul3A_317 : i32 to index
      %get3A_321 = tpu.vector_load %arg11[%get3A_319, %get3A_320] {strides = array<i32>} : memref<50x512xi32, #tpu.memory_space<vmem>>, vector<16xi32>,
      %add3A_322 = arith.constant 20480 : i32
      %add3A_323 = vector.broadcast %add3A_322 : i32 to vector<16xi32>
      %add3A_324 = arith.addi %get3A_321, %add3A_323 : vector<16xi32>
      %gather3A_325 = tpu.vector_load_idx %arg9[%add3A_324] : memref<25600xf32, #tpu.memory_space<vmem>>[vector<16xi32>], vector<16xf32>,
      %add3A_326 = arith.addf %add3A_304, %gather3A_325 : vector<16xf32>
      %mul3A_327 = arith.constant 16 : i32
      %mul3A_328 = arith.muli %scan3A_94, %mul3A_327 : i32
      %get3A_329 = arith.constant 21 : i32
      %get3A_330 = arith.index_cast %get3A_329 : i32 to index
      %get3A_331 = arith.index_cast %mul3A_328 : i32 to index
      %get3A_332 = tpu.vector_load %arg11[%get3A_330, %get3A_331] {strides = array<i32>} : memref<50x512xi32, #tpu.memory_space<vmem>>, vector<16xi32>,
      %add3A_333 = arith.constant 21504 : i32
      %add3A_334 = vector.broadcast %add3A_333 : i32 to vector<16xi32>
      %add3A_335 = arith.addi %get3A_332, %add3A_334 : vector<16xi32>
      %gather3A_336 = tpu.vector_load_idx %arg9[%add3A_335] : memref<25600xf32, #tpu.memory_space<vmem>>[vector<16xi32>], vector<16xf32>,
      %add3A_337 = arith.addf %add3A_315, %gather3A_336 : vector<16xf32>
      %mul3A_338 = arith.constant 16 : i32
      %mul3A_339 = arith.muli %scan3A_94, %mul3A_338 : i32
      %get3A_340 = arith.constant 22 : i32
      %get3A_341 = arith.index_cast %get3A_340 : i32 to index
      %get3A_342 = arith.index_cast %mul3A_339 : i32 to index
      %get3A_343 = tpu.vector_load %arg11[%get3A_341, %get3A_342] {strides = array<i32>} : memref<50x512xi32, #tpu.memory_space<vmem>>, vector<16xi32>,
      %add3A_344 = arith.constant 22528 : i32
      %add3A_345 = vector.broadcast %add3A_344 : i32 to vector<16xi32>
      %add3A_346 = arith.addi %get3A_343, %add3A_345 : vector<16xi32>
      %gather3A_347 = tpu.vector_load_idx %arg9[%add3A_346] : memref<25600xf32, #tpu.memory_space<vmem>>[vector<16xi32>], vector<16xf32>,
      %add3A_348 = arith.addf %add3A_326, %gather3A_347 : vector<16xf32>
      %mul3A_349 = arith.constant 16 : i32
      %mul3A_350 = arith.muli %scan3A_94, %mul3A_349 : i32
      %get3A_351 = arith.constant 23 : i32
      %get3A_352 = arith.index_cast %get3A_351 : i32 to index
      %get3A_353 = arith.index_cast %mul3A_350 : i32 to index
      %get3A_354 = tpu.vector_load %arg11[%get3A_352, %get3A_353] {strides = array<i32>} : memref<50x512xi32, #tpu.memory_space<vmem>>, vector<16xi32>,
      %add3A_355 = arith.constant 23552 : i32
      %add3A_356 = vector.broadcast %add3A_355 : i32 to vector<16xi32>
      %add3A_357 = arith.addi %get3A_354, %add3A_356 : vector<16xi32>
      %gather3A_358 = tpu.vector_load_idx %arg9[%add3A_357] : memref<25600xf32, #tpu.memory_space<vmem>>[vector<16xi32>], vector<16xf32>,
      %add3A_359 = arith.addf %add3A_337, %gather3A_358 : vector<16xf32>
      %mul3A_360 = arith.constant 16 : i32
      %mul3A_361 = arith.muli %scan3A_94, %mul3A_360 : i32
      %get3A_362 = arith.constant 24 : i32
      %get3A_363 = arith.index_cast %get3A_362 : i32 to index
      %get3A_364 = arith.index_cast %mul3A_361 : i32 to index
      %get3A_365 = tpu.vector_load %arg11[%get3A_363, %get3A_364] {strides = array<i32>} : memref<50x512xi32, #tpu.memory_space<vmem>>, vector<16xi32>,
      %add3A_366 = arith.constant 24576 : i32
      %add3A_367 = vector.broadcast %add3A_366 : i32 to vector<16xi32>
      %add3A_368 = arith.addi %get3A_365, %add3A_367 : vector<16xi32>
      %gather3A_369 = tpu.vector_load_idx %arg9[%add3A_368] : memref<25600xf32, #tpu.memory_space<vmem>>[vector<16xi32>], vector<16xf32>,
      %add3A_370 = arith.addf %add3A_348, %gather3A_369 : vector<16xf32>
      %add3A_371 = arith.addf %add3A_370, %add3A_359 : vector<16xf32>
      %mul3A_372 = arith.constant 16 : i32
      %mul3A_373 = arith.muli %scan3A_94, %mul3A_372 : i32
      %get3A_374 = arith.index_cast %mul3A_373 : i32 to index
      %get3A_375 = tpu.vector_load %arg12[%get3A_374] {strides = array<i32>} : memref<512xf32, #tpu.memory_space<vmem>>, vector<16xf32>,
      %add3A_376 = arith.addf %get3A_375, %add3A_371 : vector<16xf32>
      %swap3A = arith.index_cast %mul3A_373 : i32 to index
      %swap3A_377 = tpu.vector_load %arg12[%swap3A] {strides = array<i32>} : memref<512xf32, #tpu.memory_space<vmem>>, vector<16xf32>,
      tpu.vector_store %arg12[%swap3A], %add3A_376 {strides = array<i32>} : memref<512xf32, #tpu.memory_space<vmem>>, vector<16xf32>,
    }
    %scan3A_74 = arith.constant 32 : i32
    "tpu.region"() ({
      %run_scoped3A = tpu.sem_alloc : memref<!tpu.dma_semaphore, #tpu.memory_space<semaphore_mem>>
      %dma_start3A_94 = arith.constant 179200 : i32
      %dma_start3A_95 = tpu.memref_slice %arg13[%dma_start3A_94] : memref<256000xf32, #tpu.memory_space<vmem_shared>> -> memref<25600xf32, #tpu.memory_space<vmem_shared>>
      %dma_start3A_96 = arith.constant 179200 : i32
      %dma_start3A_97 = tpu.memref_slice %arg13[%dma_start3A_96] : memref<256000xf32, #tpu.memory_space<vmem_shared>> -> memref<25600xf32, #tpu.memory_space<vmem_shared>>
      tpu.enqueue_dma source(%dma_start3A_97 : memref<25600xf32, #tpu.memory_space<vmem_shared>>) target(%arg9 : memref<25600xf32, #tpu.memory_space<vmem>>) target_semaphore(%run_scoped3A : memref<!tpu.dma_semaphore, #tpu.memory_space<semaphore_mem>>)
      %dma_wait3A_98 = arith.constant 179200 : i32
      %dma_wait3A_99 = tpu.memref_slice %arg13[%dma_wait3A_98] : memref<256000xf32, #tpu.memory_space<vmem_shared>> -> memref<25600xf32, #tpu.memory_space<vmem_shared>>
      %dma_wait3A_100 = arith.constant 179200 : i32
      %dma_wait3A_101 = tpu.memref_slice %arg13[%dma_wait3A_100] : memref<256000xf32, #tpu.memory_space<vmem_shared>> -> memref<25600xf32, #tpu.memory_space<vmem_shared>>
      tpu.wait_dma2 semaphore(%run_scoped3A : memref<!tpu.dma_semaphore, #tpu.memory_space<semaphore_mem>>) src(%dma_wait3A_101 : memref<25600xf32, #tpu.memory_space<vmem_shared>>) dst(%arg9 : memref<25600xf32, #tpu.memory_space<vmem>>)
      tpu.yield
    }) : () -> ()
    %scan3A_75 = arith.constant 0 : i32
    %scan3A_76 = arith.constant 32 : i32
    %scan3A_77 = arith.addi %scan3A_75, %scan3A_76 : i32
    %scan3A_78 = arith.constant 1 : i32
    scf.for %scan3A_94 = %scan3A_75 to %scan3A_77 step %scan3A_78  : i32 {
      %broadcast_in_dim3A = arith.constant 0.000000e+00 : f32
      %broadcast_in_dim3A_95 = vector.broadcast %broadcast_in_dim3A : f32 to vector<16xf32>
      %broadcast_in_dim3A_96 = arith.constant 0.000000e+00 : f32
      %broadcast_in_dim3A_97 = vector.broadcast %broadcast_in_dim3A_96 : f32 to vector<16xf32>
      %mul3A_98 = arith.constant 16 : i32
      %mul3A_99 = arith.muli %scan3A_94, %mul3A_98 : i32
      %get3A = arith.constant 25 : i32
      %get3A_100 = arith.index_cast %get3A : i32 to index
      %get3A_101 = arith.index_cast %mul3A_99 : i32 to index
      %get3A_102 = tpu.vector_load %arg11[%get3A_100, %get3A_101] {strides = array<i32>} : memref<50x512xi32, #tpu.memory_space<vmem>>, vector<16xi32>,
      %add3A_103 = arith.constant 0 : i32
      %add3A_104 = vector.broadcast %add3A_103 : i32 to vector<16xi32>
      %add3A_105 = arith.addi %get3A_102, %add3A_104 : vector<16xi32>
      %gather3A = tpu.vector_load_idx %arg9[%add3A_105] : memref<25600xf32, #tpu.memory_space<vmem>>[vector<16xi32>], vector<16xf32>,
      %add3A_106 = arith.addf %broadcast_in_dim3A_95, %gather3A : vector<16xf32>
      %mul3A_107 = arith.constant 16 : i32
      %mul3A_108 = arith.muli %scan3A_94, %mul3A_107 : i32
      %get3A_109 = arith.constant 26 : i32
      %get3A_110 = arith.index_cast %get3A_109 : i32 to index
      %get3A_111 = arith.index_cast %mul3A_108 : i32 to index
      %get3A_112 = tpu.vector_load %arg11[%get3A_110, %get3A_111] {strides = array<i32>} : memref<50x512xi32, #tpu.memory_space<vmem>>, vector<16xi32>,
      %add3A_113 = arith.constant 1024 : i32
      %add3A_114 = vector.broadcast %add3A_113 : i32 to vector<16xi32>
      %add3A_115 = arith.addi %get3A_112, %add3A_114 : vector<16xi32>
      %gather3A_116 = tpu.vector_load_idx %arg9[%add3A_115] : memref<25600xf32, #tpu.memory_space<vmem>>[vector<16xi32>], vector<16xf32>,
      %add3A_117 = arith.addf %broadcast_in_dim3A_97, %gather3A_116 : vector<16xf32>
      %mul3A_118 = arith.constant 16 : i32
      %mul3A_119 = arith.muli %scan3A_94, %mul3A_118 : i32
      %get3A_120 = arith.constant 27 : i32
      %get3A_121 = arith.index_cast %get3A_120 : i32 to index
      %get3A_122 = arith.index_cast %mul3A_119 : i32 to index
      %get3A_123 = tpu.vector_load %arg11[%get3A_121, %get3A_122] {strides = array<i32>} : memref<50x512xi32, #tpu.memory_space<vmem>>, vector<16xi32>,
      %add3A_124 = arith.constant 2048 : i32
      %add3A_125 = vector.broadcast %add3A_124 : i32 to vector<16xi32>
      %add3A_126 = arith.addi %get3A_123, %add3A_125 : vector<16xi32>
      %gather3A_127 = tpu.vector_load_idx %arg9[%add3A_126] : memref<25600xf32, #tpu.memory_space<vmem>>[vector<16xi32>], vector<16xf32>,
      %add3A_128 = arith.addf %add3A_106, %gather3A_127 : vector<16xf32>
      %mul3A_129 = arith.constant 16 : i32
      %mul3A_130 = arith.muli %scan3A_94, %mul3A_129 : i32
      %get3A_131 = arith.constant 28 : i32
      %get3A_132 = arith.index_cast %get3A_131 : i32 to index
      %get3A_133 = arith.index_cast %mul3A_130 : i32 to index
      %get3A_134 = tpu.vector_load %arg11[%get3A_132, %get3A_133] {strides = array<i32>} : memref<50x512xi32, #tpu.memory_space<vmem>>, vector<16xi32>,
      %add3A_135 = arith.constant 3072 : i32
      %add3A_136 = vector.broadcast %add3A_135 : i32 to vector<16xi32>
      %add3A_137 = arith.addi %get3A_134, %add3A_136 : vector<16xi32>
      %gather3A_138 = tpu.vector_load_idx %arg9[%add3A_137] : memref<25600xf32, #tpu.memory_space<vmem>>[vector<16xi32>], vector<16xf32>,
      %add3A_139 = arith.addf %add3A_117, %gather3A_138 : vector<16xf32>
      %mul3A_140 = arith.constant 16 : i32
      %mul3A_141 = arith.muli %scan3A_94, %mul3A_140 : i32
      %get3A_142 = arith.constant 29 : i32
      %get3A_143 = arith.index_cast %get3A_142 : i32 to index
      %get3A_144 = arith.index_cast %mul3A_141 : i32 to index
      %get3A_145 = tpu.vector_load %arg11[%get3A_143, %get3A_144] {strides = array<i32>} : memref<50x512xi32, #tpu.memory_space<vmem>>, vector<16xi32>,
      %add3A_146 = arith.constant 4096 : i32
      %add3A_147 = vector.broadcast %add3A_146 : i32 to vector<16xi32>
      %add3A_148 = arith.addi %get3A_145, %add3A_147 : vector<16xi32>
      %gather3A_149 = tpu.vector_load_idx %arg9[%add3A_148] : memref<25600xf32, #tpu.memory_space<vmem>>[vector<16xi32>], vector<16xf32>,
      %add3A_150 = arith.addf %add3A_128, %gather3A_149 : vector<16xf32>
      %mul3A_151 = arith.constant 16 : i32
      %mul3A_152 = arith.muli %scan3A_94, %mul3A_151 : i32
      %get3A_153 = arith.constant 30 : i32
      %get3A_154 = arith.index_cast %get3A_153 : i32 to index
      %get3A_155 = arith.index_cast %mul3A_152 : i32 to index
      %get3A_156 = tpu.vector_load %arg11[%get3A_154, %get3A_155] {strides = array<i32>} : memref<50x512xi32, #tpu.memory_space<vmem>>, vector<16xi32>,
      %add3A_157 = arith.constant 5120 : i32
      %add3A_158 = vector.broadcast %add3A_157 : i32 to vector<16xi32>
      %add3A_159 = arith.addi %get3A_156, %add3A_158 : vector<16xi32>
      %gather3A_160 = tpu.vector_load_idx %arg9[%add3A_159] : memref<25600xf32, #tpu.memory_space<vmem>>[vector<16xi32>], vector<16xf32>,
      %add3A_161 = arith.addf %add3A_139, %gather3A_160 : vector<16xf32>
      %mul3A_162 = arith.constant 16 : i32
      %mul3A_163 = arith.muli %scan3A_94, %mul3A_162 : i32
      %get3A_164 = arith.constant 31 : i32
      %get3A_165 = arith.index_cast %get3A_164 : i32 to index
      %get3A_166 = arith.index_cast %mul3A_163 : i32 to index
      %get3A_167 = tpu.vector_load %arg11[%get3A_165, %get3A_166] {strides = array<i32>} : memref<50x512xi32, #tpu.memory_space<vmem>>, vector<16xi32>,
      %add3A_168 = arith.constant 6144 : i32
      %add3A_169 = vector.broadcast %add3A_168 : i32 to vector<16xi32>
      %add3A_170 = arith.addi %get3A_167, %add3A_169 : vector<16xi32>
      %gather3A_171 = tpu.vector_load_idx %arg9[%add3A_170] : memref<25600xf32, #tpu.memory_space<vmem>>[vector<16xi32>], vector<16xf32>,
      %add3A_172 = arith.addf %add3A_150, %gather3A_171 : vector<16xf32>
      %mul3A_173 = arith.constant 16 : i32
      %mul3A_174 = arith.muli %scan3A_94, %mul3A_173 : i32
      %get3A_175 = arith.constant 32 : i32
      %get3A_176 = arith.index_cast %get3A_175 : i32 to index
      %get3A_177 = arith.index_cast %mul3A_174 : i32 to index
      %get3A_178 = tpu.vector_load %arg11[%get3A_176, %get3A_177] {strides = array<i32>} : memref<50x512xi32, #tpu.memory_space<vmem>>, vector<16xi32>,
      %add3A_179 = arith.constant 7168 : i32
      %add3A_180 = vector.broadcast %add3A_179 : i32 to vector<16xi32>
      %add3A_181 = arith.addi %get3A_178, %add3A_180 : vector<16xi32>
      %gather3A_182 = tpu.vector_load_idx %arg9[%add3A_181] : memref<25600xf32, #tpu.memory_space<vmem>>[vector<16xi32>], vector<16xf32>,
      %add3A_183 = arith.addf %add3A_161, %gather3A_182 : vector<16xf32>
      %mul3A_184 = arith.constant 16 : i32
      %mul3A_185 = arith.muli %scan3A_94, %mul3A_184 : i32
      %get3A_186 = arith.constant 33 : i32
      %get3A_187 = arith.index_cast %get3A_186 : i32 to index
      %get3A_188 = arith.index_cast %mul3A_185 : i32 to index
      %get3A_189 = tpu.vector_load %arg11[%get3A_187, %get3A_188] {strides = array<i32>} : memref<50x512xi32, #tpu.memory_space<vmem>>, vector<16xi32>,
      %add3A_190 = arith.constant 8192 : i32
      %add3A_191 = vector.broadcast %add3A_190 : i32 to vector<16xi32>
      %add3A_192 = arith.addi %get3A_189, %add3A_191 : vector<16xi32>
      %gather3A_193 = tpu.vector_load_idx %arg9[%add3A_192] : memref<25600xf32, #tpu.memory_space<vmem>>[vector<16xi32>], vector<16xf32>,
      %add3A_194 = arith.addf %add3A_172, %gather3A_193 : vector<16xf32>
      %mul3A_195 = arith.constant 16 : i32
      %mul3A_196 = arith.muli %scan3A_94, %mul3A_195 : i32
      %get3A_197 = arith.constant 34 : i32
      %get3A_198 = arith.index_cast %get3A_197 : i32 to index
      %get3A_199 = arith.index_cast %mul3A_196 : i32 to index
      %get3A_200 = tpu.vector_load %arg11[%get3A_198, %get3A_199] {strides = array<i32>} : memref<50x512xi32, #tpu.memory_space<vmem>>, vector<16xi32>,
      %add3A_201 = arith.constant 9216 : i32
      %add3A_202 = vector.broadcast %add3A_201 : i32 to vector<16xi32>
      %add3A_203 = arith.addi %get3A_200, %add3A_202 : vector<16xi32>
      %gather3A_204 = tpu.vector_load_idx %arg9[%add3A_203] : memref<25600xf32, #tpu.memory_space<vmem>>[vector<16xi32>], vector<16xf32>,
      %add3A_205 = arith.addf %add3A_183, %gather3A_204 : vector<16xf32>
      %mul3A_206 = arith.constant 16 : i32
      %mul3A_207 = arith.muli %scan3A_94, %mul3A_206 : i32
      %get3A_208 = arith.constant 35 : i32
      %get3A_209 = arith.index_cast %get3A_208 : i32 to index
      %get3A_210 = arith.index_cast %mul3A_207 : i32 to index
      %get3A_211 = tpu.vector_load %arg11[%get3A_209, %get3A_210] {strides = array<i32>} : memref<50x512xi32, #tpu.memory_space<vmem>>, vector<16xi32>,
      %add3A_212 = arith.constant 10240 : i32
      %add3A_213 = vector.broadcast %add3A_212 : i32 to vector<16xi32>
      %add3A_214 = arith.addi %get3A_211, %add3A_213 : vector<16xi32>
      %gather3A_215 = tpu.vector_load_idx %arg9[%add3A_214] : memref<25600xf32, #tpu.memory_space<vmem>>[vector<16xi32>], vector<16xf32>,
      %add3A_216 = arith.addf %add3A_194, %gather3A_215 : vector<16xf32>
      %mul3A_217 = arith.constant 16 : i32
      %mul3A_218 = arith.muli %scan3A_94, %mul3A_217 : i32
      %get3A_219 = arith.constant 36 : i32
      %get3A_220 = arith.index_cast %get3A_219 : i32 to index
      %get3A_221 = arith.index_cast %mul3A_218 : i32 to index
      %get3A_222 = tpu.vector_load %arg11[%get3A_220, %get3A_221] {strides = array<i32>} : memref<50x512xi32, #tpu.memory_space<vmem>>, vector<16xi32>,
      %add3A_223 = arith.constant 11264 : i32
      %add3A_224 = vector.broadcast %add3A_223 : i32 to vector<16xi32>
      %add3A_225 = arith.addi %get3A_222, %add3A_224 : vector<16xi32>
      %gather3A_226 = tpu.vector_load_idx %arg9[%add3A_225] : memref<25600xf32, #tpu.memory_space<vmem>>[vector<16xi32>], vector<16xf32>,
      %add3A_227 = arith.addf %add3A_205, %gather3A_226 : vector<16xf32>
      %mul3A_228 = arith.constant 16 : i32
      %mul3A_229 = arith.muli %scan3A_94, %mul3A_228 : i32
      %get3A_230 = arith.constant 37 : i32
      %get3A_231 = arith.index_cast %get3A_230 : i32 to index
      %get3A_232 = arith.index_cast %mul3A_229 : i32 to index
      %get3A_233 = tpu.vector_load %arg11[%get3A_231, %get3A_232] {strides = array<i32>} : memref<50x512xi32, #tpu.memory_space<vmem>>, vector<16xi32>,
      %add3A_234 = arith.constant 12288 : i32
      %add3A_235 = vector.broadcast %add3A_234 : i32 to vector<16xi32>
      %add3A_236 = arith.addi %get3A_233, %add3A_235 : vector<16xi32>
      %gather3A_237 = tpu.vector_load_idx %arg9[%add3A_236] : memref<25600xf32, #tpu.memory_space<vmem>>[vector<16xi32>], vector<16xf32>,
      %add3A_238 = arith.addf %add3A_216, %gather3A_237 : vector<16xf32>
      %mul3A_239 = arith.constant 16 : i32
      %mul3A_240 = arith.muli %scan3A_94, %mul3A_239 : i32
      %get3A_241 = arith.constant 38 : i32
      %get3A_242 = arith.index_cast %get3A_241 : i32 to index
      %get3A_243 = arith.index_cast %mul3A_240 : i32 to index
      %get3A_244 = tpu.vector_load %arg11[%get3A_242, %get3A_243] {strides = array<i32>} : memref<50x512xi32, #tpu.memory_space<vmem>>, vector<16xi32>,
      %add3A_245 = arith.constant 13312 : i32
      %add3A_246 = vector.broadcast %add3A_245 : i32 to vector<16xi32>
      %add3A_247 = arith.addi %get3A_244, %add3A_246 : vector<16xi32>
      %gather3A_248 = tpu.vector_load_idx %arg9[%add3A_247] : memref<25600xf32, #tpu.memory_space<vmem>>[vector<16xi32>], vector<16xf32>,
      %add3A_249 = arith.addf %add3A_227, %gather3A_248 : vector<16xf32>
      %mul3A_250 = arith.constant 16 : i32
      %mul3A_251 = arith.muli %scan3A_94, %mul3A_250 : i32
      %get3A_252 = arith.constant 39 : i32
      %get3A_253 = arith.index_cast %get3A_252 : i32 to index
      %get3A_254 = arith.index_cast %mul3A_251 : i32 to index
      %get3A_255 = tpu.vector_load %arg11[%get3A_253, %get3A_254] {strides = array<i32>} : memref<50x512xi32, #tpu.memory_space<vmem>>, vector<16xi32>,
      %add3A_256 = arith.constant 14336 : i32
      %add3A_257 = vector.broadcast %add3A_256 : i32 to vector<16xi32>
      %add3A_258 = arith.addi %get3A_255, %add3A_257 : vector<16xi32>
      %gather3A_259 = tpu.vector_load_idx %arg9[%add3A_258] : memref<25600xf32, #tpu.memory_space<vmem>>[vector<16xi32>], vector<16xf32>,
      %add3A_260 = arith.addf %add3A_238, %gather3A_259 : vector<16xf32>
      %mul3A_261 = arith.constant 16 : i32
      %mul3A_262 = arith.muli %scan3A_94, %mul3A_261 : i32
      %get3A_263 = arith.constant 40 : i32
      %get3A_264 = arith.index_cast %get3A_263 : i32 to index
      %get3A_265 = arith.index_cast %mul3A_262 : i32 to index
      %get3A_266 = tpu.vector_load %arg11[%get3A_264, %get3A_265] {strides = array<i32>} : memref<50x512xi32, #tpu.memory_space<vmem>>, vector<16xi32>,
      %add3A_267 = arith.constant 15360 : i32
      %add3A_268 = vector.broadcast %add3A_267 : i32 to vector<16xi32>
      %add3A_269 = arith.addi %get3A_266, %add3A_268 : vector<16xi32>
      %gather3A_270 = tpu.vector_load_idx %arg9[%add3A_269] : memref<25600xf32, #tpu.memory_space<vmem>>[vector<16xi32>], vector<16xf32>,
      %add3A_271 = arith.addf %add3A_249, %gather3A_270 : vector<16xf32>
      %mul3A_272 = arith.constant 16 : i32
      %mul3A_273 = arith.muli %scan3A_94, %mul3A_272 : i32
      %get3A_274 = arith.constant 41 : i32
      %get3A_275 = arith.index_cast %get3A_274 : i32 to index
      %get3A_276 = arith.index_cast %mul3A_273 : i32 to index
      %get3A_277 = tpu.vector_load %arg11[%get3A_275, %get3A_276] {strides = array<i32>} : memref<50x512xi32, #tpu.memory_space<vmem>>, vector<16xi32>,
      %add3A_278 = arith.constant 16384 : i32
      %add3A_279 = vector.broadcast %add3A_278 : i32 to vector<16xi32>
      %add3A_280 = arith.addi %get3A_277, %add3A_279 : vector<16xi32>
      %gather3A_281 = tpu.vector_load_idx %arg9[%add3A_280] : memref<25600xf32, #tpu.memory_space<vmem>>[vector<16xi32>], vector<16xf32>,
      %add3A_282 = arith.addf %add3A_260, %gather3A_281 : vector<16xf32>
      %mul3A_283 = arith.constant 16 : i32
      %mul3A_284 = arith.muli %scan3A_94, %mul3A_283 : i32
      %get3A_285 = arith.constant 42 : i32
      %get3A_286 = arith.index_cast %get3A_285 : i32 to index
      %get3A_287 = arith.index_cast %mul3A_284 : i32 to index
      %get3A_288 = tpu.vector_load %arg11[%get3A_286, %get3A_287] {strides = array<i32>} : memref<50x512xi32, #tpu.memory_space<vmem>>, vector<16xi32>,
      %add3A_289 = arith.constant 17408 : i32
      %add3A_290 = vector.broadcast %add3A_289 : i32 to vector<16xi32>
      %add3A_291 = arith.addi %get3A_288, %add3A_290 : vector<16xi32>
      %gather3A_292 = tpu.vector_load_idx %arg9[%add3A_291] : memref<25600xf32, #tpu.memory_space<vmem>>[vector<16xi32>], vector<16xf32>,
      %add3A_293 = arith.addf %add3A_271, %gather3A_292 : vector<16xf32>
      %mul3A_294 = arith.constant 16 : i32
      %mul3A_295 = arith.muli %scan3A_94, %mul3A_294 : i32
      %get3A_296 = arith.constant 43 : i32
      %get3A_297 = arith.index_cast %get3A_296 : i32 to index
      %get3A_298 = arith.index_cast %mul3A_295 : i32 to index
      %get3A_299 = tpu.vector_load %arg11[%get3A_297, %get3A_298] {strides = array<i32>} : memref<50x512xi32, #tpu.memory_space<vmem>>, vector<16xi32>,
      %add3A_300 = arith.constant 18432 : i32
      %add3A_301 = vector.broadcast %add3A_300 : i32 to vector<16xi32>
      %add3A_302 = arith.addi %get3A_299, %add3A_301 : vector<16xi32>
      %gather3A_303 = tpu.vector_load_idx %arg9[%add3A_302] : memref<25600xf32, #tpu.memory_space<vmem>>[vector<16xi32>], vector<16xf32>,
      %add3A_304 = arith.addf %add3A_282, %gather3A_303 : vector<16xf32>
      %mul3A_305 = arith.constant 16 : i32
      %mul3A_306 = arith.muli %scan3A_94, %mul3A_305 : i32
      %get3A_307 = arith.constant 44 : i32
      %get3A_308 = arith.index_cast %get3A_307 : i32 to index
      %get3A_309 = arith.index_cast %mul3A_306 : i32 to index
      %get3A_310 = tpu.vector_load %arg11[%get3A_308, %get3A_309] {strides = array<i32>} : memref<50x512xi32, #tpu.memory_space<vmem>>, vector<16xi32>,
      %add3A_311 = arith.constant 19456 : i32
      %add3A_312 = vector.broadcast %add3A_311 : i32 to vector<16xi32>
      %add3A_313 = arith.addi %get3A_310, %add3A_312 : vector<16xi32>
      %gather3A_314 = tpu.vector_load_idx %arg9[%add3A_313] : memref<25600xf32, #tpu.memory_space<vmem>>[vector<16xi32>], vector<16xf32>,
      %add3A_315 = arith.addf %add3A_293, %gather3A_314 : vector<16xf32>
      %mul3A_316 = arith.constant 16 : i32
      %mul3A_317 = arith.muli %scan3A_94, %mul3A_316 : i32
      %get3A_318 = arith.constant 45 : i32
      %get3A_319 = arith.index_cast %get3A_318 : i32 to index
      %get3A_320 = arith.index_cast %mul3A_317 : i32 to index
      %get3A_321 = tpu.vector_load %arg11[%get3A_319, %get3A_320] {strides = array<i32>} : memref<50x512xi32, #tpu.memory_space<vmem>>, vector<16xi32>,
      %add3A_322 = arith.constant 20480 : i32
      %add3A_323 = vector.broadcast %add3A_322 : i32 to vector<16xi32>
      %add3A_324 = arith.addi %get3A_321, %add3A_323 : vector<16xi32>
      %gather3A_325 = tpu.vector_load_idx %arg9[%add3A_324] : memref<25600xf32, #tpu.memory_space<vmem>>[vector<16xi32>], vector<16xf32>,
      %add3A_326 = arith.addf %add3A_304, %gather3A_325 : vector<16xf32>
      %mul3A_327 = arith.constant 16 : i32
      %mul3A_328 = arith.muli %scan3A_94, %mul3A_327 : i32
      %get3A_329 = arith.constant 46 : i32
      %get3A_330 = arith.index_cast %get3A_329 : i32 to index
      %get3A_331 = arith.index_cast %mul3A_328 : i32 to index
      %get3A_332 = tpu.vector_load %arg11[%get3A_330, %get3A_331] {strides = array<i32>} : memref<50x512xi32, #tpu.memory_space<vmem>>, vector<16xi32>,
      %add3A_333 = arith.constant 21504 : i32
      %add3A_334 = vector.broadcast %add3A_333 : i32 to vector<16xi32>
      %add3A_335 = arith.addi %get3A_332, %add3A_334 : vector<16xi32>
      %gather3A_336 = tpu.vector_load_idx %arg9[%add3A_335] : memref<25600xf32, #tpu.memory_space<vmem>>[vector<16xi32>], vector<16xf32>,
      %add3A_337 = arith.addf %add3A_315, %gather3A_336 : vector<16xf32>
      %mul3A_338 = arith.constant 16 : i32
      %mul3A_339 = arith.muli %scan3A_94, %mul3A_338 : i32
      %get3A_340 = arith.constant 47 : i32
      %get3A_341 = arith.index_cast %get3A_340 : i32 to index
      %get3A_342 = arith.index_cast %mul3A_339 : i32 to index
      %get3A_343 = tpu.vector_load %arg11[%get3A_341, %get3A_342] {strides = array<i32>} : memref<50x512xi32, #tpu.memory_space<vmem>>, vector<16xi32>,
      %add3A_344 = arith.constant 22528 : i32
      %add3A_345 = vector.broadcast %add3A_344 : i32 to vector<16xi32>
      %add3A_346 = arith.addi %get3A_343, %add3A_345 : vector<16xi32>
      %gather3A_347 = tpu.vector_load_idx %arg9[%add3A_346] : memref<25600xf32, #tpu.memory_space<vmem>>[vector<16xi32>], vector<16xf32>,
      %add3A_348 = arith.addf %add3A_326, %gather3A_347 : vector<16xf32>
      %mul3A_349 = arith.constant 16 : i32
      %mul3A_350 = arith.muli %scan3A_94, %mul3A_349 : i32
      %get3A_351 = arith.constant 48 : i32
      %get3A_352 = arith.index_cast %get3A_351 : i32 to index
      %get3A_353 = arith.index_cast %mul3A_350 : i32 to index
      %get3A_354 = tpu.vector_load %arg11[%get3A_352, %get3A_353] {strides = array<i32>} : memref<50x512xi32, #tpu.memory_space<vmem>>, vector<16xi32>,
      %add3A_355 = arith.constant 23552 : i32
      %add3A_356 = vector.broadcast %add3A_355 : i32 to vector<16xi32>
      %add3A_357 = arith.addi %get3A_354, %add3A_356 : vector<16xi32>
      %gather3A_358 = tpu.vector_load_idx %arg9[%add3A_357] : memref<25600xf32, #tpu.memory_space<vmem>>[vector<16xi32>], vector<16xf32>,
      %add3A_359 = arith.addf %add3A_337, %gather3A_358 : vector<16xf32>
      %mul3A_360 = arith.constant 16 : i32
      %mul3A_361 = arith.muli %scan3A_94, %mul3A_360 : i32
      %get3A_362 = arith.constant 49 : i32
      %get3A_363 = arith.index_cast %get3A_362 : i32 to index
      %get3A_364 = arith.index_cast %mul3A_361 : i32 to index
      %get3A_365 = tpu.vector_load %arg11[%get3A_363, %get3A_364] {strides = array<i32>} : memref<50x512xi32, #tpu.memory_space<vmem>>, vector<16xi32>,
      %add3A_366 = arith.constant 24576 : i32
      %add3A_367 = vector.broadcast %add3A_366 : i32 to vector<16xi32>
      %add3A_368 = arith.addi %get3A_365, %add3A_367 : vector<16xi32>
      %gather3A_369 = tpu.vector_load_idx %arg9[%add3A_368] : memref<25600xf32, #tpu.memory_space<vmem>>[vector<16xi32>], vector<16xf32>,
      %add3A_370 = arith.addf %add3A_348, %gather3A_369 : vector<16xf32>
      %add3A_371 = arith.addf %add3A_370, %add3A_359 : vector<16xf32>
      %mul3A_372 = arith.constant 16 : i32
      %mul3A_373 = arith.muli %scan3A_94, %mul3A_372 : i32
      %get3A_374 = arith.index_cast %mul3A_373 : i32 to index
      %get3A_375 = tpu.vector_load %arg12[%get3A_374] {strides = array<i32>} : memref<512xf32, #tpu.memory_space<vmem>>, vector<16xf32>,
      %add3A_376 = arith.addf %get3A_375, %add3A_371 : vector<16xf32>
      %swap3A = arith.index_cast %mul3A_373 : i32 to index
      %swap3A_377 = tpu.vector_load %arg12[%swap3A] {strides = array<i32>} : memref<512xf32, #tpu.memory_space<vmem>>, vector<16xf32>,
      tpu.vector_store %arg12[%swap3A], %add3A_376 {strides = array<i32>} : memref<512xf32, #tpu.memory_space<vmem>>, vector<16xf32>,
    }
    %scan3A_79 = arith.constant 32 : i32
    %dma_wait3A_80 = arith.constant 0 : i32
    %dma_wait3A_81 = tpu.memref_slice %arg6[%dma_wait3A_80, %mul3A_2] : memref<50x16384xi32, #tpu.memory_space<hbm>> -> memref<50x512xi32, #tpu.memory_space<hbm>>
    %dma_wait3A_82 = arith.constant 0 : i32
    %dma_wait3A_83 = tpu.memref_slice %arg6[%dma_wait3A_82, %mul3A_2] : memref<50x16384xi32, #tpu.memory_space<hbm>> -> memref<50x512xi32, #tpu.memory_space<hbm>>
    tpu.wait_dma2 semaphore(%arg14 : memref<!tpu.dma_semaphore, #tpu.memory_space<semaphore_mem>>) src(%dma_wait3A_83 : memref<50x512xi32, #tpu.memory_space<hbm>>) dst(%arg10 : memref<50x512xi32, #tpu.memory_space<vmem>>)
    "tpu.region"() ({
      %run_scoped3A = tpu.sem_alloc : memref<!tpu.dma_semaphore, #tpu.memory_space<semaphore_mem>>
      %dma_start3A_94 = arith.constant 204800 : i32
      %dma_start3A_95 = tpu.memref_slice %arg13[%dma_start3A_94] : memref<256000xf32, #tpu.memory_space<vmem_shared>> -> memref<25600xf32, #tpu.memory_space<vmem_shared>>
      %dma_start3A_96 = arith.constant 204800 : i32
      %dma_start3A_97 = tpu.memref_slice %arg13[%dma_start3A_96] : memref<256000xf32, #tpu.memory_space<vmem_shared>> -> memref<25600xf32, #tpu.memory_space<vmem_shared>>
      tpu.enqueue_dma source(%dma_start3A_97 : memref<25600xf32, #tpu.memory_space<vmem_shared>>) target(%arg9 : memref<25600xf32, #tpu.memory_space<vmem>>) target_semaphore(%run_scoped3A : memref<!tpu.dma_semaphore, #tpu.memory_space<semaphore_mem>>)
      %dma_wait3A_98 = arith.constant 204800 : i32
      %dma_wait3A_99 = tpu.memref_slice %arg13[%dma_wait3A_98] : memref<256000xf32, #tpu.memory_space<vmem_shared>> -> memref<25600xf32, #tpu.memory_space<vmem_shared>>
      %dma_wait3A_100 = arith.constant 204800 : i32
      %dma_wait3A_101 = tpu.memref_slice %arg13[%dma_wait3A_100] : memref<256000xf32, #tpu.memory_space<vmem_shared>> -> memref<25600xf32, #tpu.memory_space<vmem_shared>>
      tpu.wait_dma2 semaphore(%run_scoped3A : memref<!tpu.dma_semaphore, #tpu.memory_space<semaphore_mem>>) src(%dma_wait3A_101 : memref<25600xf32, #tpu.memory_space<vmem_shared>>) dst(%arg9 : memref<25600xf32, #tpu.memory_space<vmem>>)
      tpu.yield
    }) : () -> ()
    %scan3A_84 = arith.constant 0 : i32
    %scan3A_85 = arith.constant 32 : i32
    %scan3A_86 = arith.addi %scan3A_84, %scan3A_85 : i32
    %scan3A_87 = arith.constant 1 : i32
    scf.for %scan3A_94 = %scan3A_84 to %scan3A_86 step %scan3A_87  : i32 {
      %broadcast_in_dim3A = arith.constant 0.000000e+00 : f32
      %broadcast_in_dim3A_95 = vector.broadcast %broadcast_in_dim3A : f32 to vector<16xf32>
      %broadcast_in_dim3A_96 = arith.constant 0.000000e+00 : f32
      %broadcast_in_dim3A_97 = vector.broadcast %broadcast_in_dim3A_96 : f32 to vector<16xf32>
      %mul3A_98 = arith.constant 16 : i32
      %mul3A_99 = arith.muli %scan3A_94, %mul3A_98 : i32
      %get3A = arith.constant 0 : i32
      %get3A_100 = arith.index_cast %get3A : i32 to index
      %get3A_101 = arith.index_cast %mul3A_99 : i32 to index
      %get3A_102 = tpu.vector_load %arg10[%get3A_100, %get3A_101] {strides = array<i32>} : memref<50x512xi32, #tpu.memory_space<vmem>>, vector<16xi32>,
      %add3A_103 = arith.constant 0 : i32
      %add3A_104 = vector.broadcast %add3A_103 : i32 to vector<16xi32>
      %add3A_105 = arith.addi %get3A_102, %add3A_104 : vector<16xi32>
      %gather3A = tpu.vector_load_idx %arg9[%add3A_105] : memref<25600xf32, #tpu.memory_space<vmem>>[vector<16xi32>], vector<16xf32>,
      %add3A_106 = arith.addf %broadcast_in_dim3A_95, %gather3A : vector<16xf32>
      %mul3A_107 = arith.constant 16 : i32
      %mul3A_108 = arith.muli %scan3A_94, %mul3A_107 : i32
      %get3A_109 = arith.constant 1 : i32
      %get3A_110 = arith.index_cast %get3A_109 : i32 to index
      %get3A_111 = arith.index_cast %mul3A_108 : i32 to index
      %get3A_112 = tpu.vector_load %arg10[%get3A_110, %get3A_111] {strides = array<i32>} : memref<50x512xi32, #tpu.memory_space<vmem>>, vector<16xi32>,
      %add3A_113 = arith.constant 1024 : i32
      %add3A_114 = vector.broadcast %add3A_113 : i32 to vector<16xi32>
      %add3A_115 = arith.addi %get3A_112, %add3A_114 : vector<16xi32>
      %gather3A_116 = tpu.vector_load_idx %arg9[%add3A_115] : memref<25600xf32, #tpu.memory_space<vmem>>[vector<16xi32>], vector<16xf32>,
      %add3A_117 = arith.addf %broadcast_in_dim3A_97, %gather3A_116 : vector<16xf32>
      %mul3A_118 = arith.constant 16 : i32
      %mul3A_119 = arith.muli %scan3A_94, %mul3A_118 : i32
      %get3A_120 = arith.constant 2 : i32
      %get3A_121 = arith.index_cast %get3A_120 : i32 to index
      %get3A_122 = arith.index_cast %mul3A_119 : i32 to index
      %get3A_123 = tpu.vector_load %arg10[%get3A_121, %get3A_122] {strides = array<i32>} : memref<50x512xi32, #tpu.memory_space<vmem>>, vector<16xi32>,
      %add3A_124 = arith.constant 2048 : i32
      %add3A_125 = vector.broadcast %add3A_124 : i32 to vector<16xi32>
      %add3A_126 = arith.addi %get3A_123, %add3A_125 : vector<16xi32>
      %gather3A_127 = tpu.vector_load_idx %arg9[%add3A_126] : memref<25600xf32, #tpu.memory_space<vmem>>[vector<16xi32>], vector<16xf32>,
      %add3A_128 = arith.addf %add3A_106, %gather3A_127 : vector<16xf32>
      %mul3A_129 = arith.constant 16 : i32
      %mul3A_130 = arith.muli %scan3A_94, %mul3A_129 : i32
      %get3A_131 = arith.constant 3 : i32
      %get3A_132 = arith.index_cast %get3A_131 : i32 to index
      %get3A_133 = arith.index_cast %mul3A_130 : i32 to index
      %get3A_134 = tpu.vector_load %arg10[%get3A_132, %get3A_133] {strides = array<i32>} : memref<50x512xi32, #tpu.memory_space<vmem>>, vector<16xi32>,
      %add3A_135 = arith.constant 3072 : i32
      %add3A_136 = vector.broadcast %add3A_135 : i32 to vector<16xi32>
      %add3A_137 = arith.addi %get3A_134, %add3A_136 : vector<16xi32>
      %gather3A_138 = tpu.vector_load_idx %arg9[%add3A_137] : memref<25600xf32, #tpu.memory_space<vmem>>[vector<16xi32>], vector<16xf32>,
      %add3A_139 = arith.addf %add3A_117, %gather3A_138 : vector<16xf32>
      %mul3A_140 = arith.constant 16 : i32
      %mul3A_141 = arith.muli %scan3A_94, %mul3A_140 : i32
      %get3A_142 = arith.constant 4 : i32
      %get3A_143 = arith.index_cast %get3A_142 : i32 to index
      %get3A_144 = arith.index_cast %mul3A_141 : i32 to index
      %get3A_145 = tpu.vector_load %arg10[%get3A_143, %get3A_144] {strides = array<i32>} : memref<50x512xi32, #tpu.memory_space<vmem>>, vector<16xi32>,
      %add3A_146 = arith.constant 4096 : i32
      %add3A_147 = vector.broadcast %add3A_146 : i32 to vector<16xi32>
      %add3A_148 = arith.addi %get3A_145, %add3A_147 : vector<16xi32>
      %gather3A_149 = tpu.vector_load_idx %arg9[%add3A_148] : memref<25600xf32, #tpu.memory_space<vmem>>[vector<16xi32>], vector<16xf32>,
      %add3A_150 = arith.addf %add3A_128, %gather3A_149 : vector<16xf32>
      %mul3A_151 = arith.constant 16 : i32
      %mul3A_152 = arith.muli %scan3A_94, %mul3A_151 : i32
      %get3A_153 = arith.constant 5 : i32
      %get3A_154 = arith.index_cast %get3A_153 : i32 to index
      %get3A_155 = arith.index_cast %mul3A_152 : i32 to index
      %get3A_156 = tpu.vector_load %arg10[%get3A_154, %get3A_155] {strides = array<i32>} : memref<50x512xi32, #tpu.memory_space<vmem>>, vector<16xi32>,
      %add3A_157 = arith.constant 5120 : i32
      %add3A_158 = vector.broadcast %add3A_157 : i32 to vector<16xi32>
      %add3A_159 = arith.addi %get3A_156, %add3A_158 : vector<16xi32>
      %gather3A_160 = tpu.vector_load_idx %arg9[%add3A_159] : memref<25600xf32, #tpu.memory_space<vmem>>[vector<16xi32>], vector<16xf32>,
      %add3A_161 = arith.addf %add3A_139, %gather3A_160 : vector<16xf32>
      %mul3A_162 = arith.constant 16 : i32
      %mul3A_163 = arith.muli %scan3A_94, %mul3A_162 : i32
      %get3A_164 = arith.constant 6 : i32
      %get3A_165 = arith.index_cast %get3A_164 : i32 to index
      %get3A_166 = arith.index_cast %mul3A_163 : i32 to index
      %get3A_167 = tpu.vector_load %arg10[%get3A_165, %get3A_166] {strides = array<i32>} : memref<50x512xi32, #tpu.memory_space<vmem>>, vector<16xi32>,
      %add3A_168 = arith.constant 6144 : i32
      %add3A_169 = vector.broadcast %add3A_168 : i32 to vector<16xi32>
      %add3A_170 = arith.addi %get3A_167, %add3A_169 : vector<16xi32>
      %gather3A_171 = tpu.vector_load_idx %arg9[%add3A_170] : memref<25600xf32, #tpu.memory_space<vmem>>[vector<16xi32>], vector<16xf32>,
      %add3A_172 = arith.addf %add3A_150, %gather3A_171 : vector<16xf32>
      %mul3A_173 = arith.constant 16 : i32
      %mul3A_174 = arith.muli %scan3A_94, %mul3A_173 : i32
      %get3A_175 = arith.constant 7 : i32
      %get3A_176 = arith.index_cast %get3A_175 : i32 to index
      %get3A_177 = arith.index_cast %mul3A_174 : i32 to index
      %get3A_178 = tpu.vector_load %arg10[%get3A_176, %get3A_177] {strides = array<i32>} : memref<50x512xi32, #tpu.memory_space<vmem>>, vector<16xi32>,
      %add3A_179 = arith.constant 7168 : i32
      %add3A_180 = vector.broadcast %add3A_179 : i32 to vector<16xi32>
      %add3A_181 = arith.addi %get3A_178, %add3A_180 : vector<16xi32>
      %gather3A_182 = tpu.vector_load_idx %arg9[%add3A_181] : memref<25600xf32, #tpu.memory_space<vmem>>[vector<16xi32>], vector<16xf32>,
      %add3A_183 = arith.addf %add3A_161, %gather3A_182 : vector<16xf32>
      %mul3A_184 = arith.constant 16 : i32
      %mul3A_185 = arith.muli %scan3A_94, %mul3A_184 : i32
      %get3A_186 = arith.constant 8 : i32
      %get3A_187 = arith.index_cast %get3A_186 : i32 to index
      %get3A_188 = arith.index_cast %mul3A_185 : i32 to index
      %get3A_189 = tpu.vector_load %arg10[%get3A_187, %get3A_188] {strides = array<i32>} : memref<50x512xi32, #tpu.memory_space<vmem>>, vector<16xi32>,
      %add3A_190 = arith.constant 8192 : i32
      %add3A_191 = vector.broadcast %add3A_190 : i32 to vector<16xi32>
      %add3A_192 = arith.addi %get3A_189, %add3A_191 : vector<16xi32>
      %gather3A_193 = tpu.vector_load_idx %arg9[%add3A_192] : memref<25600xf32, #tpu.memory_space<vmem>>[vector<16xi32>], vector<16xf32>,
      %add3A_194 = arith.addf %add3A_172, %gather3A_193 : vector<16xf32>
      %mul3A_195 = arith.constant 16 : i32
      %mul3A_196 = arith.muli %scan3A_94, %mul3A_195 : i32
      %get3A_197 = arith.constant 9 : i32
      %get3A_198 = arith.index_cast %get3A_197 : i32 to index
      %get3A_199 = arith.index_cast %mul3A_196 : i32 to index
      %get3A_200 = tpu.vector_load %arg10[%get3A_198, %get3A_199] {strides = array<i32>} : memref<50x512xi32, #tpu.memory_space<vmem>>, vector<16xi32>,
      %add3A_201 = arith.constant 9216 : i32
      %add3A_202 = vector.broadcast %add3A_201 : i32 to vector<16xi32>
      %add3A_203 = arith.addi %get3A_200, %add3A_202 : vector<16xi32>
      %gather3A_204 = tpu.vector_load_idx %arg9[%add3A_203] : memref<25600xf32, #tpu.memory_space<vmem>>[vector<16xi32>], vector<16xf32>,
      %add3A_205 = arith.addf %add3A_183, %gather3A_204 : vector<16xf32>
      %mul3A_206 = arith.constant 16 : i32
      %mul3A_207 = arith.muli %scan3A_94, %mul3A_206 : i32
      %get3A_208 = arith.constant 10 : i32
      %get3A_209 = arith.index_cast %get3A_208 : i32 to index
      %get3A_210 = arith.index_cast %mul3A_207 : i32 to index
      %get3A_211 = tpu.vector_load %arg10[%get3A_209, %get3A_210] {strides = array<i32>} : memref<50x512xi32, #tpu.memory_space<vmem>>, vector<16xi32>,
      %add3A_212 = arith.constant 10240 : i32
      %add3A_213 = vector.broadcast %add3A_212 : i32 to vector<16xi32>
      %add3A_214 = arith.addi %get3A_211, %add3A_213 : vector<16xi32>
      %gather3A_215 = tpu.vector_load_idx %arg9[%add3A_214] : memref<25600xf32, #tpu.memory_space<vmem>>[vector<16xi32>], vector<16xf32>,
      %add3A_216 = arith.addf %add3A_194, %gather3A_215 : vector<16xf32>
      %mul3A_217 = arith.constant 16 : i32
      %mul3A_218 = arith.muli %scan3A_94, %mul3A_217 : i32
      %get3A_219 = arith.constant 11 : i32
      %get3A_220 = arith.index_cast %get3A_219 : i32 to index
      %get3A_221 = arith.index_cast %mul3A_218 : i32 to index
      %get3A_222 = tpu.vector_load %arg10[%get3A_220, %get3A_221] {strides = array<i32>} : memref<50x512xi32, #tpu.memory_space<vmem>>, vector<16xi32>,
      %add3A_223 = arith.constant 11264 : i32
      %add3A_224 = vector.broadcast %add3A_223 : i32 to vector<16xi32>
      %add3A_225 = arith.addi %get3A_222, %add3A_224 : vector<16xi32>
      %gather3A_226 = tpu.vector_load_idx %arg9[%add3A_225] : memref<25600xf32, #tpu.memory_space<vmem>>[vector<16xi32>], vector<16xf32>,
      %add3A_227 = arith.addf %add3A_205, %gather3A_226 : vector<16xf32>
      %mul3A_228 = arith.constant 16 : i32
      %mul3A_229 = arith.muli %scan3A_94, %mul3A_228 : i32
      %get3A_230 = arith.constant 12 : i32
      %get3A_231 = arith.index_cast %get3A_230 : i32 to index
      %get3A_232 = arith.index_cast %mul3A_229 : i32 to index
      %get3A_233 = tpu.vector_load %arg10[%get3A_231, %get3A_232] {strides = array<i32>} : memref<50x512xi32, #tpu.memory_space<vmem>>, vector<16xi32>,
      %add3A_234 = arith.constant 12288 : i32
      %add3A_235 = vector.broadcast %add3A_234 : i32 to vector<16xi32>
      %add3A_236 = arith.addi %get3A_233, %add3A_235 : vector<16xi32>
      %gather3A_237 = tpu.vector_load_idx %arg9[%add3A_236] : memref<25600xf32, #tpu.memory_space<vmem>>[vector<16xi32>], vector<16xf32>,
      %add3A_238 = arith.addf %add3A_216, %gather3A_237 : vector<16xf32>
      %mul3A_239 = arith.constant 16 : i32
      %mul3A_240 = arith.muli %scan3A_94, %mul3A_239 : i32
      %get3A_241 = arith.constant 13 : i32
      %get3A_242 = arith.index_cast %get3A_241 : i32 to index
      %get3A_243 = arith.index_cast %mul3A_240 : i32 to index
      %get3A_244 = tpu.vector_load %arg10[%get3A_242, %get3A_243] {strides = array<i32>} : memref<50x512xi32, #tpu.memory_space<vmem>>, vector<16xi32>,
      %add3A_245 = arith.constant 13312 : i32
      %add3A_246 = vector.broadcast %add3A_245 : i32 to vector<16xi32>
      %add3A_247 = arith.addi %get3A_244, %add3A_246 : vector<16xi32>
      %gather3A_248 = tpu.vector_load_idx %arg9[%add3A_247] : memref<25600xf32, #tpu.memory_space<vmem>>[vector<16xi32>], vector<16xf32>,
      %add3A_249 = arith.addf %add3A_227, %gather3A_248 : vector<16xf32>
      %mul3A_250 = arith.constant 16 : i32
      %mul3A_251 = arith.muli %scan3A_94, %mul3A_250 : i32
      %get3A_252 = arith.constant 14 : i32
      %get3A_253 = arith.index_cast %get3A_252 : i32 to index
      %get3A_254 = arith.index_cast %mul3A_251 : i32 to index
      %get3A_255 = tpu.vector_load %arg10[%get3A_253, %get3A_254] {strides = array<i32>} : memref<50x512xi32, #tpu.memory_space<vmem>>, vector<16xi32>,
      %add3A_256 = arith.constant 14336 : i32
      %add3A_257 = vector.broadcast %add3A_256 : i32 to vector<16xi32>
      %add3A_258 = arith.addi %get3A_255, %add3A_257 : vector<16xi32>
      %gather3A_259 = tpu.vector_load_idx %arg9[%add3A_258] : memref<25600xf32, #tpu.memory_space<vmem>>[vector<16xi32>], vector<16xf32>,
      %add3A_260 = arith.addf %add3A_238, %gather3A_259 : vector<16xf32>
      %mul3A_261 = arith.constant 16 : i32
      %mul3A_262 = arith.muli %scan3A_94, %mul3A_261 : i32
      %get3A_263 = arith.constant 15 : i32
      %get3A_264 = arith.index_cast %get3A_263 : i32 to index
      %get3A_265 = arith.index_cast %mul3A_262 : i32 to index
      %get3A_266 = tpu.vector_load %arg10[%get3A_264, %get3A_265] {strides = array<i32>} : memref<50x512xi32, #tpu.memory_space<vmem>>, vector<16xi32>,
      %add3A_267 = arith.constant 15360 : i32
      %add3A_268 = vector.broadcast %add3A_267 : i32 to vector<16xi32>
      %add3A_269 = arith.addi %get3A_266, %add3A_268 : vector<16xi32>
      %gather3A_270 = tpu.vector_load_idx %arg9[%add3A_269] : memref<25600xf32, #tpu.memory_space<vmem>>[vector<16xi32>], vector<16xf32>,
      %add3A_271 = arith.addf %add3A_249, %gather3A_270 : vector<16xf32>
      %mul3A_272 = arith.constant 16 : i32
      %mul3A_273 = arith.muli %scan3A_94, %mul3A_272 : i32
      %get3A_274 = arith.constant 16 : i32
      %get3A_275 = arith.index_cast %get3A_274 : i32 to index
      %get3A_276 = arith.index_cast %mul3A_273 : i32 to index
      %get3A_277 = tpu.vector_load %arg10[%get3A_275, %get3A_276] {strides = array<i32>} : memref<50x512xi32, #tpu.memory_space<vmem>>, vector<16xi32>,
      %add3A_278 = arith.constant 16384 : i32
      %add3A_279 = vector.broadcast %add3A_278 : i32 to vector<16xi32>
      %add3A_280 = arith.addi %get3A_277, %add3A_279 : vector<16xi32>
      %gather3A_281 = tpu.vector_load_idx %arg9[%add3A_280] : memref<25600xf32, #tpu.memory_space<vmem>>[vector<16xi32>], vector<16xf32>,
      %add3A_282 = arith.addf %add3A_260, %gather3A_281 : vector<16xf32>
      %mul3A_283 = arith.constant 16 : i32
      %mul3A_284 = arith.muli %scan3A_94, %mul3A_283 : i32
      %get3A_285 = arith.constant 17 : i32
      %get3A_286 = arith.index_cast %get3A_285 : i32 to index
      %get3A_287 = arith.index_cast %mul3A_284 : i32 to index
      %get3A_288 = tpu.vector_load %arg10[%get3A_286, %get3A_287] {strides = array<i32>} : memref<50x512xi32, #tpu.memory_space<vmem>>, vector<16xi32>,
      %add3A_289 = arith.constant 17408 : i32
      %add3A_290 = vector.broadcast %add3A_289 : i32 to vector<16xi32>
      %add3A_291 = arith.addi %get3A_288, %add3A_290 : vector<16xi32>
      %gather3A_292 = tpu.vector_load_idx %arg9[%add3A_291] : memref<25600xf32, #tpu.memory_space<vmem>>[vector<16xi32>], vector<16xf32>,
      %add3A_293 = arith.addf %add3A_271, %gather3A_292 : vector<16xf32>
      %mul3A_294 = arith.constant 16 : i32
      %mul3A_295 = arith.muli %scan3A_94, %mul3A_294 : i32
      %get3A_296 = arith.constant 18 : i32
      %get3A_297 = arith.index_cast %get3A_296 : i32 to index
      %get3A_298 = arith.index_cast %mul3A_295 : i32 to index
      %get3A_299 = tpu.vector_load %arg10[%get3A_297, %get3A_298] {strides = array<i32>} : memref<50x512xi32, #tpu.memory_space<vmem>>, vector<16xi32>,
      %add3A_300 = arith.constant 18432 : i32
      %add3A_301 = vector.broadcast %add3A_300 : i32 to vector<16xi32>
      %add3A_302 = arith.addi %get3A_299, %add3A_301 : vector<16xi32>
      %gather3A_303 = tpu.vector_load_idx %arg9[%add3A_302] : memref<25600xf32, #tpu.memory_space<vmem>>[vector<16xi32>], vector<16xf32>,
      %add3A_304 = arith.addf %add3A_282, %gather3A_303 : vector<16xf32>
      %mul3A_305 = arith.constant 16 : i32
      %mul3A_306 = arith.muli %scan3A_94, %mul3A_305 : i32
      %get3A_307 = arith.constant 19 : i32
      %get3A_308 = arith.index_cast %get3A_307 : i32 to index
      %get3A_309 = arith.index_cast %mul3A_306 : i32 to index
      %get3A_310 = tpu.vector_load %arg10[%get3A_308, %get3A_309] {strides = array<i32>} : memref<50x512xi32, #tpu.memory_space<vmem>>, vector<16xi32>,
      %add3A_311 = arith.constant 19456 : i32
      %add3A_312 = vector.broadcast %add3A_311 : i32 to vector<16xi32>
      %add3A_313 = arith.addi %get3A_310, %add3A_312 : vector<16xi32>
      %gather3A_314 = tpu.vector_load_idx %arg9[%add3A_313] : memref<25600xf32, #tpu.memory_space<vmem>>[vector<16xi32>], vector<16xf32>,
      %add3A_315 = arith.addf %add3A_293, %gather3A_314 : vector<16xf32>
      %mul3A_316 = arith.constant 16 : i32
      %mul3A_317 = arith.muli %scan3A_94, %mul3A_316 : i32
      %get3A_318 = arith.constant 20 : i32
      %get3A_319 = arith.index_cast %get3A_318 : i32 to index
      %get3A_320 = arith.index_cast %mul3A_317 : i32 to index
      %get3A_321 = tpu.vector_load %arg10[%get3A_319, %get3A_320] {strides = array<i32>} : memref<50x512xi32, #tpu.memory_space<vmem>>, vector<16xi32>,
      %add3A_322 = arith.constant 20480 : i32
      %add3A_323 = vector.broadcast %add3A_322 : i32 to vector<16xi32>
      %add3A_324 = arith.addi %get3A_321, %add3A_323 : vector<16xi32>
      %gather3A_325 = tpu.vector_load_idx %arg9[%add3A_324] : memref<25600xf32, #tpu.memory_space<vmem>>[vector<16xi32>], vector<16xf32>,
      %add3A_326 = arith.addf %add3A_304, %gather3A_325 : vector<16xf32>
      %mul3A_327 = arith.constant 16 : i32
      %mul3A_328 = arith.muli %scan3A_94, %mul3A_327 : i32
      %get3A_329 = arith.constant 21 : i32
      %get3A_330 = arith.index_cast %get3A_329 : i32 to index
      %get3A_331 = arith.index_cast %mul3A_328 : i32 to index
      %get3A_332 = tpu.vector_load %arg10[%get3A_330, %get3A_331] {strides = array<i32>} : memref<50x512xi32, #tpu.memory_space<vmem>>, vector<16xi32>,
      %add3A_333 = arith.constant 21504 : i32
      %add3A_334 = vector.broadcast %add3A_333 : i32 to vector<16xi32>
      %add3A_335 = arith.addi %get3A_332, %add3A_334 : vector<16xi32>
      %gather3A_336 = tpu.vector_load_idx %arg9[%add3A_335] : memref<25600xf32, #tpu.memory_space<vmem>>[vector<16xi32>], vector<16xf32>,
      %add3A_337 = arith.addf %add3A_315, %gather3A_336 : vector<16xf32>
      %mul3A_338 = arith.constant 16 : i32
      %mul3A_339 = arith.muli %scan3A_94, %mul3A_338 : i32
      %get3A_340 = arith.constant 22 : i32
      %get3A_341 = arith.index_cast %get3A_340 : i32 to index
      %get3A_342 = arith.index_cast %mul3A_339 : i32 to index
      %get3A_343 = tpu.vector_load %arg10[%get3A_341, %get3A_342] {strides = array<i32>} : memref<50x512xi32, #tpu.memory_space<vmem>>, vector<16xi32>,
      %add3A_344 = arith.constant 22528 : i32
      %add3A_345 = vector.broadcast %add3A_344 : i32 to vector<16xi32>
      %add3A_346 = arith.addi %get3A_343, %add3A_345 : vector<16xi32>
      %gather3A_347 = tpu.vector_load_idx %arg9[%add3A_346] : memref<25600xf32, #tpu.memory_space<vmem>>[vector<16xi32>], vector<16xf32>,
      %add3A_348 = arith.addf %add3A_326, %gather3A_347 : vector<16xf32>
      %mul3A_349 = arith.constant 16 : i32
      %mul3A_350 = arith.muli %scan3A_94, %mul3A_349 : i32
      %get3A_351 = arith.constant 23 : i32
      %get3A_352 = arith.index_cast %get3A_351 : i32 to index
      %get3A_353 = arith.index_cast %mul3A_350 : i32 to index
      %get3A_354 = tpu.vector_load %arg10[%get3A_352, %get3A_353] {strides = array<i32>} : memref<50x512xi32, #tpu.memory_space<vmem>>, vector<16xi32>,
      %add3A_355 = arith.constant 23552 : i32
      %add3A_356 = vector.broadcast %add3A_355 : i32 to vector<16xi32>
      %add3A_357 = arith.addi %get3A_354, %add3A_356 : vector<16xi32>
      %gather3A_358 = tpu.vector_load_idx %arg9[%add3A_357] : memref<25600xf32, #tpu.memory_space<vmem>>[vector<16xi32>], vector<16xf32>,
      %add3A_359 = arith.addf %add3A_337, %gather3A_358 : vector<16xf32>
      %mul3A_360 = arith.constant 16 : i32
      %mul3A_361 = arith.muli %scan3A_94, %mul3A_360 : i32
      %get3A_362 = arith.constant 24 : i32
      %get3A_363 = arith.index_cast %get3A_362 : i32 to index
      %get3A_364 = arith.index_cast %mul3A_361 : i32 to index
      %get3A_365 = tpu.vector_load %arg10[%get3A_363, %get3A_364] {strides = array<i32>} : memref<50x512xi32, #tpu.memory_space<vmem>>, vector<16xi32>,
      %add3A_366 = arith.constant 24576 : i32
      %add3A_367 = vector.broadcast %add3A_366 : i32 to vector<16xi32>
      %add3A_368 = arith.addi %get3A_365, %add3A_367 : vector<16xi32>
      %gather3A_369 = tpu.vector_load_idx %arg9[%add3A_368] : memref<25600xf32, #tpu.memory_space<vmem>>[vector<16xi32>], vector<16xf32>,
      %add3A_370 = arith.addf %add3A_348, %gather3A_369 : vector<16xf32>
      %add3A_371 = arith.addf %add3A_370, %add3A_359 : vector<16xf32>
      %mul3A_372 = arith.constant 16 : i32
      %mul3A_373 = arith.muli %scan3A_94, %mul3A_372 : i32
      %get3A_374 = arith.index_cast %mul3A_373 : i32 to index
      %get3A_375 = tpu.vector_load %arg12[%get3A_374] {strides = array<i32>} : memref<512xf32, #tpu.memory_space<vmem>>, vector<16xf32>,
      %add3A_376 = arith.addf %get3A_375, %add3A_371 : vector<16xf32>
      %swap3A = arith.index_cast %mul3A_373 : i32 to index
      %swap3A_377 = tpu.vector_load %arg12[%swap3A] {strides = array<i32>} : memref<512xf32, #tpu.memory_space<vmem>>, vector<16xf32>,
      tpu.vector_store %arg12[%swap3A], %add3A_376 {strides = array<i32>} : memref<512xf32, #tpu.memory_space<vmem>>, vector<16xf32>,
    }
    %scan3A_88 = arith.constant 32 : i32
    "tpu.region"() ({
      %run_scoped3A = tpu.sem_alloc : memref<!tpu.dma_semaphore, #tpu.memory_space<semaphore_mem>>
      %dma_start3A_94 = arith.constant 230400 : i32
      %dma_start3A_95 = tpu.memref_slice %arg13[%dma_start3A_94] : memref<256000xf32, #tpu.memory_space<vmem_shared>> -> memref<25600xf32, #tpu.memory_space<vmem_shared>>
      %dma_start3A_96 = arith.constant 230400 : i32
      %dma_start3A_97 = tpu.memref_slice %arg13[%dma_start3A_96] : memref<256000xf32, #tpu.memory_space<vmem_shared>> -> memref<25600xf32, #tpu.memory_space<vmem_shared>>
      tpu.enqueue_dma source(%dma_start3A_97 : memref<25600xf32, #tpu.memory_space<vmem_shared>>) target(%arg9 : memref<25600xf32, #tpu.memory_space<vmem>>) target_semaphore(%run_scoped3A : memref<!tpu.dma_semaphore, #tpu.memory_space<semaphore_mem>>)
      %dma_wait3A_98 = arith.constant 230400 : i32
      %dma_wait3A_99 = tpu.memref_slice %arg13[%dma_wait3A_98] : memref<256000xf32, #tpu.memory_space<vmem_shared>> -> memref<25600xf32, #tpu.memory_space<vmem_shared>>
      %dma_wait3A_100 = arith.constant 230400 : i32
      %dma_wait3A_101 = tpu.memref_slice %arg13[%dma_wait3A_100] : memref<256000xf32, #tpu.memory_space<vmem_shared>> -> memref<25600xf32, #tpu.memory_space<vmem_shared>>
      tpu.wait_dma2 semaphore(%run_scoped3A : memref<!tpu.dma_semaphore, #tpu.memory_space<semaphore_mem>>) src(%dma_wait3A_101 : memref<25600xf32, #tpu.memory_space<vmem_shared>>) dst(%arg9 : memref<25600xf32, #tpu.memory_space<vmem>>)
      tpu.yield
    }) : () -> ()
    %scan3A_89 = arith.constant 0 : i32
    %scan3A_90 = arith.constant 32 : i32
    %scan3A_91 = arith.addi %scan3A_89, %scan3A_90 : i32
    %scan3A_92 = arith.constant 1 : i32
    scf.for %scan3A_94 = %scan3A_89 to %scan3A_91 step %scan3A_92  : i32 {
      %broadcast_in_dim3A = arith.constant 0.000000e+00 : f32
      %broadcast_in_dim3A_95 = vector.broadcast %broadcast_in_dim3A : f32 to vector<16xf32>
      %broadcast_in_dim3A_96 = arith.constant 0.000000e+00 : f32
      %broadcast_in_dim3A_97 = vector.broadcast %broadcast_in_dim3A_96 : f32 to vector<16xf32>
      %mul3A_98 = arith.constant 16 : i32
      %mul3A_99 = arith.muli %scan3A_94, %mul3A_98 : i32
      %get3A = arith.constant 25 : i32
      %get3A_100 = arith.index_cast %get3A : i32 to index
      %get3A_101 = arith.index_cast %mul3A_99 : i32 to index
      %get3A_102 = tpu.vector_load %arg10[%get3A_100, %get3A_101] {strides = array<i32>} : memref<50x512xi32, #tpu.memory_space<vmem>>, vector<16xi32>,
      %add3A_103 = arith.constant 0 : i32
      %add3A_104 = vector.broadcast %add3A_103 : i32 to vector<16xi32>
      %add3A_105 = arith.addi %get3A_102, %add3A_104 : vector<16xi32>
      %gather3A = tpu.vector_load_idx %arg9[%add3A_105] : memref<25600xf32, #tpu.memory_space<vmem>>[vector<16xi32>], vector<16xf32>,
      %add3A_106 = arith.addf %broadcast_in_dim3A_95, %gather3A : vector<16xf32>
      %mul3A_107 = arith.constant 16 : i32
      %mul3A_108 = arith.muli %scan3A_94, %mul3A_107 : i32
      %get3A_109 = arith.constant 26 : i32
      %get3A_110 = arith.index_cast %get3A_109 : i32 to index
      %get3A_111 = arith.index_cast %mul3A_108 : i32 to index
      %get3A_112 = tpu.vector_load %arg10[%get3A_110, %get3A_111] {strides = array<i32>} : memref<50x512xi32, #tpu.memory_space<vmem>>, vector<16xi32>,
      %add3A_113 = arith.constant 1024 : i32
      %add3A_114 = vector.broadcast %add3A_113 : i32 to vector<16xi32>
      %add3A_115 = arith.addi %get3A_112, %add3A_114 : vector<16xi32>
      %gather3A_116 = tpu.vector_load_idx %arg9[%add3A_115] : memref<25600xf32, #tpu.memory_space<vmem>>[vector<16xi32>], vector<16xf32>,
      %add3A_117 = arith.addf %broadcast_in_dim3A_97, %gather3A_116 : vector<16xf32>
      %mul3A_118 = arith.constant 16 : i32
      %mul3A_119 = arith.muli %scan3A_94, %mul3A_118 : i32
      %get3A_120 = arith.constant 27 : i32
      %get3A_121 = arith.index_cast %get3A_120 : i32 to index
      %get3A_122 = arith.index_cast %mul3A_119 : i32 to index
      %get3A_123 = tpu.vector_load %arg10[%get3A_121, %get3A_122] {strides = array<i32>} : memref<50x512xi32, #tpu.memory_space<vmem>>, vector<16xi32>,
      %add3A_124 = arith.constant 2048 : i32
      %add3A_125 = vector.broadcast %add3A_124 : i32 to vector<16xi32>
      %add3A_126 = arith.addi %get3A_123, %add3A_125 : vector<16xi32>
      %gather3A_127 = tpu.vector_load_idx %arg9[%add3A_126] : memref<25600xf32, #tpu.memory_space<vmem>>[vector<16xi32>], vector<16xf32>,
      %add3A_128 = arith.addf %add3A_106, %gather3A_127 : vector<16xf32>
      %mul3A_129 = arith.constant 16 : i32
      %mul3A_130 = arith.muli %scan3A_94, %mul3A_129 : i32
      %get3A_131 = arith.constant 28 : i32
      %get3A_132 = arith.index_cast %get3A_131 : i32 to index
      %get3A_133 = arith.index_cast %mul3A_130 : i32 to index
      %get3A_134 = tpu.vector_load %arg10[%get3A_132, %get3A_133] {strides = array<i32>} : memref<50x512xi32, #tpu.memory_space<vmem>>, vector<16xi32>,
      %add3A_135 = arith.constant 3072 : i32
      %add3A_136 = vector.broadcast %add3A_135 : i32 to vector<16xi32>
      %add3A_137 = arith.addi %get3A_134, %add3A_136 : vector<16xi32>
      %gather3A_138 = tpu.vector_load_idx %arg9[%add3A_137] : memref<25600xf32, #tpu.memory_space<vmem>>[vector<16xi32>], vector<16xf32>,
      %add3A_139 = arith.addf %add3A_117, %gather3A_138 : vector<16xf32>
      %mul3A_140 = arith.constant 16 : i32
      %mul3A_141 = arith.muli %scan3A_94, %mul3A_140 : i32
      %get3A_142 = arith.constant 29 : i32
      %get3A_143 = arith.index_cast %get3A_142 : i32 to index
      %get3A_144 = arith.index_cast %mul3A_141 : i32 to index
      %get3A_145 = tpu.vector_load %arg10[%get3A_143, %get3A_144] {strides = array<i32>} : memref<50x512xi32, #tpu.memory_space<vmem>>, vector<16xi32>,
      %add3A_146 = arith.constant 4096 : i32
      %add3A_147 = vector.broadcast %add3A_146 : i32 to vector<16xi32>
      %add3A_148 = arith.addi %get3A_145, %add3A_147 : vector<16xi32>
      %gather3A_149 = tpu.vector_load_idx %arg9[%add3A_148] : memref<25600xf32, #tpu.memory_space<vmem>>[vector<16xi32>], vector<16xf32>,
      %add3A_150 = arith.addf %add3A_128, %gather3A_149 : vector<16xf32>
      %mul3A_151 = arith.constant 16 : i32
      %mul3A_152 = arith.muli %scan3A_94, %mul3A_151 : i32
      %get3A_153 = arith.constant 30 : i32
      %get3A_154 = arith.index_cast %get3A_153 : i32 to index
      %get3A_155 = arith.index_cast %mul3A_152 : i32 to index
      %get3A_156 = tpu.vector_load %arg10[%get3A_154, %get3A_155] {strides = array<i32>} : memref<50x512xi32, #tpu.memory_space<vmem>>, vector<16xi32>,
      %add3A_157 = arith.constant 5120 : i32
      %add3A_158 = vector.broadcast %add3A_157 : i32 to vector<16xi32>
      %add3A_159 = arith.addi %get3A_156, %add3A_158 : vector<16xi32>
      %gather3A_160 = tpu.vector_load_idx %arg9[%add3A_159] : memref<25600xf32, #tpu.memory_space<vmem>>[vector<16xi32>], vector<16xf32>,
      %add3A_161 = arith.addf %add3A_139, %gather3A_160 : vector<16xf32>
      %mul3A_162 = arith.constant 16 : i32
      %mul3A_163 = arith.muli %scan3A_94, %mul3A_162 : i32
      %get3A_164 = arith.constant 31 : i32
      %get3A_165 = arith.index_cast %get3A_164 : i32 to index
      %get3A_166 = arith.index_cast %mul3A_163 : i32 to index
      %get3A_167 = tpu.vector_load %arg10[%get3A_165, %get3A_166] {strides = array<i32>} : memref<50x512xi32, #tpu.memory_space<vmem>>, vector<16xi32>,
      %add3A_168 = arith.constant 6144 : i32
      %add3A_169 = vector.broadcast %add3A_168 : i32 to vector<16xi32>
      %add3A_170 = arith.addi %get3A_167, %add3A_169 : vector<16xi32>
      %gather3A_171 = tpu.vector_load_idx %arg9[%add3A_170] : memref<25600xf32, #tpu.memory_space<vmem>>[vector<16xi32>], vector<16xf32>,
      %add3A_172 = arith.addf %add3A_150, %gather3A_171 : vector<16xf32>
      %mul3A_173 = arith.constant 16 : i32
      %mul3A_174 = arith.muli %scan3A_94, %mul3A_173 : i32
      %get3A_175 = arith.constant 32 : i32
      %get3A_176 = arith.index_cast %get3A_175 : i32 to index
      %get3A_177 = arith.index_cast %mul3A_174 : i32 to index
      %get3A_178 = tpu.vector_load %arg10[%get3A_176, %get3A_177] {strides = array<i32>} : memref<50x512xi32, #tpu.memory_space<vmem>>, vector<16xi32>,
      %add3A_179 = arith.constant 7168 : i32
      %add3A_180 = vector.broadcast %add3A_179 : i32 to vector<16xi32>
      %add3A_181 = arith.addi %get3A_178, %add3A_180 : vector<16xi32>
      %gather3A_182 = tpu.vector_load_idx %arg9[%add3A_181] : memref<25600xf32, #tpu.memory_space<vmem>>[vector<16xi32>], vector<16xf32>,
      %add3A_183 = arith.addf %add3A_161, %gather3A_182 : vector<16xf32>
      %mul3A_184 = arith.constant 16 : i32
      %mul3A_185 = arith.muli %scan3A_94, %mul3A_184 : i32
      %get3A_186 = arith.constant 33 : i32
      %get3A_187 = arith.index_cast %get3A_186 : i32 to index
      %get3A_188 = arith.index_cast %mul3A_185 : i32 to index
      %get3A_189 = tpu.vector_load %arg10[%get3A_187, %get3A_188] {strides = array<i32>} : memref<50x512xi32, #tpu.memory_space<vmem>>, vector<16xi32>,
      %add3A_190 = arith.constant 8192 : i32
      %add3A_191 = vector.broadcast %add3A_190 : i32 to vector<16xi32>
      %add3A_192 = arith.addi %get3A_189, %add3A_191 : vector<16xi32>
      %gather3A_193 = tpu.vector_load_idx %arg9[%add3A_192] : memref<25600xf32, #tpu.memory_space<vmem>>[vector<16xi32>], vector<16xf32>,
      %add3A_194 = arith.addf %add3A_172, %gather3A_193 : vector<16xf32>
      %mul3A_195 = arith.constant 16 : i32
      %mul3A_196 = arith.muli %scan3A_94, %mul3A_195 : i32
      %get3A_197 = arith.constant 34 : i32
      %get3A_198 = arith.index_cast %get3A_197 : i32 to index
      %get3A_199 = arith.index_cast %mul3A_196 : i32 to index
      %get3A_200 = tpu.vector_load %arg10[%get3A_198, %get3A_199] {strides = array<i32>} : memref<50x512xi32, #tpu.memory_space<vmem>>, vector<16xi32>,
      %add3A_201 = arith.constant 9216 : i32
      %add3A_202 = vector.broadcast %add3A_201 : i32 to vector<16xi32>
      %add3A_203 = arith.addi %get3A_200, %add3A_202 : vector<16xi32>
      %gather3A_204 = tpu.vector_load_idx %arg9[%add3A_203] : memref<25600xf32, #tpu.memory_space<vmem>>[vector<16xi32>], vector<16xf32>,
      %add3A_205 = arith.addf %add3A_183, %gather3A_204 : vector<16xf32>
      %mul3A_206 = arith.constant 16 : i32
      %mul3A_207 = arith.muli %scan3A_94, %mul3A_206 : i32
      %get3A_208 = arith.constant 35 : i32
      %get3A_209 = arith.index_cast %get3A_208 : i32 to index
      %get3A_210 = arith.index_cast %mul3A_207 : i32 to index
      %get3A_211 = tpu.vector_load %arg10[%get3A_209, %get3A_210] {strides = array<i32>} : memref<50x512xi32, #tpu.memory_space<vmem>>, vector<16xi32>,
      %add3A_212 = arith.constant 10240 : i32
      %add3A_213 = vector.broadcast %add3A_212 : i32 to vector<16xi32>
      %add3A_214 = arith.addi %get3A_211, %add3A_213 : vector<16xi32>
      %gather3A_215 = tpu.vector_load_idx %arg9[%add3A_214] : memref<25600xf32, #tpu.memory_space<vmem>>[vector<16xi32>], vector<16xf32>,
      %add3A_216 = arith.addf %add3A_194, %gather3A_215 : vector<16xf32>
      %mul3A_217 = arith.constant 16 : i32
      %mul3A_218 = arith.muli %scan3A_94, %mul3A_217 : i32
      %get3A_219 = arith.constant 36 : i32
      %get3A_220 = arith.index_cast %get3A_219 : i32 to index
      %get3A_221 = arith.index_cast %mul3A_218 : i32 to index
      %get3A_222 = tpu.vector_load %arg10[%get3A_220, %get3A_221] {strides = array<i32>} : memref<50x512xi32, #tpu.memory_space<vmem>>, vector<16xi32>,
      %add3A_223 = arith.constant 11264 : i32
      %add3A_224 = vector.broadcast %add3A_223 : i32 to vector<16xi32>
      %add3A_225 = arith.addi %get3A_222, %add3A_224 : vector<16xi32>
      %gather3A_226 = tpu.vector_load_idx %arg9[%add3A_225] : memref<25600xf32, #tpu.memory_space<vmem>>[vector<16xi32>], vector<16xf32>,
      %add3A_227 = arith.addf %add3A_205, %gather3A_226 : vector<16xf32>
      %mul3A_228 = arith.constant 16 : i32
      %mul3A_229 = arith.muli %scan3A_94, %mul3A_228 : i32
      %get3A_230 = arith.constant 37 : i32
      %get3A_231 = arith.index_cast %get3A_230 : i32 to index
      %get3A_232 = arith.index_cast %mul3A_229 : i32 to index
      %get3A_233 = tpu.vector_load %arg10[%get3A_231, %get3A_232] {strides = array<i32>} : memref<50x512xi32, #tpu.memory_space<vmem>>, vector<16xi32>,
      %add3A_234 = arith.constant 12288 : i32
      %add3A_235 = vector.broadcast %add3A_234 : i32 to vector<16xi32>
      %add3A_236 = arith.addi %get3A_233, %add3A_235 : vector<16xi32>
      %gather3A_237 = tpu.vector_load_idx %arg9[%add3A_236] : memref<25600xf32, #tpu.memory_space<vmem>>[vector<16xi32>], vector<16xf32>,
      %add3A_238 = arith.addf %add3A_216, %gather3A_237 : vector<16xf32>
      %mul3A_239 = arith.constant 16 : i32
      %mul3A_240 = arith.muli %scan3A_94, %mul3A_239 : i32
      %get3A_241 = arith.constant 38 : i32
      %get3A_242 = arith.index_cast %get3A_241 : i32 to index
      %get3A_243 = arith.index_cast %mul3A_240 : i32 to index
      %get3A_244 = tpu.vector_load %arg10[%get3A_242, %get3A_243] {strides = array<i32>} : memref<50x512xi32, #tpu.memory_space<vmem>>, vector<16xi32>,
      %add3A_245 = arith.constant 13312 : i32
      %add3A_246 = vector.broadcast %add3A_245 : i32 to vector<16xi32>
      %add3A_247 = arith.addi %get3A_244, %add3A_246 : vector<16xi32>
      %gather3A_248 = tpu.vector_load_idx %arg9[%add3A_247] : memref<25600xf32, #tpu.memory_space<vmem>>[vector<16xi32>], vector<16xf32>,
      %add3A_249 = arith.addf %add3A_227, %gather3A_248 : vector<16xf32>
      %mul3A_250 = arith.constant 16 : i32
      %mul3A_251 = arith.muli %scan3A_94, %mul3A_250 : i32
      %get3A_252 = arith.constant 39 : i32
      %get3A_253 = arith.index_cast %get3A_252 : i32 to index
      %get3A_254 = arith.index_cast %mul3A_251 : i32 to index
      %get3A_255 = tpu.vector_load %arg10[%get3A_253, %get3A_254] {strides = array<i32>} : memref<50x512xi32, #tpu.memory_space<vmem>>, vector<16xi32>,
      %add3A_256 = arith.constant 14336 : i32
      %add3A_257 = vector.broadcast %add3A_256 : i32 to vector<16xi32>
      %add3A_258 = arith.addi %get3A_255, %add3A_257 : vector<16xi32>
      %gather3A_259 = tpu.vector_load_idx %arg9[%add3A_258] : memref<25600xf32, #tpu.memory_space<vmem>>[vector<16xi32>], vector<16xf32>,
      %add3A_260 = arith.addf %add3A_238, %gather3A_259 : vector<16xf32>
      %mul3A_261 = arith.constant 16 : i32
      %mul3A_262 = arith.muli %scan3A_94, %mul3A_261 : i32
      %get3A_263 = arith.constant 40 : i32
      %get3A_264 = arith.index_cast %get3A_263 : i32 to index
      %get3A_265 = arith.index_cast %mul3A_262 : i32 to index
      %get3A_266 = tpu.vector_load %arg10[%get3A_264, %get3A_265] {strides = array<i32>} : memref<50x512xi32, #tpu.memory_space<vmem>>, vector<16xi32>,
      %add3A_267 = arith.constant 15360 : i32
      %add3A_268 = vector.broadcast %add3A_267 : i32 to vector<16xi32>
      %add3A_269 = arith.addi %get3A_266, %add3A_268 : vector<16xi32>
      %gather3A_270 = tpu.vector_load_idx %arg9[%add3A_269] : memref<25600xf32, #tpu.memory_space<vmem>>[vector<16xi32>], vector<16xf32>,
      %add3A_271 = arith.addf %add3A_249, %gather3A_270 : vector<16xf32>
      %mul3A_272 = arith.constant 16 : i32
      %mul3A_273 = arith.muli %scan3A_94, %mul3A_272 : i32
      %get3A_274 = arith.constant 41 : i32
      %get3A_275 = arith.index_cast %get3A_274 : i32 to index
      %get3A_276 = arith.index_cast %mul3A_273 : i32 to index
      %get3A_277 = tpu.vector_load %arg10[%get3A_275, %get3A_276] {strides = array<i32>} : memref<50x512xi32, #tpu.memory_space<vmem>>, vector<16xi32>,
      %add3A_278 = arith.constant 16384 : i32
      %add3A_279 = vector.broadcast %add3A_278 : i32 to vector<16xi32>
      %add3A_280 = arith.addi %get3A_277, %add3A_279 : vector<16xi32>
      %gather3A_281 = tpu.vector_load_idx %arg9[%add3A_280] : memref<25600xf32, #tpu.memory_space<vmem>>[vector<16xi32>], vector<16xf32>,
      %add3A_282 = arith.addf %add3A_260, %gather3A_281 : vector<16xf32>
      %mul3A_283 = arith.constant 16 : i32
      %mul3A_284 = arith.muli %scan3A_94, %mul3A_283 : i32
      %get3A_285 = arith.constant 42 : i32
      %get3A_286 = arith.index_cast %get3A_285 : i32 to index
      %get3A_287 = arith.index_cast %mul3A_284 : i32 to index
      %get3A_288 = tpu.vector_load %arg10[%get3A_286, %get3A_287] {strides = array<i32>} : memref<50x512xi32, #tpu.memory_space<vmem>>, vector<16xi32>,
      %add3A_289 = arith.constant 17408 : i32
      %add3A_290 = vector.broadcast %add3A_289 : i32 to vector<16xi32>
      %add3A_291 = arith.addi %get3A_288, %add3A_290 : vector<16xi32>
      %gather3A_292 = tpu.vector_load_idx %arg9[%add3A_291] : memref<25600xf32, #tpu.memory_space<vmem>>[vector<16xi32>], vector<16xf32>,
      %add3A_293 = arith.addf %add3A_271, %gather3A_292 : vector<16xf32>
      %mul3A_294 = arith.constant 16 : i32
      %mul3A_295 = arith.muli %scan3A_94, %mul3A_294 : i32
      %get3A_296 = arith.constant 43 : i32
      %get3A_297 = arith.index_cast %get3A_296 : i32 to index
      %get3A_298 = arith.index_cast %mul3A_295 : i32 to index
      %get3A_299 = tpu.vector_load %arg10[%get3A_297, %get3A_298] {strides = array<i32>} : memref<50x512xi32, #tpu.memory_space<vmem>>, vector<16xi32>,
      %add3A_300 = arith.constant 18432 : i32
      %add3A_301 = vector.broadcast %add3A_300 : i32 to vector<16xi32>
      %add3A_302 = arith.addi %get3A_299, %add3A_301 : vector<16xi32>
      %gather3A_303 = tpu.vector_load_idx %arg9[%add3A_302] : memref<25600xf32, #tpu.memory_space<vmem>>[vector<16xi32>], vector<16xf32>,
      %add3A_304 = arith.addf %add3A_282, %gather3A_303 : vector<16xf32>
      %mul3A_305 = arith.constant 16 : i32
      %mul3A_306 = arith.muli %scan3A_94, %mul3A_305 : i32
      %get3A_307 = arith.constant 44 : i32
      %get3A_308 = arith.index_cast %get3A_307 : i32 to index
      %get3A_309 = arith.index_cast %mul3A_306 : i32 to index
      %get3A_310 = tpu.vector_load %arg10[%get3A_308, %get3A_309] {strides = array<i32>} : memref<50x512xi32, #tpu.memory_space<vmem>>, vector<16xi32>,
      %add3A_311 = arith.constant 19456 : i32
      %add3A_312 = vector.broadcast %add3A_311 : i32 to vector<16xi32>
      %add3A_313 = arith.addi %get3A_310, %add3A_312 : vector<16xi32>
      %gather3A_314 = tpu.vector_load_idx %arg9[%add3A_313] : memref<25600xf32, #tpu.memory_space<vmem>>[vector<16xi32>], vector<16xf32>,
      %add3A_315 = arith.addf %add3A_293, %gather3A_314 : vector<16xf32>
      %mul3A_316 = arith.constant 16 : i32
      %mul3A_317 = arith.muli %scan3A_94, %mul3A_316 : i32
      %get3A_318 = arith.constant 45 : i32
      %get3A_319 = arith.index_cast %get3A_318 : i32 to index
      %get3A_320 = arith.index_cast %mul3A_317 : i32 to index
      %get3A_321 = tpu.vector_load %arg10[%get3A_319, %get3A_320] {strides = array<i32>} : memref<50x512xi32, #tpu.memory_space<vmem>>, vector<16xi32>,
      %add3A_322 = arith.constant 20480 : i32
      %add3A_323 = vector.broadcast %add3A_322 : i32 to vector<16xi32>
      %add3A_324 = arith.addi %get3A_321, %add3A_323 : vector<16xi32>
      %gather3A_325 = tpu.vector_load_idx %arg9[%add3A_324] : memref<25600xf32, #tpu.memory_space<vmem>>[vector<16xi32>], vector<16xf32>,
      %add3A_326 = arith.addf %add3A_304, %gather3A_325 : vector<16xf32>
      %mul3A_327 = arith.constant 16 : i32
      %mul3A_328 = arith.muli %scan3A_94, %mul3A_327 : i32
      %get3A_329 = arith.constant 46 : i32
      %get3A_330 = arith.index_cast %get3A_329 : i32 to index
      %get3A_331 = arith.index_cast %mul3A_328 : i32 to index
      %get3A_332 = tpu.vector_load %arg10[%get3A_330, %get3A_331] {strides = array<i32>} : memref<50x512xi32, #tpu.memory_space<vmem>>, vector<16xi32>,
      %add3A_333 = arith.constant 21504 : i32
      %add3A_334 = vector.broadcast %add3A_333 : i32 to vector<16xi32>
      %add3A_335 = arith.addi %get3A_332, %add3A_334 : vector<16xi32>
      %gather3A_336 = tpu.vector_load_idx %arg9[%add3A_335] : memref<25600xf32, #tpu.memory_space<vmem>>[vector<16xi32>], vector<16xf32>,
      %add3A_337 = arith.addf %add3A_315, %gather3A_336 : vector<16xf32>
      %mul3A_338 = arith.constant 16 : i32
      %mul3A_339 = arith.muli %scan3A_94, %mul3A_338 : i32
      %get3A_340 = arith.constant 47 : i32
      %get3A_341 = arith.index_cast %get3A_340 : i32 to index
      %get3A_342 = arith.index_cast %mul3A_339 : i32 to index
      %get3A_343 = tpu.vector_load %arg10[%get3A_341, %get3A_342] {strides = array<i32>} : memref<50x512xi32, #tpu.memory_space<vmem>>, vector<16xi32>,
      %add3A_344 = arith.constant 22528 : i32
      %add3A_345 = vector.broadcast %add3A_344 : i32 to vector<16xi32>
      %add3A_346 = arith.addi %get3A_343, %add3A_345 : vector<16xi32>
      %gather3A_347 = tpu.vector_load_idx %arg9[%add3A_346] : memref<25600xf32, #tpu.memory_space<vmem>>[vector<16xi32>], vector<16xf32>,
      %add3A_348 = arith.addf %add3A_326, %gather3A_347 : vector<16xf32>
      %mul3A_349 = arith.constant 16 : i32
      %mul3A_350 = arith.muli %scan3A_94, %mul3A_349 : i32
      %get3A_351 = arith.constant 48 : i32
      %get3A_352 = arith.index_cast %get3A_351 : i32 to index
      %get3A_353 = arith.index_cast %mul3A_350 : i32 to index
      %get3A_354 = tpu.vector_load %arg10[%get3A_352, %get3A_353] {strides = array<i32>} : memref<50x512xi32, #tpu.memory_space<vmem>>, vector<16xi32>,
      %add3A_355 = arith.constant 23552 : i32
      %add3A_356 = vector.broadcast %add3A_355 : i32 to vector<16xi32>
      %add3A_357 = arith.addi %get3A_354, %add3A_356 : vector<16xi32>
      %gather3A_358 = tpu.vector_load_idx %arg9[%add3A_357] : memref<25600xf32, #tpu.memory_space<vmem>>[vector<16xi32>], vector<16xf32>,
      %add3A_359 = arith.addf %add3A_337, %gather3A_358 : vector<16xf32>
      %mul3A_360 = arith.constant 16 : i32
      %mul3A_361 = arith.muli %scan3A_94, %mul3A_360 : i32
      %get3A_362 = arith.constant 49 : i32
      %get3A_363 = arith.index_cast %get3A_362 : i32 to index
      %get3A_364 = arith.index_cast %mul3A_361 : i32 to index
      %get3A_365 = tpu.vector_load %arg10[%get3A_363, %get3A_364] {strides = array<i32>} : memref<50x512xi32, #tpu.memory_space<vmem>>, vector<16xi32>,
      %add3A_366 = arith.constant 24576 : i32
      %add3A_367 = vector.broadcast %add3A_366 : i32 to vector<16xi32>
      %add3A_368 = arith.addi %get3A_365, %add3A_367 : vector<16xi32>
      %gather3A_369 = tpu.vector_load_idx %arg9[%add3A_368] : memref<25600xf32, #tpu.memory_space<vmem>>[vector<16xi32>], vector<16xf32>,
      %add3A_370 = arith.addf %add3A_348, %gather3A_369 : vector<16xf32>
      %add3A_371 = arith.addf %add3A_370, %add3A_359 : vector<16xf32>
      %mul3A_372 = arith.constant 16 : i32
      %mul3A_373 = arith.muli %scan3A_94, %mul3A_372 : i32
      %get3A_374 = arith.index_cast %mul3A_373 : i32 to index
      %get3A_375 = tpu.vector_load %arg12[%get3A_374] {strides = array<i32>} : memref<512xf32, #tpu.memory_space<vmem>>, vector<16xf32>,
      %add3A_376 = arith.addf %get3A_375, %add3A_371 : vector<16xf32>
      %swap3A = arith.index_cast %mul3A_373 : i32 to index
      %swap3A_377 = tpu.vector_load %arg12[%swap3A] {strides = array<i32>} : memref<512xf32, #tpu.memory_space<vmem>>, vector<16xf32>,
      tpu.vector_store %arg12[%swap3A], %add3A_376 {strides = array<i32>} : memref<512xf32, #tpu.memory_space<vmem>>, vector<16xf32>,
    }
    %scan3A_93 = arith.constant 32 : i32
    "tpu.region"() ({
      %run_scoped3A = tpu.sem_alloc : memref<!tpu.dma_semaphore, #tpu.memory_space<semaphore_mem>>
      %dma_start3A_94 = tpu.memref_slice %arg8[%mul3A_2] : memref<16384xf32, #tpu.memory_space<hbm>> -> memref<512xf32, #tpu.memory_space<hbm>>
      %dma_start3A_95 = tpu.memref_slice %arg8[%mul3A_2] : memref<16384xf32, #tpu.memory_space<hbm>> -> memref<512xf32, #tpu.memory_space<hbm>>
      tpu.enqueue_dma source(%arg12 : memref<512xf32, #tpu.memory_space<vmem>>) target(%dma_start3A_95 : memref<512xf32, #tpu.memory_space<hbm>>) target_semaphore(%run_scoped3A : memref<!tpu.dma_semaphore, #tpu.memory_space<semaphore_mem>>)
      %dma_wait3A_96 = tpu.memref_slice %arg8[%mul3A_2] : memref<16384xf32, #tpu.memory_space<hbm>> -> memref<512xf32, #tpu.memory_space<hbm>>
      %dma_wait3A_97 = tpu.memref_slice %arg8[%mul3A_2] : memref<16384xf32, #tpu.memory_space<hbm>> -> memref<512xf32, #tpu.memory_space<hbm>>
      tpu.wait_dma2 semaphore(%run_scoped3A : memref<!tpu.dma_semaphore, #tpu.memory_space<semaphore_mem>>) src(%arg12 : memref<512xf32, #tpu.memory_space<vmem>>) dst(%dma_wait3A_97 : memref<512xf32, #tpu.memory_space<hbm>>)
      tpu.yield
    }) : () -> ()
    return
  }
}

module attributes {stable_mosaic.version = 14 : i64} {
  func.func @_s_body(%arg0: memref<250x10xf32, #tpu.memory_space<vmem>>, %arg1: memref<10x1024xf32, #tpu.memory_space<vmem>>, %arg2: memref<1x1xf32, #tpu.memory_space<vmem>>, %arg3: memref<250x1024xf32, #tpu.memory_space<vmem>>) attributes {dimension_semantics = [], scalar_prefetch = 0 : i64, scratch_operands = 0 : i64, tpu.core_type = #tpu.core_type<tc>} {
    %get3A = arith.constant 0 : index
    %get3A_0 = arith.constant 0 : index
    %get3A_1 = vector.load %arg0[%get3A, %get3A_0] : memref<250x10xf32, #tpu.memory_space<vmem>>, vector<250x10xf32>
    %get3A_2 = arith.constant 0 : index
    %get3A_3 = arith.constant 0 : index
    %get3A_4 = vector.load %arg1[%get3A_2, %get3A_3] : memref<10x1024xf32, #tpu.memory_space<vmem>>, vector<10x1024xf32>
    %dot_general3A = arith.constant dense<0.000000e+00> : vector<250x1024xf32>
    %dot_general3A_5 = tpu.matmul %get3A_1, %get3A_4, %dot_general3A {dimension_numbers = #tpu.dot_dimension_numbers<[1], [0], [0], [1], [0, 0, 1, 1], [], []>, transpose_lhs_hint = false} : vector<250x10xf32>, vector<10x1024xf32>, vector<250x1024xf32> -> vector<250x1024xf32>
    %get3A_6 = arith.constant 0 : index
    %get3A_7 = arith.constant 0 : index
    %get3A_8 = vector.load %arg2[%get3A_6, %get3A_7] : memref<1x1xf32, #tpu.memory_space<vmem>>, vector<1x1xf32>
    %get3A_9 = vector.extract %get3A_8[0, 0] : f32 from vector<1x1xf32>
    %mul3A = arith.constant 4.000000e-03 : f32
    %mul3A_10 = arith.mulf %get3A_9, %mul3A : f32
    %add3A = vector.broadcast %mul3A_10 : f32 to vector<250x1024xf32>
    %add3A_11 = arith.addf %dot_general3A_5, %add3A : vector<250x1024xf32>
    %swap3A = arith.constant 0 : index
    %swap3A_12 = arith.constant 0 : index
    %swap3A_13 = vector.load %arg3[%swap3A, %swap3A_12] : memref<250x1024xf32, #tpu.memory_space<vmem>>, vector<250x1024xf32>
    tpu.vector_store %arg3[%swap3A, %swap3A_12], %add3A_11 {strides = array<i32>} : memref<250x1024xf32, #tpu.memory_space<vmem>>, vector<250x1024xf32>,
    return
  }
}

</mosaic_0001>

<sc_bundles>
// kernel: kernel.4.cloned.1.call-start
scs
__scs_entry_jumppad:
0x0: {  	(pc) =	sbr.rel $0x88, $3  }
0x1: {  	(tag) =	ssettag $0x0;
	lr =	simm.s32 $0x1  }
0x2: {  	[smem:$0x3F99] =	sst lr;
	_ =	strace $0xD0000000  }
0x3: {  	_ = 	snop  }
0x4: {  	_ = 	snop  }
0x5: {  	_ = 	snop  }
0x6: {  	_ = 	snop  }
0x7: {  	_ = 	snop  }
__scs_overlays_trampoline_lowered:
0x8: {  	[smem:$0x3FA8] =	sst s0  }
0x9: {  	[smem:$0x3FA9] =	sst s1  }
0xa: {  	[smem:$0x3FAA] =	sst s2  }
0xb: {  	[smem:$0x3FAB] =	sst s3  }
0xc: {  	[smem:$0x3FAC] =	sst s4  }
0xd: {  	[smem:$0x3FAD] =	sst s5  }
0xe: {  	[smem:$0x3FAE] =	sst s6  }
0xf: {  	[smem:$0x3FAF] =	sst s7  }
0x10: {  	[smem:$0x3FB0] =	sst s8  }
0x11: {  	[smem:$0x3FB1] =	sst s9;
	s0 =	simm.s32 @!p0 $0x0  }
0x12: {  	s1 =	sld [smem:$0x3F97];
	s0 =	simm.s32 @p0 $0x1  }
0x13: {  	[smem:$0x3FB2] =	sst s0;
	s0 =	simm.s32 @!p1 $0x0  }
0x14: {  	s2 =	sld [smem:$0x3F96];
	s0 =	simm.s32 @p1 $0x1  }
0x15: {  	[smem:$0x3FB3] =	sst s0;
	s0 =	simm.s32 @!p2 $0x0  }
0x16: {  	s3 =	sld [smem:$0x3FDB];
	s0 =	simm.s32 @p2 $0x1  }
0x17: {  	s4 =	simm.s32 $0x1BF5;
	[smem:$0x3FB5] =	sst s0  }
0x18: {  	s0 =	sld [smem:$0x3F98];
	_ =	swait.ge [sflag:s4], $0x0  }
0x19: {  	s7 =	sld [smem:$0x3F99]  }
0x1a: {  	s8 =	sadd.s32 $0xFFFFE003, lr  }
0x1b: {  	s9 =	sadd.s32 $0xFFFFFEF7, lr;
	s5 =	simm.s32 $0xFFFFFFFF;
	p2 =	slt.u32 s8, $0xFFFFF086  }
0x1c: {  	p1 =	slt.u32 s9, $0xF7A;
	s5 =	simm.s32 @!p2 $0x0  }
0x1d: {  	s5 =	simm.s32 @p1 $0x1;
	p0 =	seq.s32 s7, s2  }
0x1e: {  	s7 =	smul.u32 @!p0 $0xF7A, s2;
	p2 =	seq.s32 @!p0 s5, $0x0  }
0x1f: {  	s9 =	smul.u32 $0xF7A, s1;
	s8 =	simm.s32 @!p0 $0x1BF5;
	p2 =	por !p2, p0  }
0x20: {  	[sflag:s8] =	ssyncset.s32 @!p0 $0xFFFFF086;
	s6 =	sadd.s32 @!p0 s3, s7;
	s7 =	simm.s32 @!p0 $0x108  }
0x21: {  	s3 =	sadd.s32 s3, s9;
	s6 =	sadd.s32 @!p0 $0x88, s6;
	s7 =	simm.s32 @p2 $0x1082  }
0x22: {  	[simem:s7], [sflag:s8] =	dma.local @!p0 [hbm:s6], $0xF7A  }
0x23: {  	s9 =	sor.u32 $0xD0000000, s2;
	s6 =	simm.s32 $0x108;
	_ =	swait.ge @!p0 [sflag:s8], $0x0  }
0x24: {  	s3 =	sadd.s32 $0x88, s3;
	s6 =	simm.s32 @!p1 $0x1082;
	[sflag:s4] =	ssyncset.s32 $0xFFFFF086  }
0x25: {  	[simem:s6], [sflag:s4] =	dma.local [hbm:s3], $0xF7A  }
0x26: {  	[smem:$0x3F99] =	sst s1;
	(tag) =	ssettag s2;
	_ =	strace s9  }
0x27: {  	s1 =	sld [smem:$0x3FA9]  }
0x28: {  	s2 =	sld [smem:$0x3FAA]  }
0x29: {  	s4 =	sld [smem:$0x3FAC]  }
0x2a: {  	p0 =	seq.s32 s5, $0x0;
	s5 =	sld [smem:$0x3FAD]  }
0x2b: {  	s6 =	sld [smem:$0x3FAE]  }
0x2c: {  	s7 =	sld [smem:$0x3FAF]  }
0x2d: {  	s3 =	simm.s32 $0x108;
	s8 =	sld [smem:$0x3FB0]  }
0x2e: {  	s3 =	simm.s32 @!p0 $0x1082;
	s9 =	sld [smem:$0x3FB1]  }
0x2f: {  	lr =	sadd.s32 s0, s3;
	s0 =	sld [smem:$0x3FA8]  }
0x30: {  	s3 =	sld [smem:$0x3FAB]  }
0x31: {  	[smem:$0x3FB4] =	sst s10  }
0x32: {  	s10 =	sld [smem:$0x3FB2];
	_ =	sdelay $0x3  }
0x33: {  	p0 =	seq.s32 s10, $0x1;
	s10 =	sld [smem:$0x3FB4];
	_ =	sdelay $0x3  }
0x34: {  	[smem:$0x3FB4] =	sst s10  }
0x35: {  	s10 =	sld [smem:$0x3FB3];
	_ =	sdelay $0x3  }
0x36: {  	p1 =	seq.s32 s10, $0x1;
	s10 =	sld [smem:$0x3FB4];
	_ =	sdelay $0x3  }
0x37: {  	[smem:$0x3FB4] =	sst s10  }
0x38: {  	s10 =	sld [smem:$0x3FB5]  }
0x39: {  	_ = 	snop;
	(pc) =	sbr.ind lr, $3  }
0x3a: {  	_ = 	snop  }
0x3b: {  	_ = 	snop  }
0x3c: {  	p2 =	seq.s32 s10, $0x1;
	s10 =	sld [smem:$0x3FB4]  }
0x3d: {  	_ =	shalt  }
0x3e: {  	_ =	shalt  }
0x3f: {  	_ =	shalt  }
0x40: {  	_ =	shalt  }
0x41: {  	_ =	shalt  }
0x42: {  	_ =	shalt  }
0x43: {  	_ =	shalt  }
0x44: {  	_ =	shalt  }
0x45: {  	_ =	shalt  }
0x46: {  	_ =	shalt  }
0x47: {  	_ =	shalt  }
0x48: {  	_ =	shalt  }
0x49: {  	_ =	shalt  }
0x4a: {  	_ =	shalt  }
0x4b: {  	_ =	shalt  }
0x4c: {  	_ =	shalt  }
0x4d: {  	_ =	shalt  }
0x4e: {  	_ =	shalt  }
0x4f: {  	_ =	shalt  }
0x50: {  	_ =	shalt  }
0x51: {  	_ =	shalt  }
0x52: {  	_ =	shalt  }
0x53: {  	_ =	shalt  }
0x54: {  	_ =	shalt  }
0x55: {  	_ =	shalt  }
0x56: {  	_ =	shalt  }
0x57: {  	_ =	shalt  }
0x58: {  	_ =	shalt  }
0x59: {  	_ =	shalt  }
0x5a: {  	_ =	shalt  }
0x5b: {  	_ =	shalt  }
0x5c: {  	_ =	shalt  }
0x5d: {  	_ =	shalt  }
0x5e: {  	_ =	shalt  }
0x5f: {  	_ =	shalt  }
0x60: {  	_ =	shalt  }
0x61: {  	_ =	shalt  }
0x62: {  	_ =	shalt  }
0x63: {  	_ =	shalt  }
0x64: {  	_ =	shalt  }
0x65: {  	_ =	shalt  }
0x66: {  	_ =	shalt  }
0x67: {  	_ =	shalt  }
0x68: {  	_ =	shalt  }
0x69: {  	_ =	shalt  }
0x6a: {  	_ =	shalt  }
0x6b: {  	_ =	shalt  }
0x6c: {  	_ =	shalt  }
0x6d: {  	_ =	shalt  }
0x6e: {  	_ =	shalt  }
0x6f: {  	_ =	shalt  }
0x70: {  	_ =	shalt  }
0x71: {  	_ =	shalt  }
0x72: {  	_ =	shalt  }
0x73: {  	_ =	shalt  }
0x74: {  	_ =	shalt  }
0x75: {  	_ =	shalt  }
0x76: {  	_ =	shalt  }
0x77: {  	_ =	shalt  }
0x78: {  	_ =	shalt  }
0x79: {  	_ =	shalt  }
0x7a: {  	_ =	shalt  }
0x7b: {  	_ =	shalt  }
0x7c: {  	_ =	shalt  }
0x7d: {  	_ =	shalt  }
0x7e: {  	_ =	shalt  }
0x7f: {  	_ =	shalt  }
0x80: {  	_ =	shalt  }
0x81: {  	_ =	shalt  }
0x82: {  	_ =	shalt  }
0x83: {  	_ =	shalt  }
0x84: {  	_ =	shalt  }
0x85: {  	_ =	shalt  }
0x86: {  	_ =	shalt  }
0x87: {  	_ =	shalt  }
.Lfunc_end0:
.L_simem_size_0:
called_computation_lowered:
.L_overlay_start_0:
0x88: {  	s2 =	sld [smem:$0x3FD9]  }
0x89: {  	s3 =	sld [smem:$0x3FFE];
	_ =	sdelay $0x1  }
0x8a: {  	s1 =	srdreg.scid  }
0x8b: {  	s0 =	sand.u32 $0x1, s1  }
0x8c: {  	s17 =	sshll.u32 s0, $0xA;
	s2 =	sadd.s32 s3, s2  }
0x8d: {  	s2 =	sadd.s32 s2, s17  }
0x8e: {  	[smem:$0x3FC0] =	sst s2  }
0x8f: {  	_ = 	snop  }
0x90: {  	s2 =	sld [smem:$0x3FC9]  }
0x91: {  	s18 =	sld [smem:$0x3FC8]  }
0x92: {  	s4 =	sld [smem:$0x3FC7]  }
0x93: {  	s5 =	sld [smem:$0x3FC6]  }
0x94: {  	s6 =	sld [smem:$0x3FC5]  }
0x95: {  	s7 =	sld [smem:$0x3FD0];
	(tm) =	ssettm $0x1  }
0x96: {  	s8 =	sld [smem:$0x3FFB];
	_ =	sdelay $0x3  }
0x97: {  	_ =	strace s8  }
0x98: {  	s8 =	sld [smem:$0x3FFC];
	_ =	sdelay $0x3  }
0x99: {  	_ =	strace s8  }
0x9a: {  	s8 =	sld [smem:$0x3FFD];
	_ =	sdelay $0x3  }
0x9b: {  	_ =	strace s8  }
0x9c: {  	_ =	strace $0x8FFFFFFF  }
0x9d: {  	s19 =	sld [smem:$0x3FDB];
	_ =	sdelay $0x1  }
0x9e: {  	s9 =	simm.s32 $_scs_section_size  }
0x9f: {  	s10 =	simm.s32 $_size__tile_overlayer_lowered;
	s11 =	simm.s32 $_tile_overlayer_lowered  }
0xa0: {  	s22 =	simm.s32 $0x1BFF;
	s21 =	sshll.u32 s11, $0x1;
	s8 =	sadd.s32 s9, s19  }
0xa1: {  	s12 =	simm.s32 $0x0;
	s20 =	sshll.u32 s10, $0x1;
	s10 =	sadd.s32 s21, s8  }
0xa2: {  	[timem:s12], [sflag:s22] =	dma.local [hbm:s10], s20  }
0xa3: {  	_ =	swait.ge [sflag:s22], s20  }
0xa4: {  	s9 =	ssub.s32 $0x0, s20;
	[sflag:s22] =	ssyncset.done $0x0  }
0xa5: {  	[sflag:s22] =	ssyncadd.s32 s9;
	_ =	sdelay $0x1  }
0xa6: {  	s23 =	simm.s32 $0x1B8B  }
0xa7: {  	_ =	swait.ge [sflag:s23], $0x1  }
0xa8: {  	[sflag:s23] =	ssyncset.done $0x0  }
0xa9: {  	s25 =	simm.s32 $0x1B8E;
	s24 =	sld [smem:$0x3FFE];
	[sflag:s23] =	ssyncadd.s32 $0xFFFFFFFF  }
0xaa: {  	s26 =	simm.s32 $execute0_lowered;
	[smem:$0x3FD2] =	sst s25  }
0xab: {  	s10 =	sshll.u32 s26, $0x1;
	_ =	strace $0x80000046;
	[dreg:$0x1] =	wrdreg $0xFFFFFFFF  }
0xac: {  	s28 =	simm.s32 $_size_execute0_lowered;
	s8 =	sadd.s32 s8, s10;
	[dreg:$0x0] =	wrdreg $0x0  }
0xad: {  	s10 =	sshll.u32 s28, $0x1;
	[dreg:$0x2] =	wrdreg s8  }
0xae: {  	[dreg:$0x3] =	wrdreg s10  }
0xaf: {  	[dreg:$0x4] =	wrdreg $0xC0  }
0xb0: {  	_ =	task [dreg:s12], $0x5FFFF  }
0xb1: {  	[dreg:$0x1] =	wrdreg $0xFFFFFFFF  }
0xb2: {  	[dreg:$0x0] =	wrdreg $0x60  }
0xb3: {  	[dreg:$0x2] =	wrdreg s2  }
0xb4: {  	[dreg:$0x3] =	wrdreg s18  }
0xb5: {  	[dreg:$0x4] =	wrdreg s4  }
0xb6: {  	[dreg:$0x5] =	wrdreg s5  }
0xb7: {  	[dreg:$0x6] =	wrdreg s6  }
0xb8: {  	[dreg:$0x7] =	wrdreg s24  }
0xb9: {  	[dreg:$0x8] =	wrdreg s7  }
0xba: {  	[dreg:$0x9] =	wrdreg $0x146000  }
0xbb: {  	[dreg:$0xa] =	wrdreg $0x9  }
0xbc: {  	_ =	task.clear_ibuf [dreg:s12], $0xBFFFF;
	_ =	strace $0x90000046  }
0xbd: {  	s29 =	simm.s32 $0x9;
	_ =	strace $0x80000048  }
0xbe: {  	_ =	swait.ge [sflag:s29], $0x1  }
0xbf: {  	[sflag:s29] =	ssyncadd.s32 $0xFFFFFFFF  }
0xc0: {  	_ =	strace $0x90000048  }
0xc1: {  	_ =	sfence  }
0xc2: {  	s30 =	sld [smem:$0x0];
	_ =	sdelay $0x2  }
0xc3: {  	s31 =	sshll.u32 s1, $0xD;
	s1 =	sshrl.u32 s1, $0x2  }
0xc4: {  	s3 =	sand.u32 $0x4000, s31;
	s1 =	sadd.s32 s1, s30  }
0xc5: {  	s0 =	sor.u32 s3, s0;
	s1 =	sshll.u32 s1, $0x11  }
0xc6: {  	s0 =	sor.u32 s1, s0  }
0xc7: {  	s0 =	sadd.s32 $0x8F2B, s0  }
0xc8: {  	[sflag:s0] =	ssyncadd.remote.s32 $0x1  }
0xc9: {  	_ =	sfence.sel $0xFFFF  }
0xca: {  	[dreg:$0x0] =	wrdreg $0xFFFFFFFF;
	(pc) =	sbr.abs _section_cstart, $3  }
0xcb: {  	[dreg:$0x1] =	wrdreg $0xFFFFFFFF  }
0xcc: {  	_ =	task.clear_ibuf [dreg:s12], $0x2FFFF;
	_ =	strace $0x9FFFFFFF  }
0xcd: {  	(tm) =	ssettm $0x7FFFFFFF  }
tec
execute0_lowered:
.L_overlay_start_1:
0x0: {  	(tag) =	ssettag $0x1  }
0x1: {  	s0 =	rddreg [dreg:$0x0]  }
0x2: {  	s1 =	rddreg [dreg:$0x1]  }
0x3: {  	s2 =	rddreg [dreg:$0x2]  }
0x4: {  	s12 =	rddreg [dreg:$0x3]  }
0x5: {  	s15 =	rddreg [dreg:$0x4]  }
0x6: {  	s5 =	rddreg [dreg:$0x5]  }
0x7: {  	s20 =	rddreg [dreg:$0x6]  }
0x8: {  	s19 =	rddreg [dreg:$0x7]  }
0x9: {  	s4 =	srdreg.scid;
	s3 =	simm.s32 $0x0;
	s10 =	stileid.u32  }
0xa: {  	s23 =	simm.s32 $0x20000;
	s24 =	simm.s32 $0x6400;
	s29 =	simm.s32 $0x1  }
0xb: {  	s30 =	simm.s32 $0x2;
	s4 =	sand.u32 $0x1, s4;
	[smem:$0x7FF] =	sst s3  }
0xc: {  	s7 =	sshll.u32 s10, $0xA;
	s8 =	smul.u32 $0x3E80, s10;
	s28 =	sshll.u32 s10, $0x6  }
0xd: {  	s10 =	sadd.s32 $0xC800, s19;
	s11 =	sadd.s32 $0x12C00, s19;
	s13 =	sadd.s32 $0x19000, s19  }
0xe: {  	s14 =	sadd.s32 $0x1F400, s19;
	s16 =	sadd.s32 $0x25800, s19;
	s17 =	sadd.s32 $0x2BC00, s19  }
0xf: {  	s18 =	sadd.s32 $0x32000, s19;
	s6 =	ssub.s32 $0x2, s4;
	s4 =	sshll.u32 s4, $0x9  }
0x10: {  	_ =	strace $0x80000047;
	s9 =	sshrl.u32 s6, $0x1;
	s21 =	sor.u32 s4, s7  }
0x11: {  	s26 =	sshrl.u32 s8, $0x3;
	s25 =	sadd.s32 s8, s19;
	s8 =	sadd.s32 $0x6400, s19  }
0x12: {  	s19 =	sadd.s32 $0x38400, s19;
	s4 =	simm.s32 $0x14400;
	s22 =	ssub.s32 s6, s9  }
0x13: {  	s0 =	sadd.s32 s0, s21;
	s5 =	sadd.s32 s5, s26;
	s6 =	sor.u32 $0x1C03, s28  }
0x14: {  	s7 =	sadd.s32 s1, s21;
	s9 =	sadd.s32 s2, s21;
	s12 =	sadd.s32 s12, s21  }
0x15: {  	s15 =	sadd.s32 s15, s21;
	s31 =	sshrl.u32 s21, $0x3;
	s25 =	sshrl.u32 s25, $0x3  }
0x16: {  	s26 =	simm.s32 $0x3;
	[dreg:$0x9] =	wrdreg s0;
	s20 =	sadd.s32 s20, s31  }
0x17: {  	s21 =	smax.u32 s22, $0x1;
	s22 =	simm.s32 $0x1000;
	s0 =	simm.s32 $0x0  }
.LBB2_1:
0x18: {  	s1 =	rddreg [dreg:$0x9]  }
0x19: {  	[tilespmem:s24], [sflag:$0x1] =	stream.strided.gather [hbm4b:s1+s22], $0x7000, s23, s22, $0x38;
	[tilespmem:$0x18480] =	vst v63  }
0x1a: {  	[spmem:s25], [sflag:s6] =	dma.local [hbm:s5], $0x7D0  }
0x1b: {  	_ =	swait.ge [sflag:s26], $0x7D0  }
0x1c: {  	[sflag:s26] =	ssyncset.done $0x0  }
0x1d: {  	[sflag:s26] =	ssyncadd.s32 $0xFFFFF830  }
0x1e: {  	s2 =	simm.s32 $0xD400;
	[bflag:$0x0] =	sbarrier.arrive $0xFFFF  }
0x1f: {  	[tilespmem:s2], [sflag:$0x2] =	stream.strided.gather [hbm4b:s7+s22], $0x7000, s23, s22, $0x38;
	[tilespmem:$0x18480] =	vst v63  }
0x20: {  	_ =	swait.ge [sflag:s29], $0x7000  }
0x21: {  	[sflag:s29] =	ssyncset.done $0x0  }
0x22: {  	[sflag:s29] =	ssyncadd.s32 $0xFFFF9000  }
0x23: {  	s2 =	rddreg [dreg:$0x7]  }
0x24: {  	[tilespmem:s3], [sflag:$0x3] =	stream.linear.gather [spmem:s2], $0x6400, $0x38;
	[tilespmem:$0x18480] =	vst v63  }
0x25: {  	_ =	swait.ge [sflag:s26], $0x6400  }
0x26: {  	s1 =	sand.u32 $0x70, s3;
	s2 =	sand.u32 $0xC00, s3;
	[sflag:s26] =	ssyncset.done $0x0  }
0x27: {  	s1 =	sor.u32 s1, s2;
	[sflag:s26] =	ssyncadd.s32 $0xFFFF9C00  }
0x28: {  	v0 =	vld [tilespmem:s1+$0x8780]  }
0x29: {  	v1 =	vld [tilespmem:s1+$0x9400]  }
0x2a: {  	v2 =	vld [tilespmem:s1+$0x8680]  }
0x2b: {  	v3 =	vld [tilespmem:s1+$0x8700]  }
0x2c: {  	v4 =	vld [tilespmem:s1+$0x8580]  }
0x2d: {  	v5 =	vld [tilespmem:s1+$0x8600]  }
0x2e: {  	v6 =	vld [tilespmem:s1+$0x8480]  }
0x2f: {  	v7 =	vld [tilespmem:s1+$0x8500]  }
0x30: {  	v8 =	vld [tilespmem:s1+$0x7780]  }
0x31: {  	v9 =	vld [tilespmem:s1+$0x8400]  }
0x32: {  	v10 =	vld [tilespmem:s1+$0x7680]  }
0x33: {  	v11 =	vld [tilespmem:s1+$0x7700]  }
0x34: {  	v12 =	vld [tilespmem:s1+$0x7580]  }
0x35: {  	v13 =	vld [tilespmem:s1+$0x7600]  }
0x36: {  	v14 =	vld [tilespmem:s1+$0x7480]  }
0x37: {  	v15 =	vld [tilespmem:s1+$0x6480]  }
0x38: {  	v16 =	vld [tilespmem:s1+$0x6400]  }
0x39: {  	v17 =	vld [tilespmem:s1+$0x6500]  }
0x3a: {  	v18 =	vld [tilespmem:s1+$0x6580]  }
0x3b: {  	v19 =	vld [tilespmem:s1+$0x6600]  }
0x3c: {  	v20 =	vld [tilespmem:s1+$0x6680]  }
0x3d: {  	v21 =	vld [tilespmem:s1+$0x6700];
	v15 =	vadd.s32 $0x400, v15  }
0x3e: {  	v22 =	vld [tilespmem:s1+$0x6780];
	v17 =	vadd.s32 $0x800, v17  }
0x3f: {  	v23 =	vld [tilespmem:s1+$0x7400];
	v18 =	vadd.s32 $0xC00, v18  }
0x40: {  	v24 =	vld [tilespmem:s1+$0x7500];
	v19 =	vadd.s32 $0x1000, v19  }
0x41: {  	v20 =	vadd.s32 $0x1400, v20;
	v16 =	vld.idx.msk [tilespmem:v16+s3+$0x0], $0xffff  }
0x42: {  	v21 =	vadd.s32 $0x1800, v21;
	v15 =	vld.idx.msk [tilespmem:v15+s3+$0x0], $0xffff  }
0x43: {  	v22 =	vadd.s32 $0x1C00, v22;
	v17 =	vld.idx.msk [tilespmem:v17+s3+$0x0], $0xffff  }
0x44: {  	v23 =	vadd.s32 $0x2000, v23;
	v18 =	vld.idx.msk [tilespmem:v18+s3+$0x0], $0xffff  }
0x45: {  	v14 =	vadd.s32 $0x2400, v14;
	v19 =	vld.idx.msk [tilespmem:v19+s3+$0x0], $0xffff  }
0x46: {  	v24 =	vadd.s32 $0x2800, v24;
	v20 =	vld.idx.msk [tilespmem:v20+s3+$0x0], $0xffff;
	v16 =	vadd.f32 $0.0e+00, v16  }
0x47: {  	v12 =	vadd.s32 $0x2C00, v12;
	v21 =	vld.idx.msk [tilespmem:v21+s3+$0x0], $0xffff  }
0x48: {  	v13 =	vadd.s32 $0x3000, v13;
	v22 =	vld.idx.msk [tilespmem:v22+s3+$0x0], $0xffff;
	v15 =	vadd.f32 $0.0e+00, v15;
	v16 =	vadd.f32 v17, v16  }
0x49: {  	v10 =	vadd.s32 $0x3400, v10;
	v17 =	vld.idx.msk [tilespmem:v23+s3+$0x0], $0xffff  }
0x4a: {  	v11 =	vadd.s32 $0x3800, v11;
	v14 =	vld.idx.msk [tilespmem:v14+s3+$0x0], $0xffff;
	v15 =	vadd.f32 v18, v15;
	v16 =	vadd.f32 v19, v16  }
0x4b: {  	v8 =	vadd.s32 $0x3C00, v8;
	v63 =	vld.idx.msk [tilespmem:v24+s3+$0x0], $0xffff  }
0x4c: {  	v9 =	vadd.s32 $0x4000, v9;
	v12 =	vld.idx.msk [tilespmem:v12+s3+$0x0], $0xffff;
	v15 =	vadd.f32 v20, v15;
	v16 =	vadd.f32 v21, v16  }
0x4d: {  	v6 =	vadd.s32 $0x4400, v6;
	v13 =	vld.idx.msk [tilespmem:v13+s3+$0x0], $0xffff  }
0x4e: {  	v7 =	vadd.s32 $0x4800, v7;
	v10 =	vld.idx.msk [tilespmem:v10+s3+$0x0], $0xffff;
	v15 =	vadd.f32 v22, v15;
	v16 =	vadd.f32 v17, v16  }
0x4f: {  	v4 =	vadd.s32 $0x4C00, v4;
	v11 =	vld.idx.msk [tilespmem:v11+s3+$0x0], $0xffff  }
0x50: {  	v5 =	vadd.s32 $0x5000, v5;
	v8 =	vld.idx.msk [tilespmem:v8+s3+$0x0], $0xffff;
	v14 =	vadd.f32 v14, v15;
	v15 =	vadd.f32 v63, v16  }
0x51: {  	v2 =	vadd.s32 $0x5400, v2;
	v9 =	vld.idx.msk [tilespmem:v9+s3+$0x0], $0xffff  }
0x52: {  	v3 =	vadd.s32 $0x5800, v3;
	v6 =	vld.idx.msk [tilespmem:v6+s3+$0x0], $0xffff;
	v12 =	vadd.f32 v12, v14;
	v13 =	vadd.f32 v13, v15  }
0x53: {  	v0 =	vadd.s32 $0x5C00, v0;
	v7 =	vld.idx.msk [tilespmem:v7+s3+$0x0], $0xffff  }
0x54: {  	v1 =	vadd.s32 $0x6000, v1;
	v4 =	vld.idx.msk [tilespmem:v4+s3+$0x0], $0xffff;
	v10 =	vadd.f32 v10, v12;
	v11 =	vadd.f32 v11, v13  }
0x55: {  	v5 =	vld.idx.msk [tilespmem:v5+s3+$0x0], $0xffff  }
0x56: {  	v2 =	vld.idx.msk [tilespmem:v2+s3+$0x0], $0xffff;
	v8 =	vadd.f32 v8, v10;
	v9 =	vadd.f32 v9, v11  }
0x57: {  	v3 =	vld.idx.msk [tilespmem:v3+s3+$0x0], $0xffff  }
0x58: {  	v0 =	vld.idx.msk [tilespmem:v0+s3+$0x0], $0xffff;
	v6 =	vadd.f32 v6, v8;
	v7 =	vadd.f32 v7, v9  }
0x59: {  	v1 =	vld.idx.msk [tilespmem:v1+s3+$0x0], $0xffff  }
0x5a: {  	v4 =	vadd.f32 v4, v6;
	v5 =	vadd.f32 v5, v7;
	_ =	sdelay $0x1  }
0x5b: {  	v2 =	vadd.f32 v2, v4;
	v3 =	vadd.f32 v3, v5;
	_ =	sdelay $0x1  }
0x5c: {  	v0 =	vadd.f32 v0, v2;
	v1 =	vadd.f32 v1, v3;
	_ =	sdelay $0x1  }
0x5d: {  	s2 =	simm.s32 $0x10;
	s1 =	simm.s32 $0x80;
	v0 =	vadd.f32 v1, v0  }
0x5e: {  	s2 =	sand.u32 $0x70, s2;
	s28 =	sand.u32 $0xC00, s1  }
0x5f: {  	s31 =	sor.u32 s2, s28;
	[tilespmem:s4+$0x0] =	vst v0  }
0x60: {  	v1 =	vld [tilespmem:s31+$0x8780]  }
0x61: {  	v0 =	vld [tilespmem:s31+$0x9400]  }
0x62: {  	v3 =	vld [tilespmem:s31+$0x8680]  }
0x63: {  	v2 =	vld [tilespmem:s31+$0x8700]  }
0x64: {  	v5 =	vld [tilespmem:s31+$0x8580]  }
0x65: {  	v4 =	vld [tilespmem:s31+$0x8600]  }
0x66: {  	v7 =	vld [tilespmem:s31+$0x8480]  }
0x67: {  	v6 =	vld [tilespmem:s31+$0x8500]  }
0x68: {  	v9 =	vld [tilespmem:s31+$0x7780]  }
0x69: {  	v8 =	vld [tilespmem:s31+$0x8400]  }
0x6a: {  	v11 =	vld [tilespmem:s31+$0x7680]  }
0x6b: {  	v10 =	vld [tilespmem:s31+$0x7700]  }
0x6c: {  	v13 =	vld [tilespmem:s31+$0x7580]  }
0x6d: {  	v12 =	vld [tilespmem:s31+$0x7600]  }
0x6e: {  	v14 =	vld [tilespmem:s31+$0x7480]  }
0x6f: {  	s28 =	simm.s32 $0x20;
	s2 =	simm.s32 $0x14400;
	v15 =	vld [tilespmem:s31+$0x6480]  }
.LBB2_2:
0x70: {  	p0 =	sne.s32 s28, $0x1F0;
	v16 =	vld [tilespmem:s31+$0x6400]  }
0x71: {  	v17 =	vld [tilespmem:s31+$0x6500]  }
0x72: {  	v18 =	vld [tilespmem:s31+$0x6580]  }
0x73: {  	v19 =	vld [tilespmem:s31+$0x6600]  }
0x74: {  	v20 =	vld [tilespmem:s31+$0x6680]  }
0x75: {  	v15 =	vadd.s32 $0x400, v15;
	v21 =	vld [tilespmem:s31+$0x6700]  }
0x76: {  	v17 =	vadd.s32 $0x800, v17;
	v22 =	vld [tilespmem:s31+$0x6780]  }
0x77: {  	v18 =	vadd.s32 $0xC00, v18;
	v23 =	vld [tilespmem:s31+$0x7400]  }
0x78: {  	v19 =	vadd.s32 $0x1000, v19;
	v24 =	vld [tilespmem:s31+$0x7500]  }
0x79: {  	v16 =	vld.idx.msk [tilespmem:v16+s3+$0x0], $0xffff;
	v20 =	vadd.s32 $0x1400, v20  }
0x7a: {  	v15 =	vld.idx.msk [tilespmem:v15+s3+$0x0], $0xffff;
	v21 =	vadd.s32 $0x1800, v21  }
0x7b: {  	v17 =	vld.idx.msk [tilespmem:v17+s3+$0x0], $0xffff;
	v22 =	vadd.s32 $0x1C00, v22  }
0x7c: {  	v18 =	vld.idx.msk [tilespmem:v18+s3+$0x0], $0xffff;
	v23 =	vadd.s32 $0x2000, v23  }
0x7d: {  	v14 =	vadd.s32 $0x2400, v14;
	v19 =	vld.idx.msk [tilespmem:v19+s3+$0x0], $0xffff  }
0x7e: {  	v24 =	vadd.s32 $0x2800, v24;
	v20 =	vld.idx.msk [tilespmem:v20+s3+$0x0], $0xffff  }
0x7f: {  	v13 =	vadd.s32 $0x2C00, v13;
	v16 =	vadd.f32 $0.0e+00, v16;
	v21 =	vld.idx.msk [tilespmem:v21+s3+$0x0], $0xffff  }
0x80: {  	v12 =	vadd.s32 $0x3000, v12;
	v22 =	vld.idx.msk [tilespmem:v22+s3+$0x0], $0xffff  }
0x81: {  	v11 =	vadd.s32 $0x3400, v11;
	v15 =	vadd.f32 $0.0e+00, v15;
	v16 =	vadd.f32 v17, v16;
	v17 =	vld.idx.msk [tilespmem:v23+s3+$0x0], $0xffff  }
0x82: {  	v10 =	vadd.s32 $0x3800, v10;
	v14 =	vld.idx.msk [tilespmem:v14+s3+$0x0], $0xffff  }
0x83: {  	v9 =	vadd.s32 $0x3C00, v9;
	v15 =	vadd.f32 v18, v15;
	v16 =	vadd.f32 v19, v16;
	v18 =	vld.idx.msk [tilespmem:v24+s3+$0x0], $0xffff  }
0x84: {  	v8 =	vadd.s32 $0x4000, v8;
	v13 =	vld.idx.msk [tilespmem:v13+s3+$0x0], $0xffff  }
0x85: {  	v7 =	vadd.s32 $0x4400, v7;
	v15 =	vadd.f32 v20, v15;
	v16 =	vadd.f32 v21, v16;
	v12 =	vld.idx.msk [tilespmem:v12+s3+$0x0], $0xffff  }
0x86: {  	v6 =	vadd.s32 $0x4800, v6;
	v11 =	vld.idx.msk [tilespmem:v11+s3+$0x0], $0xffff  }
0x87: {  	v5 =	vadd.s32 $0x4C00, v5;
	v15 =	vadd.f32 v22, v15;
	v16 =	vadd.f32 v17, v16;
	v10 =	vld.idx.msk [tilespmem:v10+s3+$0x0], $0xffff  }
0x88: {  	v4 =	vadd.s32 $0x5000, v4;
	v9 =	vld.idx.msk [tilespmem:v9+s3+$0x0], $0xffff  }
0x89: {  	v3 =	vadd.s32 $0x5400, v3;
	v14 =	vadd.f32 v14, v15;
	v15 =	vadd.f32 v18, v16;
	v8 =	vld.idx.msk [tilespmem:v8+s3+$0x0], $0xffff  }
0x8a: {  	v2 =	vadd.s32 $0x5800, v2;
	v7 =	vld.idx.msk [tilespmem:v7+s3+$0x0], $0xffff  }
0x8b: {  	v1 =	vadd.s32 $0x5C00, v1;
	v13 =	vadd.f32 v13, v14;
	v12 =	vadd.f32 v12, v15;
	v6 =	vld.idx.msk [tilespmem:v6+s3+$0x0], $0xffff  }
0x8c: {  	v0 =	vadd.s32 $0x6000, v0;
	v5 =	vld.idx.msk [tilespmem:v5+s3+$0x0], $0xffff  }
0x8d: {  	v11 =	vadd.f32 v11, v13;
	v10 =	vadd.f32 v10, v12;
	v4 =	vld.idx.msk [tilespmem:v4+s3+$0x0], $0xffff  }
0x8e: {  	v3 =	vld.idx.msk [tilespmem:v3+s3+$0x0], $0xffff  }
0x8f: {  	v9 =	vadd.f32 v9, v11;
	v8 =	vadd.f32 v8, v10;
	v2 =	vld.idx.msk [tilespmem:v2+s3+$0x0], $0xffff  }
0x90: {  	v1 =	vld.idx.msk [tilespmem:v1+s3+$0x0], $0xffff  }
0x91: {  	v7 =	vadd.f32 v7, v9;
	v6 =	vadd.f32 v6, v8;
	v0 =	vld.idx.msk [tilespmem:v0+s3+$0x0], $0xffff;
	_ =	sdelay $0x1  }
0x92: {  	v5 =	vadd.f32 v5, v7;
	v4 =	vadd.f32 v4, v6;
	_ =	sdelay $0x1  }
0x93: {  	v3 =	vadd.f32 v3, v5;
	v2 =	vadd.f32 v2, v4;
	_ =	sdelay $0x1  }
0x94: {  	v1 =	vadd.f32 v1, v3;
	v0 =	vadd.f32 v0, v2;
	_ =	sdelay $0x1  }
0x95: {  	s1 =	sadd.s32 $0x80, s1;
	v0 =	vadd.f32 v0, v1  }
0x96: {  	s2 =	sadd.s32 $0x10, s2;
	s4 =	sand.u32 $0xC00, s1;
	s31 =	sand.u32 $0x70, s28  }
0x97: {  	s31 =	sor.u32 s31, s4;
	[tilespmem:s2+$0x0] =	vst v0  }
0x98: {  	v1 =	vld [tilespmem:s31+$0x8780]  }
0x99: {  	v0 =	vld [tilespmem:s31+$0x9400]  }
0x9a: {  	v3 =	vld [tilespmem:s31+$0x8680]  }
0x9b: {  	v2 =	vld [tilespmem:s31+$0x8700]  }
0x9c: {  	v5 =	vld [tilespmem:s31+$0x8580]  }
0x9d: {  	v4 =	vld [tilespmem:s31+$0x8600]  }
0x9e: {  	v7 =	vld [tilespmem:s31+$0x8480]  }
0x9f: {  	v6 =	vld [tilespmem:s31+$0x8500]  }
0xa0: {  	v9 =	vld [tilespmem:s31+$0x7780]  }
0xa1: {  	v8 =	vld [tilespmem:s31+$0x8400]  }
0xa2: {  	v11 =	vld [tilespmem:s31+$0x7680]  }
.Ltmp0:
0xa3: {  	v10 =	vld [tilespmem:s31+$0x7700];
	(pc) =	sbr.rel @p0 .LBB2_2-.Ltmp0, $4  }
0xa4: {  	v13 =	vld [tilespmem:s31+$0x7580]  }
0xa5: {  	v12 =	vld [tilespmem:s31+$0x7600]  }
0xa6: {  	v14 =	vld [tilespmem:s31+$0x7480]  }
0xa7: {  	s28 =	sadd.s32 $0x10, s28;
	v15 =	vld [tilespmem:s31+$0x6480]  }
0xa8: {  	v16 =	vld [tilespmem:s31+$0x6400]  }
0xa9: {  	v17 =	vld [tilespmem:s31+$0x6500]  }
0xaa: {  	v18 =	vld [tilespmem:s31+$0x6580]  }
0xab: {  	v19 =	vld [tilespmem:s31+$0x6600]  }
0xac: {  	v20 =	vld [tilespmem:s31+$0x6680]  }
0xad: {  	v21 =	vld [tilespmem:s31+$0x6700];
	v15 =	vadd.s32 $0x400, v15  }
0xae: {  	v22 =	vld [tilespmem:s31+$0x6780];
	v17 =	vadd.s32 $0x800, v17  }
0xaf: {  	v23 =	vld [tilespmem:s31+$0x7400];
	v18 =	vadd.s32 $0xC00, v18  }
0xb0: {  	v24 =	vld [tilespmem:s31+$0x7500];
	v19 =	vadd.s32 $0x1000, v19  }
0xb1: {  	v20 =	vadd.s32 $0x1400, v20;
	v16 =	vld.idx.msk [tilespmem:v16+s3+$0x0], $0xffff  }
0xb2: {  	v21 =	vadd.s32 $0x1800, v21;
	v15 =	vld.idx.msk [tilespmem:v15+s3+$0x0], $0xffff  }
0xb3: {  	v22 =	vadd.s32 $0x1C00, v22;
	v17 =	vld.idx.msk [tilespmem:v17+s3+$0x0], $0xffff  }
0xb4: {  	v23 =	vadd.s32 $0x2000, v23;
	v18 =	vld.idx.msk [tilespmem:v18+s3+$0x0], $0xffff  }
0xb5: {  	v14 =	vadd.s32 $0x2400, v14;
	v19 =	vld.idx.msk [tilespmem:v19+s3+$0x0], $0xffff  }
0xb6: {  	v24 =	vadd.s32 $0x2800, v24;
	v20 =	vld.idx.msk [tilespmem:v20+s3+$0x0], $0xffff;
	v16 =	vadd.f32 $0.0e+00, v16  }
0xb7: {  	v13 =	vadd.s32 $0x2C00, v13;
	v21 =	vld.idx.msk [tilespmem:v21+s3+$0x0], $0xffff  }
0xb8: {  	v12 =	vadd.s32 $0x3000, v12;
	v22 =	vld.idx.msk [tilespmem:v22+s3+$0x0], $0xffff;
	v15 =	vadd.f32 $0.0e+00, v15;
	v16 =	vadd.f32 v17, v16  }
0xb9: {  	v11 =	vadd.s32 $0x3400, v11;
	v17 =	vld.idx.msk [tilespmem:v23+s3+$0x0], $0xffff  }
0xba: {  	v10 =	vadd.s32 $0x3800, v10;
	v14 =	vld.idx.msk [tilespmem:v14+s3+$0x0], $0xffff;
	v15 =	vadd.f32 v18, v15;
	v16 =	vadd.f32 v19, v16  }
0xbb: {  	v9 =	vadd.s32 $0x3C00, v9;
	v55 =	vld.idx.msk [tilespmem:v24+s3+$0x0], $0xffff  }
0xbc: {  	v8 =	vadd.s32 $0x4000, v8;
	v13 =	vld.idx.msk [tilespmem:v13+s3+$0x0], $0xffff;
	v15 =	vadd.f32 v20, v15;
	v16 =	vadd.f32 v21, v16  }
0xbd: {  	v7 =	vadd.s32 $0x4400, v7;
	v12 =	vld.idx.msk [tilespmem:v12+s3+$0x0], $0xffff  }
0xbe: {  	v6 =	vadd.s32 $0x4800, v6;
	v11 =	vld.idx.msk [tilespmem:v11+s3+$0x0], $0xffff;
	v15 =	vadd.f32 v22, v15;
	v16 =	vadd.f32 v17, v16  }
0xbf: {  	v5 =	vadd.s32 $0x4C00, v5;
	v10 =	vld.idx.msk [tilespmem:v10+s3+$0x0], $0xffff  }
0xc0: {  	v4 =	vadd.s32 $0x5000, v4;
	v9 =	vld.idx.msk [tilespmem:v9+s3+$0x0], $0xffff;
	v14 =	vadd.f32 v14, v15;
	v15 =	vadd.f32 v55, v16  }
0xc1: {  	v3 =	vadd.s32 $0x5400, v3;
	v8 =	vld.idx.msk [tilespmem:v8+s3+$0x0], $0xffff  }
0xc2: {  	v2 =	vadd.s32 $0x5800, v2;
	v7 =	vld.idx.msk [tilespmem:v7+s3+$0x0], $0xffff;
	v13 =	vadd.f32 v13, v14;
	v12 =	vadd.f32 v12, v15  }
0xc3: {  	v1 =	vadd.s32 $0x5C00, v1;
	v6 =	vld.idx.msk [tilespmem:v6+s3+$0x0], $0xffff  }
0xc4: {  	v0 =	vadd.s32 $0x6000, v0;
	v5 =	vld.idx.msk [tilespmem:v5+s3+$0x0], $0xffff;
	v11 =	vadd.f32 v11, v13;
	v10 =	vadd.f32 v10, v12  }
0xc5: {  	v4 =	vld.idx.msk [tilespmem:v4+s3+$0x0], $0xffff  }
0xc6: {  	v3 =	vld.idx.msk [tilespmem:v3+s3+$0x0], $0xffff;
	v9 =	vadd.f32 v9, v11;
	v8 =	vadd.f32 v8, v10  }
0xc7: {  	v2 =	vld.idx.msk [tilespmem:v2+s3+$0x0], $0xffff  }
0xc8: {  	v1 =	vld.idx.msk [tilespmem:v1+s3+$0x0], $0xffff;
	v7 =	vadd.f32 v7, v9;
	v6 =	vadd.f32 v6, v8  }
0xc9: {  	v0 =	vld.idx.msk [tilespmem:v0+s3+$0x0], $0xffff  }
0xca: {  	v5 =	vadd.f32 v5, v7;
	v4 =	vadd.f32 v4, v6;
	_ =	sdelay $0x1  }
0xcb: {  	v3 =	vadd.f32 v3, v5;
	v2 =	vadd.f32 v2, v4;
	_ =	sdelay $0x1  }
0xcc: {  	v1 =	vadd.f32 v1, v3;
	v0 =	vadd.f32 v0, v2;
	_ =	sdelay $0x1  }
0xcd: {  	v0 =	vadd.f32 v0, v1  }
0xce: {  	s1 =	sadd.s32 $0x10, s2  }
0xcf: {  	s2 =	simm.s32 $0x0;
	[tilespmem:s1+$0x0] =	vst v0  }
0xd0: {  	[tilespmem:s2], [sflag:$0x3] =	stream.linear.gather [spmem:s8], $0x6400, $0x38;
	[tilespmem:$0x18480] =	vst v63  }
0xd1: {  	_ =	swait.ge [sflag:s26], $0x6400  }
0xd2: {  	s4 =	sand.u32 $0x70, s2;
	s1 =	sand.u32 $0xC00, s2;
	[sflag:s26] =	ssyncset.done $0x0  }
0xd3: {  	s1 =	sor.u32 s4, s1;
	[sflag:s26] =	ssyncadd.s32 $0xFFFF9C00  }
0xd4: {  	v0 =	vld [tilespmem:s1+$0xC400]  }
0xd5: {  	v1 =	vld [tilespmem:s1+$0xC480]  }
0xd6: {  	v2 =	vld [tilespmem:s1+$0xB700]  }
0xd7: {  	v3 =	vld [tilespmem:s1+$0xB780]  }
0xd8: {  	v4 =	vld [tilespmem:s1+$0xB600]  }
0xd9: {  	v5 =	vld [tilespmem:s1+$0xB680]  }
0xda: {  	v6 =	vld [tilespmem:s1+$0xB500]  }
0xdb: {  	v7 =	vld [tilespmem:s1+$0xB580]  }
0xdc: {  	v8 =	vld [tilespmem:s1+$0xB400]  }
0xdd: {  	v9 =	vld [tilespmem:s1+$0xB480]  }
0xde: {  	v10 =	vld [tilespmem:s1+$0xA700]  }
0xdf: {  	v11 =	vld [tilespmem:s1+$0xA780]  }
0xe0: {  	v12 =	vld [tilespmem:s1+$0xA600]  }
0xe1: {  	v13 =	vld [tilespmem:s1+$0xA680]  }
0xe2: {  	v14 =	vld [tilespmem:s1+$0xA500]  }
0xe3: {  	v15 =	vld [tilespmem:s1+$0x9500]  }
0xe4: {  	v16 =	vld [tilespmem:s1+$0x9480]  }
0xe5: {  	v17 =	vld [tilespmem:s1+$0x9580]  }
0xe6: {  	v56 =	vld [tilespmem:s1+$0x9600]  }
0xe7: {  	v57 =	vld [tilespmem:s1+$0x9680]  }
0xe8: {  	v58 =	vld [tilespmem:s1+$0x9700]  }
0xe9: {  	v59 =	vld [tilespmem:s1+$0x9780];
	v15 =	vadd.s32 $0x400, v15  }
0xea: {  	v60 =	vld [tilespmem:s1+$0xA400];
	v17 =	vadd.s32 $0x800, v17  }
0xeb: {  	v61 =	vld [tilespmem:s1+$0xA480];
	v18 =	vadd.s32 $0xC00, v56  }
0xec: {  	v62 =	vld [tilespmem:s1+$0xA580];
	v19 =	vadd.s32 $0x1000, v57  }
0xed: {  	v20 =	vadd.s32 $0x1400, v58;
	v16 =	vld.idx.msk [tilespmem:v16+s3+$0x0], $0xffff  }
0xee: {  	v21 =	vadd.s32 $0x1800, v59;
	v15 =	vld.idx.msk [tilespmem:v15+s3+$0x0], $0xffff  }
0xef: {  	v22 =	vadd.s32 $0x1C00, v60;
	v17 =	vld.idx.msk [tilespmem:v17+s3+$0x0], $0xffff  }
0xf0: {  	v23 =	vadd.s32 $0x2000, v61;
	v18 =	vld.idx.msk [tilespmem:v18+s3+$0x0], $0xffff  }
0xf1: {  	v14 =	vadd.s32 $0x2400, v14;
	v19 =	vld.idx.msk [tilespmem:v19+s3+$0x0], $0xffff  }
0xf2: {  	v24 =	vadd.s32 $0x2800, v62;
	v20 =	vld.idx.msk [tilespmem:v20+s3+$0x0], $0xffff;
	v16 =	vadd.f32 $0.0e+00, v16  }
0xf3: {  	v12 =	vadd.s32 $0x2C00, v12;
	v21 =	vld.idx.msk [tilespmem:v21+s3+$0x0], $0xffff  }
0xf4: {  	v13 =	vadd.s32 $0x3000, v13;
	v22 =	vld.idx.msk [tilespmem:v22+s3+$0x0], $0xffff;
	v15 =	vadd.f32 $0.0e+00, v15;
	v16 =	vadd.f32 v17, v16  }
0xf5: {  	v10 =	vadd.s32 $0x3400, v10;
	v17 =	vld.idx.msk [tilespmem:v23+s3+$0x0], $0xffff  }
0xf6: {  	v11 =	vadd.s32 $0x3800, v11;
	v14 =	vld.idx.msk [tilespmem:v14+s3+$0x0], $0xffff;
	v15 =	vadd.f32 v18, v15;
	v16 =	vadd.f32 v19, v16  }
0xf7: {  	v8 =	vadd.s32 $0x3C00, v8;
	v63 =	vld.idx.msk [tilespmem:v24+s3+$0x0], $0xffff  }
0xf8: {  	v9 =	vadd.s32 $0x4000, v9;
	v12 =	vld.idx.msk [tilespmem:v12+s3+$0x0], $0xffff;
	v15 =	vadd.f32 v20, v15;
	v16 =	vadd.f32 v21, v16  }
0xf9: {  	v6 =	vadd.s32 $0x4400, v6;
	v13 =	vld.idx.msk [tilespmem:v13+s3+$0x0], $0xffff  }
0xfa: {  	v7 =	vadd.s32 $0x4800, v7;
	v10 =	vld.idx.msk [tilespmem:v10+s3+$0x0], $0xffff;
	v15 =	vadd.f32 v22, v15;
	v16 =	vadd.f32 v17, v16  }
0xfb: {  	v4 =	vadd.s32 $0x4C00, v4;
	v11 =	vld.idx.msk [tilespmem:v11+s3+$0x0], $0xffff  }
0xfc: {  	v5 =	vadd.s32 $0x5000, v5;
	v8 =	vld.idx.msk [tilespmem:v8+s3+$0x0], $0xffff;
	v14 =	vadd.f32 v14, v15;
	v15 =	vadd.f32 v63, v16  }
0xfd: {  	v2 =	vadd.s32 $0x5400, v2;
	v9 =	vld.idx.msk [tilespmem:v9+s3+$0x0], $0xffff  }
0xfe: {  	v3 =	vadd.s32 $0x5800, v3;
	v6 =	vld.idx.msk [tilespmem:v6+s3+$0x0], $0xffff;
	v12 =	vadd.f32 v12, v14;
	v13 =	vadd.f32 v13, v15  }
0xff: {  	v0 =	vadd.s32 $0x5C00, v0;
	v7 =	vld.idx.msk [tilespmem:v7+s3+$0x0], $0xffff  }
0x100: {  	v1 =	vadd.s32 $0x6000, v1;
	v4 =	vld.idx.msk [tilespmem:v4+s3+$0x0], $0xffff;
	v10 =	vadd.f32 v10, v12;
	v11 =	vadd.f32 v11, v13  }
0x101: {  	v5 =	vld.idx.msk [tilespmem:v5+s3+$0x0], $0xffff  }
0x102: {  	v2 =	vld.idx.msk [tilespmem:v2+s3+$0x0], $0xffff;
	v8 =	vadd.f32 v8, v10;
	v9 =	vadd.f32 v9, v11  }
0x103: {  	v3 =	vld.idx.msk [tilespmem:v3+s3+$0x0], $0xffff  }
0x104: {  	v0 =	vld.idx.msk [tilespmem:v0+s3+$0x0], $0xffff;
	v6 =	vadd.f32 v6, v8;
	v7 =	vadd.f32 v7, v9  }
0x105: {  	v1 =	vld.idx.msk [tilespmem:v1+s3+$0x0], $0xffff  }
0x106: {  	v4 =	vadd.f32 v4, v6;
	v5 =	vadd.f32 v5, v7;
	_ =	sdelay $0x1  }
0x107: {  	s2 =	simm.s32 $0x14400;
	v2 =	vadd.f32 v2, v4;
	v3 =	vadd.f32 v3, v5  }
0x108: {  	v4 =	vld [tilespmem:s2+$0x0]  }
0x109: {  	v0 =	vadd.f32 v0, v2;
	v1 =	vadd.f32 v1, v3;
	_ =	sdelay $0x1  }
0x10a: {  	v0 =	vadd.f32 v1, v0;
	_ =	sdelay $0x1  }
0x10b: {  	s4 =	simm.s32 $0x10;
	s1 =	simm.s32 $0x80;
	v0 =	vadd.f32 v0, v4  }
0x10c: {  	s4 =	sand.u32 $0x70, s4;
	s28 =	sand.u32 $0xC00, s1  }
0x10d: {  	s31 =	sor.u32 s4, s28;
	[tilespmem:s2+$0x0] =	vst v0  }
0x10e: {  	v1 =	vld [tilespmem:s31+$0xC400]  }
0x10f: {  	v0 =	vld [tilespmem:s31+$0xC480]  }
0x110: {  	v3 =	vld [tilespmem:s31+$0xB700]  }
0x111: {  	v2 =	vld [tilespmem:s31+$0xB780]  }
0x112: {  	v5 =	vld [tilespmem:s31+$0xB600]  }
0x113: {  	v4 =	vld [tilespmem:s31+$0xB680]  }
0x114: {  	v7 =	vld [tilespmem:s31+$0xB500]  }
0x115: {  	v6 =	vld [tilespmem:s31+$0xB580]  }
0x116: {  	v9 =	vld [tilespmem:s31+$0xB400]  }
0x117: {  	v8 =	vld [tilespmem:s31+$0xB480]  }
0x118: {  	v11 =	vld [tilespmem:s31+$0xA700]  }
0x119: {  	v10 =	vld [tilespmem:s31+$0xA780]  }
0x11a: {  	v13 =	vld [tilespmem:s31+$0xA600]  }
0x11b: {  	v12 =	vld [tilespmem:s31+$0xA680]  }
0x11c: {  	v14 =	vld [tilespmem:s31+$0xA500]  }
0x11d: {  	s28 =	simm.s32 $0x20;
	v15 =	vld [tilespmem:s31+$0x9500]  }
.LBB2_4:
0x11e: {  	p0 =	sne.s32 s28, $0x1F0;
	v16 =	vld [tilespmem:s31+$0x9480]  }
0x11f: {  	v17 =	vld [tilespmem:s31+$0x9580]  }
0x120: {  	v18 =	vld [tilespmem:s31+$0x9600]  }
0x121: {  	v19 =	vld [tilespmem:s31+$0x9680]  }
0x122: {  	v20 =	vld [tilespmem:s31+$0x9700]  }
0x123: {  	v15 =	vadd.s32 $0x400, v15;
	v21 =	vld [tilespmem:s31+$0x9780]  }
0x124: {  	v17 =	vadd.s32 $0x800, v17;
	v22 =	vld [tilespmem:s31+$0xA400]  }
0x125: {  	v18 =	vadd.s32 $0xC00, v18;
	v23 =	vld [tilespmem:s31+$0xA480]  }
0x126: {  	v19 =	vadd.s32 $0x1000, v19;
	v24 =	vld [tilespmem:s31+$0xA580]  }
0x127: {  	v16 =	vld.idx.msk [tilespmem:v16+s3+$0x0], $0xffff;
	v20 =	vadd.s32 $0x1400, v20  }
0x128: {  	v15 =	vld.idx.msk [tilespmem:v15+s3+$0x0], $0xffff;
	v21 =	vadd.s32 $0x1800, v21  }
0x129: {  	v17 =	vld.idx.msk [tilespmem:v17+s3+$0x0], $0xffff;
	v22 =	vadd.s32 $0x1C00, v22  }
0x12a: {  	v18 =	vld.idx.msk [tilespmem:v18+s3+$0x0], $0xffff;
	v23 =	vadd.s32 $0x2000, v23  }
0x12b: {  	v14 =	vadd.s32 $0x2400, v14;
	v19 =	vld.idx.msk [tilespmem:v19+s3+$0x0], $0xffff  }
0x12c: {  	v24 =	vadd.s32 $0x2800, v24;
	v20 =	vld.idx.msk [tilespmem:v20+s3+$0x0], $0xffff  }
0x12d: {  	v13 =	vadd.s32 $0x2C00, v13;
	v16 =	vadd.f32 $0.0e+00, v16;
	v21 =	vld.idx.msk [tilespmem:v21+s3+$0x0], $0xffff  }
0x12e: {  	v12 =	vadd.s32 $0x3000, v12;
	v22 =	vld.idx.msk [tilespmem:v22+s3+$0x0], $0xffff  }
0x12f: {  	v11 =	vadd.s32 $0x3400, v11;
	v15 =	vadd.f32 $0.0e+00, v15;
	v16 =	vadd.f32 v17, v16;
	v17 =	vld.idx.msk [tilespmem:v23+s3+$0x0], $0xffff  }
0x130: {  	v10 =	vadd.s32 $0x3800, v10;
	v14 =	vld.idx.msk [tilespmem:v14+s3+$0x0], $0xffff  }
0x131: {  	v9 =	vadd.s32 $0x3C00, v9;
	v15 =	vadd.f32 v18, v15;
	v16 =	vadd.f32 v19, v16;
	v18 =	vld.idx.msk [tilespmem:v24+s3+$0x0], $0xffff  }
0x132: {  	v8 =	vadd.s32 $0x4000, v8;
	v13 =	vld.idx.msk [tilespmem:v13+s3+$0x0], $0xffff  }
0x133: {  	v7 =	vadd.s32 $0x4400, v7;
	v15 =	vadd.f32 v20, v15;
	v16 =	vadd.f32 v21, v16;
	v12 =	vld.idx.msk [tilespmem:v12+s3+$0x0], $0xffff  }
0x134: {  	v6 =	vadd.s32 $0x4800, v6;
	v11 =	vld.idx.msk [tilespmem:v11+s3+$0x0], $0xffff  }
0x135: {  	v5 =	vadd.s32 $0x4C00, v5;
	v15 =	vadd.f32 v22, v15;
	v16 =	vadd.f32 v17, v16;
	v10 =	vld.idx.msk [tilespmem:v10+s3+$0x0], $0xffff  }
0x136: {  	v4 =	vadd.s32 $0x5000, v4;
	v9 =	vld.idx.msk [tilespmem:v9+s3+$0x0], $0xffff  }
0x137: {  	v3 =	vadd.s32 $0x5400, v3;
	v14 =	vadd.f32 v14, v15;
	v15 =	vadd.f32 v18, v16;
	v8 =	vld.idx.msk [tilespmem:v8+s3+$0x0], $0xffff  }
0x138: {  	v2 =	vadd.s32 $0x5800, v2;
	v7 =	vld.idx.msk [tilespmem:v7+s3+$0x0], $0xffff  }
0x139: {  	v1 =	vadd.s32 $0x5C00, v1;
	v13 =	vadd.f32 v13, v14;
	v12 =	vadd.f32 v12, v15;
	v6 =	vld.idx.msk [tilespmem:v6+s3+$0x0], $0xffff  }
0x13a: {  	v0 =	vadd.s32 $0x6000, v0;
	v5 =	vld.idx.msk [tilespmem:v5+s3+$0x0], $0xffff  }
0x13b: {  	v11 =	vadd.f32 v11, v13;
	v10 =	vadd.f32 v10, v12;
	v4 =	vld.idx.msk [tilespmem:v4+s3+$0x0], $0xffff  }
0x13c: {  	v3 =	vld.idx.msk [tilespmem:v3+s3+$0x0], $0xffff  }
0x13d: {  	v9 =	vadd.f32 v9, v11;
	v8 =	vadd.f32 v8, v10;
	v2 =	vld.idx.msk [tilespmem:v2+s3+$0x0], $0xffff  }
0x13e: {  	v1 =	vld.idx.msk [tilespmem:v1+s3+$0x0], $0xffff  }
0x13f: {  	v7 =	vadd.f32 v7, v9;
	v6 =	vadd.f32 v6, v8;
	v0 =	vld.idx.msk [tilespmem:v0+s3+$0x0], $0xffff;
	_ =	sdelay $0x1  }
0x140: {  	v5 =	vadd.f32 v5, v7;
	v4 =	vadd.f32 v4, v6;
	_ =	sdelay $0x1  }
0x141: {  	s2 =	sadd.s32 $0x10, s2;
	v3 =	vadd.f32 v3, v5;
	v2 =	vadd.f32 v2, v4  }
0x142: {  	v4 =	vld [tilespmem:s2+$0x0]  }
0x143: {  	v1 =	vadd.f32 v1, v3;
	v0 =	vadd.f32 v0, v2;
	_ =	sdelay $0x1  }
0x144: {  	v0 =	vadd.f32 v0, v1;
	_ =	sdelay $0x1  }
0x145: {  	s1 =	sadd.s32 $0x80, s1;
	v0 =	vadd.f32 v0, v4  }
0x146: {  	s4 =	sand.u32 $0x70, s28;
	s31 =	sand.u32 $0xC00, s1  }
0x147: {  	s31 =	sor.u32 s4, s31;
	[tilespmem:s2+$0x0] =	vst v0  }
0x148: {  	v1 =	vld [tilespmem:s31+$0xC400]  }
0x149: {  	v0 =	vld [tilespmem:s31+$0xC480]  }
0x14a: {  	v3 =	vld [tilespmem:s31+$0xB700]  }
0x14b: {  	v2 =	vld [tilespmem:s31+$0xB780]  }
0x14c: {  	v5 =	vld [tilespmem:s31+$0xB600]  }
0x14d: {  	v4 =	vld [tilespmem:s31+$0xB680]  }
0x14e: {  	v7 =	vld [tilespmem:s31+$0xB500]  }
0x14f: {  	v6 =	vld [tilespmem:s31+$0xB580]  }
0x150: {  	v9 =	vld [tilespmem:s31+$0xB400]  }
0x151: {  	v8 =	vld [tilespmem:s31+$0xB480]  }
0x152: {  	v11 =	vld [tilespmem:s31+$0xA700]  }
.Ltmp1:
0x153: {  	v10 =	vld [tilespmem:s31+$0xA780];
	(pc) =	sbr.rel @p0 .LBB2_4-.Ltmp1, $4  }
0x154: {  	v13 =	vld [tilespmem:s31+$0xA600]  }
0x155: {  	v12 =	vld [tilespmem:s31+$0xA680]  }
0x156: {  	v14 =	vld [tilespmem:s31+$0xA500]  }
0x157: {  	s28 =	sadd.s32 $0x10, s28;
	v15 =	vld [tilespmem:s31+$0x9500]  }
0x158: {  	v16 =	vld [tilespmem:s31+$0x9480]  }
0x159: {  	v17 =	vld [tilespmem:s31+$0x9580]  }
0x15a: {  	v18 =	vld [tilespmem:s31+$0x9600]  }
0x15b: {  	v19 =	vld [tilespmem:s31+$0x9680]  }
0x15c: {  	v20 =	vld [tilespmem:s31+$0x9700]  }
0x15d: {  	v21 =	vld [tilespmem:s31+$0x9780];
	v15 =	vadd.s32 $0x400, v15  }
0x15e: {  	v22 =	vld [tilespmem:s31+$0xA400];
	v17 =	vadd.s32 $0x800, v17  }
0x15f: {  	v23 =	vld [tilespmem:s31+$0xA480];
	v18 =	vadd.s32 $0xC00, v18  }
0x160: {  	v24 =	vld [tilespmem:s31+$0xA580];
	v19 =	vadd.s32 $0x1000, v19  }
0x161: {  	v20 =	vadd.s32 $0x1400, v20;
	v16 =	vld.idx.msk [tilespmem:v16+s3+$0x0], $0xffff  }
0x162: {  	v21 =	vadd.s32 $0x1800, v21;
	v15 =	vld.idx.msk [tilespmem:v15+s3+$0x0], $0xffff  }
0x163: {  	v22 =	vadd.s32 $0x1C00, v22;
	v17 =	vld.idx.msk [tilespmem:v17+s3+$0x0], $0xffff  }
0x164: {  	v23 =	vadd.s32 $0x2000, v23;
	v18 =	vld.idx.msk [tilespmem:v18+s3+$0x0], $0xffff  }
0x165: {  	v14 =	vadd.s32 $0x2400, v14;
	v19 =	vld.idx.msk [tilespmem:v19+s3+$0x0], $0xffff  }
0x166: {  	v24 =	vadd.s32 $0x2800, v24;
	v20 =	vld.idx.msk [tilespmem:v20+s3+$0x0], $0xffff;
	v16 =	vadd.f32 $0.0e+00, v16  }
0x167: {  	v13 =	vadd.s32 $0x2C00, v13;
	v21 =	vld.idx.msk [tilespmem:v21+s3+$0x0], $0xffff  }
0x168: {  	v12 =	vadd.s32 $0x3000, v12;
	v22 =	vld.idx.msk [tilespmem:v22+s3+$0x0], $0xffff;
	v15 =	vadd.f32 $0.0e+00, v15;
	v16 =	vadd.f32 v17, v16  }
0x169: {  	v11 =	vadd.s32 $0x3400, v11;
	v17 =	vld.idx.msk [tilespmem:v23+s3+$0x0], $0xffff  }
0x16a: {  	v10 =	vadd.s32 $0x3800, v10;
	v14 =	vld.idx.msk [tilespmem:v14+s3+$0x0], $0xffff;
	v15 =	vadd.f32 v18, v15;
	v16 =	vadd.f32 v19, v16  }
0x16b: {  	v9 =	vadd.s32 $0x3C00, v9;
	v55 =	vld.idx.msk [tilespmem:v24+s3+$0x0], $0xffff  }
0x16c: {  	v8 =	vadd.s32 $0x4000, v8;
	v13 =	vld.idx.msk [tilespmem:v13+s3+$0x0], $0xffff;
	v15 =	vadd.f32 v20, v15;
	v16 =	vadd.f32 v21, v16  }
0x16d: {  	v7 =	vadd.s32 $0x4400, v7;
	v12 =	vld.idx.msk [tilespmem:v12+s3+$0x0], $0xffff  }
0x16e: {  	v6 =	vadd.s32 $0x4800, v6;
	v11 =	vld.idx.msk [tilespmem:v11+s3+$0x0], $0xffff;
	v15 =	vadd.f32 v22, v15;
	v16 =	vadd.f32 v17, v16  }
0x16f: {  	v5 =	vadd.s32 $0x4C00, v5;
	v10 =	vld.idx.msk [tilespmem:v10+s3+$0x0], $0xffff  }
0x170: {  	v4 =	vadd.s32 $0x5000, v4;
	v9 =	vld.idx.msk [tilespmem:v9+s3+$0x0], $0xffff;
	v14 =	vadd.f32 v14, v15;
	v15 =	vadd.f32 v55, v16  }
0x171: {  	v3 =	vadd.s32 $0x5400, v3;
	v8 =	vld.idx.msk [tilespmem:v8+s3+$0x0], $0xffff  }
0x172: {  	v2 =	vadd.s32 $0x5800, v2;
	v7 =	vld.idx.msk [tilespmem:v7+s3+$0x0], $0xffff;
	v13 =	vadd.f32 v13, v14;
	v12 =	vadd.f32 v12, v15  }
0x173: {  	v1 =	vadd.s32 $0x5C00, v1;
	v6 =	vld.idx.msk [tilespmem:v6+s3+$0x0], $0xffff  }
0x174: {  	v0 =	vadd.s32 $0x6000, v0;
	v5 =	vld.idx.msk [tilespmem:v5+s3+$0x0], $0xffff;
	v11 =	vadd.f32 v11, v13;
	v10 =	vadd.f32 v10, v12  }
0x175: {  	v4 =	vld.idx.msk [tilespmem:v4+s3+$0x0], $0xffff  }
0x176: {  	v3 =	vld.idx.msk [tilespmem:v3+s3+$0x0], $0xffff;
	v9 =	vadd.f32 v9, v11;
	v8 =	vadd.f32 v8, v10  }
0x177: {  	v2 =	vld.idx.msk [tilespmem:v2+s3+$0x0], $0xffff  }
0x178: {  	v1 =	vld.idx.msk [tilespmem:v1+s3+$0x0], $0xffff;
	v7 =	vadd.f32 v7, v9;
	v6 =	vadd.f32 v6, v8  }
0x179: {  	v0 =	vld.idx.msk [tilespmem:v0+s3+$0x0], $0xffff  }
0x17a: {  	v5 =	vadd.f32 v5, v7;
	v4 =	vadd.f32 v4, v6;
	_ =	sdelay $0x1  }
0x17b: {  	s1 =	sadd.s32 $0x10, s2;
	v3 =	vadd.f32 v3, v5;
	v2 =	vadd.f32 v2, v4  }
0x17c: {  	v4 =	vld [tilespmem:s1+$0x0]  }
0x17d: {  	v1 =	vadd.f32 v1, v3;
	v0 =	vadd.f32 v0, v2;
	_ =	sdelay $0x1  }
0x17e: {  	v0 =	vadd.f32 v0, v1;
	_ =	sdelay $0x1  }
0x17f: {  	v0 =	vadd.f32 v0, v4;
	_ =	sdelay $0x1  }
0x180: {  	[tilespmem:s1+$0x0] =	vst v0  }
0x181: {  	[tilespmem:s24], [sflag:$0x1] =	stream.strided.gather [hbm4b:s9+s22], $0x7000, s23, s22, $0x38;
	[tilespmem:$0x18480] =	vst v63  }
0x182: {  	_ =	swait.ge [sflag:s30], $0x7000  }
0x183: {  	[sflag:s30] =	ssyncset.done $0x0  }
0x184: {  	s2 =	simm.s32 $0x0;
	[sflag:s30] =	ssyncadd.s32 $0xFFFF9000  }
0x185: {  	[tilespmem:s2], [sflag:$0x3] =	stream.linear.gather [spmem:s10], $0x6400, $0x38;
	[tilespmem:$0x18480] =	vst v63  }
0x186: {  	_ =	swait.ge [sflag:s26], $0x6400  }
0x187: {  	s4 =	sand.u32 $0x70, s2;
	s1 =	sand.u32 $0xC00, s2;
	[sflag:s26] =	ssyncset.done $0x0  }
0x188: {  	s1 =	sor.u32 s4, s1;
	[sflag:s26] =	ssyncadd.s32 $0xFFFF9C00  }
0x189: {  	v0 =	vld [tilespmem:s1+$0xF780]  }
0x18a: {  	v1 =	vld [tilespmem:s1+$0x10400]  }
0x18b: {  	v2 =	vld [tilespmem:s1+$0xF680]  }
0x18c: {  	v3 =	vld [tilespmem:s1+$0xF700]  }
0x18d: {  	v4 =	vld [tilespmem:s1+$0xF580]  }
0x18e: {  	v5 =	vld [tilespmem:s1+$0xF600]  }
0x18f: {  	v6 =	vld [tilespmem:s1+$0xF480]  }
0x190: {  	v7 =	vld [tilespmem:s1+$0xF500]  }
0x191: {  	v8 =	vld [tilespmem:s1+$0xE780]  }
0x192: {  	v9 =	vld [tilespmem:s1+$0xF400]  }
0x193: {  	v10 =	vld [tilespmem:s1+$0xE680]  }
0x194: {  	v11 =	vld [tilespmem:s1+$0xE700]  }
0x195: {  	v12 =	vld [tilespmem:s1+$0xE580]  }
0x196: {  	v13 =	vld [tilespmem:s1+$0xE600]  }
0x197: {  	v14 =	vld [tilespmem:s1+$0xE480]  }
0x198: {  	v15 =	vld [tilespmem:s1+$0xD480]  }
0x199: {  	v16 =	vld [tilespmem:s1+$0xD400]  }
0x19a: {  	v17 =	vld [tilespmem:s1+$0xD500]  }
0x19b: {  	v56 =	vld [tilespmem:s1+$0xD580]  }
0x19c: {  	v57 =	vld [tilespmem:s1+$0xD600]  }
0x19d: {  	v58 =	vld [tilespmem:s1+$0xD680]  }
0x19e: {  	v59 =	vld [tilespmem:s1+$0xD700];
	v15 =	vadd.s32 $0x400, v15  }
0x19f: {  	v60 =	vld [tilespmem:s1+$0xD780];
	v17 =	vadd.s32 $0x800, v17  }
0x1a0: {  	v61 =	vld [tilespmem:s1+$0xE400];
	v18 =	vadd.s32 $0xC00, v56  }
0x1a1: {  	v62 =	vld [tilespmem:s1+$0xE500];
	v19 =	vadd.s32 $0x1000, v57  }
0x1a2: {  	v20 =	vadd.s32 $0x1400, v58;
	v16 =	vld.idx.msk [tilespmem:v16+s3+$0x0], $0xffff  }
0x1a3: {  	v21 =	vadd.s32 $0x1800, v59;
	v15 =	vld.idx.msk [tilespmem:v15+s3+$0x0], $0xffff  }
0x1a4: {  	v22 =	vadd.s32 $0x1C00, v60;
	v17 =	vld.idx.msk [tilespmem:v17+s3+$0x0], $0xffff  }
0x1a5: {  	v23 =	vadd.s32 $0x2000, v61;
	v18 =	vld.idx.msk [tilespmem:v18+s3+$0x0], $0xffff  }
0x1a6: {  	v14 =	vadd.s32 $0x2400, v14;
	v19 =	vld.idx.msk [tilespmem:v19+s3+$0x0], $0xffff  }
0x1a7: {  	v24 =	vadd.s32 $0x2800, v62;
	v20 =	vld.idx.msk [tilespmem:v20+s3+$0x0], $0xffff;
	v16 =	vadd.f32 $0.0e+00, v16  }
0x1a8: {  	v12 =	vadd.s32 $0x2C00, v12;
	v21 =	vld.idx.msk [tilespmem:v21+s3+$0x0], $0xffff  }
0x1a9: {  	v13 =	vadd.s32 $0x3000, v13;
	v22 =	vld.idx.msk [tilespmem:v22+s3+$0x0], $0xffff;
	v15 =	vadd.f32 $0.0e+00, v15;
	v16 =	vadd.f32 v17, v16  }
0x1aa: {  	v10 =	vadd.s32 $0x3400, v10;
	v17 =	vld.idx.msk [tilespmem:v23+s3+$0x0], $0xffff  }
0x1ab: {  	v11 =	vadd.s32 $0x3800, v11;
	v14 =	vld.idx.msk [tilespmem:v14+s3+$0x0], $0xffff;
	v15 =	vadd.f32 v18, v15;
	v16 =	vadd.f32 v19, v16  }
0x1ac: {  	v8 =	vadd.s32 $0x3C00, v8;
	v63 =	vld.idx.msk [tilespmem:v24+s3+$0x0], $0xffff  }
0x1ad: {  	v9 =	vadd.s32 $0x4000, v9;
	v12 =	vld.idx.msk [tilespmem:v12+s3+$0x0], $0xffff;
	v15 =	vadd.f32 v20, v15;
	v16 =	vadd.f32 v21, v16  }
0x1ae: {  	v6 =	vadd.s32 $0x4400, v6;
	v13 =	vld.idx.msk [tilespmem:v13+s3+$0x0], $0xffff  }
0x1af: {  	v7 =	vadd.s32 $0x4800, v7;
	v10 =	vld.idx.msk [tilespmem:v10+s3+$0x0], $0xffff;
	v15 =	vadd.f32 v22, v15;
	v16 =	vadd.f32 v17, v16  }
0x1b0: {  	v4 =	vadd.s32 $0x4C00, v4;
	v11 =	vld.idx.msk [tilespmem:v11+s3+$0x0], $0xffff  }
0x1b1: {  	v5 =	vadd.s32 $0x5000, v5;
	v8 =	vld.idx.msk [tilespmem:v8+s3+$0x0], $0xffff;
	v14 =	vadd.f32 v14, v15;
	v15 =	vadd.f32 v63, v16  }
0x1b2: {  	v2 =	vadd.s32 $0x5400, v2;
	v9 =	vld.idx.msk [tilespmem:v9+s3+$0x0], $0xffff  }
0x1b3: {  	v3 =	vadd.s32 $0x5800, v3;
	v6 =	vld.idx.msk [tilespmem:v6+s3+$0x0], $0xffff;
	v12 =	vadd.f32 v12, v14;
	v13 =	vadd.f32 v13, v15  }
0x1b4: {  	v0 =	vadd.s32 $0x5C00, v0;
	v7 =	vld.idx.msk [tilespmem:v7+s3+$0x0], $0xffff  }
0x1b5: {  	v1 =	vadd.s32 $0x6000, v1;
	v4 =	vld.idx.msk [tilespmem:v4+s3+$0x0], $0xffff;
	v10 =	vadd.f32 v10, v12;
	v11 =	vadd.f32 v11, v13  }
0x1b6: {  	v5 =	vld.idx.msk [tilespmem:v5+s3+$0x0], $0xffff  }
0x1b7: {  	v2 =	vld.idx.msk [tilespmem:v2+s3+$0x0], $0xffff;
	v8 =	vadd.f32 v8, v10;
	v9 =	vadd.f32 v9, v11  }
0x1b8: {  	v3 =	vld.idx.msk [tilespmem:v3+s3+$0x0], $0xffff  }
0x1b9: {  	v0 =	vld.idx.msk [tilespmem:v0+s3+$0x0], $0xffff;
	v6 =	vadd.f32 v6, v8;
	v7 =	vadd.f32 v7, v9  }
0x1ba: {  	v1 =	vld.idx.msk [tilespmem:v1+s3+$0x0], $0xffff  }
0x1bb: {  	v4 =	vadd.f32 v4, v6;
	v5 =	vadd.f32 v5, v7;
	_ =	sdelay $0x1  }
0x1bc: {  	s2 =	simm.s32 $0x14400;
	v2 =	vadd.f32 v2, v4;
	v3 =	vadd.f32 v3, v5  }
0x1bd: {  	v4 =	vld [tilespmem:s2+$0x0]  }
0x1be: {  	v0 =	vadd.f32 v0, v2;
	v1 =	vadd.f32 v1, v3;
	_ =	sdelay $0x1  }
0x1bf: {  	v0 =	vadd.f32 v1, v0;
	_ =	sdelay $0x1  }
0x1c0: {  	s4 =	simm.s32 $0x10;
	s1 =	simm.s32 $0x80;
	v0 =	vadd.f32 v0, v4  }
0x1c1: {  	s4 =	sand.u32 $0x70, s4;
	s28 =	sand.u32 $0xC00, s1  }
0x1c2: {  	s31 =	sor.u32 s4, s28;
	[tilespmem:s2+$0x0] =	vst v0  }
0x1c3: {  	v1 =	vld [tilespmem:s31+$0xF780]  }
0x1c4: {  	v0 =	vld [tilespmem:s31+$0x10400]  }
0x1c5: {  	v3 =	vld [tilespmem:s31+$0xF680]  }
0x1c6: {  	v2 =	vld [tilespmem:s31+$0xF700]  }
0x1c7: {  	v5 =	vld [tilespmem:s31+$0xF580]  }
0x1c8: {  	v4 =	vld [tilespmem:s31+$0xF600]  }
0x1c9: {  	v7 =	vld [tilespmem:s31+$0xF480]  }
0x1ca: {  	v6 =	vld [tilespmem:s31+$0xF500]  }
0x1cb: {  	v9 =	vld [tilespmem:s31+$0xE780]  }
0x1cc: {  	v8 =	vld [tilespmem:s31+$0xF400]  }
0x1cd: {  	v11 =	vld [tilespmem:s31+$0xE680]  }
0x1ce: {  	v10 =	vld [tilespmem:s31+$0xE700]  }
0x1cf: {  	v13 =	vld [tilespmem:s31+$0xE580]  }
0x1d0: {  	v12 =	vld [tilespmem:s31+$0xE600]  }
0x1d1: {  	v14 =	vld [tilespmem:s31+$0xE480]  }
0x1d2: {  	s28 =	simm.s32 $0x20;
	v15 =	vld [tilespmem:s31+$0xD480]  }
.LBB2_6:
0x1d3: {  	p0 =	sne.s32 s28, $0x1F0;
	v16 =	vld [tilespmem:s31+$0xD400]  }
0x1d4: {  	v17 =	vld [tilespmem:s31+$0xD500]  }
0x1d5: {  	v18 =	vld [tilespmem:s31+$0xD580]  }
0x1d6: {  	v19 =	vld [tilespmem:s31+$0xD600]  }
0x1d7: {  	v20 =	vld [tilespmem:s31+$0xD680]  }
0x1d8: {  	v15 =	vadd.s32 $0x400, v15;
	v21 =	vld [tilespmem:s31+$0xD700]  }
0x1d9: {  	v17 =	vadd.s32 $0x800, v17;
	v22 =	vld [tilespmem:s31+$0xD780]  }
0x1da: {  	v18 =	vadd.s32 $0xC00, v18;
	v23 =	vld [tilespmem:s31+$0xE400]  }
0x1db: {  	v19 =	vadd.s32 $0x1000, v19;
	v24 =	vld [tilespmem:s31+$0xE500]  }
0x1dc: {  	v16 =	vld.idx.msk [tilespmem:v16+s3+$0x0], $0xffff;
	v20 =	vadd.s32 $0x1400, v20  }
0x1dd: {  	v15 =	vld.idx.msk [tilespmem:v15+s3+$0x0], $0xffff;
	v21 =	vadd.s32 $0x1800, v21  }
0x1de: {  	v17 =	vld.idx.msk [tilespmem:v17+s3+$0x0], $0xffff;
	v22 =	vadd.s32 $0x1C00, v22  }
0x1df: {  	v18 =	vld.idx.msk [tilespmem:v18+s3+$0x0], $0xffff;
	v23 =	vadd.s32 $0x2000, v23  }
0x1e0: {  	v14 =	vadd.s32 $0x2400, v14;
	v19 =	vld.idx.msk [tilespmem:v19+s3+$0x0], $0xffff  }
0x1e1: {  	v24 =	vadd.s32 $0x2800, v24;
	v20 =	vld.idx.msk [tilespmem:v20+s3+$0x0], $0xffff  }
0x1e2: {  	v13 =	vadd.s32 $0x2C00, v13;
	v16 =	vadd.f32 $0.0e+00, v16;
	v21 =	vld.idx.msk [tilespmem:v21+s3+$0x0], $0xffff  }
0x1e3: {  	v12 =	vadd.s32 $0x3000, v12;
	v22 =	vld.idx.msk [tilespmem:v22+s3+$0x0], $0xffff  }
0x1e4: {  	v11 =	vadd.s32 $0x3400, v11;
	v15 =	vadd.f32 $0.0e+00, v15;
	v16 =	vadd.f32 v17, v16;
	v17 =	vld.idx.msk [tilespmem:v23+s3+$0x0], $0xffff  }
0x1e5: {  	v10 =	vadd.s32 $0x3800, v10;
	v14 =	vld.idx.msk [tilespmem:v14+s3+$0x0], $0xffff  }
0x1e6: {  	v9 =	vadd.s32 $0x3C00, v9;
	v15 =	vadd.f32 v18, v15;
	v16 =	vadd.f32 v19, v16;
	v18 =	vld.idx.msk [tilespmem:v24+s3+$0x0], $0xffff  }
0x1e7: {  	v8 =	vadd.s32 $0x4000, v8;
	v13 =	vld.idx.msk [tilespmem:v13+s3+$0x0], $0xffff  }
0x1e8: {  	v7 =	vadd.s32 $0x4400, v7;
	v15 =	vadd.f32 v20, v15;
	v16 =	vadd.f32 v21, v16;
	v12 =	vld.idx.msk [tilespmem:v12+s3+$0x0], $0xffff  }
0x1e9: {  	v6 =	vadd.s32 $0x4800, v6;
	v11 =	vld.idx.msk [tilespmem:v11+s3+$0x0], $0xffff  }
0x1ea: {  	v5 =	vadd.s32 $0x4C00, v5;
	v15 =	vadd.f32 v22, v15;
	v16 =	vadd.f32 v17, v16;
	v10 =	vld.idx.msk [tilespmem:v10+s3+$0x0], $0xffff  }
0x1eb: {  	v4 =	vadd.s32 $0x5000, v4;
	v9 =	vld.idx.msk [tilespmem:v9+s3+$0x0], $0xffff  }
0x1ec: {  	v3 =	vadd.s32 $0x5400, v3;
	v14 =	vadd.f32 v14, v15;
	v15 =	vadd.f32 v18, v16;
	v8 =	vld.idx.msk [tilespmem:v8+s3+$0x0], $0xffff  }
0x1ed: {  	v2 =	vadd.s32 $0x5800, v2;
	v7 =	vld.idx.msk [tilespmem:v7+s3+$0x0], $0xffff  }
0x1ee: {  	v1 =	vadd.s32 $0x5C00, v1;
	v13 =	vadd.f32 v13, v14;
	v12 =	vadd.f32 v12, v15;
	v6 =	vld.idx.msk [tilespmem:v6+s3+$0x0], $0xffff  }
0x1ef: {  	v0 =	vadd.s32 $0x6000, v0;
	v5 =	vld.idx.msk [tilespmem:v5+s3+$0x0], $0xffff  }
0x1f0: {  	v11 =	vadd.f32 v11, v13;
	v10 =	vadd.f32 v10, v12;
	v4 =	vld.idx.msk [tilespmem:v4+s3+$0x0], $0xffff  }
0x1f1: {  	v3 =	vld.idx.msk [tilespmem:v3+s3+$0x0], $0xffff  }
0x1f2: {  	v9 =	vadd.f32 v9, v11;
	v8 =	vadd.f32 v8, v10;
	v2 =	vld.idx.msk [tilespmem:v2+s3+$0x0], $0xffff  }
0x1f3: {  	v1 =	vld.idx.msk [tilespmem:v1+s3+$0x0], $0xffff  }
0x1f4: {  	v7 =	vadd.f32 v7, v9;
	v6 =	vadd.f32 v6, v8;
	v0 =	vld.idx.msk [tilespmem:v0+s3+$0x0], $0xffff;
	_ =	sdelay $0x1  }
0x1f5: {  	v5 =	vadd.f32 v5, v7;
	v4 =	vadd.f32 v4, v6;
	_ =	sdelay $0x1  }
0x1f6: {  	s2 =	sadd.s32 $0x10, s2;
	v3 =	vadd.f32 v3, v5;
	v2 =	vadd.f32 v2, v4  }
0x1f7: {  	v4 =	vld [tilespmem:s2+$0x0]  }
0x1f8: {  	v1 =	vadd.f32 v1, v3;
	v0 =	vadd.f32 v0, v2;
	_ =	sdelay $0x1  }
0x1f9: {  	v0 =	vadd.f32 v0, v1;
	_ =	sdelay $0x1  }
0x1fa: {  	s1 =	sadd.s32 $0x80, s1;
	v0 =	vadd.f32 v0, v4  }
0x1fb: {  	s4 =	sand.u32 $0x70, s28;
	s31 =	sand.u32 $0xC00, s1  }
0x1fc: {  	s31 =	sor.u32 s4, s31;
	[tilespmem:s2+$0x0] =	vst v0  }
0x1fd: {  	v1 =	vld [tilespmem:s31+$0xF780]  }
0x1fe: {  	v0 =	vld [tilespmem:s31+$0x10400]  }
0x1ff: {  	v3 =	vld [tilespmem:s31+$0xF680]  }
0x200: {  	v2 =	vld [tilespmem:s31+$0xF700]  }
0x201: {  	v5 =	vld [tilespmem:s31+$0xF580]  }
0x202: {  	v4 =	vld [tilespmem:s31+$0xF600]  }
0x203: {  	v7 =	vld [tilespmem:s31+$0xF480]  }
0x204: {  	v6 =	vld [tilespmem:s31+$0xF500]  }
0x205: {  	v9 =	vld [tilespmem:s31+$0xE780]  }
0x206: {  	v8 =	vld [tilespmem:s31+$0xF400]  }
0x207: {  	v11 =	vld [tilespmem:s31+$0xE680]  }
.Ltmp2:
0x208: {  	v10 =	vld [tilespmem:s31+$0xE700];
	(pc) =	sbr.rel @p0 .LBB2_6-.Ltmp2, $4  }
0x209: {  	v13 =	vld [tilespmem:s31+$0xE580]  }
0x20a: {  	v12 =	vld [tilespmem:s31+$0xE600]  }
0x20b: {  	v14 =	vld [tilespmem:s31+$0xE480]  }
0x20c: {  	s28 =	sadd.s32 $0x10, s28;
	v15 =	vld [tilespmem:s31+$0xD480]  }
0x20d: {  	v16 =	vld [tilespmem:s31+$0xD400]  }
0x20e: {  	v17 =	vld [tilespmem:s31+$0xD500]  }
0x20f: {  	v18 =	vld [tilespmem:s31+$0xD580]  }
0x210: {  	v19 =	vld [tilespmem:s31+$0xD600]  }
0x211: {  	v20 =	vld [tilespmem:s31+$0xD680]  }
0x212: {  	v21 =	vld [tilespmem:s31+$0xD700];
	v15 =	vadd.s32 $0x400, v15  }
0x213: {  	v22 =	vld [tilespmem:s31+$0xD780];
	v17 =	vadd.s32 $0x800, v17  }
0x214: {  	v23 =	vld [tilespmem:s31+$0xE400];
	v18 =	vadd.s32 $0xC00, v18  }
0x215: {  	v24 =	vld [tilespmem:s31+$0xE500];
	v19 =	vadd.s32 $0x1000, v19  }
0x216: {  	v20 =	vadd.s32 $0x1400, v20;
	v16 =	vld.idx.msk [tilespmem:v16+s3+$0x0], $0xffff  }
0x217: {  	v21 =	vadd.s32 $0x1800, v21;
	v15 =	vld.idx.msk [tilespmem:v15+s3+$0x0], $0xffff  }
0x218: {  	v22 =	vadd.s32 $0x1C00, v22;
	v17 =	vld.idx.msk [tilespmem:v17+s3+$0x0], $0xffff  }
0x219: {  	v23 =	vadd.s32 $0x2000, v23;
	v18 =	vld.idx.msk [tilespmem:v18+s3+$0x0], $0xffff  }
0x21a: {  	v14 =	vadd.s32 $0x2400, v14;
	v19 =	vld.idx.msk [tilespmem:v19+s3+$0x0], $0xffff  }
0x21b: {  	v24 =	vadd.s32 $0x2800, v24;
	v20 =	vld.idx.msk [tilespmem:v20+s3+$0x0], $0xffff;
	v16 =	vadd.f32 $0.0e+00, v16  }
0x21c: {  	v13 =	vadd.s32 $0x2C00, v13;
	v21 =	vld.idx.msk [tilespmem:v21+s3+$0x0], $0xffff  }
0x21d: {  	v12 =	vadd.s32 $0x3000, v12;
	v22 =	vld.idx.msk [tilespmem:v22+s3+$0x0], $0xffff;
	v15 =	vadd.f32 $0.0e+00, v15;
	v16 =	vadd.f32 v17, v16  }
0x21e: {  	v11 =	vadd.s32 $0x3400, v11;
	v17 =	vld.idx.msk [tilespmem:v23+s3+$0x0], $0xffff  }
0x21f: {  	v10 =	vadd.s32 $0x3800, v10;
	v14 =	vld.idx.msk [tilespmem:v14+s3+$0x0], $0xffff;
	v15 =	vadd.f32 v18, v15;
	v16 =	vadd.f32 v19, v16  }
0x220: {  	v9 =	vadd.s32 $0x3C00, v9;
	v55 =	vld.idx.msk [tilespmem:v24+s3+$0x0], $0xffff  }
0x221: {  	v8 =	vadd.s32 $0x4000, v8;
	v13 =	vld.idx.msk [tilespmem:v13+s3+$0x0], $0xffff;
	v15 =	vadd.f32 v20, v15;
	v16 =	vadd.f32 v21, v16  }
0x222: {  	v7 =	vadd.s32 $0x4400, v7;
	v12 =	vld.idx.msk [tilespmem:v12+s3+$0x0], $0xffff  }
0x223: {  	v6 =	vadd.s32 $0x4800, v6;
	v11 =	vld.idx.msk [tilespmem:v11+s3+$0x0], $0xffff;
	v15 =	vadd.f32 v22, v15;
	v16 =	vadd.f32 v17, v16  }
0x224: {  	v5 =	vadd.s32 $0x4C00, v5;
	v10 =	vld.idx.msk [tilespmem:v10+s3+$0x0], $0xffff  }
0x225: {  	v4 =	vadd.s32 $0x5000, v4;
	v9 =	vld.idx.msk [tilespmem:v9+s3+$0x0], $0xffff;
	v14 =	vadd.f32 v14, v15;
	v15 =	vadd.f32 v55, v16  }
0x226: {  	v3 =	vadd.s32 $0x5400, v3;
	v8 =	vld.idx.msk [tilespmem:v8+s3+$0x0], $0xffff  }
0x227: {  	v2 =	vadd.s32 $0x5800, v2;
	v7 =	vld.idx.msk [tilespmem:v7+s3+$0x0], $0xffff;
	v13 =	vadd.f32 v13, v14;
	v12 =	vadd.f32 v12, v15  }
0x228: {  	v1 =	vadd.s32 $0x5C00, v1;
	v6 =	vld.idx.msk [tilespmem:v6+s3+$0x0], $0xffff  }
0x229: {  	v0 =	vadd.s32 $0x6000, v0;
	v5 =	vld.idx.msk [tilespmem:v5+s3+$0x0], $0xffff;
	v11 =	vadd.f32 v11, v13;
	v10 =	vadd.f32 v10, v12  }
0x22a: {  	v4 =	vld.idx.msk [tilespmem:v4+s3+$0x0], $0xffff  }
0x22b: {  	v3 =	vld.idx.msk [tilespmem:v3+s3+$0x0], $0xffff;
	v9 =	vadd.f32 v9, v11;
	v8 =	vadd.f32 v8, v10  }
0x22c: {  	v2 =	vld.idx.msk [tilespmem:v2+s3+$0x0], $0xffff  }
0x22d: {  	v1 =	vld.idx.msk [tilespmem:v1+s3+$0x0], $0xffff;
	v7 =	vadd.f32 v7, v9;
	v6 =	vadd.f32 v6, v8  }
0x22e: {  	v0 =	vld.idx.msk [tilespmem:v0+s3+$0x0], $0xffff  }
0x22f: {  	v5 =	vadd.f32 v5, v7;
	v4 =	vadd.f32 v4, v6;
	_ =	sdelay $0x1  }
0x230: {  	s1 =	sadd.s32 $0x10, s2;
	v3 =	vadd.f32 v3, v5;
	v2 =	vadd.f32 v2, v4  }
0x231: {  	v4 =	vld [tilespmem:s1+$0x0]  }
0x232: {  	v1 =	vadd.f32 v1, v3;
	v0 =	vadd.f32 v0, v2;
	_ =	sdelay $0x1  }
0x233: {  	v0 =	vadd.f32 v0, v1;
	_ =	sdelay $0x1  }
0x234: {  	v0 =	vadd.f32 v0, v4;
	_ =	sdelay $0x1  }
0x235: {  	s2 =	simm.s32 $0x0;
	[tilespmem:s1+$0x0] =	vst v0  }
0x236: {  	[tilespmem:s2], [sflag:$0x3] =	stream.linear.gather [spmem:s11], $0x6400, $0x38;
	[tilespmem:$0x18480] =	vst v63  }
0x237: {  	_ =	swait.ge [sflag:s26], $0x6400  }
0x238: {  	s4 =	sand.u32 $0x70, s2;
	s1 =	sand.u32 $0xC00, s2;
	[sflag:s26] =	ssyncset.done $0x0  }
0x239: {  	s1 =	sor.u32 s4, s1;
	[sflag:s26] =	ssyncadd.s32 $0xFFFF9C00  }
0x23a: {  	v0 =	vld [tilespmem:s1+$0x13400]  }
0x23b: {  	v1 =	vld [tilespmem:s1+$0x13480]  }
0x23c: {  	v2 =	vld [tilespmem:s1+$0x12700]  }
0x23d: {  	v3 =	vld [tilespmem:s1+$0x12780]  }
0x23e: {  	v4 =	vld [tilespmem:s1+$0x12600]  }
0x23f: {  	v5 =	vld [tilespmem:s1+$0x12680]  }
0x240: {  	v6 =	vld [tilespmem:s1+$0x12500]  }
0x241: {  	v7 =	vld [tilespmem:s1+$0x12580]  }
0x242: {  	v8 =	vld [tilespmem:s1+$0x12400]  }
0x243: {  	v9 =	vld [tilespmem:s1+$0x12480]  }
0x244: {  	v10 =	vld [tilespmem:s1+$0x11700]  }
0x245: {  	v11 =	vld [tilespmem:s1+$0x11780]  }
0x246: {  	v12 =	vld [tilespmem:s1+$0x11600]  }
0x247: {  	v13 =	vld [tilespmem:s1+$0x11680]  }
0x248: {  	v14 =	vld [tilespmem:s1+$0x11500]  }
0x249: {  	v15 =	vld [tilespmem:s1+$0x10500]  }
0x24a: {  	v16 =	vld [tilespmem:s1+$0x10480]  }
0x24b: {  	v17 =	vld [tilespmem:s1+$0x10580]  }
0x24c: {  	v56 =	vld [tilespmem:s1+$0x10600]  }
0x24d: {  	v57 =	vld [tilespmem:s1+$0x10680]  }
0x24e: {  	v58 =	vld [tilespmem:s1+$0x10700]  }
0x24f: {  	v59 =	vld [tilespmem:s1+$0x10780];
	v15 =	vadd.s32 $0x400, v15  }
0x250: {  	v60 =	vld [tilespmem:s1+$0x11400];
	v17 =	vadd.s32 $0x800, v17  }
0x251: {  	v61 =	vld [tilespmem:s1+$0x11480];
	v18 =	vadd.s32 $0xC00, v56  }
0x252: {  	v62 =	vld [tilespmem:s1+$0x11580];
	v19 =	vadd.s32 $0x1000, v57  }
0x253: {  	v20 =	vadd.s32 $0x1400, v58;
	v16 =	vld.idx.msk [tilespmem:v16+s3+$0x0], $0xffff  }
0x254: {  	v21 =	vadd.s32 $0x1800, v59;
	v15 =	vld.idx.msk [tilespmem:v15+s3+$0x0], $0xffff  }
0x255: {  	v22 =	vadd.s32 $0x1C00, v60;
	v17 =	vld.idx.msk [tilespmem:v17+s3+$0x0], $0xffff  }
0x256: {  	v23 =	vadd.s32 $0x2000, v61;
	v18 =	vld.idx.msk [tilespmem:v18+s3+$0x0], $0xffff  }
0x257: {  	v14 =	vadd.s32 $0x2400, v14;
	v19 =	vld.idx.msk [tilespmem:v19+s3+$0x0], $0xffff  }
0x258: {  	v24 =	vadd.s32 $0x2800, v62;
	v20 =	vld.idx.msk [tilespmem:v20+s3+$0x0], $0xffff;
	v16 =	vadd.f32 $0.0e+00, v16  }
0x259: {  	v12 =	vadd.s32 $0x2C00, v12;
	v21 =	vld.idx.msk [tilespmem:v21+s3+$0x0], $0xffff  }
0x25a: {  	v13 =	vadd.s32 $0x3000, v13;
	v22 =	vld.idx.msk [tilespmem:v22+s3+$0x0], $0xffff;
	v15 =	vadd.f32 $0.0e+00, v15;
	v16 =	vadd.f32 v17, v16  }
0x25b: {  	v10 =	vadd.s32 $0x3400, v10;
	v17 =	vld.idx.msk [tilespmem:v23+s3+$0x0], $0xffff  }
0x25c: {  	v11 =	vadd.s32 $0x3800, v11;
	v14 =	vld.idx.msk [tilespmem:v14+s3+$0x0], $0xffff;
	v15 =	vadd.f32 v18, v15;
	v16 =	vadd.f32 v19, v16  }
0x25d: {  	v8 =	vadd.s32 $0x3C00, v8;
	v63 =	vld.idx.msk [tilespmem:v24+s3+$0x0], $0xffff  }
0x25e: {  	v9 =	vadd.s32 $0x4000, v9;
	v12 =	vld.idx.msk [tilespmem:v12+s3+$0x0], $0xffff;
	v15 =	vadd.f32 v20, v15;
	v16 =	vadd.f32 v21, v16  }
0x25f: {  	v6 =	vadd.s32 $0x4400, v6;
	v13 =	vld.idx.msk [tilespmem:v13+s3+$0x0], $0xffff  }
0x260: {  	v7 =	vadd.s32 $0x4800, v7;
	v10 =	vld.idx.msk [tilespmem:v10+s3+$0x0], $0xffff;
	v15 =	vadd.f32 v22, v15;
	v16 =	vadd.f32 v17, v16  }
0x261: {  	v4 =	vadd.s32 $0x4C00, v4;
	v11 =	vld.idx.msk [tilespmem:v11+s3+$0x0], $0xffff  }
0x262: {  	v5 =	vadd.s32 $0x5000, v5;
	v8 =	vld.idx.msk [tilespmem:v8+s3+$0x0], $0xffff;
	v14 =	vadd.f32 v14, v15;
	v15 =	vadd.f32 v63, v16  }
0x263: {  	v2 =	vadd.s32 $0x5400, v2;
	v9 =	vld.idx.msk [tilespmem:v9+s3+$0x0], $0xffff  }
0x264: {  	v3 =	vadd.s32 $0x5800, v3;
	v6 =	vld.idx.msk [tilespmem:v6+s3+$0x0], $0xffff;
	v12 =	vadd.f32 v12, v14;
	v13 =	vadd.f32 v13, v15  }
0x265: {  	v0 =	vadd.s32 $0x5C00, v0;
	v7 =	vld.idx.msk [tilespmem:v7+s3+$0x0], $0xffff  }
0x266: {  	v1 =	vadd.s32 $0x6000, v1;
	v4 =	vld.idx.msk [tilespmem:v4+s3+$0x0], $0xffff;
	v10 =	vadd.f32 v10, v12;
	v11 =	vadd.f32 v11, v13  }
0x267: {  	v5 =	vld.idx.msk [tilespmem:v5+s3+$0x0], $0xffff  }
0x268: {  	v2 =	vld.idx.msk [tilespmem:v2+s3+$0x0], $0xffff;
	v8 =	vadd.f32 v8, v10;
	v9 =	vadd.f32 v9, v11  }
0x269: {  	v3 =	vld.idx.msk [tilespmem:v3+s3+$0x0], $0xffff  }
0x26a: {  	v0 =	vld.idx.msk [tilespmem:v0+s3+$0x0], $0xffff;
	v6 =	vadd.f32 v6, v8;
	v7 =	vadd.f32 v7, v9  }
0x26b: {  	v1 =	vld.idx.msk [tilespmem:v1+s3+$0x0], $0xffff  }
0x26c: {  	v4 =	vadd.f32 v4, v6;
	v5 =	vadd.f32 v5, v7;
	_ =	sdelay $0x1  }
0x26d: {  	s2 =	simm.s32 $0x14400;
	v2 =	vadd.f32 v2, v4;
	v3 =	vadd.f32 v3, v5  }
0x26e: {  	v4 =	vld [tilespmem:s2+$0x0]  }
0x26f: {  	v0 =	vadd.f32 v0, v2;
	v1 =	vadd.f32 v1, v3;
	_ =	sdelay $0x1  }
0x270: {  	v0 =	vadd.f32 v1, v0;
	_ =	sdelay $0x1  }
0x271: {  	s4 =	simm.s32 $0x10;
	s1 =	simm.s32 $0x80;
	v0 =	vadd.f32 v0, v4  }
0x272: {  	s4 =	sand.u32 $0x70, s4;
	s28 =	sand.u32 $0xC00, s1  }
0x273: {  	s31 =	sor.u32 s4, s28;
	[tilespmem:s2+$0x0] =	vst v0  }
0x274: {  	v1 =	vld [tilespmem:s31+$0x13400]  }
0x275: {  	v0 =	vld [tilespmem:s31+$0x13480]  }
0x276: {  	v3 =	vld [tilespmem:s31+$0x12700]  }
0x277: {  	v2 =	vld [tilespmem:s31+$0x12780]  }
0x278: {  	v5 =	vld [tilespmem:s31+$0x12600]  }
0x279: {  	v4 =	vld [tilespmem:s31+$0x12680]  }
0x27a: {  	v7 =	vld [tilespmem:s31+$0x12500]  }
0x27b: {  	v6 =	vld [tilespmem:s31+$0x12580]  }
0x27c: {  	v9 =	vld [tilespmem:s31+$0x12400]  }
0x27d: {  	v8 =	vld [tilespmem:s31+$0x12480]  }
0x27e: {  	v11 =	vld [tilespmem:s31+$0x11700]  }
0x27f: {  	v10 =	vld [tilespmem:s31+$0x11780]  }
0x280: {  	v13 =	vld [tilespmem:s31+$0x11600]  }
0x281: {  	v12 =	vld [tilespmem:s31+$0x11680]  }
0x282: {  	v14 =	vld [tilespmem:s31+$0x11500]  }
0x283: {  	s28 =	simm.s32 $0x20;
	v15 =	vld [tilespmem:s31+$0x10500]  }
.LBB2_8:
0x284: {  	p0 =	sne.s32 s28, $0x1F0;
	v16 =	vld [tilespmem:s31+$0x10480]  }
0x285: {  	v17 =	vld [tilespmem:s31+$0x10580]  }
0x286: {  	v18 =	vld [tilespmem:s31+$0x10600]  }
0x287: {  	v19 =	vld [tilespmem:s31+$0x10680]  }
0x288: {  	v20 =	vld [tilespmem:s31+$0x10700]  }
0x289: {  	v15 =	vadd.s32 $0x400, v15;
	v21 =	vld [tilespmem:s31+$0x10780]  }
0x28a: {  	v17 =	vadd.s32 $0x800, v17;
	v22 =	vld [tilespmem:s31+$0x11400]  }
0x28b: {  	v18 =	vadd.s32 $0xC00, v18;
	v23 =	vld [tilespmem:s31+$0x11480]  }
0x28c: {  	v19 =	vadd.s32 $0x1000, v19;
	v24 =	vld [tilespmem:s31+$0x11580]  }
0x28d: {  	v16 =	vld.idx.msk [tilespmem:v16+s3+$0x0], $0xffff;
	v20 =	vadd.s32 $0x1400, v20  }
0x28e: {  	v15 =	vld.idx.msk [tilespmem:v15+s3+$0x0], $0xffff;
	v21 =	vadd.s32 $0x1800, v21  }
0x28f: {  	v17 =	vld.idx.msk [tilespmem:v17+s3+$0x0], $0xffff;
	v22 =	vadd.s32 $0x1C00, v22  }
0x290: {  	v18 =	vld.idx.msk [tilespmem:v18+s3+$0x0], $0xffff;
	v23 =	vadd.s32 $0x2000, v23  }
0x291: {  	v14 =	vadd.s32 $0x2400, v14;
	v19 =	vld.idx.msk [tilespmem:v19+s3+$0x0], $0xffff  }
0x292: {  	v24 =	vadd.s32 $0x2800, v24;
	v20 =	vld.idx.msk [tilespmem:v20+s3+$0x0], $0xffff  }
0x293: {  	v13 =	vadd.s32 $0x2C00, v13;
	v16 =	vadd.f32 $0.0e+00, v16;
	v21 =	vld.idx.msk [tilespmem:v21+s3+$0x0], $0xffff  }
0x294: {  	v12 =	vadd.s32 $0x3000, v12;
	v22 =	vld.idx.msk [tilespmem:v22+s3+$0x0], $0xffff  }
0x295: {  	v11 =	vadd.s32 $0x3400, v11;
	v15 =	vadd.f32 $0.0e+00, v15;
	v16 =	vadd.f32 v17, v16;
	v17 =	vld.idx.msk [tilespmem:v23+s3+$0x0], $0xffff  }
0x296: {  	v10 =	vadd.s32 $0x3800, v10;
	v14 =	vld.idx.msk [tilespmem:v14+s3+$0x0], $0xffff  }
0x297: {  	v9 =	vadd.s32 $0x3C00, v9;
	v15 =	vadd.f32 v18, v15;
	v16 =	vadd.f32 v19, v16;
	v18 =	vld.idx.msk [tilespmem:v24+s3+$0x0], $0xffff  }
0x298: {  	v8 =	vadd.s32 $0x4000, v8;
	v13 =	vld.idx.msk [tilespmem:v13+s3+$0x0], $0xffff  }
0x299: {  	v7 =	vadd.s32 $0x4400, v7;
	v15 =	vadd.f32 v20, v15;
	v16 =	vadd.f32 v21, v16;
	v12 =	vld.idx.msk [tilespmem:v12+s3+$0x0], $0xffff  }
0x29a: {  	v6 =	vadd.s32 $0x4800, v6;
	v11 =	vld.idx.msk [tilespmem:v11+s3+$0x0], $0xffff  }
0x29b: {  	v5 =	vadd.s32 $0x4C00, v5;
	v15 =	vadd.f32 v22, v15;
	v16 =	vadd.f32 v17, v16;
	v10 =	vld.idx.msk [tilespmem:v10+s3+$0x0], $0xffff  }
0x29c: {  	v4 =	vadd.s32 $0x5000, v4;
	v9 =	vld.idx.msk [tilespmem:v9+s3+$0x0], $0xffff  }
0x29d: {  	v3 =	vadd.s32 $0x5400, v3;
	v14 =	vadd.f32 v14, v15;
	v15 =	vadd.f32 v18, v16;
	v8 =	vld.idx.msk [tilespmem:v8+s3+$0x0], $0xffff  }
0x29e: {  	v2 =	vadd.s32 $0x5800, v2;
	v7 =	vld.idx.msk [tilespmem:v7+s3+$0x0], $0xffff  }
0x29f: {  	v1 =	vadd.s32 $0x5C00, v1;
	v13 =	vadd.f32 v13, v14;
	v12 =	vadd.f32 v12, v15;
	v6 =	vld.idx.msk [tilespmem:v6+s3+$0x0], $0xffff  }
0x2a0: {  	v0 =	vadd.s32 $0x6000, v0;
	v5 =	vld.idx.msk [tilespmem:v5+s3+$0x0], $0xffff  }
0x2a1: {  	v11 =	vadd.f32 v11, v13;
	v10 =	vadd.f32 v10, v12;
	v4 =	vld.idx.msk [tilespmem:v4+s3+$0x0], $0xffff  }
0x2a2: {  	v3 =	vld.idx.msk [tilespmem:v3+s3+$0x0], $0xffff  }
0x2a3: {  	v9 =	vadd.f32 v9, v11;
	v8 =	vadd.f32 v8, v10;
	v2 =	vld.idx.msk [tilespmem:v2+s3+$0x0], $0xffff  }
0x2a4: {  	v1 =	vld.idx.msk [tilespmem:v1+s3+$0x0], $0xffff  }
0x2a5: {  	v7 =	vadd.f32 v7, v9;
	v6 =	vadd.f32 v6, v8;
	v0 =	vld.idx.msk [tilespmem:v0+s3+$0x0], $0xffff;
	_ =	sdelay $0x1  }
0x2a6: {  	v5 =	vadd.f32 v5, v7;
	v4 =	vadd.f32 v4, v6;
	_ =	sdelay $0x1  }
0x2a7: {  	s2 =	sadd.s32 $0x10, s2;
	v3 =	vadd.f32 v3, v5;
	v2 =	vadd.f32 v2, v4  }
0x2a8: {  	v4 =	vld [tilespmem:s2+$0x0]  }
0x2a9: {  	v1 =	vadd.f32 v1, v3;
	v0 =	vadd.f32 v0, v2;
	_ =	sdelay $0x1  }
0x2aa: {  	v0 =	vadd.f32 v0, v1;
	_ =	sdelay $0x1  }
0x2ab: {  	s1 =	sadd.s32 $0x80, s1;
	v0 =	vadd.f32 v0, v4  }
0x2ac: {  	s4 =	sand.u32 $0x70, s28;
	s31 =	sand.u32 $0xC00, s1  }
0x2ad: {  	s31 =	sor.u32 s4, s31;
	[tilespmem:s2+$0x0] =	vst v0  }
0x2ae: {  	v1 =	vld [tilespmem:s31+$0x13400]  }
0x2af: {  	v0 =	vld [tilespmem:s31+$0x13480]  }
0x2b0: {  	v3 =	vld [tilespmem:s31+$0x12700]  }
0x2b1: {  	v2 =	vld [tilespmem:s31+$0x12780]  }
0x2b2: {  	v5 =	vld [tilespmem:s31+$0x12600]  }
0x2b3: {  	v4 =	vld [tilespmem:s31+$0x12680]  }
0x2b4: {  	v7 =	vld [tilespmem:s31+$0x12500]  }
0x2b5: {  	v6 =	vld [tilespmem:s31+$0x12580]  }
0x2b6: {  	v9 =	vld [tilespmem:s31+$0x12400]  }
0x2b7: {  	v8 =	vld [tilespmem:s31+$0x12480]  }
0x2b8: {  	v11 =	vld [tilespmem:s31+$0x11700]  }
.Ltmp3:
0x2b9: {  	v10 =	vld [tilespmem:s31+$0x11780];
	(pc) =	sbr.rel @p0 .LBB2_8-.Ltmp3, $4  }
0x2ba: {  	v13 =	vld [tilespmem:s31+$0x11600]  }
0x2bb: {  	v12 =	vld [tilespmem:s31+$0x11680]  }
0x2bc: {  	v14 =	vld [tilespmem:s31+$0x11500]  }
0x2bd: {  	s28 =	sadd.s32 $0x10, s28;
	v15 =	vld [tilespmem:s31+$0x10500]  }
0x2be: {  	v16 =	vld [tilespmem:s31+$0x10480]  }
0x2bf: {  	v17 =	vld [tilespmem:s31+$0x10580]  }
0x2c0: {  	v18 =	vld [tilespmem:s31+$0x10600]  }
0x2c1: {  	v19 =	vld [tilespmem:s31+$0x10680]  }
0x2c2: {  	v20 =	vld [tilespmem:s31+$0x10700]  }
0x2c3: {  	v21 =	vld [tilespmem:s31+$0x10780];
	v15 =	vadd.s32 $0x400, v15  }
0x2c4: {  	v22 =	vld [tilespmem:s31+$0x11400];
	v17 =	vadd.s32 $0x800, v17  }
0x2c5: {  	v23 =	vld [tilespmem:s31+$0x11480];
	v18 =	vadd.s32 $0xC00, v18  }
0x2c6: {  	v24 =	vld [tilespmem:s31+$0x11580];
	v19 =	vadd.s32 $0x1000, v19  }
0x2c7: {  	v20 =	vadd.s32 $0x1400, v20;
	v16 =	vld.idx.msk [tilespmem:v16+s3+$0x0], $0xffff  }
0x2c8: {  	v21 =	vadd.s32 $0x1800, v21;
	v15 =	vld.idx.msk [tilespmem:v15+s3+$0x0], $0xffff  }
0x2c9: {  	v22 =	vadd.s32 $0x1C00, v22;
	v17 =	vld.idx.msk [tilespmem:v17+s3+$0x0], $0xffff  }
0x2ca: {  	v23 =	vadd.s32 $0x2000, v23;
	v18 =	vld.idx.msk [tilespmem:v18+s3+$0x0], $0xffff  }
0x2cb: {  	v14 =	vadd.s32 $0x2400, v14;
	v19 =	vld.idx.msk [tilespmem:v19+s3+$0x0], $0xffff  }
0x2cc: {  	v24 =	vadd.s32 $0x2800, v24;
	v20 =	vld.idx.msk [tilespmem:v20+s3+$0x0], $0xffff;
	v16 =	vadd.f32 $0.0e+00, v16  }
0x2cd: {  	v13 =	vadd.s32 $0x2C00, v13;
	v21 =	vld.idx.msk [tilespmem:v21+s3+$0x0], $0xffff  }
0x2ce: {  	v12 =	vadd.s32 $0x3000, v12;
	v22 =	vld.idx.msk [tilespmem:v22+s3+$0x0], $0xffff;
	v15 =	vadd.f32 $0.0e+00, v15;
	v16 =	vadd.f32 v17, v16  }
0x2cf: {  	v11 =	vadd.s32 $0x3400, v11;
	v17 =	vld.idx.msk [tilespmem:v23+s3+$0x0], $0xffff  }
0x2d0: {  	v10 =	vadd.s32 $0x3800, v10;
	v14 =	vld.idx.msk [tilespmem:v14+s3+$0x0], $0xffff;
	v15 =	vadd.f32 v18, v15;
	v16 =	vadd.f32 v19, v16  }
0x2d1: {  	v9 =	vadd.s32 $0x3C00, v9;
	v55 =	vld.idx.msk [tilespmem:v24+s3+$0x0], $0xffff  }
0x2d2: {  	v8 =	vadd.s32 $0x4000, v8;
	v13 =	vld.idx.msk [tilespmem:v13+s3+$0x0], $0xffff;
	v15 =	vadd.f32 v20, v15;
	v16 =	vadd.f32 v21, v16  }
0x2d3: {  	v7 =	vadd.s32 $0x4400, v7;
	v12 =	vld.idx.msk [tilespmem:v12+s3+$0x0], $0xffff  }
0x2d4: {  	v6 =	vadd.s32 $0x4800, v6;
	v11 =	vld.idx.msk [tilespmem:v11+s3+$0x0], $0xffff;
	v15 =	vadd.f32 v22, v15;
	v16 =	vadd.f32 v17, v16  }
0x2d5: {  	v5 =	vadd.s32 $0x4C00, v5;
	v10 =	vld.idx.msk [tilespmem:v10+s3+$0x0], $0xffff  }
0x2d6: {  	v4 =	vadd.s32 $0x5000, v4;
	v9 =	vld.idx.msk [tilespmem:v9+s3+$0x0], $0xffff;
	v14 =	vadd.f32 v14, v15;
	v15 =	vadd.f32 v55, v16  }
0x2d7: {  	v3 =	vadd.s32 $0x5400, v3;
	v8 =	vld.idx.msk [tilespmem:v8+s3+$0x0], $0xffff  }
0x2d8: {  	v2 =	vadd.s32 $0x5800, v2;
	v7 =	vld.idx.msk [tilespmem:v7+s3+$0x0], $0xffff;
	v13 =	vadd.f32 v13, v14;
	v12 =	vadd.f32 v12, v15  }
0x2d9: {  	v1 =	vadd.s32 $0x5C00, v1;
	v6 =	vld.idx.msk [tilespmem:v6+s3+$0x0], $0xffff  }
0x2da: {  	v0 =	vadd.s32 $0x6000, v0;
	v5 =	vld.idx.msk [tilespmem:v5+s3+$0x0], $0xffff;
	v11 =	vadd.f32 v11, v13;
	v10 =	vadd.f32 v10, v12  }
0x2db: {  	v4 =	vld.idx.msk [tilespmem:v4+s3+$0x0], $0xffff  }
0x2dc: {  	v3 =	vld.idx.msk [tilespmem:v3+s3+$0x0], $0xffff;
	v9 =	vadd.f32 v9, v11;
	v8 =	vadd.f32 v8, v10  }
0x2dd: {  	v2 =	vld.idx.msk [tilespmem:v2+s3+$0x0], $0xffff  }
0x2de: {  	v1 =	vld.idx.msk [tilespmem:v1+s3+$0x0], $0xffff;
	v7 =	vadd.f32 v7, v9;
	v6 =	vadd.f32 v6, v8  }
0x2df: {  	v0 =	vld.idx.msk [tilespmem:v0+s3+$0x0], $0xffff  }
0x2e0: {  	v5 =	vadd.f32 v5, v7;
	v4 =	vadd.f32 v4, v6;
	_ =	sdelay $0x1  }
0x2e1: {  	s1 =	sadd.s32 $0x10, s2;
	v3 =	vadd.f32 v3, v5;
	v2 =	vadd.f32 v2, v4  }
0x2e2: {  	v4 =	vld [tilespmem:s1+$0x0]  }
0x2e3: {  	v1 =	vadd.f32 v1, v3;
	v0 =	vadd.f32 v0, v2;
	_ =	sdelay $0x1  }
0x2e4: {  	v0 =	vadd.f32 v0, v1;
	_ =	sdelay $0x1  }
0x2e5: {  	v0 =	vadd.f32 v0, v4;
	_ =	sdelay $0x1  }
0x2e6: {  	s4 =	simm.s32 $0xD400;
	[tilespmem:s1+$0x0] =	vst v0  }
0x2e7: {  	[tilespmem:s4], [sflag:$0x2] =	stream.strided.gather [hbm4b:s12+s22], $0x7000, s23, s22, $0x38;
	[tilespmem:$0x18480] =	vst v63  }
0x2e8: {  	_ =	swait.ge [sflag:s29], $0x7000  }
0x2e9: {  	[sflag:s29] =	ssyncset.done $0x0  }
0x2ea: {  	s2 =	simm.s32 $0x0;
	[sflag:s29] =	ssyncadd.s32 $0xFFFF9000  }
0x2eb: {  	[tilespmem:s2], [sflag:$0x3] =	stream.linear.gather [spmem:s13], $0x6400, $0x38;
	[tilespmem:$0x18480] =	vst v63  }
0x2ec: {  	_ =	swait.ge [sflag:s26], $0x6400  }
0x2ed: {  	s1 =	sand.u32 $0xC00, s2;
	s4 =	sand.u32 $0x70, s2;
	[sflag:s26] =	ssyncset.done $0x0  }
0x2ee: {  	s1 =	sor.u32 s4, s1;
	[sflag:s26] =	ssyncadd.s32 $0xFFFF9C00  }
0x2ef: {  	v0 =	vld [tilespmem:s1+$0x8780]  }
0x2f0: {  	v1 =	vld [tilespmem:s1+$0x9400]  }
0x2f1: {  	v2 =	vld [tilespmem:s1+$0x8680]  }
0x2f2: {  	v3 =	vld [tilespmem:s1+$0x8700]  }
0x2f3: {  	v4 =	vld [tilespmem:s1+$0x8580]  }
0x2f4: {  	v5 =	vld [tilespmem:s1+$0x8600]  }
0x2f5: {  	v6 =	vld [tilespmem:s1+$0x8480]  }
0x2f6: {  	v7 =	vld [tilespmem:s1+$0x8500]  }
0x2f7: {  	v8 =	vld [tilespmem:s1+$0x7780]  }
0x2f8: {  	v9 =	vld [tilespmem:s1+$0x8400]  }
0x2f9: {  	v10 =	vld [tilespmem:s1+$0x7680]  }
0x2fa: {  	v11 =	vld [tilespmem:s1+$0x7700]  }
0x2fb: {  	v12 =	vld [tilespmem:s1+$0x7580]  }
0x2fc: {  	v13 =	vld [tilespmem:s1+$0x7600]  }
0x2fd: {  	v14 =	vld [tilespmem:s1+$0x7480]  }
0x2fe: {  	v15 =	vld [tilespmem:s1+$0x6480]  }
0x2ff: {  	v16 =	vld [tilespmem:s1+$0x6400]  }
0x300: {  	v17 =	vld [tilespmem:s1+$0x6500]  }
0x301: {  	v56 =	vld [tilespmem:s1+$0x6580]  }
0x302: {  	v57 =	vld [tilespmem:s1+$0x6600]  }
0x303: {  	v58 =	vld [tilespmem:s1+$0x6680]  }
0x304: {  	v59 =	vld [tilespmem:s1+$0x6700];
	v15 =	vadd.s32 $0x400, v15  }
0x305: {  	v60 =	vld [tilespmem:s1+$0x6780];
	v17 =	vadd.s32 $0x800, v17  }
0x306: {  	v61 =	vld [tilespmem:s1+$0x7400];
	v18 =	vadd.s32 $0xC00, v56  }
0x307: {  	v62 =	vld [tilespmem:s1+$0x7500];
	v19 =	vadd.s32 $0x1000, v57  }
0x308: {  	v20 =	vadd.s32 $0x1400, v58;
	v16 =	vld.idx.msk [tilespmem:v16+s3+$0x0], $0xffff  }
0x309: {  	v21 =	vadd.s32 $0x1800, v59;
	v15 =	vld.idx.msk [tilespmem:v15+s3+$0x0], $0xffff  }
0x30a: {  	v22 =	vadd.s32 $0x1C00, v60;
	v17 =	vld.idx.msk [tilespmem:v17+s3+$0x0], $0xffff  }
0x30b: {  	v23 =	vadd.s32 $0x2000, v61;
	v18 =	vld.idx.msk [tilespmem:v18+s3+$0x0], $0xffff  }
0x30c: {  	v14 =	vadd.s32 $0x2400, v14;
	v19 =	vld.idx.msk [tilespmem:v19+s3+$0x0], $0xffff  }
0x30d: {  	v24 =	vadd.s32 $0x2800, v62;
	v20 =	vld.idx.msk [tilespmem:v20+s3+$0x0], $0xffff;
	v16 =	vadd.f32 $0.0e+00, v16  }
0x30e: {  	v12 =	vadd.s32 $0x2C00, v12;
	v21 =	vld.idx.msk [tilespmem:v21+s3+$0x0], $0xffff  }
0x30f: {  	v13 =	vadd.s32 $0x3000, v13;
	v22 =	vld.idx.msk [tilespmem:v22+s3+$0x0], $0xffff;
	v15 =	vadd.f32 $0.0e+00, v15;
	v16 =	vadd.f32 v17, v16  }
0x310: {  	v10 =	vadd.s32 $0x3400, v10;
	v17 =	vld.idx.msk [tilespmem:v23+s3+$0x0], $0xffff  }
0x311: {  	v11 =	vadd.s32 $0x3800, v11;
	v14 =	vld.idx.msk [tilespmem:v14+s3+$0x0], $0xffff;
	v15 =	vadd.f32 v18, v15;
	v16 =	vadd.f32 v19, v16  }
0x312: {  	v8 =	vadd.s32 $0x3C00, v8;
	v63 =	vld.idx.msk [tilespmem:v24+s3+$0x0], $0xffff  }
0x313: {  	v9 =	vadd.s32 $0x4000, v9;
	v12 =	vld.idx.msk [tilespmem:v12+s3+$0x0], $0xffff;
	v15 =	vadd.f32 v20, v15;
	v16 =	vadd.f32 v21, v16  }
0x314: {  	v6 =	vadd.s32 $0x4400, v6;
	v13 =	vld.idx.msk [tilespmem:v13+s3+$0x0], $0xffff  }
0x315: {  	v7 =	vadd.s32 $0x4800, v7;
	v10 =	vld.idx.msk [tilespmem:v10+s3+$0x0], $0xffff;
	v15 =	vadd.f32 v22, v15;
	v16 =	vadd.f32 v17, v16  }
0x316: {  	v4 =	vadd.s32 $0x4C00, v4;
	v11 =	vld.idx.msk [tilespmem:v11+s3+$0x0], $0xffff  }
0x317: {  	v5 =	vadd.s32 $0x5000, v5;
	v8 =	vld.idx.msk [tilespmem:v8+s3+$0x0], $0xffff;
	v14 =	vadd.f32 v14, v15;
	v15 =	vadd.f32 v63, v16  }
0x318: {  	v2 =	vadd.s32 $0x5400, v2;
	v9 =	vld.idx.msk [tilespmem:v9+s3+$0x0], $0xffff  }
0x319: {  	v3 =	vadd.s32 $0x5800, v3;
	v6 =	vld.idx.msk [tilespmem:v6+s3+$0x0], $0xffff;
	v12 =	vadd.f32 v12, v14;
	v13 =	vadd.f32 v13, v15  }
0x31a: {  	v0 =	vadd.s32 $0x5C00, v0;
	v7 =	vld.idx.msk [tilespmem:v7+s3+$0x0], $0xffff  }
0x31b: {  	v1 =	vadd.s32 $0x6000, v1;
	v4 =	vld.idx.msk [tilespmem:v4+s3+$0x0], $0xffff;
	v10 =	vadd.f32 v10, v12;
	v11 =	vadd.f32 v11, v13  }
0x31c: {  	v5 =	vld.idx.msk [tilespmem:v5+s3+$0x0], $0xffff  }
0x31d: {  	v2 =	vld.idx.msk [tilespmem:v2+s3+$0x0], $0xffff;
	v8 =	vadd.f32 v8, v10;
	v9 =	vadd.f32 v9, v11  }
0x31e: {  	v3 =	vld.idx.msk [tilespmem:v3+s3+$0x0], $0xffff  }
0x31f: {  	v0 =	vld.idx.msk [tilespmem:v0+s3+$0x0], $0xffff;
	v6 =	vadd.f32 v6, v8;
	v7 =	vadd.f32 v7, v9  }
0x320: {  	v1 =	vld.idx.msk [tilespmem:v1+s3+$0x0], $0xffff  }
0x321: {  	v4 =	vadd.f32 v4, v6;
	v5 =	vadd.f32 v5, v7;
	_ =	sdelay $0x1  }
0x322: {  	s2 =	simm.s32 $0x14400;
	v2 =	vadd.f32 v2, v4;
	v3 =	vadd.f32 v3, v5  }
0x323: {  	v4 =	vld [tilespmem:s2+$0x0]  }
0x324: {  	v0 =	vadd.f32 v0, v2;
	v1 =	vadd.f32 v1, v3;
	_ =	sdelay $0x1  }
0x325: {  	v0 =	vadd.f32 v1, v0;
	_ =	sdelay $0x1  }
0x326: {  	s4 =	simm.s32 $0x10;
	s1 =	simm.s32 $0x80;
	v0 =	vadd.f32 v0, v4  }
0x327: {  	s4 =	sand.u32 $0x70, s4;
	s28 =	sand.u32 $0xC00, s1  }
0x328: {  	s31 =	sor.u32 s4, s28;
	[tilespmem:s2+$0x0] =	vst v0  }
0x329: {  	v1 =	vld [tilespmem:s31+$0x8780]  }
0x32a: {  	v0 =	vld [tilespmem:s31+$0x9400]  }
0x32b: {  	v3 =	vld [tilespmem:s31+$0x8680]  }
0x32c: {  	v2 =	vld [tilespmem:s31+$0x8700]  }
0x32d: {  	v5 =	vld [tilespmem:s31+$0x8580]  }
0x32e: {  	v4 =	vld [tilespmem:s31+$0x8600]  }
0x32f: {  	v7 =	vld [tilespmem:s31+$0x8480]  }
0x330: {  	v6 =	vld [tilespmem:s31+$0x8500]  }
0x331: {  	v9 =	vld [tilespmem:s31+$0x7780]  }
0x332: {  	v8 =	vld [tilespmem:s31+$0x8400]  }
0x333: {  	v11 =	vld [tilespmem:s31+$0x7680]  }
0x334: {  	v10 =	vld [tilespmem:s31+$0x7700]  }
0x335: {  	v13 =	vld [tilespmem:s31+$0x7580]  }
0x336: {  	v12 =	vld [tilespmem:s31+$0x7600]  }
0x337: {  	v14 =	vld [tilespmem:s31+$0x7480]  }
0x338: {  	s28 =	simm.s32 $0x20;
	v15 =	vld [tilespmem:s31+$0x6480]  }
.LBB2_10:
0x339: {  	p0 =	sne.s32 s28, $0x1F0;
	v16 =	vld [tilespmem:s31+$0x6400]  }
0x33a: {  	v17 =	vld [tilespmem:s31+$0x6500]  }
0x33b: {  	v18 =	vld [tilespmem:s31+$0x6580]  }
0x33c: {  	v19 =	vld [tilespmem:s31+$0x6600]  }
0x33d: {  	v20 =	vld [tilespmem:s31+$0x6680]  }
0x33e: {  	v15 =	vadd.s32 $0x400, v15;
	v21 =	vld [tilespmem:s31+$0x6700]  }
0x33f: {  	v17 =	vadd.s32 $0x800, v17;
	v22 =	vld [tilespmem:s31+$0x6780]  }
0x340: {  	v18 =	vadd.s32 $0xC00, v18;
	v23 =	vld [tilespmem:s31+$0x7400]  }
0x341: {  	v19 =	vadd.s32 $0x1000, v19;
	v24 =	vld [tilespmem:s31+$0x7500]  }
0x342: {  	v16 =	vld.idx.msk [tilespmem:v16+s3+$0x0], $0xffff;
	v20 =	vadd.s32 $0x1400, v20  }
0x343: {  	v15 =	vld.idx.msk [tilespmem:v15+s3+$0x0], $0xffff;
	v21 =	vadd.s32 $0x1800, v21  }
0x344: {  	v17 =	vld.idx.msk [tilespmem:v17+s3+$0x0], $0xffff;
	v22 =	vadd.s32 $0x1C00, v22  }
0x345: {  	v18 =	vld.idx.msk [tilespmem:v18+s3+$0x0], $0xffff;
	v23 =	vadd.s32 $0x2000, v23  }
0x346: {  	v14 =	vadd.s32 $0x2400, v14;
	v19 =	vld.idx.msk [tilespmem:v19+s3+$0x0], $0xffff  }
0x347: {  	v24 =	vadd.s32 $0x2800, v24;
	v20 =	vld.idx.msk [tilespmem:v20+s3+$0x0], $0xffff  }
0x348: {  	v13 =	vadd.s32 $0x2C00, v13;
	v16 =	vadd.f32 $0.0e+00, v16;
	v21 =	vld.idx.msk [tilespmem:v21+s3+$0x0], $0xffff  }
0x349: {  	v12 =	vadd.s32 $0x3000, v12;
	v22 =	vld.idx.msk [tilespmem:v22+s3+$0x0], $0xffff  }
0x34a: {  	v11 =	vadd.s32 $0x3400, v11;
	v15 =	vadd.f32 $0.0e+00, v15;
	v16 =	vadd.f32 v17, v16;
	v17 =	vld.idx.msk [tilespmem:v23+s3+$0x0], $0xffff  }
0x34b: {  	v10 =	vadd.s32 $0x3800, v10;
	v14 =	vld.idx.msk [tilespmem:v14+s3+$0x0], $0xffff  }
0x34c: {  	v9 =	vadd.s32 $0x3C00, v9;
	v15 =	vadd.f32 v18, v15;
	v16 =	vadd.f32 v19, v16;
	v18 =	vld.idx.msk [tilespmem:v24+s3+$0x0], $0xffff  }
0x34d: {  	v8 =	vadd.s32 $0x4000, v8;
	v13 =	vld.idx.msk [tilespmem:v13+s3+$0x0], $0xffff  }
0x34e: {  	v7 =	vadd.s32 $0x4400, v7;
	v15 =	vadd.f32 v20, v15;
	v16 =	vadd.f32 v21, v16;
	v12 =	vld.idx.msk [tilespmem:v12+s3+$0x0], $0xffff  }
0x34f: {  	v6 =	vadd.s32 $0x4800, v6;
	v11 =	vld.idx.msk [tilespmem:v11+s3+$0x0], $0xffff  }
0x350: {  	v5 =	vadd.s32 $0x4C00, v5;
	v15 =	vadd.f32 v22, v15;
	v16 =	vadd.f32 v17, v16;
	v10 =	vld.idx.msk [tilespmem:v10+s3+$0x0], $0xffff  }
0x351: {  	v4 =	vadd.s32 $0x5000, v4;
	v9 =	vld.idx.msk [tilespmem:v9+s3+$0x0], $0xffff  }
0x352: {  	v3 =	vadd.s32 $0x5400, v3;
	v14 =	vadd.f32 v14, v15;
	v15 =	vadd.f32 v18, v16;
	v8 =	vld.idx.msk [tilespmem:v8+s3+$0x0], $0xffff  }
0x353: {  	v2 =	vadd.s32 $0x5800, v2;
	v7 =	vld.idx.msk [tilespmem:v7+s3+$0x0], $0xffff  }
0x354: {  	v1 =	vadd.s32 $0x5C00, v1;
	v13 =	vadd.f32 v13, v14;
	v12 =	vadd.f32 v12, v15;
	v6 =	vld.idx.msk [tilespmem:v6+s3+$0x0], $0xffff  }
0x355: {  	v0 =	vadd.s32 $0x6000, v0;
	v5 =	vld.idx.msk [tilespmem:v5+s3+$0x0], $0xffff  }
0x356: {  	v11 =	vadd.f32 v11, v13;
	v10 =	vadd.f32 v10, v12;
	v4 =	vld.idx.msk [tilespmem:v4+s3+$0x0], $0xffff  }
0x357: {  	v3 =	vld.idx.msk [tilespmem:v3+s3+$0x0], $0xffff  }
0x358: {  	v9 =	vadd.f32 v9, v11;
	v8 =	vadd.f32 v8, v10;
	v2 =	vld.idx.msk [tilespmem:v2+s3+$0x0], $0xffff  }
0x359: {  	v1 =	vld.idx.msk [tilespmem:v1+s3+$0x0], $0xffff  }
0x35a: {  	v7 =	vadd.f32 v7, v9;
	v6 =	vadd.f32 v6, v8;
	v0 =	vld.idx.msk [tilespmem:v0+s3+$0x0], $0xffff;
	_ =	sdelay $0x1  }
0x35b: {  	v5 =	vadd.f32 v5, v7;
	v4 =	vadd.f32 v4, v6;
	_ =	sdelay $0x1  }
0x35c: {  	s2 =	sadd.s32 $0x10, s2;
	v3 =	vadd.f32 v3, v5;
	v2 =	vadd.f32 v2, v4  }
0x35d: {  	v4 =	vld [tilespmem:s2+$0x0]  }
0x35e: {  	v1 =	vadd.f32 v1, v3;
	v0 =	vadd.f32 v0, v2;
	_ =	sdelay $0x1  }
0x35f: {  	v0 =	vadd.f32 v0, v1;
	_ =	sdelay $0x1  }
0x360: {  	s1 =	sadd.s32 $0x80, s1;
	v0 =	vadd.f32 v0, v4  }
0x361: {  	s4 =	sand.u32 $0x70, s28;
	s31 =	sand.u32 $0xC00, s1  }
0x362: {  	s31 =	sor.u32 s4, s31;
	[tilespmem:s2+$0x0] =	vst v0  }
0x363: {  	v1 =	vld [tilespmem:s31+$0x8780]  }
0x364: {  	v0 =	vld [tilespmem:s31+$0x9400]  }
0x365: {  	v3 =	vld [tilespmem:s31+$0x8680]  }
0x366: {  	v2 =	vld [tilespmem:s31+$0x8700]  }
0x367: {  	v5 =	vld [tilespmem:s31+$0x8580]  }
0x368: {  	v4 =	vld [tilespmem:s31+$0x8600]  }
0x369: {  	v7 =	vld [tilespmem:s31+$0x8480]  }
0x36a: {  	v6 =	vld [tilespmem:s31+$0x8500]  }
0x36b: {  	v9 =	vld [tilespmem:s31+$0x7780]  }
0x36c: {  	v8 =	vld [tilespmem:s31+$0x8400]  }
0x36d: {  	v11 =	vld [tilespmem:s31+$0x7680]  }
.Ltmp4:
0x36e: {  	v10 =	vld [tilespmem:s31+$0x7700];
	(pc) =	sbr.rel @p0 .LBB2_10-.Ltmp4, $4  }
0x36f: {  	v13 =	vld [tilespmem:s31+$0x7580]  }
0x370: {  	v12 =	vld [tilespmem:s31+$0x7600]  }
0x371: {  	v14 =	vld [tilespmem:s31+$0x7480]  }
0x372: {  	s28 =	sadd.s32 $0x10, s28;
	v15 =	vld [tilespmem:s31+$0x6480]  }
0x373: {  	v16 =	vld [tilespmem:s31+$0x6400]  }
0x374: {  	v17 =	vld [tilespmem:s31+$0x6500]  }
0x375: {  	v18 =	vld [tilespmem:s31+$0x6580]  }
0x376: {  	v19 =	vld [tilespmem:s31+$0x6600]  }
0x377: {  	v20 =	vld [tilespmem:s31+$0x6680]  }
0x378: {  	v21 =	vld [tilespmem:s31+$0x6700];
	v15 =	vadd.s32 $0x400, v15  }
0x379: {  	v22 =	vld [tilespmem:s31+$0x6780];
	v17 =	vadd.s32 $0x800, v17  }
0x37a: {  	v23 =	vld [tilespmem:s31+$0x7400];
	v18 =	vadd.s32 $0xC00, v18  }
0x37b: {  	v24 =	vld [tilespmem:s31+$0x7500];
	v19 =	vadd.s32 $0x1000, v19  }
0x37c: {  	v20 =	vadd.s32 $0x1400, v20;
	v16 =	vld.idx.msk [tilespmem:v16+s3+$0x0], $0xffff  }
0x37d: {  	v21 =	vadd.s32 $0x1800, v21;
	v15 =	vld.idx.msk [tilespmem:v15+s3+$0x0], $0xffff  }
0x37e: {  	v22 =	vadd.s32 $0x1C00, v22;
	v17 =	vld.idx.msk [tilespmem:v17+s3+$0x0], $0xffff  }
0x37f: {  	v23 =	vadd.s32 $0x2000, v23;
	v18 =	vld.idx.msk [tilespmem:v18+s3+$0x0], $0xffff  }
0x380: {  	v14 =	vadd.s32 $0x2400, v14;
	v19 =	vld.idx.msk [tilespmem:v19+s3+$0x0], $0xffff  }
0x381: {  	v24 =	vadd.s32 $0x2800, v24;
	v20 =	vld.idx.msk [tilespmem:v20+s3+$0x0], $0xffff;
	v16 =	vadd.f32 $0.0e+00, v16  }
0x382: {  	v13 =	vadd.s32 $0x2C00, v13;
	v21 =	vld.idx.msk [tilespmem:v21+s3+$0x0], $0xffff  }
0x383: {  	v12 =	vadd.s32 $0x3000, v12;
	v22 =	vld.idx.msk [tilespmem:v22+s3+$0x0], $0xffff;
	v15 =	vadd.f32 $0.0e+00, v15;
	v16 =	vadd.f32 v17, v16  }
0x384: {  	v11 =	vadd.s32 $0x3400, v11;
	v17 =	vld.idx.msk [tilespmem:v23+s3+$0x0], $0xffff  }
0x385: {  	v10 =	vadd.s32 $0x3800, v10;
	v14 =	vld.idx.msk [tilespmem:v14+s3+$0x0], $0xffff;
	v15 =	vadd.f32 v18, v15;
	v16 =	vadd.f32 v19, v16  }
0x386: {  	v9 =	vadd.s32 $0x3C00, v9;
	v55 =	vld.idx.msk [tilespmem:v24+s3+$0x0], $0xffff  }
0x387: {  	v8 =	vadd.s32 $0x4000, v8;
	v13 =	vld.idx.msk [tilespmem:v13+s3+$0x0], $0xffff;
	v15 =	vadd.f32 v20, v15;
	v16 =	vadd.f32 v21, v16  }
0x388: {  	v7 =	vadd.s32 $0x4400, v7;
	v12 =	vld.idx.msk [tilespmem:v12+s3+$0x0], $0xffff  }
0x389: {  	v6 =	vadd.s32 $0x4800, v6;
	v11 =	vld.idx.msk [tilespmem:v11+s3+$0x0], $0xffff;
	v15 =	vadd.f32 v22, v15;
	v16 =	vadd.f32 v17, v16  }
0x38a: {  	v5 =	vadd.s32 $0x4C00, v5;
	v10 =	vld.idx.msk [tilespmem:v10+s3+$0x0], $0xffff  }
0x38b: {  	v4 =	vadd.s32 $0x5000, v4;
	v9 =	vld.idx.msk [tilespmem:v9+s3+$0x0], $0xffff;
	v14 =	vadd.f32 v14, v15;
	v15 =	vadd.f32 v55, v16  }
0x38c: {  	v3 =	vadd.s32 $0x5400, v3;
	v8 =	vld.idx.msk [tilespmem:v8+s3+$0x0], $0xffff  }
0x38d: {  	v2 =	vadd.s32 $0x5800, v2;
	v7 =	vld.idx.msk [tilespmem:v7+s3+$0x0], $0xffff;
	v13 =	vadd.f32 v13, v14;
	v12 =	vadd.f32 v12, v15  }
0x38e: {  	v1 =	vadd.s32 $0x5C00, v1;
	v6 =	vld.idx.msk [tilespmem:v6+s3+$0x0], $0xffff  }
0x38f: {  	v0 =	vadd.s32 $0x6000, v0;
	v5 =	vld.idx.msk [tilespmem:v5+s3+$0x0], $0xffff;
	v11 =	vadd.f32 v11, v13;
	v10 =	vadd.f32 v10, v12  }
0x390: {  	v4 =	vld.idx.msk [tilespmem:v4+s3+$0x0], $0xffff  }
0x391: {  	v3 =	vld.idx.msk [tilespmem:v3+s3+$0x0], $0xffff;
	v9 =	vadd.f32 v9, v11;
	v8 =	vadd.f32 v8, v10  }
0x392: {  	v2 =	vld.idx.msk [tilespmem:v2+s3+$0x0], $0xffff  }
0x393: {  	v1 =	vld.idx.msk [tilespmem:v1+s3+$0x0], $0xffff;
	v7 =	vadd.f32 v7, v9;
	v6 =	vadd.f32 v6, v8  }
0x394: {  	v0 =	vld.idx.msk [tilespmem:v0+s3+$0x0], $0xffff  }
0x395: {  	v5 =	vadd.f32 v5, v7;
	v4 =	vadd.f32 v4, v6;
	_ =	sdelay $0x1  }
0x396: {  	s1 =	sadd.s32 $0x10, s2;
	v3 =	vadd.f32 v3, v5;
	v2 =	vadd.f32 v2, v4  }
0x397: {  	v4 =	vld [tilespmem:s1+$0x0]  }
0x398: {  	v1 =	vadd.f32 v1, v3;
	v0 =	vadd.f32 v0, v2;
	_ =	sdelay $0x1  }
0x399: {  	v0 =	vadd.f32 v0, v1;
	_ =	sdelay $0x1  }
0x39a: {  	v0 =	vadd.f32 v0, v4;
	_ =	sdelay $0x1  }
0x39b: {  	s2 =	simm.s32 $0x0;
	[tilespmem:s1+$0x0] =	vst v0  }
0x39c: {  	[tilespmem:s2], [sflag:$0x3] =	stream.linear.gather [spmem:s14], $0x6400, $0x38;
	[tilespmem:$0x18480] =	vst v63  }
0x39d: {  	_ =	swait.ge [sflag:s26], $0x6400  }
0x39e: {  	s4 =	sand.u32 $0x70, s2;
	s1 =	sand.u32 $0xC00, s2;
	[sflag:s26] =	ssyncset.done $0x0  }
0x39f: {  	s1 =	sor.u32 s4, s1;
	[sflag:s26] =	ssyncadd.s32 $0xFFFF9C00  }
0x3a0: {  	v0 =	vld [tilespmem:s1+$0xC400]  }
0x3a1: {  	v1 =	vld [tilespmem:s1+$0xC480]  }
0x3a2: {  	v2 =	vld [tilespmem:s1+$0xB700]  }
0x3a3: {  	v3 =	vld [tilespmem:s1+$0xB780]  }
0x3a4: {  	v4 =	vld [tilespmem:s1+$0xB600]  }
0x3a5: {  	v5 =	vld [tilespmem:s1+$0xB680]  }
0x3a6: {  	v6 =	vld [tilespmem:s1+$0xB500]  }
0x3a7: {  	v7 =	vld [tilespmem:s1+$0xB580]  }
0x3a8: {  	v8 =	vld [tilespmem:s1+$0xB400]  }
0x3a9: {  	v9 =	vld [tilespmem:s1+$0xB480]  }
0x3aa: {  	v10 =	vld [tilespmem:s1+$0xA700]  }
0x3ab: {  	v11 =	vld [tilespmem:s1+$0xA780]  }
0x3ac: {  	v12 =	vld [tilespmem:s1+$0xA600]  }
0x3ad: {  	v13 =	vld [tilespmem:s1+$0xA680]  }
0x3ae: {  	v14 =	vld [tilespmem:s1+$0xA500]  }
0x3af: {  	v15 =	vld [tilespmem:s1+$0x9500]  }
0x3b0: {  	v16 =	vld [tilespmem:s1+$0x9480]  }
0x3b1: {  	v17 =	vld [tilespmem:s1+$0x9580]  }
0x3b2: {  	v56 =	vld [tilespmem:s1+$0x9600]  }
0x3b3: {  	v57 =	vld [tilespmem:s1+$0x9680]  }
0x3b4: {  	v58 =	vld [tilespmem:s1+$0x9700]  }
0x3b5: {  	v59 =	vld [tilespmem:s1+$0x9780];
	v15 =	vadd.s32 $0x400, v15  }
0x3b6: {  	v60 =	vld [tilespmem:s1+$0xA400];
	v17 =	vadd.s32 $0x800, v17  }
0x3b7: {  	v61 =	vld [tilespmem:s1+$0xA480];
	v18 =	vadd.s32 $0xC00, v56  }
0x3b8: {  	v62 =	vld [tilespmem:s1+$0xA580];
	v19 =	vadd.s32 $0x1000, v57  }
0x3b9: {  	v20 =	vadd.s32 $0x1400, v58;
	v16 =	vld.idx.msk [tilespmem:v16+s3+$0x0], $0xffff  }
0x3ba: {  	v21 =	vadd.s32 $0x1800, v59;
	v15 =	vld.idx.msk [tilespmem:v15+s3+$0x0], $0xffff  }
0x3bb: {  	v22 =	vadd.s32 $0x1C00, v60;
	v17 =	vld.idx.msk [tilespmem:v17+s3+$0x0], $0xffff  }
0x3bc: {  	v23 =	vadd.s32 $0x2000, v61;
	v18 =	vld.idx.msk [tilespmem:v18+s3+$0x0], $0xffff  }
0x3bd: {  	v14 =	vadd.s32 $0x2400, v14;
	v19 =	vld.idx.msk [tilespmem:v19+s3+$0x0], $0xffff  }
0x3be: {  	v24 =	vadd.s32 $0x2800, v62;
	v20 =	vld.idx.msk [tilespmem:v20+s3+$0x0], $0xffff;
	v16 =	vadd.f32 $0.0e+00, v16  }
0x3bf: {  	v12 =	vadd.s32 $0x2C00, v12;
	v21 =	vld.idx.msk [tilespmem:v21+s3+$0x0], $0xffff  }
0x3c0: {  	v13 =	vadd.s32 $0x3000, v13;
	v22 =	vld.idx.msk [tilespmem:v22+s3+$0x0], $0xffff;
	v15 =	vadd.f32 $0.0e+00, v15;
	v16 =	vadd.f32 v17, v16  }
0x3c1: {  	v10 =	vadd.s32 $0x3400, v10;
	v17 =	vld.idx.msk [tilespmem:v23+s3+$0x0], $0xffff  }
0x3c2: {  	v11 =	vadd.s32 $0x3800, v11;
	v14 =	vld.idx.msk [tilespmem:v14+s3+$0x0], $0xffff;
	v15 =	vadd.f32 v18, v15;
	v16 =	vadd.f32 v19, v16  }
0x3c3: {  	v8 =	vadd.s32 $0x3C00, v8;
	v63 =	vld.idx.msk [tilespmem:v24+s3+$0x0], $0xffff  }
0x3c4: {  	v9 =	vadd.s32 $0x4000, v9;
	v12 =	vld.idx.msk [tilespmem:v12+s3+$0x0], $0xffff;
	v15 =	vadd.f32 v20, v15;
	v16 =	vadd.f32 v21, v16  }
0x3c5: {  	v6 =	vadd.s32 $0x4400, v6;
	v13 =	vld.idx.msk [tilespmem:v13+s3+$0x0], $0xffff  }
0x3c6: {  	v7 =	vadd.s32 $0x4800, v7;
	v10 =	vld.idx.msk [tilespmem:v10+s3+$0x0], $0xffff;
	v15 =	vadd.f32 v22, v15;
	v16 =	vadd.f32 v17, v16  }
0x3c7: {  	v4 =	vadd.s32 $0x4C00, v4;
	v11 =	vld.idx.msk [tilespmem:v11+s3+$0x0], $0xffff  }
0x3c8: {  	v5 =	vadd.s32 $0x5000, v5;
	v8 =	vld.idx.msk [tilespmem:v8+s3+$0x0], $0xffff;
	v14 =	vadd.f32 v14, v15;
	v15 =	vadd.f32 v63, v16  }
0x3c9: {  	v2 =	vadd.s32 $0x5400, v2;
	v9 =	vld.idx.msk [tilespmem:v9+s3+$0x0], $0xffff  }
0x3ca: {  	v3 =	vadd.s32 $0x5800, v3;
	v6 =	vld.idx.msk [tilespmem:v6+s3+$0x0], $0xffff;
	v12 =	vadd.f32 v12, v14;
	v13 =	vadd.f32 v13, v15  }
0x3cb: {  	v0 =	vadd.s32 $0x5C00, v0;
	v7 =	vld.idx.msk [tilespmem:v7+s3+$0x0], $0xffff  }
0x3cc: {  	v1 =	vadd.s32 $0x6000, v1;
	v4 =	vld.idx.msk [tilespmem:v4+s3+$0x0], $0xffff;
	v10 =	vadd.f32 v10, v12;
	v11 =	vadd.f32 v11, v13  }
0x3cd: {  	v5 =	vld.idx.msk [tilespmem:v5+s3+$0x0], $0xffff  }
0x3ce: {  	v2 =	vld.idx.msk [tilespmem:v2+s3+$0x0], $0xffff;
	v8 =	vadd.f32 v8, v10;
	v9 =	vadd.f32 v9, v11  }
0x3cf: {  	v3 =	vld.idx.msk [tilespmem:v3+s3+$0x0], $0xffff  }
0x3d0: {  	v0 =	vld.idx.msk [tilespmem:v0+s3+$0x0], $0xffff;
	v6 =	vadd.f32 v6, v8;
	v7 =	vadd.f32 v7, v9  }
0x3d1: {  	v1 =	vld.idx.msk [tilespmem:v1+s3+$0x0], $0xffff  }
0x3d2: {  	v4 =	vadd.f32 v4, v6;
	v5 =	vadd.f32 v5, v7;
	_ =	sdelay $0x1  }
0x3d3: {  	s2 =	simm.s32 $0x14400;
	v2 =	vadd.f32 v2, v4;
	v3 =	vadd.f32 v3, v5  }
0x3d4: {  	v4 =	vld [tilespmem:s2+$0x0]  }
0x3d5: {  	v0 =	vadd.f32 v0, v2;
	v1 =	vadd.f32 v1, v3;
	_ =	sdelay $0x1  }
0x3d6: {  	v0 =	vadd.f32 v1, v0;
	_ =	sdelay $0x1  }
0x3d7: {  	s4 =	simm.s32 $0x10;
	s1 =	simm.s32 $0x80;
	v0 =	vadd.f32 v0, v4  }
0x3d8: {  	s4 =	sand.u32 $0x70, s4;
	s28 =	sand.u32 $0xC00, s1  }
0x3d9: {  	s31 =	sor.u32 s4, s28;
	[tilespmem:s2+$0x0] =	vst v0  }
0x3da: {  	v1 =	vld [tilespmem:s31+$0xC400]  }
0x3db: {  	v0 =	vld [tilespmem:s31+$0xC480]  }
0x3dc: {  	v3 =	vld [tilespmem:s31+$0xB700]  }
0x3dd: {  	v2 =	vld [tilespmem:s31+$0xB780]  }
0x3de: {  	v5 =	vld [tilespmem:s31+$0xB600]  }
0x3df: {  	v4 =	vld [tilespmem:s31+$0xB680]  }
0x3e0: {  	v7 =	vld [tilespmem:s31+$0xB500]  }
0x3e1: {  	v6 =	vld [tilespmem:s31+$0xB580]  }
0x3e2: {  	v9 =	vld [tilespmem:s31+$0xB400]  }
0x3e3: {  	v8 =	vld [tilespmem:s31+$0xB480]  }
0x3e4: {  	v11 =	vld [tilespmem:s31+$0xA700]  }
0x3e5: {  	v10 =	vld [tilespmem:s31+$0xA780]  }
0x3e6: {  	v13 =	vld [tilespmem:s31+$0xA600]  }
0x3e7: {  	v12 =	vld [tilespmem:s31+$0xA680]  }
0x3e8: {  	v14 =	vld [tilespmem:s31+$0xA500]  }
0x3e9: {  	s28 =	simm.s32 $0x20;
	v15 =	vld [tilespmem:s31+$0x9500]  }
.LBB2_12:
0x3ea: {  	p0 =	sne.s32 s28, $0x1F0;
	v16 =	vld [tilespmem:s31+$0x9480]  }
0x3eb: {  	v17 =	vld [tilespmem:s31+$0x9580]  }
0x3ec: {  	v18 =	vld [tilespmem:s31+$0x9600]  }
0x3ed: {  	v19 =	vld [tilespmem:s31+$0x9680]  }
0x3ee: {  	v20 =	vld [tilespmem:s31+$0x9700]  }
0x3ef: {  	v15 =	vadd.s32 $0x400, v15;
	v21 =	vld [tilespmem:s31+$0x9780]  }
0x3f0: {  	v17 =	vadd.s32 $0x800, v17;
	v22 =	vld [tilespmem:s31+$0xA400]  }
0x3f1: {  	v18 =	vadd.s32 $0xC00, v18;
	v23 =	vld [tilespmem:s31+$0xA480]  }
0x3f2: {  	v19 =	vadd.s32 $0x1000, v19;
	v24 =	vld [tilespmem:s31+$0xA580]  }
0x3f3: {  	v16 =	vld.idx.msk [tilespmem:v16+s3+$0x0], $0xffff;
	v20 =	vadd.s32 $0x1400, v20  }
0x3f4: {  	v15 =	vld.idx.msk [tilespmem:v15+s3+$0x0], $0xffff;
	v21 =	vadd.s32 $0x1800, v21  }
0x3f5: {  	v17 =	vld.idx.msk [tilespmem:v17+s3+$0x0], $0xffff;
	v22 =	vadd.s32 $0x1C00, v22  }
0x3f6: {  	v18 =	vld.idx.msk [tilespmem:v18+s3+$0x0], $0xffff;
	v23 =	vadd.s32 $0x2000, v23  }
0x3f7: {  	v14 =	vadd.s32 $0x2400, v14;
	v19 =	vld.idx.msk [tilespmem:v19+s3+$0x0], $0xffff  }
0x3f8: {  	v24 =	vadd.s32 $0x2800, v24;
	v20 =	vld.idx.msk [tilespmem:v20+s3+$0x0], $0xffff  }
0x3f9: {  	v13 =	vadd.s32 $0x2C00, v13;
	v16 =	vadd.f32 $0.0e+00, v16;
	v21 =	vld.idx.msk [tilespmem:v21+s3+$0x0], $0xffff  }
0x3fa: {  	v12 =	vadd.s32 $0x3000, v12;
	v22 =	vld.idx.msk [tilespmem:v22+s3+$0x0], $0xffff  }
0x3fb: {  	v11 =	vadd.s32 $0x3400, v11;
	v15 =	vadd.f32 $0.0e+00, v15;
	v16 =	vadd.f32 v17, v16;
	v17 =	vld.idx.msk [tilespmem:v23+s3+$0x0], $0xffff  }
0x3fc: {  	v10 =	vadd.s32 $0x3800, v10;
	v14 =	vld.idx.msk [tilespmem:v14+s3+$0x0], $0xffff  }
0x3fd: {  	v9 =	vadd.s32 $0x3C00, v9;
	v15 =	vadd.f32 v18, v15;
	v16 =	vadd.f32 v19, v16;
	v18 =	vld.idx.msk [tilespmem:v24+s3+$0x0], $0xffff  }
0x3fe: {  	v8 =	vadd.s32 $0x4000, v8;
	v13 =	vld.idx.msk [tilespmem:v13+s3+$0x0], $0xffff  }
0x3ff: {  	v7 =	vadd.s32 $0x4400, v7;
	v15 =	vadd.f32 v20, v15;
	v16 =	vadd.f32 v21, v16;
	v12 =	vld.idx.msk [tilespmem:v12+s3+$0x0], $0xffff  }
0x400: {  	v6 =	vadd.s32 $0x4800, v6;
	v11 =	vld.idx.msk [tilespmem:v11+s3+$0x0], $0xffff  }
0x401: {  	v5 =	vadd.s32 $0x4C00, v5;
	v15 =	vadd.f32 v22, v15;
	v16 =	vadd.f32 v17, v16;
	v10 =	vld.idx.msk [tilespmem:v10+s3+$0x0], $0xffff  }
0x402: {  	v4 =	vadd.s32 $0x5000, v4;
	v9 =	vld.idx.msk [tilespmem:v9+s3+$0x0], $0xffff  }
0x403: {  	v3 =	vadd.s32 $0x5400, v3;
	v14 =	vadd.f32 v14, v15;
	v15 =	vadd.f32 v18, v16;
	v8 =	vld.idx.msk [tilespmem:v8+s3+$0x0], $0xffff  }
0x404: {  	v2 =	vadd.s32 $0x5800, v2;
	v7 =	vld.idx.msk [tilespmem:v7+s3+$0x0], $0xffff  }
0x405: {  	v1 =	vadd.s32 $0x5C00, v1;
	v13 =	vadd.f32 v13, v14;
	v12 =	vadd.f32 v12, v15;
	v6 =	vld.idx.msk [tilespmem:v6+s3+$0x0], $0xffff  }
0x406: {  	v0 =	vadd.s32 $0x6000, v0;
	v5 =	vld.idx.msk [tilespmem:v5+s3+$0x0], $0xffff  }
0x407: {  	v11 =	vadd.f32 v11, v13;
	v10 =	vadd.f32 v10, v12;
	v4 =	vld.idx.msk [tilespmem:v4+s3+$0x0], $0xffff  }
0x408: {  	v3 =	vld.idx.msk [tilespmem:v3+s3+$0x0], $0xffff  }
0x409: {  	v9 =	vadd.f32 v9, v11;
	v8 =	vadd.f32 v8, v10;
	v2 =	vld.idx.msk [tilespmem:v2+s3+$0x0], $0xffff  }
0x40a: {  	v1 =	vld.idx.msk [tilespmem:v1+s3+$0x0], $0xffff  }
0x40b: {  	v7 =	vadd.f32 v7, v9;
	v6 =	vadd.f32 v6, v8;
	v0 =	vld.idx.msk [tilespmem:v0+s3+$0x0], $0xffff;
	_ =	sdelay $0x1  }
0x40c: {  	v5 =	vadd.f32 v5, v7;
	v4 =	vadd.f32 v4, v6;
	_ =	sdelay $0x1  }
0x40d: {  	s2 =	sadd.s32 $0x10, s2;
	v3 =	vadd.f32 v3, v5;
	v2 =	vadd.f32 v2, v4  }
0x40e: {  	v4 =	vld [tilespmem:s2+$0x0]  }
0x40f: {  	v1 =	vadd.f32 v1, v3;
	v0 =	vadd.f32 v0, v2;
	_ =	sdelay $0x1  }
0x410: {  	v0 =	vadd.f32 v0, v1;
	_ =	sdelay $0x1  }
0x411: {  	s1 =	sadd.s32 $0x80, s1;
	v0 =	vadd.f32 v0, v4  }
0x412: {  	s4 =	sand.u32 $0x70, s28;
	s31 =	sand.u32 $0xC00, s1  }
0x413: {  	s31 =	sor.u32 s4, s31;
	[tilespmem:s2+$0x0] =	vst v0  }
0x414: {  	v1 =	vld [tilespmem:s31+$0xC400]  }
0x415: {  	v0 =	vld [tilespmem:s31+$0xC480]  }
0x416: {  	v3 =	vld [tilespmem:s31+$0xB700]  }
0x417: {  	v2 =	vld [tilespmem:s31+$0xB780]  }
0x418: {  	v5 =	vld [tilespmem:s31+$0xB600]  }
0x419: {  	v4 =	vld [tilespmem:s31+$0xB680]  }
0x41a: {  	v7 =	vld [tilespmem:s31+$0xB500]  }
0x41b: {  	v6 =	vld [tilespmem:s31+$0xB580]  }
0x41c: {  	v9 =	vld [tilespmem:s31+$0xB400]  }
0x41d: {  	v8 =	vld [tilespmem:s31+$0xB480]  }
0x41e: {  	v11 =	vld [tilespmem:s31+$0xA700]  }
.Ltmp5:
0x41f: {  	v10 =	vld [tilespmem:s31+$0xA780];
	(pc) =	sbr.rel @p0 .LBB2_12-.Ltmp5, $4  }
0x420: {  	v13 =	vld [tilespmem:s31+$0xA600]  }
0x421: {  	v12 =	vld [tilespmem:s31+$0xA680]  }
0x422: {  	v14 =	vld [tilespmem:s31+$0xA500]  }
0x423: {  	s28 =	sadd.s32 $0x10, s28;
	v15 =	vld [tilespmem:s31+$0x9500]  }
0x424: {  	v16 =	vld [tilespmem:s31+$0x9480]  }
0x425: {  	v17 =	vld [tilespmem:s31+$0x9580]  }
0x426: {  	v18 =	vld [tilespmem:s31+$0x9600]  }
0x427: {  	v19 =	vld [tilespmem:s31+$0x9680]  }
0x428: {  	v20 =	vld [tilespmem:s31+$0x9700]  }
0x429: {  	v21 =	vld [tilespmem:s31+$0x9780];
	v15 =	vadd.s32 $0x400, v15  }
0x42a: {  	v22 =	vld [tilespmem:s31+$0xA400];
	v17 =	vadd.s32 $0x800, v17  }
0x42b: {  	v23 =	vld [tilespmem:s31+$0xA480];
	v18 =	vadd.s32 $0xC00, v18  }
0x42c: {  	v24 =	vld [tilespmem:s31+$0xA580];
	v19 =	vadd.s32 $0x1000, v19  }
0x42d: {  	v20 =	vadd.s32 $0x1400, v20;
	v16 =	vld.idx.msk [tilespmem:v16+s3+$0x0], $0xffff  }
0x42e: {  	v21 =	vadd.s32 $0x1800, v21;
	v15 =	vld.idx.msk [tilespmem:v15+s3+$0x0], $0xffff  }
0x42f: {  	v22 =	vadd.s32 $0x1C00, v22;
	v17 =	vld.idx.msk [tilespmem:v17+s3+$0x0], $0xffff  }
0x430: {  	v23 =	vadd.s32 $0x2000, v23;
	v18 =	vld.idx.msk [tilespmem:v18+s3+$0x0], $0xffff  }
0x431: {  	v14 =	vadd.s32 $0x2400, v14;
	v19 =	vld.idx.msk [tilespmem:v19+s3+$0x0], $0xffff  }
0x432: {  	v24 =	vadd.s32 $0x2800, v24;
	v20 =	vld.idx.msk [tilespmem:v20+s3+$0x0], $0xffff;
	v16 =	vadd.f32 $0.0e+00, v16  }
0x433: {  	v13 =	vadd.s32 $0x2C00, v13;
	v21 =	vld.idx.msk [tilespmem:v21+s3+$0x0], $0xffff  }
0x434: {  	v12 =	vadd.s32 $0x3000, v12;
	v22 =	vld.idx.msk [tilespmem:v22+s3+$0x0], $0xffff;
	v15 =	vadd.f32 $0.0e+00, v15;
	v16 =	vadd.f32 v17, v16  }
0x435: {  	v11 =	vadd.s32 $0x3400, v11;
	v17 =	vld.idx.msk [tilespmem:v23+s3+$0x0], $0xffff  }
0x436: {  	v10 =	vadd.s32 $0x3800, v10;
	v14 =	vld.idx.msk [tilespmem:v14+s3+$0x0], $0xffff;
	v15 =	vadd.f32 v18, v15;
	v16 =	vadd.f32 v19, v16  }
0x437: {  	v9 =	vadd.s32 $0x3C00, v9;
	v55 =	vld.idx.msk [tilespmem:v24+s3+$0x0], $0xffff  }
0x438: {  	v8 =	vadd.s32 $0x4000, v8;
	v13 =	vld.idx.msk [tilespmem:v13+s3+$0x0], $0xffff;
	v15 =	vadd.f32 v20, v15;
	v16 =	vadd.f32 v21, v16  }
0x439: {  	v7 =	vadd.s32 $0x4400, v7;
	v12 =	vld.idx.msk [tilespmem:v12+s3+$0x0], $0xffff  }
0x43a: {  	v6 =	vadd.s32 $0x4800, v6;
	v11 =	vld.idx.msk [tilespmem:v11+s3+$0x0], $0xffff;
	v15 =	vadd.f32 v22, v15;
	v16 =	vadd.f32 v17, v16  }
0x43b: {  	v5 =	vadd.s32 $0x4C00, v5;
	v10 =	vld.idx.msk [tilespmem:v10+s3+$0x0], $0xffff  }
0x43c: {  	v4 =	vadd.s32 $0x5000, v4;
	v9 =	vld.idx.msk [tilespmem:v9+s3+$0x0], $0xffff;
	v14 =	vadd.f32 v14, v15;
	v15 =	vadd.f32 v55, v16  }
0x43d: {  	v3 =	vadd.s32 $0x5400, v3;
	v8 =	vld.idx.msk [tilespmem:v8+s3+$0x0], $0xffff  }
0x43e: {  	v2 =	vadd.s32 $0x5800, v2;
	v7 =	vld.idx.msk [tilespmem:v7+s3+$0x0], $0xffff;
	v13 =	vadd.f32 v13, v14;
	v12 =	vadd.f32 v12, v15  }
0x43f: {  	v1 =	vadd.s32 $0x5C00, v1;
	v6 =	vld.idx.msk [tilespmem:v6+s3+$0x0], $0xffff  }
0x440: {  	v0 =	vadd.s32 $0x6000, v0;
	v5 =	vld.idx.msk [tilespmem:v5+s3+$0x0], $0xffff;
	v11 =	vadd.f32 v11, v13;
	v10 =	vadd.f32 v10, v12  }
0x441: {  	v4 =	vld.idx.msk [tilespmem:v4+s3+$0x0], $0xffff  }
0x442: {  	v3 =	vld.idx.msk [tilespmem:v3+s3+$0x0], $0xffff;
	v9 =	vadd.f32 v9, v11;
	v8 =	vadd.f32 v8, v10  }
0x443: {  	v2 =	vld.idx.msk [tilespmem:v2+s3+$0x0], $0xffff  }
0x444: {  	v1 =	vld.idx.msk [tilespmem:v1+s3+$0x0], $0xffff;
	v7 =	vadd.f32 v7, v9;
	v6 =	vadd.f32 v6, v8  }
0x445: {  	v0 =	vld.idx.msk [tilespmem:v0+s3+$0x0], $0xffff  }
0x446: {  	v5 =	vadd.f32 v5, v7;
	v4 =	vadd.f32 v4, v6;
	_ =	sdelay $0x1  }
0x447: {  	s1 =	sadd.s32 $0x10, s2;
	v3 =	vadd.f32 v3, v5;
	v2 =	vadd.f32 v2, v4  }
0x448: {  	v4 =	vld [tilespmem:s1+$0x0]  }
0x449: {  	v1 =	vadd.f32 v1, v3;
	v0 =	vadd.f32 v0, v2;
	_ =	sdelay $0x1  }
0x44a: {  	v0 =	vadd.f32 v0, v1;
	_ =	sdelay $0x1  }
0x44b: {  	v0 =	vadd.f32 v0, v4;
	_ =	sdelay $0x1  }
0x44c: {  	[tilespmem:s1+$0x0] =	vst v0  }
0x44d: {  	[tilespmem:s24], [sflag:$0x1] =	stream.strided.gather [hbm4b:s15+s22], $0x7000, s23, s22, $0x38;
	[tilespmem:$0x18480] =	vst v63  }
0x44e: {  	_ =	swait.ge [sflag:s30], $0x7000  }
0x44f: {  	[sflag:s30] =	ssyncset.done $0x0  }
0x450: {  	s2 =	simm.s32 $0x0;
	[sflag:s30] =	ssyncadd.s32 $0xFFFF9000  }
0x451: {  	[tilespmem:s2], [sflag:$0x3] =	stream.linear.gather [spmem:s16], $0x6400, $0x38;
	[tilespmem:$0x18480] =	vst v63  }
0x452: {  	_ =	swait.ge [sflag:s26], $0x6400  }
0x453: {  	s4 =	sand.u32 $0x70, s2;
	s1 =	sand.u32 $0xC00, s2;
	[sflag:s26] =	ssyncset.done $0x0  }
0x454: {  	s1 =	sor.u32 s4, s1;
	[sflag:s26] =	ssyncadd.s32 $0xFFFF9C00  }
0x455: {  	v0 =	vld [tilespmem:s1+$0xF780]  }
0x456: {  	v1 =	vld [tilespmem:s1+$0x10400]  }
0x457: {  	v2 =	vld [tilespmem:s1+$0xF680]  }
0x458: {  	v3 =	vld [tilespmem:s1+$0xF700]  }
0x459: {  	v4 =	vld [tilespmem:s1+$0xF580]  }
0x45a: {  	v5 =	vld [tilespmem:s1+$0xF600]  }
0x45b: {  	v6 =	vld [tilespmem:s1+$0xF480]  }
0x45c: {  	v7 =	vld [tilespmem:s1+$0xF500]  }
0x45d: {  	v8 =	vld [tilespmem:s1+$0xE780]  }
0x45e: {  	v9 =	vld [tilespmem:s1+$0xF400]  }
0x45f: {  	v10 =	vld [tilespmem:s1+$0xE680]  }
0x460: {  	v11 =	vld [tilespmem:s1+$0xE700]  }
0x461: {  	v12 =	vld [tilespmem:s1+$0xE580]  }
0x462: {  	v13 =	vld [tilespmem:s1+$0xE600]  }
0x463: {  	v14 =	vld [tilespmem:s1+$0xE480]  }
0x464: {  	v15 =	vld [tilespmem:s1+$0xD480]  }
0x465: {  	v16 =	vld [tilespmem:s1+$0xD400]  }
0x466: {  	v17 =	vld [tilespmem:s1+$0xD500]  }
0x467: {  	v56 =	vld [tilespmem:s1+$0xD580]  }
0x468: {  	v57 =	vld [tilespmem:s1+$0xD600]  }
0x469: {  	v58 =	vld [tilespmem:s1+$0xD680]  }
0x46a: {  	v59 =	vld [tilespmem:s1+$0xD700];
	v15 =	vadd.s32 $0x400, v15  }
0x46b: {  	v60 =	vld [tilespmem:s1+$0xD780];
	v17 =	vadd.s32 $0x800, v17  }
0x46c: {  	v61 =	vld [tilespmem:s1+$0xE400];
	v18 =	vadd.s32 $0xC00, v56  }
0x46d: {  	v62 =	vld [tilespmem:s1+$0xE500];
	v19 =	vadd.s32 $0x1000, v57  }
0x46e: {  	v20 =	vadd.s32 $0x1400, v58;
	v16 =	vld.idx.msk [tilespmem:v16+s3+$0x0], $0xffff  }
0x46f: {  	v21 =	vadd.s32 $0x1800, v59;
	v15 =	vld.idx.msk [tilespmem:v15+s3+$0x0], $0xffff  }
0x470: {  	v22 =	vadd.s32 $0x1C00, v60;
	v17 =	vld.idx.msk [tilespmem:v17+s3+$0x0], $0xffff  }
0x471: {  	v23 =	vadd.s32 $0x2000, v61;
	v18 =	vld.idx.msk [tilespmem:v18+s3+$0x0], $0xffff  }
0x472: {  	v14 =	vadd.s32 $0x2400, v14;
	v19 =	vld.idx.msk [tilespmem:v19+s3+$0x0], $0xffff  }
0x473: {  	v24 =	vadd.s32 $0x2800, v62;
	v20 =	vld.idx.msk [tilespmem:v20+s3+$0x0], $0xffff;
	v16 =	vadd.f32 $0.0e+00, v16  }
0x474: {  	v12 =	vadd.s32 $0x2C00, v12;
	v21 =	vld.idx.msk [tilespmem:v21+s3+$0x0], $0xffff  }
0x475: {  	v13 =	vadd.s32 $0x3000, v13;
	v22 =	vld.idx.msk [tilespmem:v22+s3+$0x0], $0xffff;
	v15 =	vadd.f32 $0.0e+00, v15;
	v16 =	vadd.f32 v17, v16  }
0x476: {  	v10 =	vadd.s32 $0x3400, v10;
	v17 =	vld.idx.msk [tilespmem:v23+s3+$0x0], $0xffff  }
0x477: {  	v11 =	vadd.s32 $0x3800, v11;
	v14 =	vld.idx.msk [tilespmem:v14+s3+$0x0], $0xffff;
	v15 =	vadd.f32 v18, v15;
	v16 =	vadd.f32 v19, v16  }
0x478: {  	v8 =	vadd.s32 $0x3C00, v8;
	v63 =	vld.idx.msk [tilespmem:v24+s3+$0x0], $0xffff  }
0x479: {  	v9 =	vadd.s32 $0x4000, v9;
	v12 =	vld.idx.msk [tilespmem:v12+s3+$0x0], $0xffff;
	v15 =	vadd.f32 v20, v15;
	v16 =	vadd.f32 v21, v16  }
0x47a: {  	v6 =	vadd.s32 $0x4400, v6;
	v13 =	vld.idx.msk [tilespmem:v13+s3+$0x0], $0xffff  }
0x47b: {  	v7 =	vadd.s32 $0x4800, v7;
	v10 =	vld.idx.msk [tilespmem:v10+s3+$0x0], $0xffff;
	v15 =	vadd.f32 v22, v15;
	v16 =	vadd.f32 v17, v16  }
0x47c: {  	v4 =	vadd.s32 $0x4C00, v4;
	v11 =	vld.idx.msk [tilespmem:v11+s3+$0x0], $0xffff  }
0x47d: {  	v5 =	vadd.s32 $0x5000, v5;
	v8 =	vld.idx.msk [tilespmem:v8+s3+$0x0], $0xffff;
	v14 =	vadd.f32 v14, v15;
	v15 =	vadd.f32 v63, v16  }
0x47e: {  	v2 =	vadd.s32 $0x5400, v2;
	v9 =	vld.idx.msk [tilespmem:v9+s3+$0x0], $0xffff  }
0x47f: {  	v3 =	vadd.s32 $0x5800, v3;
	v6 =	vld.idx.msk [tilespmem:v6+s3+$0x0], $0xffff;
	v12 =	vadd.f32 v12, v14;
	v13 =	vadd.f32 v13, v15  }
0x480: {  	v0 =	vadd.s32 $0x5C00, v0;
	v7 =	vld.idx.msk [tilespmem:v7+s3+$0x0], $0xffff  }
0x481: {  	v1 =	vadd.s32 $0x6000, v1;
	v4 =	vld.idx.msk [tilespmem:v4+s3+$0x0], $0xffff;
	v10 =	vadd.f32 v10, v12;
	v11 =	vadd.f32 v11, v13  }
0x482: {  	v5 =	vld.idx.msk [tilespmem:v5+s3+$0x0], $0xffff  }
0x483: {  	v2 =	vld.idx.msk [tilespmem:v2+s3+$0x0], $0xffff;
	v8 =	vadd.f32 v8, v10;
	v9 =	vadd.f32 v9, v11  }
0x484: {  	v3 =	vld.idx.msk [tilespmem:v3+s3+$0x0], $0xffff  }
0x485: {  	v0 =	vld.idx.msk [tilespmem:v0+s3+$0x0], $0xffff;
	v6 =	vadd.f32 v6, v8;
	v7 =	vadd.f32 v7, v9  }
0x486: {  	v1 =	vld.idx.msk [tilespmem:v1+s3+$0x0], $0xffff  }
0x487: {  	v4 =	vadd.f32 v4, v6;
	v5 =	vadd.f32 v5, v7;
	_ =	sdelay $0x1  }
0x488: {  	s2 =	simm.s32 $0x14400;
	v2 =	vadd.f32 v2, v4;
	v3 =	vadd.f32 v3, v5  }
0x489: {  	v4 =	vld [tilespmem:s2+$0x0]  }
0x48a: {  	v0 =	vadd.f32 v0, v2;
	v1 =	vadd.f32 v1, v3;
	_ =	sdelay $0x1  }
0x48b: {  	v0 =	vadd.f32 v1, v0;
	_ =	sdelay $0x1  }
0x48c: {  	s4 =	simm.s32 $0x10;
	s1 =	simm.s32 $0x80;
	v0 =	vadd.f32 v0, v4  }
0x48d: {  	s4 =	sand.u32 $0x70, s4;
	s28 =	sand.u32 $0xC00, s1  }
0x48e: {  	s31 =	sor.u32 s4, s28;
	[tilespmem:s2+$0x0] =	vst v0  }
0x48f: {  	v1 =	vld [tilespmem:s31+$0xF780]  }
0x490: {  	v0 =	vld [tilespmem:s31+$0x10400]  }
0x491: {  	v3 =	vld [tilespmem:s31+$0xF680]  }
0x492: {  	v2 =	vld [tilespmem:s31+$0xF700]  }
0x493: {  	v5 =	vld [tilespmem:s31+$0xF580]  }
0x494: {  	v4 =	vld [tilespmem:s31+$0xF600]  }
0x495: {  	v7 =	vld [tilespmem:s31+$0xF480]  }
0x496: {  	v6 =	vld [tilespmem:s31+$0xF500]  }
0x497: {  	v9 =	vld [tilespmem:s31+$0xE780]  }
0x498: {  	v8 =	vld [tilespmem:s31+$0xF400]  }
0x499: {  	v11 =	vld [tilespmem:s31+$0xE680]  }
0x49a: {  	v10 =	vld [tilespmem:s31+$0xE700]  }
0x49b: {  	v13 =	vld [tilespmem:s31+$0xE580]  }
0x49c: {  	v12 =	vld [tilespmem:s31+$0xE600]  }
0x49d: {  	v14 =	vld [tilespmem:s31+$0xE480]  }
0x49e: {  	s28 =	simm.s32 $0x20;
	v15 =	vld [tilespmem:s31+$0xD480]  }
.LBB2_14:
0x49f: {  	p0 =	sne.s32 s28, $0x1F0;
	v16 =	vld [tilespmem:s31+$0xD400]  }
0x4a0: {  	v17 =	vld [tilespmem:s31+$0xD500]  }
0x4a1: {  	v18 =	vld [tilespmem:s31+$0xD580]  }
0x4a2: {  	v19 =	vld [tilespmem:s31+$0xD600]  }
0x4a3: {  	v20 =	vld [tilespmem:s31+$0xD680]  }
0x4a4: {  	v15 =	vadd.s32 $0x400, v15;
	v21 =	vld [tilespmem:s31+$0xD700]  }
0x4a5: {  	v17 =	vadd.s32 $0x800, v17;
	v22 =	vld [tilespmem:s31+$0xD780]  }
0x4a6: {  	v18 =	vadd.s32 $0xC00, v18;
	v23 =	vld [tilespmem:s31+$0xE400]  }
0x4a7: {  	v19 =	vadd.s32 $0x1000, v19;
	v24 =	vld [tilespmem:s31+$0xE500]  }
0x4a8: {  	v16 =	vld.idx.msk [tilespmem:v16+s3+$0x0], $0xffff;
	v20 =	vadd.s32 $0x1400, v20  }
0x4a9: {  	v15 =	vld.idx.msk [tilespmem:v15+s3+$0x0], $0xffff;
	v21 =	vadd.s32 $0x1800, v21  }
0x4aa: {  	v17 =	vld.idx.msk [tilespmem:v17+s3+$0x0], $0xffff;
	v22 =	vadd.s32 $0x1C00, v22  }
0x4ab: {  	v18 =	vld.idx.msk [tilespmem:v18+s3+$0x0], $0xffff;
	v23 =	vadd.s32 $0x2000, v23  }
0x4ac: {  	v14 =	vadd.s32 $0x2400, v14;
	v19 =	vld.idx.msk [tilespmem:v19+s3+$0x0], $0xffff  }
0x4ad: {  	v24 =	vadd.s32 $0x2800, v24;
	v20 =	vld.idx.msk [tilespmem:v20+s3+$0x0], $0xffff  }
0x4ae: {  	v13 =	vadd.s32 $0x2C00, v13;
	v16 =	vadd.f32 $0.0e+00, v16;
	v21 =	vld.idx.msk [tilespmem:v21+s3+$0x0], $0xffff  }
0x4af: {  	v12 =	vadd.s32 $0x3000, v12;
	v22 =	vld.idx.msk [tilespmem:v22+s3+$0x0], $0xffff  }
0x4b0: {  	v11 =	vadd.s32 $0x3400, v11;
	v15 =	vadd.f32 $0.0e+00, v15;
	v16 =	vadd.f32 v17, v16;
	v17 =	vld.idx.msk [tilespmem:v23+s3+$0x0], $0xffff  }
0x4b1: {  	v10 =	vadd.s32 $0x3800, v10;
	v14 =	vld.idx.msk [tilespmem:v14+s3+$0x0], $0xffff  }
0x4b2: {  	v9 =	vadd.s32 $0x3C00, v9;
	v15 =	vadd.f32 v18, v15;
	v16 =	vadd.f32 v19, v16;
	v18 =	vld.idx.msk [tilespmem:v24+s3+$0x0], $0xffff  }
0x4b3: {  	v8 =	vadd.s32 $0x4000, v8;
	v13 =	vld.idx.msk [tilespmem:v13+s3+$0x0], $0xffff  }
0x4b4: {  	v7 =	vadd.s32 $0x4400, v7;
	v15 =	vadd.f32 v20, v15;
	v16 =	vadd.f32 v21, v16;
	v12 =	vld.idx.msk [tilespmem:v12+s3+$0x0], $0xffff  }
0x4b5: {  	v6 =	vadd.s32 $0x4800, v6;
	v11 =	vld.idx.msk [tilespmem:v11+s3+$0x0], $0xffff  }
0x4b6: {  	v5 =	vadd.s32 $0x4C00, v5;
	v15 =	vadd.f32 v22, v15;
	v16 =	vadd.f32 v17, v16;
	v10 =	vld.idx.msk [tilespmem:v10+s3+$0x0], $0xffff  }
0x4b7: {  	v4 =	vadd.s32 $0x5000, v4;
	v9 =	vld.idx.msk [tilespmem:v9+s3+$0x0], $0xffff  }
0x4b8: {  	v3 =	vadd.s32 $0x5400, v3;
	v14 =	vadd.f32 v14, v15;
	v15 =	vadd.f32 v18, v16;
	v8 =	vld.idx.msk [tilespmem:v8+s3+$0x0], $0xffff  }
0x4b9: {  	v2 =	vadd.s32 $0x5800, v2;
	v7 =	vld.idx.msk [tilespmem:v7+s3+$0x0], $0xffff  }
0x4ba: {  	v1 =	vadd.s32 $0x5C00, v1;
	v13 =	vadd.f32 v13, v14;
	v12 =	vadd.f32 v12, v15;
	v6 =	vld.idx.msk [tilespmem:v6+s3+$0x0], $0xffff  }
0x4bb: {  	v0 =	vadd.s32 $0x6000, v0;
	v5 =	vld.idx.msk [tilespmem:v5+s3+$0x0], $0xffff  }
0x4bc: {  	v11 =	vadd.f32 v11, v13;
	v10 =	vadd.f32 v10, v12;
	v4 =	vld.idx.msk [tilespmem:v4+s3+$0x0], $0xffff  }
0x4bd: {  	v3 =	vld.idx.msk [tilespmem:v3+s3+$0x0], $0xffff  }
0x4be: {  	v9 =	vadd.f32 v9, v11;
	v8 =	vadd.f32 v8, v10;
	v2 =	vld.idx.msk [tilespmem:v2+s3+$0x0], $0xffff  }
0x4bf: {  	v1 =	vld.idx.msk [tilespmem:v1+s3+$0x0], $0xffff  }
0x4c0: {  	v7 =	vadd.f32 v7, v9;
	v6 =	vadd.f32 v6, v8;
	v0 =	vld.idx.msk [tilespmem:v0+s3+$0x0], $0xffff;
	_ =	sdelay $0x1  }
0x4c1: {  	v5 =	vadd.f32 v5, v7;
	v4 =	vadd.f32 v4, v6;
	_ =	sdelay $0x1  }
0x4c2: {  	s2 =	sadd.s32 $0x10, s2;
	v3 =	vadd.f32 v3, v5;
	v2 =	vadd.f32 v2, v4  }
0x4c3: {  	v4 =	vld [tilespmem:s2+$0x0]  }
0x4c4: {  	v1 =	vadd.f32 v1, v3;
	v0 =	vadd.f32 v0, v2;
	_ =	sdelay $0x1  }
0x4c5: {  	v0 =	vadd.f32 v0, v1;
	_ =	sdelay $0x1  }
0x4c6: {  	s1 =	sadd.s32 $0x80, s1;
	v0 =	vadd.f32 v0, v4  }
0x4c7: {  	s4 =	sand.u32 $0x70, s28;
	s31 =	sand.u32 $0xC00, s1  }
0x4c8: {  	s31 =	sor.u32 s4, s31;
	[tilespmem:s2+$0x0] =	vst v0  }
0x4c9: {  	v1 =	vld [tilespmem:s31+$0xF780]  }
0x4ca: {  	v0 =	vld [tilespmem:s31+$0x10400]  }
0x4cb: {  	v3 =	vld [tilespmem:s31+$0xF680]  }
0x4cc: {  	v2 =	vld [tilespmem:s31+$0xF700]  }
0x4cd: {  	v5 =	vld [tilespmem:s31+$0xF580]  }
0x4ce: {  	v4 =	vld [tilespmem:s31+$0xF600]  }
0x4cf: {  	v7 =	vld [tilespmem:s31+$0xF480]  }
0x4d0: {  	v6 =	vld [tilespmem:s31+$0xF500]  }
0x4d1: {  	v9 =	vld [tilespmem:s31+$0xE780]  }
0x4d2: {  	v8 =	vld [tilespmem:s31+$0xF400]  }
0x4d3: {  	v11 =	vld [tilespmem:s31+$0xE680]  }
.Ltmp6:
0x4d4: {  	v10 =	vld [tilespmem:s31+$0xE700];
	(pc) =	sbr.rel @p0 .LBB2_14-.Ltmp6, $4  }
0x4d5: {  	v13 =	vld [tilespmem:s31+$0xE580]  }
0x4d6: {  	v12 =	vld [tilespmem:s31+$0xE600]  }
0x4d7: {  	v14 =	vld [tilespmem:s31+$0xE480]  }
0x4d8: {  	s28 =	sadd.s32 $0x10, s28;
	v15 =	vld [tilespmem:s31+$0xD480]  }
0x4d9: {  	v16 =	vld [tilespmem:s31+$0xD400]  }
0x4da: {  	v17 =	vld [tilespmem:s31+$0xD500]  }
0x4db: {  	v18 =	vld [tilespmem:s31+$0xD580]  }
0x4dc: {  	v19 =	vld [tilespmem:s31+$0xD600]  }
0x4dd: {  	v20 =	vld [tilespmem:s31+$0xD680]  }
0x4de: {  	v21 =	vld [tilespmem:s31+$0xD700];
	v15 =	vadd.s32 $0x400, v15  }
0x4df: {  	v22 =	vld [tilespmem:s31+$0xD780];
	v17 =	vadd.s32 $0x800, v17  }
0x4e0: {  	v23 =	vld [tilespmem:s31+$0xE400];
	v18 =	vadd.s32 $0xC00, v18  }
0x4e1: {  	v24 =	vld [tilespmem:s31+$0xE500];
	v19 =	vadd.s32 $0x1000, v19  }
0x4e2: {  	v20 =	vadd.s32 $0x1400, v20;
	v16 =	vld.idx.msk [tilespmem:v16+s3+$0x0], $0xffff  }
0x4e3: {  	v21 =	vadd.s32 $0x1800, v21;
	v15 =	vld.idx.msk [tilespmem:v15+s3+$0x0], $0xffff  }
0x4e4: {  	v22 =	vadd.s32 $0x1C00, v22;
	v17 =	vld.idx.msk [tilespmem:v17+s3+$0x0], $0xffff  }
0x4e5: {  	v23 =	vadd.s32 $0x2000, v23;
	v18 =	vld.idx.msk [tilespmem:v18+s3+$0x0], $0xffff  }
0x4e6: {  	v14 =	vadd.s32 $0x2400, v14;
	v19 =	vld.idx.msk [tilespmem:v19+s3+$0x0], $0xffff  }
0x4e7: {  	v24 =	vadd.s32 $0x2800, v24;
	v20 =	vld.idx.msk [tilespmem:v20+s3+$0x0], $0xffff;
	v16 =	vadd.f32 $0.0e+00, v16  }
0x4e8: {  	v13 =	vadd.s32 $0x2C00, v13;
	v21 =	vld.idx.msk [tilespmem:v21+s3+$0x0], $0xffff  }
0x4e9: {  	v12 =	vadd.s32 $0x3000, v12;
	v22 =	vld.idx.msk [tilespmem:v22+s3+$0x0], $0xffff;
	v15 =	vadd.f32 $0.0e+00, v15;
	v16 =	vadd.f32 v17, v16  }
0x4ea: {  	v11 =	vadd.s32 $0x3400, v11;
	v17 =	vld.idx.msk [tilespmem:v23+s3+$0x0], $0xffff  }
0x4eb: {  	v10 =	vadd.s32 $0x3800, v10;
	v14 =	vld.idx.msk [tilespmem:v14+s3+$0x0], $0xffff;
	v15 =	vadd.f32 v18, v15;
	v16 =	vadd.f32 v19, v16  }
0x4ec: {  	v9 =	vadd.s32 $0x3C00, v9;
	v55 =	vld.idx.msk [tilespmem:v24+s3+$0x0], $0xffff  }
0x4ed: {  	v8 =	vadd.s32 $0x4000, v8;
	v13 =	vld.idx.msk [tilespmem:v13+s3+$0x0], $0xffff;
	v15 =	vadd.f32 v20, v15;
	v16 =	vadd.f32 v21, v16  }
0x4ee: {  	v7 =	vadd.s32 $0x4400, v7;
	v12 =	vld.idx.msk [tilespmem:v12+s3+$0x0], $0xffff  }
0x4ef: {  	v6 =	vadd.s32 $0x4800, v6;
	v11 =	vld.idx.msk [tilespmem:v11+s3+$0x0], $0xffff;
	v15 =	vadd.f32 v22, v15;
	v16 =	vadd.f32 v17, v16  }
0x4f0: {  	v5 =	vadd.s32 $0x4C00, v5;
	v10 =	vld.idx.msk [tilespmem:v10+s3+$0x0], $0xffff  }
0x4f1: {  	v4 =	vadd.s32 $0x5000, v4;
	v9 =	vld.idx.msk [tilespmem:v9+s3+$0x0], $0xffff;
	v14 =	vadd.f32 v14, v15;
	v15 =	vadd.f32 v55, v16  }
0x4f2: {  	v3 =	vadd.s32 $0x5400, v3;
	v8 =	vld.idx.msk [tilespmem:v8+s3+$0x0], $0xffff  }
0x4f3: {  	v2 =	vadd.s32 $0x5800, v2;
	v7 =	vld.idx.msk [tilespmem:v7+s3+$0x0], $0xffff;
	v13 =	vadd.f32 v13, v14;
	v12 =	vadd.f32 v12, v15  }
0x4f4: {  	v1 =	vadd.s32 $0x5C00, v1;
	v6 =	vld.idx.msk [tilespmem:v6+s3+$0x0], $0xffff  }
0x4f5: {  	v0 =	vadd.s32 $0x6000, v0;
	v5 =	vld.idx.msk [tilespmem:v5+s3+$0x0], $0xffff;
	v11 =	vadd.f32 v11, v13;
	v10 =	vadd.f32 v10, v12  }
0x4f6: {  	v4 =	vld.idx.msk [tilespmem:v4+s3+$0x0], $0xffff  }
0x4f7: {  	v3 =	vld.idx.msk [tilespmem:v3+s3+$0x0], $0xffff;
	v9 =	vadd.f32 v9, v11;
	v8 =	vadd.f32 v8, v10  }
0x4f8: {  	v2 =	vld.idx.msk [tilespmem:v2+s3+$0x0], $0xffff  }
0x4f9: {  	v1 =	vld.idx.msk [tilespmem:v1+s3+$0x0], $0xffff;
	v7 =	vadd.f32 v7, v9;
	v6 =	vadd.f32 v6, v8  }
0x4fa: {  	v0 =	vld.idx.msk [tilespmem:v0+s3+$0x0], $0xffff  }
0x4fb: {  	v5 =	vadd.f32 v5, v7;
	v4 =	vadd.f32 v4, v6;
	_ =	sdelay $0x1  }
0x4fc: {  	s1 =	sadd.s32 $0x10, s2;
	v3 =	vadd.f32 v3, v5;
	v2 =	vadd.f32 v2, v4  }
0x4fd: {  	v4 =	vld [tilespmem:s1+$0x0]  }
0x4fe: {  	v1 =	vadd.f32 v1, v3;
	v0 =	vadd.f32 v0, v2;
	_ =	sdelay $0x1  }
0x4ff: {  	v0 =	vadd.f32 v0, v1;
	_ =	sdelay $0x1  }
0x500: {  	v0 =	vadd.f32 v0, v4;
	_ =	sdelay $0x1  }
0x501: {  	s2 =	simm.s32 $0x0;
	[tilespmem:s1+$0x0] =	vst v0  }
0x502: {  	[tilespmem:s2], [sflag:$0x3] =	stream.linear.gather [spmem:s17], $0x6400, $0x38;
	[tilespmem:$0x18480] =	vst v63  }
0x503: {  	_ =	swait.ge [sflag:s26], $0x6400  }
0x504: {  	s4 =	sand.u32 $0x70, s2;
	s1 =	sand.u32 $0xC00, s2;
	[sflag:s26] =	ssyncset.done $0x0  }
0x505: {  	s1 =	sor.u32 s4, s1;
	[sflag:s26] =	ssyncadd.s32 $0xFFFF9C00  }
0x506: {  	v0 =	vld [tilespmem:s1+$0x13400]  }
0x507: {  	v1 =	vld [tilespmem:s1+$0x13480]  }
0x508: {  	v2 =	vld [tilespmem:s1+$0x12700]  }
0x509: {  	v3 =	vld [tilespmem:s1+$0x12780]  }
0x50a: {  	v4 =	vld [tilespmem:s1+$0x12600]  }
0x50b: {  	v5 =	vld [tilespmem:s1+$0x12680]  }
0x50c: {  	v6 =	vld [tilespmem:s1+$0x12500]  }
0x50d: {  	v7 =	vld [tilespmem:s1+$0x12580]  }
0x50e: {  	v8 =	vld [tilespmem:s1+$0x12400]  }
0x50f: {  	v9 =	vld [tilespmem:s1+$0x12480]  }
0x510: {  	v10 =	vld [tilespmem:s1+$0x11700]  }
0x511: {  	v11 =	vld [tilespmem:s1+$0x11780]  }
0x512: {  	v12 =	vld [tilespmem:s1+$0x11600]  }
0x513: {  	v13 =	vld [tilespmem:s1+$0x11680]  }
0x514: {  	v14 =	vld [tilespmem:s1+$0x11500]  }
0x515: {  	v15 =	vld [tilespmem:s1+$0x10500]  }
0x516: {  	v16 =	vld [tilespmem:s1+$0x10480]  }
0x517: {  	v17 =	vld [tilespmem:s1+$0x10580]  }
0x518: {  	v56 =	vld [tilespmem:s1+$0x10600]  }
0x519: {  	v57 =	vld [tilespmem:s1+$0x10680]  }
0x51a: {  	v58 =	vld [tilespmem:s1+$0x10700]  }
0x51b: {  	v59 =	vld [tilespmem:s1+$0x10780];
	v15 =	vadd.s32 $0x400, v15  }
0x51c: {  	v60 =	vld [tilespmem:s1+$0x11400];
	v17 =	vadd.s32 $0x800, v17  }
0x51d: {  	v61 =	vld [tilespmem:s1+$0x11480];
	v18 =	vadd.s32 $0xC00, v56  }
0x51e: {  	v62 =	vld [tilespmem:s1+$0x11580];
	v19 =	vadd.s32 $0x1000, v57  }
0x51f: {  	v20 =	vadd.s32 $0x1400, v58;
	v16 =	vld.idx.msk [tilespmem:v16+s3+$0x0], $0xffff  }
0x520: {  	v21 =	vadd.s32 $0x1800, v59;
	v15 =	vld.idx.msk [tilespmem:v15+s3+$0x0], $0xffff  }
0x521: {  	v22 =	vadd.s32 $0x1C00, v60;
	v17 =	vld.idx.msk [tilespmem:v17+s3+$0x0], $0xffff  }
0x522: {  	v23 =	vadd.s32 $0x2000, v61;
	v18 =	vld.idx.msk [tilespmem:v18+s3+$0x0], $0xffff  }
0x523: {  	v14 =	vadd.s32 $0x2400, v14;
	v19 =	vld.idx.msk [tilespmem:v19+s3+$0x0], $0xffff  }
0x524: {  	v24 =	vadd.s32 $0x2800, v62;
	v20 =	vld.idx.msk [tilespmem:v20+s3+$0x0], $0xffff;
	v16 =	vadd.f32 $0.0e+00, v16  }
0x525: {  	v12 =	vadd.s32 $0x2C00, v12;
	v21 =	vld.idx.msk [tilespmem:v21+s3+$0x0], $0xffff  }
0x526: {  	v13 =	vadd.s32 $0x3000, v13;
	v22 =	vld.idx.msk [tilespmem:v22+s3+$0x0], $0xffff;
	v15 =	vadd.f32 $0.0e+00, v15;
	v16 =	vadd.f32 v17, v16  }
0x527: {  	v10 =	vadd.s32 $0x3400, v10;
	v17 =	vld.idx.msk [tilespmem:v23+s3+$0x0], $0xffff  }
0x528: {  	v11 =	vadd.s32 $0x3800, v11;
	v14 =	vld.idx.msk [tilespmem:v14+s3+$0x0], $0xffff;
	v15 =	vadd.f32 v18, v15;
	v16 =	vadd.f32 v19, v16  }
0x529: {  	v8 =	vadd.s32 $0x3C00, v8;
	v63 =	vld.idx.msk [tilespmem:v24+s3+$0x0], $0xffff  }
0x52a: {  	v9 =	vadd.s32 $0x4000, v9;
	v12 =	vld.idx.msk [tilespmem:v12+s3+$0x0], $0xffff;
	v15 =	vadd.f32 v20, v15;
	v16 =	vadd.f32 v21, v16  }
0x52b: {  	v6 =	vadd.s32 $0x4400, v6;
	v13 =	vld.idx.msk [tilespmem:v13+s3+$0x0], $0xffff  }
0x52c: {  	v7 =	vadd.s32 $0x4800, v7;
	v10 =	vld.idx.msk [tilespmem:v10+s3+$0x0], $0xffff;
	v15 =	vadd.f32 v22, v15;
	v16 =	vadd.f32 v17, v16  }
0x52d: {  	v4 =	vadd.s32 $0x4C00, v4;
	v11 =	vld.idx.msk [tilespmem:v11+s3+$0x0], $0xffff  }
0x52e: {  	v5 =	vadd.s32 $0x5000, v5;
	v8 =	vld.idx.msk [tilespmem:v8+s3+$0x0], $0xffff;
	v14 =	vadd.f32 v14, v15;
	v15 =	vadd.f32 v63, v16  }
0x52f: {  	v2 =	vadd.s32 $0x5400, v2;
	v9 =	vld.idx.msk [tilespmem:v9+s3+$0x0], $0xffff  }
0x530: {  	v3 =	vadd.s32 $0x5800, v3;
	v6 =	vld.idx.msk [tilespmem:v6+s3+$0x0], $0xffff;
	v12 =	vadd.f32 v12, v14;
	v13 =	vadd.f32 v13, v15  }
0x531: {  	v0 =	vadd.s32 $0x5C00, v0;
	v7 =	vld.idx.msk [tilespmem:v7+s3+$0x0], $0xffff  }
0x532: {  	v1 =	vadd.s32 $0x6000, v1;
	v4 =	vld.idx.msk [tilespmem:v4+s3+$0x0], $0xffff;
	v10 =	vadd.f32 v10, v12;
	v11 =	vadd.f32 v11, v13  }
0x533: {  	v5 =	vld.idx.msk [tilespmem:v5+s3+$0x0], $0xffff  }
0x534: {  	v2 =	vld.idx.msk [tilespmem:v2+s3+$0x0], $0xffff;
	v8 =	vadd.f32 v8, v10;
	v9 =	vadd.f32 v9, v11  }
0x535: {  	v3 =	vld.idx.msk [tilespmem:v3+s3+$0x0], $0xffff  }
0x536: {  	v0 =	vld.idx.msk [tilespmem:v0+s3+$0x0], $0xffff;
	v6 =	vadd.f32 v6, v8;
	v7 =	vadd.f32 v7, v9  }
0x537: {  	v1 =	vld.idx.msk [tilespmem:v1+s3+$0x0], $0xffff  }
0x538: {  	v4 =	vadd.f32 v4, v6;
	v5 =	vadd.f32 v5, v7;
	_ =	sdelay $0x1  }
0x539: {  	s2 =	simm.s32 $0x14400;
	v2 =	vadd.f32 v2, v4;
	v3 =	vadd.f32 v3, v5  }
0x53a: {  	v4 =	vld [tilespmem:s2+$0x0]  }
0x53b: {  	v0 =	vadd.f32 v0, v2;
	v1 =	vadd.f32 v1, v3;
	_ =	sdelay $0x1  }
0x53c: {  	v0 =	vadd.f32 v1, v0;
	_ =	sdelay $0x1  }
0x53d: {  	s4 =	simm.s32 $0x10;
	s1 =	simm.s32 $0x80;
	v0 =	vadd.f32 v0, v4  }
0x53e: {  	s4 =	sand.u32 $0x70, s4;
	s28 =	sand.u32 $0xC00, s1  }
0x53f: {  	s31 =	sor.u32 s4, s28;
	[tilespmem:s2+$0x0] =	vst v0  }
0x540: {  	v1 =	vld [tilespmem:s31+$0x13400]  }
0x541: {  	v0 =	vld [tilespmem:s31+$0x13480]  }
0x542: {  	v3 =	vld [tilespmem:s31+$0x12700]  }
0x543: {  	v2 =	vld [tilespmem:s31+$0x12780]  }
0x544: {  	v5 =	vld [tilespmem:s31+$0x12600]  }
0x545: {  	v4 =	vld [tilespmem:s31+$0x12680]  }
0x546: {  	v7 =	vld [tilespmem:s31+$0x12500]  }
0x547: {  	v6 =	vld [tilespmem:s31+$0x12580]  }
0x548: {  	v9 =	vld [tilespmem:s31+$0x12400]  }
0x549: {  	v8 =	vld [tilespmem:s31+$0x12480]  }
0x54a: {  	v11 =	vld [tilespmem:s31+$0x11700]  }
0x54b: {  	v10 =	vld [tilespmem:s31+$0x11780]  }
0x54c: {  	v13 =	vld [tilespmem:s31+$0x11600]  }
0x54d: {  	v12 =	vld [tilespmem:s31+$0x11680]  }
0x54e: {  	v14 =	vld [tilespmem:s31+$0x11500]  }
0x54f: {  	s28 =	simm.s32 $0x20;
	v15 =	vld [tilespmem:s31+$0x10500]  }
.LBB2_16:
0x550: {  	p0 =	sne.s32 s28, $0x1F0;
	v16 =	vld [tilespmem:s31+$0x10480]  }
0x551: {  	v17 =	vld [tilespmem:s31+$0x10580]  }
0x552: {  	v18 =	vld [tilespmem:s31+$0x10600]  }
0x553: {  	v19 =	vld [tilespmem:s31+$0x10680]  }
0x554: {  	v20 =	vld [tilespmem:s31+$0x10700]  }
0x555: {  	v15 =	vadd.s32 $0x400, v15;
	v21 =	vld [tilespmem:s31+$0x10780]  }
0x556: {  	v17 =	vadd.s32 $0x800, v17;
	v22 =	vld [tilespmem:s31+$0x11400]  }
0x557: {  	v18 =	vadd.s32 $0xC00, v18;
	v23 =	vld [tilespmem:s31+$0x11480]  }
0x558: {  	v19 =	vadd.s32 $0x1000, v19;
	v24 =	vld [tilespmem:s31+$0x11580]  }
0x559: {  	v16 =	vld.idx.msk [tilespmem:v16+s3+$0x0], $0xffff;
	v20 =	vadd.s32 $0x1400, v20  }
0x55a: {  	v15 =	vld.idx.msk [tilespmem:v15+s3+$0x0], $0xffff;
	v21 =	vadd.s32 $0x1800, v21  }
0x55b: {  	v17 =	vld.idx.msk [tilespmem:v17+s3+$0x0], $0xffff;
	v22 =	vadd.s32 $0x1C00, v22  }
0x55c: {  	v18 =	vld.idx.msk [tilespmem:v18+s3+$0x0], $0xffff;
	v23 =	vadd.s32 $0x2000, v23  }
0x55d: {  	v14 =	vadd.s32 $0x2400, v14;
	v19 =	vld.idx.msk [tilespmem:v19+s3+$0x0], $0xffff  }
0x55e: {  	v24 =	vadd.s32 $0x2800, v24;
	v20 =	vld.idx.msk [tilespmem:v20+s3+$0x0], $0xffff  }
0x55f: {  	v13 =	vadd.s32 $0x2C00, v13;
	v16 =	vadd.f32 $0.0e+00, v16;
	v21 =	vld.idx.msk [tilespmem:v21+s3+$0x0], $0xffff  }
0x560: {  	v12 =	vadd.s32 $0x3000, v12;
	v22 =	vld.idx.msk [tilespmem:v22+s3+$0x0], $0xffff  }
0x561: {  	v11 =	vadd.s32 $0x3400, v11;
	v15 =	vadd.f32 $0.0e+00, v15;
	v16 =	vadd.f32 v17, v16;
	v17 =	vld.idx.msk [tilespmem:v23+s3+$0x0], $0xffff  }
0x562: {  	v10 =	vadd.s32 $0x3800, v10;
	v14 =	vld.idx.msk [tilespmem:v14+s3+$0x0], $0xffff  }
0x563: {  	v9 =	vadd.s32 $0x3C00, v9;
	v15 =	vadd.f32 v18, v15;
	v16 =	vadd.f32 v19, v16;
	v18 =	vld.idx.msk [tilespmem:v24+s3+$0x0], $0xffff  }
0x564: {  	v8 =	vadd.s32 $0x4000, v8;
	v13 =	vld.idx.msk [tilespmem:v13+s3+$0x0], $0xffff  }
0x565: {  	v7 =	vadd.s32 $0x4400, v7;
	v15 =	vadd.f32 v20, v15;
	v16 =	vadd.f32 v21, v16;
	v12 =	vld.idx.msk [tilespmem:v12+s3+$0x0], $0xffff  }
0x566: {  	v6 =	vadd.s32 $0x4800, v6;
	v11 =	vld.idx.msk [tilespmem:v11+s3+$0x0], $0xffff  }
0x567: {  	v5 =	vadd.s32 $0x4C00, v5;
	v15 =	vadd.f32 v22, v15;
	v16 =	vadd.f32 v17, v16;
	v10 =	vld.idx.msk [tilespmem:v10+s3+$0x0], $0xffff  }
0x568: {  	v4 =	vadd.s32 $0x5000, v4;
	v9 =	vld.idx.msk [tilespmem:v9+s3+$0x0], $0xffff  }
0x569: {  	v3 =	vadd.s32 $0x5400, v3;
	v14 =	vadd.f32 v14, v15;
	v15 =	vadd.f32 v18, v16;
	v8 =	vld.idx.msk [tilespmem:v8+s3+$0x0], $0xffff  }
0x56a: {  	v2 =	vadd.s32 $0x5800, v2;
	v7 =	vld.idx.msk [tilespmem:v7+s3+$0x0], $0xffff  }
0x56b: {  	v1 =	vadd.s32 $0x5C00, v1;
	v13 =	vadd.f32 v13, v14;
	v12 =	vadd.f32 v12, v15;
	v6 =	vld.idx.msk [tilespmem:v6+s3+$0x0], $0xffff  }
0x56c: {  	v0 =	vadd.s32 $0x6000, v0;
	v5 =	vld.idx.msk [tilespmem:v5+s3+$0x0], $0xffff  }
0x56d: {  	v11 =	vadd.f32 v11, v13;
	v10 =	vadd.f32 v10, v12;
	v4 =	vld.idx.msk [tilespmem:v4+s3+$0x0], $0xffff  }
0x56e: {  	v3 =	vld.idx.msk [tilespmem:v3+s3+$0x0], $0xffff  }
0x56f: {  	v9 =	vadd.f32 v9, v11;
	v8 =	vadd.f32 v8, v10;
	v2 =	vld.idx.msk [tilespmem:v2+s3+$0x0], $0xffff  }
0x570: {  	v1 =	vld.idx.msk [tilespmem:v1+s3+$0x0], $0xffff  }
0x571: {  	v7 =	vadd.f32 v7, v9;
	v6 =	vadd.f32 v6, v8;
	v0 =	vld.idx.msk [tilespmem:v0+s3+$0x0], $0xffff;
	_ =	sdelay $0x1  }
0x572: {  	v5 =	vadd.f32 v5, v7;
	v4 =	vadd.f32 v4, v6;
	_ =	sdelay $0x1  }
0x573: {  	s2 =	sadd.s32 $0x10, s2;
	v3 =	vadd.f32 v3, v5;
	v2 =	vadd.f32 v2, v4  }
0x574: {  	v4 =	vld [tilespmem:s2+$0x0]  }
0x575: {  	v1 =	vadd.f32 v1, v3;
	v0 =	vadd.f32 v0, v2;
	_ =	sdelay $0x1  }
0x576: {  	v0 =	vadd.f32 v0, v1;
	_ =	sdelay $0x1  }
0x577: {  	s1 =	sadd.s32 $0x80, s1;
	v0 =	vadd.f32 v0, v4  }
0x578: {  	s4 =	sand.u32 $0x70, s28;
	s31 =	sand.u32 $0xC00, s1  }
0x579: {  	s31 =	sor.u32 s4, s31;
	[tilespmem:s2+$0x0] =	vst v0  }
0x57a: {  	v1 =	vld [tilespmem:s31+$0x13400]  }
0x57b: {  	v0 =	vld [tilespmem:s31+$0x13480]  }
0x57c: {  	v3 =	vld [tilespmem:s31+$0x12700]  }
0x57d: {  	v2 =	vld [tilespmem:s31+$0x12780]  }
0x57e: {  	v5 =	vld [tilespmem:s31+$0x12600]  }
0x57f: {  	v4 =	vld [tilespmem:s31+$0x12680]  }
0x580: {  	v7 =	vld [tilespmem:s31+$0x12500]  }
0x581: {  	v6 =	vld [tilespmem:s31+$0x12580]  }
0x582: {  	v9 =	vld [tilespmem:s31+$0x12400]  }
0x583: {  	v8 =	vld [tilespmem:s31+$0x12480]  }
0x584: {  	v11 =	vld [tilespmem:s31+$0x11700]  }
.Ltmp7:
0x585: {  	v10 =	vld [tilespmem:s31+$0x11780];
	(pc) =	sbr.rel @p0 .LBB2_16-.Ltmp7, $4  }
0x586: {  	v13 =	vld [tilespmem:s31+$0x11600]  }
0x587: {  	v12 =	vld [tilespmem:s31+$0x11680]  }
0x588: {  	v14 =	vld [tilespmem:s31+$0x11500]  }
0x589: {  	s28 =	sadd.s32 $0x10, s28;
	v15 =	vld [tilespmem:s31+$0x10500]  }
0x58a: {  	v16 =	vld [tilespmem:s31+$0x10480]  }
0x58b: {  	v17 =	vld [tilespmem:s31+$0x10580]  }
0x58c: {  	v18 =	vld [tilespmem:s31+$0x10600]  }
0x58d: {  	v19 =	vld [tilespmem:s31+$0x10680]  }
0x58e: {  	v20 =	vld [tilespmem:s31+$0x10700]  }
0x58f: {  	v21 =	vld [tilespmem:s31+$0x10780];
	v15 =	vadd.s32 $0x400, v15  }
0x590: {  	v22 =	vld [tilespmem:s31+$0x11400];
	v17 =	vadd.s32 $0x800, v17  }
0x591: {  	v23 =	vld [tilespmem:s31+$0x11480];
	v18 =	vadd.s32 $0xC00, v18  }
0x592: {  	v24 =	vld [tilespmem:s31+$0x11580];
	v19 =	vadd.s32 $0x1000, v19  }
0x593: {  	v20 =	vadd.s32 $0x1400, v20;
	v16 =	vld.idx.msk [tilespmem:v16+s3+$0x0], $0xffff  }
0x594: {  	v21 =	vadd.s32 $0x1800, v21;
	v15 =	vld.idx.msk [tilespmem:v15+s3+$0x0], $0xffff  }
0x595: {  	v22 =	vadd.s32 $0x1C00, v22;
	v17 =	vld.idx.msk [tilespmem:v17+s3+$0x0], $0xffff  }
0x596: {  	v23 =	vadd.s32 $0x2000, v23;
	v18 =	vld.idx.msk [tilespmem:v18+s3+$0x0], $0xffff  }
0x597: {  	v14 =	vadd.s32 $0x2400, v14;
	v19 =	vld.idx.msk [tilespmem:v19+s3+$0x0], $0xffff  }
0x598: {  	v24 =	vadd.s32 $0x2800, v24;
	v20 =	vld.idx.msk [tilespmem:v20+s3+$0x0], $0xffff;
	v16 =	vadd.f32 $0.0e+00, v16  }
0x599: {  	v13 =	vadd.s32 $0x2C00, v13;
	v21 =	vld.idx.msk [tilespmem:v21+s3+$0x0], $0xffff  }
0x59a: {  	v12 =	vadd.s32 $0x3000, v12;
	v22 =	vld.idx.msk [tilespmem:v22+s3+$0x0], $0xffff;
	v15 =	vadd.f32 $0.0e+00, v15;
	v16 =	vadd.f32 v17, v16  }
0x59b: {  	v11 =	vadd.s32 $0x3400, v11;
	v17 =	vld.idx.msk [tilespmem:v23+s3+$0x0], $0xffff  }
0x59c: {  	v10 =	vadd.s32 $0x3800, v10;
	v14 =	vld.idx.msk [tilespmem:v14+s3+$0x0], $0xffff;
	v15 =	vadd.f32 v18, v15;
	v16 =	vadd.f32 v19, v16  }
0x59d: {  	v9 =	vadd.s32 $0x3C00, v9;
	v55 =	vld.idx.msk [tilespmem:v24+s3+$0x0], $0xffff  }
0x59e: {  	v8 =	vadd.s32 $0x4000, v8;
	v13 =	vld.idx.msk [tilespmem:v13+s3+$0x0], $0xffff;
	v15 =	vadd.f32 v20, v15;
	v16 =	vadd.f32 v21, v16  }
0x59f: {  	v7 =	vadd.s32 $0x4400, v7;
	v12 =	vld.idx.msk [tilespmem:v12+s3+$0x0], $0xffff  }
0x5a0: {  	v6 =	vadd.s32 $0x4800, v6;
	v11 =	vld.idx.msk [tilespmem:v11+s3+$0x0], $0xffff;
	v15 =	vadd.f32 v22, v15;
	v16 =	vadd.f32 v17, v16  }
0x5a1: {  	v5 =	vadd.s32 $0x4C00, v5;
	v10 =	vld.idx.msk [tilespmem:v10+s3+$0x0], $0xffff  }
0x5a2: {  	v4 =	vadd.s32 $0x5000, v4;
	v9 =	vld.idx.msk [tilespmem:v9+s3+$0x0], $0xffff;
	v14 =	vadd.f32 v14, v15;
	v15 =	vadd.f32 v55, v16  }
0x5a3: {  	v3 =	vadd.s32 $0x5400, v3;
	v8 =	vld.idx.msk [tilespmem:v8+s3+$0x0], $0xffff  }
0x5a4: {  	v2 =	vadd.s32 $0x5800, v2;
	v7 =	vld.idx.msk [tilespmem:v7+s3+$0x0], $0xffff;
	v13 =	vadd.f32 v13, v14;
	v12 =	vadd.f32 v12, v15  }
0x5a5: {  	v1 =	vadd.s32 $0x5C00, v1;
	v6 =	vld.idx.msk [tilespmem:v6+s3+$0x0], $0xffff  }
0x5a6: {  	v0 =	vadd.s32 $0x6000, v0;
	v5 =	vld.idx.msk [tilespmem:v5+s3+$0x0], $0xffff;
	v11 =	vadd.f32 v11, v13;
	v10 =	vadd.f32 v10, v12  }
0x5a7: {  	v4 =	vld.idx.msk [tilespmem:v4+s3+$0x0], $0xffff  }
0x5a8: {  	v3 =	vld.idx.msk [tilespmem:v3+s3+$0x0], $0xffff;
	v9 =	vadd.f32 v9, v11;
	v8 =	vadd.f32 v8, v10  }
0x5a9: {  	v2 =	vld.idx.msk [tilespmem:v2+s3+$0x0], $0xffff  }
0x5aa: {  	v1 =	vld.idx.msk [tilespmem:v1+s3+$0x0], $0xffff;
	v7 =	vadd.f32 v7, v9;
	v6 =	vadd.f32 v6, v8  }
0x5ab: {  	v0 =	vld.idx.msk [tilespmem:v0+s3+$0x0], $0xffff  }
0x5ac: {  	v5 =	vadd.f32 v5, v7;
	v4 =	vadd.f32 v4, v6;
	_ =	sdelay $0x1  }
0x5ad: {  	s1 =	sadd.s32 $0x10, s2;
	v3 =	vadd.f32 v3, v5;
	v2 =	vadd.f32 v2, v4  }
0x5ae: {  	v4 =	vld [tilespmem:s1+$0x0]  }
0x5af: {  	v1 =	vadd.f32 v1, v3;
	v0 =	vadd.f32 v0, v2;
	_ =	sdelay $0x1  }
0x5b0: {  	v0 =	vadd.f32 v0, v1;
	_ =	sdelay $0x1  }
0x5b1: {  	v0 =	vadd.f32 v0, v4;
	_ =	sdelay $0x1  }
0x5b2: {  	[tilespmem:s1+$0x0] =	vst v0  }
0x5b3: {  	_ =	swait.ge [sflag:s29], $0x7000  }
0x5b4: {  	[sflag:s29] =	ssyncset.done $0x0  }
0x5b5: {  	s2 =	simm.s32 $0x0;
	[sflag:s29] =	ssyncadd.s32 $0xFFFF9000  }
0x5b6: {  	[tilespmem:s2], [sflag:$0x3] =	stream.linear.gather [spmem:s18], $0x6400, $0x38;
	[tilespmem:$0x18480] =	vst v63  }
0x5b7: {  	_ =	swait.ge [sflag:s26], $0x6400  }
0x5b8: {  	s4 =	sand.u32 $0x70, s2;
	s1 =	sand.u32 $0xC00, s2;
	[sflag:s26] =	ssyncset.done $0x0  }
0x5b9: {  	s1 =	sor.u32 s4, s1;
	[sflag:s26] =	ssyncadd.s32 $0xFFFF9C00  }
0x5ba: {  	v0 =	vld [tilespmem:s1+$0x8780]  }
0x5bb: {  	v1 =	vld [tilespmem:s1+$0x9400]  }
0x5bc: {  	v2 =	vld [tilespmem:s1+$0x8680]  }
0x5bd: {  	v3 =	vld [tilespmem:s1+$0x8700]  }
0x5be: {  	v4 =	vld [tilespmem:s1+$0x8580]  }
0x5bf: {  	v5 =	vld [tilespmem:s1+$0x8600]  }
0x5c0: {  	v6 =	vld [tilespmem:s1+$0x8480]  }
0x5c1: {  	v7 =	vld [tilespmem:s1+$0x8500]  }
0x5c2: {  	v8 =	vld [tilespmem:s1+$0x7780]  }
0x5c3: {  	v9 =	vld [tilespmem:s1+$0x8400]  }
0x5c4: {  	v10 =	vld [tilespmem:s1+$0x7680]  }
0x5c5: {  	v11 =	vld [tilespmem:s1+$0x7700]  }
0x5c6: {  	v12 =	vld [tilespmem:s1+$0x7580]  }
0x5c7: {  	v13 =	vld [tilespmem:s1+$0x7600]  }
0x5c8: {  	v14 =	vld [tilespmem:s1+$0x7480]  }
0x5c9: {  	v15 =	vld [tilespmem:s1+$0x6480]  }
0x5ca: {  	v16 =	vld [tilespmem:s1+$0x6400]  }
0x5cb: {  	v17 =	vld [tilespmem:s1+$0x6500]  }
0x5cc: {  	v56 =	vld [tilespmem:s1+$0x6580]  }
0x5cd: {  	v57 =	vld [tilespmem:s1+$0x6600]  }
0x5ce: {  	v58 =	vld [tilespmem:s1+$0x6680]  }
0x5cf: {  	v59 =	vld [tilespmem:s1+$0x6700];
	v15 =	vadd.s32 $0x400, v15  }
0x5d0: {  	v60 =	vld [tilespmem:s1+$0x6780];
	v17 =	vadd.s32 $0x800, v17  }
0x5d1: {  	v61 =	vld [tilespmem:s1+$0x7400];
	v18 =	vadd.s32 $0xC00, v56  }
0x5d2: {  	v62 =	vld [tilespmem:s1+$0x7500];
	v19 =	vadd.s32 $0x1000, v57  }
0x5d3: {  	v20 =	vadd.s32 $0x1400, v58;
	v16 =	vld.idx.msk [tilespmem:v16+s3+$0x0], $0xffff  }
0x5d4: {  	v21 =	vadd.s32 $0x1800, v59;
	v15 =	vld.idx.msk [tilespmem:v15+s3+$0x0], $0xffff  }
0x5d5: {  	v22 =	vadd.s32 $0x1C00, v60;
	v17 =	vld.idx.msk [tilespmem:v17+s3+$0x0], $0xffff  }
0x5d6: {  	v23 =	vadd.s32 $0x2000, v61;
	v18 =	vld.idx.msk [tilespmem:v18+s3+$0x0], $0xffff  }
0x5d7: {  	v14 =	vadd.s32 $0x2400, v14;
	v19 =	vld.idx.msk [tilespmem:v19+s3+$0x0], $0xffff  }
0x5d8: {  	v24 =	vadd.s32 $0x2800, v62;
	v20 =	vld.idx.msk [tilespmem:v20+s3+$0x0], $0xffff;
	v16 =	vadd.f32 $0.0e+00, v16  }
0x5d9: {  	v12 =	vadd.s32 $0x2C00, v12;
	v21 =	vld.idx.msk [tilespmem:v21+s3+$0x0], $0xffff  }
0x5da: {  	v13 =	vadd.s32 $0x3000, v13;
	v22 =	vld.idx.msk [tilespmem:v22+s3+$0x0], $0xffff;
	v15 =	vadd.f32 $0.0e+00, v15;
	v16 =	vadd.f32 v17, v16  }
0x5db: {  	v10 =	vadd.s32 $0x3400, v10;
	v17 =	vld.idx.msk [tilespmem:v23+s3+$0x0], $0xffff  }
0x5dc: {  	v11 =	vadd.s32 $0x3800, v11;
	v14 =	vld.idx.msk [tilespmem:v14+s3+$0x0], $0xffff;
	v15 =	vadd.f32 v18, v15;
	v16 =	vadd.f32 v19, v16  }
0x5dd: {  	v8 =	vadd.s32 $0x3C00, v8;
	v63 =	vld.idx.msk [tilespmem:v24+s3+$0x0], $0xffff  }
0x5de: {  	v9 =	vadd.s32 $0x4000, v9;
	v12 =	vld.idx.msk [tilespmem:v12+s3+$0x0], $0xffff;
	v15 =	vadd.f32 v20, v15;
	v16 =	vadd.f32 v21, v16  }
0x5df: {  	v6 =	vadd.s32 $0x4400, v6;
	v13 =	vld.idx.msk [tilespmem:v13+s3+$0x0], $0xffff  }
0x5e0: {  	v7 =	vadd.s32 $0x4800, v7;
	v10 =	vld.idx.msk [tilespmem:v10+s3+$0x0], $0xffff;
	v15 =	vadd.f32 v22, v15;
	v16 =	vadd.f32 v17, v16  }
0x5e1: {  	v4 =	vadd.s32 $0x4C00, v4;
	v11 =	vld.idx.msk [tilespmem:v11+s3+$0x0], $0xffff  }
0x5e2: {  	v5 =	vadd.s32 $0x5000, v5;
	v8 =	vld.idx.msk [tilespmem:v8+s3+$0x0], $0xffff;
	v14 =	vadd.f32 v14, v15;
	v15 =	vadd.f32 v63, v16  }
0x5e3: {  	v2 =	vadd.s32 $0x5400, v2;
	v9 =	vld.idx.msk [tilespmem:v9+s3+$0x0], $0xffff  }
0x5e4: {  	v3 =	vadd.s32 $0x5800, v3;
	v6 =	vld.idx.msk [tilespmem:v6+s3+$0x0], $0xffff;
	v12 =	vadd.f32 v12, v14;
	v13 =	vadd.f32 v13, v15  }
0x5e5: {  	v0 =	vadd.s32 $0x5C00, v0;
	v7 =	vld.idx.msk [tilespmem:v7+s3+$0x0], $0xffff  }
0x5e6: {  	v1 =	vadd.s32 $0x6000, v1;
	v4 =	vld.idx.msk [tilespmem:v4+s3+$0x0], $0xffff;
	v10 =	vadd.f32 v10, v12;
	v11 =	vadd.f32 v11, v13  }
0x5e7: {  	v5 =	vld.idx.msk [tilespmem:v5+s3+$0x0], $0xffff  }
0x5e8: {  	v2 =	vld.idx.msk [tilespmem:v2+s3+$0x0], $0xffff;
	v8 =	vadd.f32 v8, v10;
	v9 =	vadd.f32 v9, v11  }
0x5e9: {  	v3 =	vld.idx.msk [tilespmem:v3+s3+$0x0], $0xffff  }
0x5ea: {  	v0 =	vld.idx.msk [tilespmem:v0+s3+$0x0], $0xffff;
	v6 =	vadd.f32 v6, v8;
	v7 =	vadd.f32 v7, v9  }
0x5eb: {  	v1 =	vld.idx.msk [tilespmem:v1+s3+$0x0], $0xffff  }
0x5ec: {  	v4 =	vadd.f32 v4, v6;
	v5 =	vadd.f32 v5, v7;
	_ =	sdelay $0x1  }
0x5ed: {  	s2 =	simm.s32 $0x14400;
	v2 =	vadd.f32 v2, v4;
	v3 =	vadd.f32 v3, v5  }
0x5ee: {  	v4 =	vld [tilespmem:s2+$0x0]  }
0x5ef: {  	v0 =	vadd.f32 v0, v2;
	v1 =	vadd.f32 v1, v3;
	_ =	sdelay $0x1  }
0x5f0: {  	v0 =	vadd.f32 v1, v0;
	_ =	sdelay $0x1  }
0x5f1: {  	s4 =	simm.s32 $0x10;
	s1 =	simm.s32 $0x80;
	v0 =	vadd.f32 v0, v4  }
0x5f2: {  	s4 =	sand.u32 $0x70, s4;
	s28 =	sand.u32 $0xC00, s1  }
0x5f3: {  	s31 =	sor.u32 s4, s28;
	[tilespmem:s2+$0x0] =	vst v0  }
0x5f4: {  	v1 =	vld [tilespmem:s31+$0x8780]  }
0x5f5: {  	v0 =	vld [tilespmem:s31+$0x9400]  }
0x5f6: {  	v3 =	vld [tilespmem:s31+$0x8680]  }
0x5f7: {  	v2 =	vld [tilespmem:s31+$0x8700]  }
0x5f8: {  	v5 =	vld [tilespmem:s31+$0x8580]  }
0x5f9: {  	v4 =	vld [tilespmem:s31+$0x8600]  }
0x5fa: {  	v7 =	vld [tilespmem:s31+$0x8480]  }
0x5fb: {  	v6 =	vld [tilespmem:s31+$0x8500]  }
0x5fc: {  	v9 =	vld [tilespmem:s31+$0x7780]  }
0x5fd: {  	v8 =	vld [tilespmem:s31+$0x8400]  }
0x5fe: {  	v11 =	vld [tilespmem:s31+$0x7680]  }
0x5ff: {  	v10 =	vld [tilespmem:s31+$0x7700]  }
0x600: {  	v13 =	vld [tilespmem:s31+$0x7580]  }
0x601: {  	v12 =	vld [tilespmem:s31+$0x7600]  }
0x602: {  	v14 =	vld [tilespmem:s31+$0x7480]  }
0x603: {  	s28 =	simm.s32 $0x20;
	v15 =	vld [tilespmem:s31+$0x6480]  }
.LBB2_18:
0x604: {  	p0 =	sne.s32 s28, $0x1F0;
	v16 =	vld [tilespmem:s31+$0x6400]  }
0x605: {  	v17 =	vld [tilespmem:s31+$0x6500]  }
0x606: {  	v18 =	vld [tilespmem:s31+$0x6580]  }
0x607: {  	v19 =	vld [tilespmem:s31+$0x6600]  }
0x608: {  	v20 =	vld [tilespmem:s31+$0x6680]  }
0x609: {  	v15 =	vadd.s32 $0x400, v15;
	v21 =	vld [tilespmem:s31+$0x6700]  }
0x60a: {  	v17 =	vadd.s32 $0x800, v17;
	v22 =	vld [tilespmem:s31+$0x6780]  }
0x60b: {  	v18 =	vadd.s32 $0xC00, v18;
	v23 =	vld [tilespmem:s31+$0x7400]  }
0x60c: {  	v19 =	vadd.s32 $0x1000, v19;
	v24 =	vld [tilespmem:s31+$0x7500]  }
0x60d: {  	v16 =	vld.idx.msk [tilespmem:v16+s3+$0x0], $0xffff;
	v20 =	vadd.s32 $0x1400, v20  }
0x60e: {  	v15 =	vld.idx.msk [tilespmem:v15+s3+$0x0], $0xffff;
	v21 =	vadd.s32 $0x1800, v21  }
0x60f: {  	v17 =	vld.idx.msk [tilespmem:v17+s3+$0x0], $0xffff;
	v22 =	vadd.s32 $0x1C00, v22  }
0x610: {  	v18 =	vld.idx.msk [tilespmem:v18+s3+$0x0], $0xffff;
	v23 =	vadd.s32 $0x2000, v23  }
0x611: {  	v14 =	vadd.s32 $0x2400, v14;
	v19 =	vld.idx.msk [tilespmem:v19+s3+$0x0], $0xffff  }
0x612: {  	v24 =	vadd.s32 $0x2800, v24;
	v20 =	vld.idx.msk [tilespmem:v20+s3+$0x0], $0xffff  }
0x613: {  	v13 =	vadd.s32 $0x2C00, v13;
	v16 =	vadd.f32 $0.0e+00, v16;
	v21 =	vld.idx.msk [tilespmem:v21+s3+$0x0], $0xffff  }
0x614: {  	v12 =	vadd.s32 $0x3000, v12;
	v22 =	vld.idx.msk [tilespmem:v22+s3+$0x0], $0xffff  }
0x615: {  	v11 =	vadd.s32 $0x3400, v11;
	v15 =	vadd.f32 $0.0e+00, v15;
	v16 =	vadd.f32 v17, v16;
	v17 =	vld.idx.msk [tilespmem:v23+s3+$0x0], $0xffff  }
0x616: {  	v10 =	vadd.s32 $0x3800, v10;
	v14 =	vld.idx.msk [tilespmem:v14+s3+$0x0], $0xffff  }
0x617: {  	v9 =	vadd.s32 $0x3C00, v9;
	v15 =	vadd.f32 v18, v15;
	v16 =	vadd.f32 v19, v16;
	v18 =	vld.idx.msk [tilespmem:v24+s3+$0x0], $0xffff  }
0x618: {  	v8 =	vadd.s32 $0x4000, v8;
	v13 =	vld.idx.msk [tilespmem:v13+s3+$0x0], $0xffff  }
0x619: {  	v7 =	vadd.s32 $0x4400, v7;
	v15 =	vadd.f32 v20, v15;
	v16 =	vadd.f32 v21, v16;
	v12 =	vld.idx.msk [tilespmem:v12+s3+$0x0], $0xffff  }
0x61a: {  	v6 =	vadd.s32 $0x4800, v6;
	v11 =	vld.idx.msk [tilespmem:v11+s3+$0x0], $0xffff  }
0x61b: {  	v5 =	vadd.s32 $0x4C00, v5;
	v15 =	vadd.f32 v22, v15;
	v16 =	vadd.f32 v17, v16;
	v10 =	vld.idx.msk [tilespmem:v10+s3+$0x0], $0xffff  }
0x61c: {  	v4 =	vadd.s32 $0x5000, v4;
	v9 =	vld.idx.msk [tilespmem:v9+s3+$0x0], $0xffff  }
0x61d: {  	v3 =	vadd.s32 $0x5400, v3;
	v14 =	vadd.f32 v14, v15;
	v15 =	vadd.f32 v18, v16;
	v8 =	vld.idx.msk [tilespmem:v8+s3+$0x0], $0xffff  }
0x61e: {  	v2 =	vadd.s32 $0x5800, v2;
	v7 =	vld.idx.msk [tilespmem:v7+s3+$0x0], $0xffff  }
0x61f: {  	v1 =	vadd.s32 $0x5C00, v1;
	v13 =	vadd.f32 v13, v14;
	v12 =	vadd.f32 v12, v15;
	v6 =	vld.idx.msk [tilespmem:v6+s3+$0x0], $0xffff  }
0x620: {  	v0 =	vadd.s32 $0x6000, v0;
	v5 =	vld.idx.msk [tilespmem:v5+s3+$0x0], $0xffff  }
0x621: {  	v11 =	vadd.f32 v11, v13;
	v10 =	vadd.f32 v10, v12;
	v4 =	vld.idx.msk [tilespmem:v4+s3+$0x0], $0xffff  }
0x622: {  	v3 =	vld.idx.msk [tilespmem:v3+s3+$0x0], $0xffff  }
0x623: {  	v9 =	vadd.f32 v9, v11;
	v8 =	vadd.f32 v8, v10;
	v2 =	vld.idx.msk [tilespmem:v2+s3+$0x0], $0xffff  }
0x624: {  	v1 =	vld.idx.msk [tilespmem:v1+s3+$0x0], $0xffff  }
0x625: {  	v7 =	vadd.f32 v7, v9;
	v6 =	vadd.f32 v6, v8;
	v0 =	vld.idx.msk [tilespmem:v0+s3+$0x0], $0xffff;
	_ =	sdelay $0x1  }
0x626: {  	v5 =	vadd.f32 v5, v7;
	v4 =	vadd.f32 v4, v6;
	_ =	sdelay $0x1  }
0x627: {  	s2 =	sadd.s32 $0x10, s2;
	v3 =	vadd.f32 v3, v5;
	v2 =	vadd.f32 v2, v4  }
0x628: {  	v4 =	vld [tilespmem:s2+$0x0]  }
0x629: {  	v1 =	vadd.f32 v1, v3;
	v0 =	vadd.f32 v0, v2;
	_ =	sdelay $0x1  }
0x62a: {  	v0 =	vadd.f32 v0, v1;
	_ =	sdelay $0x1  }
0x62b: {  	s1 =	sadd.s32 $0x80, s1;
	v0 =	vadd.f32 v0, v4  }
0x62c: {  	s4 =	sand.u32 $0x70, s28;
	s31 =	sand.u32 $0xC00, s1  }
0x62d: {  	s31 =	sor.u32 s4, s31;
	[tilespmem:s2+$0x0] =	vst v0  }
0x62e: {  	v1 =	vld [tilespmem:s31+$0x8780]  }
0x62f: {  	v0 =	vld [tilespmem:s31+$0x9400]  }
0x630: {  	v3 =	vld [tilespmem:s31+$0x8680]  }
0x631: {  	v2 =	vld [tilespmem:s31+$0x8700]  }
0x632: {  	v5 =	vld [tilespmem:s31+$0x8580]  }
0x633: {  	v4 =	vld [tilespmem:s31+$0x8600]  }
0x634: {  	v7 =	vld [tilespmem:s31+$0x8480]  }
0x635: {  	v6 =	vld [tilespmem:s31+$0x8500]  }
0x636: {  	v9 =	vld [tilespmem:s31+$0x7780]  }
0x637: {  	v8 =	vld [tilespmem:s31+$0x8400]  }
0x638: {  	v11 =	vld [tilespmem:s31+$0x7680]  }
.Ltmp8:
0x639: {  	v10 =	vld [tilespmem:s31+$0x7700];
	(pc) =	sbr.rel @p0 .LBB2_18-.Ltmp8, $4  }
0x63a: {  	v13 =	vld [tilespmem:s31+$0x7580]  }
0x63b: {  	v12 =	vld [tilespmem:s31+$0x7600]  }
0x63c: {  	v14 =	vld [tilespmem:s31+$0x7480]  }
0x63d: {  	s28 =	sadd.s32 $0x10, s28;
	v15 =	vld [tilespmem:s31+$0x6480]  }
0x63e: {  	v16 =	vld [tilespmem:s31+$0x6400]  }
0x63f: {  	v17 =	vld [tilespmem:s31+$0x6500]  }
0x640: {  	v18 =	vld [tilespmem:s31+$0x6580]  }
0x641: {  	v19 =	vld [tilespmem:s31+$0x6600]  }
0x642: {  	v20 =	vld [tilespmem:s31+$0x6680]  }
0x643: {  	v21 =	vld [tilespmem:s31+$0x6700];
	v15 =	vadd.s32 $0x400, v15  }
0x644: {  	v22 =	vld [tilespmem:s31+$0x6780];
	v17 =	vadd.s32 $0x800, v17  }
0x645: {  	v23 =	vld [tilespmem:s31+$0x7400];
	v18 =	vadd.s32 $0xC00, v18  }
0x646: {  	v24 =	vld [tilespmem:s31+$0x7500];
	v19 =	vadd.s32 $0x1000, v19  }
0x647: {  	v20 =	vadd.s32 $0x1400, v20;
	v16 =	vld.idx.msk [tilespmem:v16+s3+$0x0], $0xffff  }
0x648: {  	v21 =	vadd.s32 $0x1800, v21;
	v15 =	vld.idx.msk [tilespmem:v15+s3+$0x0], $0xffff  }
0x649: {  	v22 =	vadd.s32 $0x1C00, v22;
	v17 =	vld.idx.msk [tilespmem:v17+s3+$0x0], $0xffff  }
0x64a: {  	v23 =	vadd.s32 $0x2000, v23;
	v18 =	vld.idx.msk [tilespmem:v18+s3+$0x0], $0xffff  }
0x64b: {  	v14 =	vadd.s32 $0x2400, v14;
	v19 =	vld.idx.msk [tilespmem:v19+s3+$0x0], $0xffff  }
0x64c: {  	v24 =	vadd.s32 $0x2800, v24;
	v20 =	vld.idx.msk [tilespmem:v20+s3+$0x0], $0xffff;
	v16 =	vadd.f32 $0.0e+00, v16  }
0x64d: {  	v13 =	vadd.s32 $0x2C00, v13;
	v21 =	vld.idx.msk [tilespmem:v21+s3+$0x0], $0xffff  }
0x64e: {  	v12 =	vadd.s32 $0x3000, v12;
	v22 =	vld.idx.msk [tilespmem:v22+s3+$0x0], $0xffff;
	v15 =	vadd.f32 $0.0e+00, v15;
	v16 =	vadd.f32 v17, v16  }
0x64f: {  	v11 =	vadd.s32 $0x3400, v11;
	v17 =	vld.idx.msk [tilespmem:v23+s3+$0x0], $0xffff  }
0x650: {  	v10 =	vadd.s32 $0x3800, v10;
	v14 =	vld.idx.msk [tilespmem:v14+s3+$0x0], $0xffff;
	v15 =	vadd.f32 v18, v15;
	v16 =	vadd.f32 v19, v16  }
0x651: {  	v9 =	vadd.s32 $0x3C00, v9;
	v55 =	vld.idx.msk [tilespmem:v24+s3+$0x0], $0xffff  }
0x652: {  	v8 =	vadd.s32 $0x4000, v8;
	v13 =	vld.idx.msk [tilespmem:v13+s3+$0x0], $0xffff;
	v15 =	vadd.f32 v20, v15;
	v16 =	vadd.f32 v21, v16  }
0x653: {  	v7 =	vadd.s32 $0x4400, v7;
	v12 =	vld.idx.msk [tilespmem:v12+s3+$0x0], $0xffff  }
0x654: {  	v6 =	vadd.s32 $0x4800, v6;
	v11 =	vld.idx.msk [tilespmem:v11+s3+$0x0], $0xffff;
	v15 =	vadd.f32 v22, v15;
	v16 =	vadd.f32 v17, v16  }
0x655: {  	v5 =	vadd.s32 $0x4C00, v5;
	v10 =	vld.idx.msk [tilespmem:v10+s3+$0x0], $0xffff  }
0x656: {  	v4 =	vadd.s32 $0x5000, v4;
	v9 =	vld.idx.msk [tilespmem:v9+s3+$0x0], $0xffff;
	v14 =	vadd.f32 v14, v15;
	v15 =	vadd.f32 v55, v16  }
0x657: {  	v3 =	vadd.s32 $0x5400, v3;
	v8 =	vld.idx.msk [tilespmem:v8+s3+$0x0], $0xffff  }
0x658: {  	v2 =	vadd.s32 $0x5800, v2;
	v7 =	vld.idx.msk [tilespmem:v7+s3+$0x0], $0xffff;
	v13 =	vadd.f32 v13, v14;
	v12 =	vadd.f32 v12, v15  }
0x659: {  	v1 =	vadd.s32 $0x5C00, v1;
	v6 =	vld.idx.msk [tilespmem:v6+s3+$0x0], $0xffff  }
0x65a: {  	v0 =	vadd.s32 $0x6000, v0;
	v5 =	vld.idx.msk [tilespmem:v5+s3+$0x0], $0xffff;
	v11 =	vadd.f32 v11, v13;
	v10 =	vadd.f32 v10, v12  }
0x65b: {  	v4 =	vld.idx.msk [tilespmem:v4+s3+$0x0], $0xffff  }
0x65c: {  	v3 =	vld.idx.msk [tilespmem:v3+s3+$0x0], $0xffff;
	v9 =	vadd.f32 v9, v11;
	v8 =	vadd.f32 v8, v10  }
0x65d: {  	v2 =	vld.idx.msk [tilespmem:v2+s3+$0x0], $0xffff  }
0x65e: {  	v1 =	vld.idx.msk [tilespmem:v1+s3+$0x0], $0xffff;
	v7 =	vadd.f32 v7, v9;
	v6 =	vadd.f32 v6, v8  }
0x65f: {  	v0 =	vld.idx.msk [tilespmem:v0+s3+$0x0], $0xffff  }
0x660: {  	v5 =	vadd.f32 v5, v7;
	v4 =	vadd.f32 v4, v6;
	_ =	sdelay $0x1  }
0x661: {  	s1 =	sadd.s32 $0x10, s2;
	v3 =	vadd.f32 v3, v5;
	v2 =	vadd.f32 v2, v4  }
0x662: {  	v4 =	vld [tilespmem:s1+$0x0]  }
0x663: {  	v1 =	vadd.f32 v1, v3;
	v0 =	vadd.f32 v0, v2;
	_ =	sdelay $0x1  }
0x664: {  	v0 =	vadd.f32 v0, v1;
	_ =	sdelay $0x1  }
0x665: {  	v0 =	vadd.f32 v0, v4;
	_ =	sdelay $0x1  }
0x666: {  	s2 =	simm.s32 $0x0;
	[tilespmem:s1+$0x0] =	vst v0  }
0x667: {  	[tilespmem:s2], [sflag:$0x3] =	stream.linear.gather [spmem:s19], $0x6400, $0x38;
	[tilespmem:$0x18480] =	vst v63  }
0x668: {  	_ =	swait.ge [sflag:s26], $0x6400  }
0x669: {  	s4 =	sand.u32 $0x70, s2;
	s1 =	sand.u32 $0xC00, s2;
	[sflag:s26] =	ssyncset.done $0x0  }
0x66a: {  	s1 =	sor.u32 s4, s1;
	[sflag:s26] =	ssyncadd.s32 $0xFFFF9C00  }
0x66b: {  	v0 =	vld [tilespmem:s1+$0xC400]  }
0x66c: {  	v1 =	vld [tilespmem:s1+$0xC480]  }
0x66d: {  	v2 =	vld [tilespmem:s1+$0xB700]  }
0x66e: {  	v3 =	vld [tilespmem:s1+$0xB780]  }
0x66f: {  	v4 =	vld [tilespmem:s1+$0xB600]  }
0x670: {  	v5 =	vld [tilespmem:s1+$0xB680]  }
0x671: {  	v6 =	vld [tilespmem:s1+$0xB500]  }
0x672: {  	v7 =	vld [tilespmem:s1+$0xB580]  }
0x673: {  	v8 =	vld [tilespmem:s1+$0xB400]  }
0x674: {  	v9 =	vld [tilespmem:s1+$0xB480]  }
0x675: {  	v10 =	vld [tilespmem:s1+$0xA700]  }
0x676: {  	v11 =	vld [tilespmem:s1+$0xA780]  }
0x677: {  	v12 =	vld [tilespmem:s1+$0xA600]  }
0x678: {  	v13 =	vld [tilespmem:s1+$0xA680]  }
0x679: {  	v14 =	vld [tilespmem:s1+$0xA500]  }
0x67a: {  	v15 =	vld [tilespmem:s1+$0x9500]  }
0x67b: {  	v16 =	vld [tilespmem:s1+$0x9480]  }
0x67c: {  	v17 =	vld [tilespmem:s1+$0x9580]  }
0x67d: {  	v56 =	vld [tilespmem:s1+$0x9600]  }
0x67e: {  	v57 =	vld [tilespmem:s1+$0x9680]  }
0x67f: {  	v58 =	vld [tilespmem:s1+$0x9700]  }
0x680: {  	v59 =	vld [tilespmem:s1+$0x9780];
	v15 =	vadd.s32 $0x400, v15  }
0x681: {  	v60 =	vld [tilespmem:s1+$0xA400];
	v17 =	vadd.s32 $0x800, v17  }
0x682: {  	v61 =	vld [tilespmem:s1+$0xA480];
	v18 =	vadd.s32 $0xC00, v56  }
0x683: {  	v62 =	vld [tilespmem:s1+$0xA580];
	v19 =	vadd.s32 $0x1000, v57  }
0x684: {  	v20 =	vadd.s32 $0x1400, v58;
	v16 =	vld.idx.msk [tilespmem:v16+s3+$0x0], $0xffff  }
0x685: {  	v21 =	vadd.s32 $0x1800, v59;
	v15 =	vld.idx.msk [tilespmem:v15+s3+$0x0], $0xffff  }
0x686: {  	v22 =	vadd.s32 $0x1C00, v60;
	v17 =	vld.idx.msk [tilespmem:v17+s3+$0x0], $0xffff  }
0x687: {  	v23 =	vadd.s32 $0x2000, v61;
	v18 =	vld.idx.msk [tilespmem:v18+s3+$0x0], $0xffff  }
0x688: {  	v14 =	vadd.s32 $0x2400, v14;
	v19 =	vld.idx.msk [tilespmem:v19+s3+$0x0], $0xffff  }
0x689: {  	v24 =	vadd.s32 $0x2800, v62;
	v20 =	vld.idx.msk [tilespmem:v20+s3+$0x0], $0xffff;
	v16 =	vadd.f32 $0.0e+00, v16  }
0x68a: {  	v12 =	vadd.s32 $0x2C00, v12;
	v21 =	vld.idx.msk [tilespmem:v21+s3+$0x0], $0xffff  }
0x68b: {  	v13 =	vadd.s32 $0x3000, v13;
	v22 =	vld.idx.msk [tilespmem:v22+s3+$0x0], $0xffff;
	v15 =	vadd.f32 $0.0e+00, v15;
	v16 =	vadd.f32 v17, v16  }
0x68c: {  	v10 =	vadd.s32 $0x3400, v10;
	v17 =	vld.idx.msk [tilespmem:v23+s3+$0x0], $0xffff  }
0x68d: {  	v11 =	vadd.s32 $0x3800, v11;
	v14 =	vld.idx.msk [tilespmem:v14+s3+$0x0], $0xffff;
	v15 =	vadd.f32 v18, v15;
	v16 =	vadd.f32 v19, v16  }
0x68e: {  	v8 =	vadd.s32 $0x3C00, v8;
	v63 =	vld.idx.msk [tilespmem:v24+s3+$0x0], $0xffff  }
0x68f: {  	v9 =	vadd.s32 $0x4000, v9;
	v12 =	vld.idx.msk [tilespmem:v12+s3+$0x0], $0xffff;
	v15 =	vadd.f32 v20, v15;
	v16 =	vadd.f32 v21, v16  }
0x690: {  	v6 =	vadd.s32 $0x4400, v6;
	v13 =	vld.idx.msk [tilespmem:v13+s3+$0x0], $0xffff  }
0x691: {  	v7 =	vadd.s32 $0x4800, v7;
	v10 =	vld.idx.msk [tilespmem:v10+s3+$0x0], $0xffff;
	v15 =	vadd.f32 v22, v15;
	v16 =	vadd.f32 v17, v16  }
0x692: {  	v4 =	vadd.s32 $0x4C00, v4;
	v11 =	vld.idx.msk [tilespmem:v11+s3+$0x0], $0xffff  }
0x693: {  	v5 =	vadd.s32 $0x5000, v5;
	v8 =	vld.idx.msk [tilespmem:v8+s3+$0x0], $0xffff;
	v14 =	vadd.f32 v14, v15;
	v15 =	vadd.f32 v63, v16  }
0x694: {  	v2 =	vadd.s32 $0x5400, v2;
	v9 =	vld.idx.msk [tilespmem:v9+s3+$0x0], $0xffff  }
0x695: {  	v3 =	vadd.s32 $0x5800, v3;
	v6 =	vld.idx.msk [tilespmem:v6+s3+$0x0], $0xffff;
	v12 =	vadd.f32 v12, v14;
	v13 =	vadd.f32 v13, v15  }
0x696: {  	v0 =	vadd.s32 $0x5C00, v0;
	v7 =	vld.idx.msk [tilespmem:v7+s3+$0x0], $0xffff  }
0x697: {  	v1 =	vadd.s32 $0x6000, v1;
	v4 =	vld.idx.msk [tilespmem:v4+s3+$0x0], $0xffff;
	v10 =	vadd.f32 v10, v12;
	v11 =	vadd.f32 v11, v13  }
0x698: {  	v5 =	vld.idx.msk [tilespmem:v5+s3+$0x0], $0xffff  }
0x699: {  	v2 =	vld.idx.msk [tilespmem:v2+s3+$0x0], $0xffff;
	v8 =	vadd.f32 v8, v10;
	v9 =	vadd.f32 v9, v11  }
0x69a: {  	v3 =	vld.idx.msk [tilespmem:v3+s3+$0x0], $0xffff  }
0x69b: {  	v0 =	vld.idx.msk [tilespmem:v0+s3+$0x0], $0xffff;
	v6 =	vadd.f32 v6, v8;
	v7 =	vadd.f32 v7, v9  }
0x69c: {  	v1 =	vld.idx.msk [tilespmem:v1+s3+$0x0], $0xffff  }
0x69d: {  	v4 =	vadd.f32 v4, v6;
	v5 =	vadd.f32 v5, v7;
	_ =	sdelay $0x1  }
0x69e: {  	s2 =	simm.s32 $0x14400;
	v2 =	vadd.f32 v2, v4;
	v3 =	vadd.f32 v3, v5  }
0x69f: {  	v4 =	vld [tilespmem:s2+$0x0]  }
0x6a0: {  	v0 =	vadd.f32 v0, v2;
	v1 =	vadd.f32 v1, v3;
	_ =	sdelay $0x1  }
0x6a1: {  	v0 =	vadd.f32 v1, v0;
	_ =	sdelay $0x1  }
0x6a2: {  	s4 =	simm.s32 $0x10;
	s1 =	simm.s32 $0x80;
	v0 =	vadd.f32 v0, v4  }
0x6a3: {  	s4 =	sand.u32 $0x70, s4;
	s28 =	sand.u32 $0xC00, s1  }
0x6a4: {  	s31 =	sor.u32 s4, s28;
	[tilespmem:s2+$0x0] =	vst v0  }
0x6a5: {  	v1 =	vld [tilespmem:s31+$0xC400]  }
0x6a6: {  	v0 =	vld [tilespmem:s31+$0xC480]  }
0x6a7: {  	v3 =	vld [tilespmem:s31+$0xB700]  }
0x6a8: {  	v2 =	vld [tilespmem:s31+$0xB780]  }
0x6a9: {  	v5 =	vld [tilespmem:s31+$0xB600]  }
0x6aa: {  	v4 =	vld [tilespmem:s31+$0xB680]  }
0x6ab: {  	v7 =	vld [tilespmem:s31+$0xB500]  }
0x6ac: {  	v6 =	vld [tilespmem:s31+$0xB580]  }
0x6ad: {  	v9 =	vld [tilespmem:s31+$0xB400]  }
0x6ae: {  	v8 =	vld [tilespmem:s31+$0xB480]  }
0x6af: {  	v11 =	vld [tilespmem:s31+$0xA700]  }
0x6b0: {  	v10 =	vld [tilespmem:s31+$0xA780]  }
0x6b1: {  	v13 =	vld [tilespmem:s31+$0xA600]  }
0x6b2: {  	v12 =	vld [tilespmem:s31+$0xA680]  }
0x6b3: {  	v14 =	vld [tilespmem:s31+$0xA500]  }
0x6b4: {  	s28 =	simm.s32 $0x20;
	v15 =	vld [tilespmem:s31+$0x9500]  }
.LBB2_20:
0x6b5: {  	p0 =	sne.s32 s28, $0x1F0;
	v16 =	vld [tilespmem:s31+$0x9480]  }
0x6b6: {  	v17 =	vld [tilespmem:s31+$0x9580]  }
0x6b7: {  	v18 =	vld [tilespmem:s31+$0x9600]  }
0x6b8: {  	v19 =	vld [tilespmem:s31+$0x9680]  }
0x6b9: {  	v20 =	vld [tilespmem:s31+$0x9700]  }
0x6ba: {  	v15 =	vadd.s32 $0x400, v15;
	v21 =	vld [tilespmem:s31+$0x9780]  }
0x6bb: {  	v17 =	vadd.s32 $0x800, v17;
	v22 =	vld [tilespmem:s31+$0xA400]  }
0x6bc: {  	v18 =	vadd.s32 $0xC00, v18;
	v23 =	vld [tilespmem:s31+$0xA480]  }
0x6bd: {  	v19 =	vadd.s32 $0x1000, v19;
	v24 =	vld [tilespmem:s31+$0xA580]  }
0x6be: {  	v16 =	vld.idx.msk [tilespmem:v16+s3+$0x0], $0xffff;
	v20 =	vadd.s32 $0x1400, v20  }
0x6bf: {  	v15 =	vld.idx.msk [tilespmem:v15+s3+$0x0], $0xffff;
	v21 =	vadd.s32 $0x1800, v21  }
0x6c0: {  	v17 =	vld.idx.msk [tilespmem:v17+s3+$0x0], $0xffff;
	v22 =	vadd.s32 $0x1C00, v22  }
0x6c1: {  	v18 =	vld.idx.msk [tilespmem:v18+s3+$0x0], $0xffff;
	v23 =	vadd.s32 $0x2000, v23  }
0x6c2: {  	v14 =	vadd.s32 $0x2400, v14;
	v19 =	vld.idx.msk [tilespmem:v19+s3+$0x0], $0xffff  }
0x6c3: {  	v24 =	vadd.s32 $0x2800, v24;
	v20 =	vld.idx.msk [tilespmem:v20+s3+$0x0], $0xffff  }
0x6c4: {  	v13 =	vadd.s32 $0x2C00, v13;
	v16 =	vadd.f32 $0.0e+00, v16;
	v21 =	vld.idx.msk [tilespmem:v21+s3+$0x0], $0xffff  }
0x6c5: {  	v12 =	vadd.s32 $0x3000, v12;
	v22 =	vld.idx.msk [tilespmem:v22+s3+$0x0], $0xffff  }
0x6c6: {  	v11 =	vadd.s32 $0x3400, v11;
	v15 =	vadd.f32 $0.0e+00, v15;
	v16 =	vadd.f32 v17, v16;
	v17 =	vld.idx.msk [tilespmem:v23+s3+$0x0], $0xffff  }
0x6c7: {  	v10 =	vadd.s32 $0x3800, v10;
	v14 =	vld.idx.msk [tilespmem:v14+s3+$0x0], $0xffff  }
0x6c8: {  	v9 =	vadd.s32 $0x3C00, v9;
	v15 =	vadd.f32 v18, v15;
	v16 =	vadd.f32 v19, v16;
	v18 =	vld.idx.msk [tilespmem:v24+s3+$0x0], $0xffff  }
0x6c9: {  	v8 =	vadd.s32 $0x4000, v8;
	v13 =	vld.idx.msk [tilespmem:v13+s3+$0x0], $0xffff  }
0x6ca: {  	v7 =	vadd.s32 $0x4400, v7;
	v15 =	vadd.f32 v20, v15;
	v16 =	vadd.f32 v21, v16;
	v12 =	vld.idx.msk [tilespmem:v12+s3+$0x0], $0xffff  }
0x6cb: {  	v6 =	vadd.s32 $0x4800, v6;
	v11 =	vld.idx.msk [tilespmem:v11+s3+$0x0], $0xffff  }
0x6cc: {  	v5 =	vadd.s32 $0x4C00, v5;
	v15 =	vadd.f32 v22, v15;
	v16 =	vadd.f32 v17, v16;
	v10 =	vld.idx.msk [tilespmem:v10+s3+$0x0], $0xffff  }
0x6cd: {  	v4 =	vadd.s32 $0x5000, v4;
	v9 =	vld.idx.msk [tilespmem:v9+s3+$0x0], $0xffff  }
0x6ce: {  	v3 =	vadd.s32 $0x5400, v3;
	v14 =	vadd.f32 v14, v15;
	v15 =	vadd.f32 v18, v16;
	v8 =	vld.idx.msk [tilespmem:v8+s3+$0x0], $0xffff  }
0x6cf: {  	v2 =	vadd.s32 $0x5800, v2;
	v7 =	vld.idx.msk [tilespmem:v7+s3+$0x0], $0xffff  }
0x6d0: {  	v1 =	vadd.s32 $0x5C00, v1;
	v13 =	vadd.f32 v13, v14;
	v12 =	vadd.f32 v12, v15;
	v6 =	vld.idx.msk [tilespmem:v6+s3+$0x0], $0xffff  }
0x6d1: {  	v0 =	vadd.s32 $0x6000, v0;
	v5 =	vld.idx.msk [tilespmem:v5+s3+$0x0], $0xffff  }
0x6d2: {  	v11 =	vadd.f32 v11, v13;
	v10 =	vadd.f32 v10, v12;
	v4 =	vld.idx.msk [tilespmem:v4+s3+$0x0], $0xffff  }
0x6d3: {  	v3 =	vld.idx.msk [tilespmem:v3+s3+$0x0], $0xffff  }
0x6d4: {  	v9 =	vadd.f32 v9, v11;
	v8 =	vadd.f32 v8, v10;
	v2 =	vld.idx.msk [tilespmem:v2+s3+$0x0], $0xffff  }
0x6d5: {  	v1 =	vld.idx.msk [tilespmem:v1+s3+$0x0], $0xffff  }
0x6d6: {  	v7 =	vadd.f32 v7, v9;
	v6 =	vadd.f32 v6, v8;
	v0 =	vld.idx.msk [tilespmem:v0+s3+$0x0], $0xffff;
	_ =	sdelay $0x1  }
0x6d7: {  	v5 =	vadd.f32 v5, v7;
	v4 =	vadd.f32 v4, v6;
	_ =	sdelay $0x1  }
0x6d8: {  	s2 =	sadd.s32 $0x10, s2;
	v3 =	vadd.f32 v3, v5;
	v2 =	vadd.f32 v2, v4  }
0x6d9: {  	v4 =	vld [tilespmem:s2+$0x0]  }
0x6da: {  	v1 =	vadd.f32 v1, v3;
	v0 =	vadd.f32 v0, v2;
	_ =	sdelay $0x1  }
0x6db: {  	v0 =	vadd.f32 v0, v1;
	_ =	sdelay $0x1  }
0x6dc: {  	s1 =	sadd.s32 $0x80, s1;
	v0 =	vadd.f32 v0, v4  }
0x6dd: {  	s4 =	sand.u32 $0x70, s28;
	s31 =	sand.u32 $0xC00, s1  }
0x6de: {  	s31 =	sor.u32 s4, s31;
	[tilespmem:s2+$0x0] =	vst v0  }
0x6df: {  	v1 =	vld [tilespmem:s31+$0xC400]  }
0x6e0: {  	v0 =	vld [tilespmem:s31+$0xC480]  }
0x6e1: {  	v3 =	vld [tilespmem:s31+$0xB700]  }
0x6e2: {  	v2 =	vld [tilespmem:s31+$0xB780]  }
0x6e3: {  	v5 =	vld [tilespmem:s31+$0xB600]  }
0x6e4: {  	v4 =	vld [tilespmem:s31+$0xB680]  }
0x6e5: {  	v7 =	vld [tilespmem:s31+$0xB500]  }
0x6e6: {  	v6 =	vld [tilespmem:s31+$0xB580]  }
0x6e7: {  	v9 =	vld [tilespmem:s31+$0xB400]  }
0x6e8: {  	v8 =	vld [tilespmem:s31+$0xB480]  }
0x6e9: {  	v11 =	vld [tilespmem:s31+$0xA700]  }
.Ltmp9:
0x6ea: {  	v10 =	vld [tilespmem:s31+$0xA780];
	(pc) =	sbr.rel @p0 .LBB2_20-.Ltmp9, $4  }
0x6eb: {  	v13 =	vld [tilespmem:s31+$0xA600]  }
0x6ec: {  	v12 =	vld [tilespmem:s31+$0xA680]  }
0x6ed: {  	v14 =	vld [tilespmem:s31+$0xA500]  }
0x6ee: {  	s28 =	sadd.s32 $0x10, s28;
	v15 =	vld [tilespmem:s31+$0x9500]  }
0x6ef: {  	v16 =	vld [tilespmem:s31+$0x9480]  }
0x6f0: {  	v17 =	vld [tilespmem:s31+$0x9580]  }
0x6f1: {  	v18 =	vld [tilespmem:s31+$0x9600]  }
0x6f2: {  	v19 =	vld [tilespmem:s31+$0x9680]  }
0x6f3: {  	v20 =	vld [tilespmem:s31+$0x9700]  }
0x6f4: {  	v21 =	vld [tilespmem:s31+$0x9780];
	v15 =	vadd.s32 $0x400, v15  }
0x6f5: {  	v22 =	vld [tilespmem:s31+$0xA400];
	v17 =	vadd.s32 $0x800, v17  }
0x6f6: {  	v23 =	vld [tilespmem:s31+$0xA480];
	v18 =	vadd.s32 $0xC00, v18  }
0x6f7: {  	v24 =	vld [tilespmem:s31+$0xA580];
	v19 =	vadd.s32 $0x1000, v19  }
0x6f8: {  	v20 =	vadd.s32 $0x1400, v20;
	v16 =	vld.idx.msk [tilespmem:v16+s3+$0x0], $0xffff  }
0x6f9: {  	v21 =	vadd.s32 $0x1800, v21;
	v15 =	vld.idx.msk [tilespmem:v15+s3+$0x0], $0xffff  }
0x6fa: {  	v22 =	vadd.s32 $0x1C00, v22;
	v17 =	vld.idx.msk [tilespmem:v17+s3+$0x0], $0xffff  }
0x6fb: {  	v23 =	vadd.s32 $0x2000, v23;
	v18 =	vld.idx.msk [tilespmem:v18+s3+$0x0], $0xffff  }
0x6fc: {  	v14 =	vadd.s32 $0x2400, v14;
	v19 =	vld.idx.msk [tilespmem:v19+s3+$0x0], $0xffff  }
0x6fd: {  	v24 =	vadd.s32 $0x2800, v24;
	v20 =	vld.idx.msk [tilespmem:v20+s3+$0x0], $0xffff;
	v16 =	vadd.f32 $0.0e+00, v16  }
0x6fe: {  	v13 =	vadd.s32 $0x2C00, v13;
	v21 =	vld.idx.msk [tilespmem:v21+s3+$0x0], $0xffff  }
0x6ff: {  	v12 =	vadd.s32 $0x3000, v12;
	v22 =	vld.idx.msk [tilespmem:v22+s3+$0x0], $0xffff;
	v15 =	vadd.f32 $0.0e+00, v15;
	v16 =	vadd.f32 v17, v16  }
0x700: {  	v11 =	vadd.s32 $0x3400, v11;
	v60 =	vld.idx.msk [tilespmem:v23+s3+$0x0], $0xffff  }
0x701: {  	v10 =	vadd.s32 $0x3800, v10;
	v14 =	vld.idx.msk [tilespmem:v14+s3+$0x0], $0xffff;
	v15 =	vadd.f32 v18, v15;
	v16 =	vadd.f32 v19, v16  }
0x702: {  	v9 =	vadd.s32 $0x3C00, v9;
	v61 =	vld.idx.msk [tilespmem:v24+s3+$0x0], $0xffff  }
0x703: {  	v8 =	vadd.s32 $0x4000, v8;
	v13 =	vld.idx.msk [tilespmem:v13+s3+$0x0], $0xffff;
	v15 =	vadd.f32 v20, v15;
	v16 =	vadd.f32 v21, v16  }
0x704: {  	v7 =	vadd.s32 $0x4400, v7;
	v12 =	vld.idx.msk [tilespmem:v12+s3+$0x0], $0xffff  }
0x705: {  	v6 =	vadd.s32 $0x4800, v6;
	v11 =	vld.idx.msk [tilespmem:v11+s3+$0x0], $0xffff;
	v15 =	vadd.f32 v22, v15;
	v16 =	vadd.f32 v60, v16  }
0x706: {  	v5 =	vadd.s32 $0x4C00, v5;
	v10 =	vld.idx.msk [tilespmem:v10+s3+$0x0], $0xffff  }
0x707: {  	v4 =	vadd.s32 $0x5000, v4;
	v9 =	vld.idx.msk [tilespmem:v9+s3+$0x0], $0xffff;
	v14 =	vadd.f32 v14, v15;
	v62 =	vadd.f32 v61, v16  }
0x708: {  	v3 =	vadd.s32 $0x5400, v3;
	v8 =	vld.idx.msk [tilespmem:v8+s3+$0x0], $0xffff  }
0x709: {  	v2 =	vadd.s32 $0x5800, v2;
	v7 =	vld.idx.msk [tilespmem:v7+s3+$0x0], $0xffff;
	v13 =	vadd.f32 v13, v14;
	v12 =	vadd.f32 v12, v62  }
0x70a: {  	v1 =	vadd.s32 $0x5C00, v1;
	v6 =	vld.idx.msk [tilespmem:v6+s3+$0x0], $0xffff  }
0x70b: {  	v0 =	vadd.s32 $0x6000, v0;
	v5 =	vld.idx.msk [tilespmem:v5+s3+$0x0], $0xffff;
	v11 =	vadd.f32 v11, v13;
	v10 =	vadd.f32 v10, v12  }
0x70c: {  	v4 =	vld.idx.msk [tilespmem:v4+s3+$0x0], $0xffff  }
0x70d: {  	v3 =	vld.idx.msk [tilespmem:v3+s3+$0x0], $0xffff;
	v9 =	vadd.f32 v9, v11;
	v8 =	vadd.f32 v8, v10  }
0x70e: {  	v2 =	vld.idx.msk [tilespmem:v2+s3+$0x0], $0xffff  }
0x70f: {  	v1 =	vld.idx.msk [tilespmem:v1+s3+$0x0], $0xffff;
	v7 =	vadd.f32 v7, v9;
	v6 =	vadd.f32 v6, v8  }
0x710: {  	v0 =	vld.idx.msk [tilespmem:v0+s3+$0x0], $0xffff  }
0x711: {  	v5 =	vadd.f32 v5, v7;
	v4 =	vadd.f32 v4, v6;
	_ =	sdelay $0x1  }
0x712: {  	s1 =	sadd.s32 $0x10, s2;
	v3 =	vadd.f32 v3, v5;
	v2 =	vadd.f32 v2, v4  }
0x713: {  	v63 =	vld [tilespmem:s1+$0x0]  }
0x714: {  	v1 =	vadd.f32 v1, v3;
	v0 =	vadd.f32 v0, v2;
	_ =	sdelay $0x1  }
0x715: {  	v0 =	vadd.f32 v0, v1;
	_ =	sdelay $0x1  }
0x716: {  	s0 =	sadd.s32 $0x1, s0;
	v0 =	vadd.f32 v0, v63  }
0x717: {  	p0 =	sne.s32 s0, s21  }
.Ltmp10:
0x718: {  	s4 =	simm.s32 $0x14400;
	[tilespmem:s1+$0x0] =	vst v0;
	(pc) =	sbr.rel @p0 .LBB2_1-.Ltmp10, $4  }
0x719: {  	[hbm4b:s20+s3] =	stream.linear.scatter [tilespmem:s4], [sflag:$0x3], $0x200, $0x38;
	[tilespmem:$0x18480] =	vst v63  }
0x71a: {  	_ =	swait.ge [sflag:s26], $0x200  }
0x71b: {  	[sflag:s26] =	ssyncset.done $0x0  }
0x71c: {  	[sflag:s26] =	ssyncadd.s32 $0xFFFFFE00  }
0x71d: {  	_ =	sfence.sel $0x180000  }
0x71e: {  	[bflag:$0x0] =	sbarrier.arrive $0xFFFF  }
0x71f: {  	_ =	strace $0x90000047  }
0x720: {  	s0 =	stileid.u32;
	[bflag:$0x2] =	sbarrier.arrive $0xFFFF  }
0x721: {  	p0 =	sne.s32 s0, $0x0;
	s0 =	rddreg [dreg:$0x8]  }
0x722: {  	s0 =	sadd.s32 @!p0 $0x100000, s0  }
0x723: {  	[sflag:s0] =	ssyncadd.tile.s32 @!p0 $0x1;
	_ =	shalt  }
.Lfunc_end2:
_tile_overlayer_lowered:
.L_overlay_start_2:
0x724: {  	(tag) =	ssettag $0x2  }
0x725: {  	s0 =	rddreg [dreg:$0x0];
	s2 =	stileid.u32  }
0x726: {  	s1 =	rddreg [dreg:$0x1];
	p0 =	sne.s32 s2, $0x0  }
0x727: {  	s3 =	rddreg [dreg:$0x2];
	[bflag:$0x3] =	sbarrier.arrive $0xFFFF;
	s2 =	simm.s32 @!p0 $0x1C03  }
0x728: {  	[timem:s3], [sflag:s2] =	dma.local @!p0 [hbm:s0], s1  }
0x729: {  	s0 =	simm.s32 @!p0 $0x3  }
0x72a: {  	_ =	swait.ge @!p0 [sflag:s0], s1  }
0x72b: {  	s1 =	ssub.s32 @!p0 $0x0, s1;
	[sflag:s0] =	ssyncset.done @!p0 $0x0  }
0x72c: {  	[sflag:s0] =	ssyncadd.s32 @!p0 s1  }
0x72d: {  	[bflag:$0x3] =	sbarrier.arrive $0xFFFF  }
0x72e: {  	_ =	shalt  }

</sc_bundles>
